<compile_context>
chip_gen: v7x
topology: tpu7x:2x2x1
jax: 0.10.2.dev20260603
libtpu: 0.0.44.dev20260713+nightly
codegen_flags: <defaults>
</compile_context>

<pallas_src>
import jax
import jax.numpy as jnp
from jax import lax
from jax.experimental import pallas as pl
from jax.experimental.pallas import tpu as pltpu
from jax.experimental.pallas import tpu_sc as plsc

B = 4096
D = 768
K1 = 1024
K2 = 256
NC = 2
NS = 16
NW = NC * NS
L = 16

NSPLIT = 4
BS = B // NSPLIT
BLK = 512


def _make_sc_body(nu, ni, bpw, lo):
    def body(ut, it, ub, ib, uid, iid, ug, ig, bsum,
             u0_v, u1_v, i0_v, i1_v, buf0, buf1, bu_v, bi_v,
             sem0, sem1, semb0, semb1):
        wid = lax.axis_index("s") * NC + lax.axis_index("c")
        base = wid * bpw
        sl = pl.ds(base, bpw)

        pltpu.sync_copy(uid.at[pl.ds(lo + base, bpw)], u0_v)
        pltpu.sync_copy(iid.at[pl.ds(lo + base, bpw)], i0_v)
        hu = pltpu.async_copy(ub.at[u0_v], bu_v, semb0)
        hi = pltpu.async_copy(ib.at[i0_v], bi_v, semb1)
        for j in range(bpw // L):
            s = pl.ds(j * L, L)
            u1_v[s] = u0_v[s] + nu
            i1_v[s] = i0_v[s] + ni

        bufs = (buf0, buf1)
        sems = (sem0, sem1)
        half = bpw // 2
        tasks = []
        for tab, idx, out, c in ((ut, u0_v, ug, 0), (ut, u1_v, ug, 1),
                                 (it, i0_v, ig, 0), (it, i1_v, ig, 1)):
            for h in (0, half):
                tasks.append((tab, idx.at[pl.ds(h, half)], out, c, h))
        nt = len(tasks)
        handles = [None] * nt
        handles[0] = pltpu.async_copy(tasks[0][0].at[tasks[0][1]], buf0, sem0)
        for t in range(nt):
            if t + 1 < nt:
                tab, idx, _, _, _ = tasks[t + 1]
                handles[t + 1] = pltpu.async_copy(
                    tab.at[idx], bufs[(t + 1) % 2], sems[(t + 1) % 2])
            handles[t].wait()
            _, _, out, c, h = tasks[t]
            pltpu.sync_copy(bufs[t % 2], out.at[c, pl.ds(base + h, half)])

        hu.wait()
        hi.wait()
        for j in range(bpw // L):
            s = pl.ds(j * L, L)
            bu_v[s] = bu_v[s] + bi_v[s]
        pltpu.sync_copy(bu_v, bsum.at[sl])

    return body


def _make_sc_gather(nu, ni, bs, lo):
    bpw = bs // NW
    return pl.kernel(
        _make_sc_body(nu, ni, bpw, lo),
        mesh=plsc.VectorSubcoreMesh(core_axis_name="c", subcore_axis_name="s"),
        out_type=[
            jax.ShapeDtypeStruct((2, bs, D), jnp.float32),
            jax.ShapeDtypeStruct((2, bs, D), jnp.float32),
            jax.ShapeDtypeStruct((bs,), jnp.float32),
        ],
        scratch_types=[
            pltpu.VMEM((bpw,), jnp.int32),
            pltpu.VMEM((bpw,), jnp.int32),
            pltpu.VMEM((bpw,), jnp.int32),
            pltpu.VMEM((bpw,), jnp.int32),
            pltpu.VMEM((bpw // 2, D), jnp.float32),
            pltpu.VMEM((bpw // 2, D), jnp.float32),
            pltpu.VMEM((bpw,), jnp.float32),
            pltpu.VMEM((bpw,), jnp.float32),
            pltpu.SemaphoreType.DMA,
            pltpu.SemaphoreType.DMA,
            pltpu.SemaphoreType.DMA,
            pltpu.SemaphoreType.DMA,
        ],
    )


def _tc_ffn_body(ug_ref, ig_ref, wu1, bu1, wu2, bu2, wi1, bi1, wi2, bi2,
                 bsum_ref, out_ref):
    def two_layer(x, w1, b1, w2, b2):
        h = jnp.dot(x.astype(jnp.bfloat16), w1[...],
                    preferred_element_type=jnp.float32) + b1[...]
        h = jnp.maximum(h, 0.0)
        return jnp.dot(h.astype(jnp.bfloat16), w2[...],
                       preferred_element_type=jnp.float32) + b2[...]

    u = jnp.maximum(two_layer(ug_ref[0], wu1, bu1, wu2, bu2),
                    two_layer(ug_ref[1], wu1, bu1, wu2, bu2))
    v = jnp.maximum(two_layer(ig_ref[0], wi1, bi1, wi2, bi2),
                    two_layer(ig_ref[1], wi1, bi1, wi2, bi2))
    out_ref[...] = jnp.sum(u * v, axis=1) + bsum_ref[...]


_tc_ffn = pl.pallas_call(
    _tc_ffn_body,
    grid=(BS // BLK,),
    in_specs=[
        pl.BlockSpec((2, BLK, D), lambda b: (0, b, 0)),
        pl.BlockSpec((2, BLK, D), lambda b: (0, b, 0)),
        pl.BlockSpec((D, K1), lambda b: (0, 0)),
        pl.BlockSpec((K1,), lambda b: (0,)),
        pl.BlockSpec((K1, K2), lambda b: (0, 0)),
        pl.BlockSpec((K2,), lambda b: (0,)),
        pl.BlockSpec((D, K1), lambda b: (0, 0)),
        pl.BlockSpec((K1,), lambda b: (0,)),
        pl.BlockSpec((K1, K2), lambda b: (0, 0)),
        pl.BlockSpec((K2,), lambda b: (0,)),
        pl.BlockSpec((BLK,), lambda b: (b,)),
    ],
    out_specs=pl.BlockSpec((BLK,), lambda b: (b,)),
    out_shape=jax.ShapeDtypeStruct((BS,), jnp.float32),
)


def kernel(user_ids, item_ids, user_tables, item_tables, Wu1, bu1, Wu2, bu2,
           Wi1, bi1, Wi2, bi2, user_bias, item_bias):
    uids = user_ids[:, 0]
    iids = item_ids[:, 0]
    nu = user_tables.shape[1]
    ni = item_tables.shape[1]
    ut = user_tables.reshape(2 * nu, D)
    it = item_tables.reshape(2 * ni, D)
    bf = jnp.bfloat16
    w = (Wu1.astype(bf), bu1, Wu2.astype(bf), bu2,
         Wi1.astype(bf), bi1, Wi2.astype(bf), bi2)
    outs = []
    for s in range(NSPLIT):
        sc = _make_sc_gather(nu, ni, BS, s * BS)
        ug, ig, bsum = sc(ut, it, user_bias, item_bias, uids, iids)
        outs.append(_tc_ffn(ug, ig, *w, bsum))
    out = jnp.concatenate(outs)
    return out[:, None]

# --- scband reference (transcript-rebuilt; emitter-appended) ---
"""Pipeline reference for scband-vanilla-classifier-user-text-profile-item-text-profile-precalculated-agg-chunks-62998580297730 (READ-ONLY COPY).

The authoritative reference and input builder live on the scoring server;
editing this copy changes nothing except your own understanding.
"""

import jax, jax.numpy as jnp
import numpy as np

N_USERS = 100000
N_ITEMS = 100000
D = 768
K1 = 1024
K2 = 256
N_CHUNKS_U = 2
N_CHUNKS_I = 2
B = 4096

def setup_inputs(seed: int = 0):
    key = jax.random.key(seed)
    ks = jax.random.split(key, 16)
    inp = {}
    inp['user_ids'] = jax.random.randint(ks[0], (B, 1), 0, N_USERS, dtype=jnp.int32)
    inp['item_ids'] = jax.random.randint(ks[1], (B, 1), 0, N_ITEMS, dtype=jnp.int32)
    inp['user_tables'] = jax.random.normal(ks[2], (N_CHUNKS_U, N_USERS, D), dtype=jnp.float32) * 0.02
    inp['item_tables'] = jax.random.normal(ks[3], (N_CHUNKS_I, N_ITEMS, D), dtype=jnp.float32) * 0.02
    inp['Wu1'] = jax.random.normal(ks[4], (D, K1), dtype=jnp.float32) * 0.02
    inp['bu1'] = jnp.zeros((K1,), dtype=jnp.float32)
    inp['Wu2'] = jax.random.normal(ks[5], (K1, K2), dtype=jnp.float32) * 0.02
    inp['bu2'] = jnp.zeros((K2,), dtype=jnp.float32)
    inp['Wi1'] = jax.random.normal(ks[6], (D, K1), dtype=jnp.float32) * 0.02
    inp['bi1'] = jnp.zeros((K1,), dtype=jnp.float32)
    inp['Wi2'] = jax.random.normal(ks[7], (K1, K2), dtype=jnp.float32) * 0.02
    inp['bi2'] = jnp.zeros((K2,), dtype=jnp.float32)
    inp['user_bias'] = jnp.zeros((N_USERS,), dtype=jnp.float32)
    inp['item_bias'] = jnp.zeros((N_ITEMS,), dtype=jnp.float32)
    return inp

def reference(user_ids, item_ids, user_tables, item_tables, Wu1, bu1, Wu2, bu2, Wi1, bi1, Wi2, bi2, user_bias, item_bias):
    uids = user_ids[:, 0]
    iids = item_ids[:, 0]
    user_reps = []
    for c in range(user_tables.shape[0]):
        rep = jnp.take(user_tables[c], uids, axis=0)
        rep = jax.nn.relu(rep @ Wu1 + bu1)
        rep = rep @ Wu2 + bu2
        user_reps.append(rep)
    user_reps = jnp.max(jnp.stack(user_reps, axis=0), axis=0)
    item_reps = []
    for c in range(item_tables.shape[0]):
        rep = jnp.take(item_tables[c], iids, axis=0)
        rep = jax.nn.relu(rep @ Wi1 + bi1)
        rep = rep @ Wi2 + bi2
        item_reps.append(rep)
    item_reps = jnp.max(jnp.stack(item_reps, axis=0), axis=0)
    result = jnp.sum(user_reps * item_reps, axis=1)
    result = result + jnp.take(item_bias, iids) + jnp.take(user_bias, uids)
    return result[:, None]

if __name__ == "__main__":
    import jax
    _d = setup_inputs()
    print(jax.jit(kernel)(*tuple(_d.values())))

</pallas_src>

<mosaic_0001>
#map = affine_map<(d0, d1) -> (0, 0)>
#map1 = affine_map<(d0, d1) -> (0)>
#map2 = affine_map<(d0, d1) -> (0, 0, 0)>
module attributes {stable_mosaic.version = 14 : i64} {
  func.func @body(%arg0: i32, %arg1: i32, %arg2: memref<200000x768xf32, #tpu.memory_space<hbm>>, %arg3: memref<200000x768xf32, #tpu.memory_space<hbm>>, %arg4: memref<100000xf32, #tpu.memory_space<hbm>>, %arg5: memref<100000xf32, #tpu.memory_space<hbm>>, %arg6: memref<4096xi32, #tpu.memory_space<hbm>>, %arg7: memref<4096xi32, #tpu.memory_space<hbm>>, %arg8: memref<2x1024x768xf32, #tpu.memory_space<hbm>>, %arg9: memref<2x1024x768xf32, #tpu.memory_space<hbm>>, %arg10: memref<1024xf32, #tpu.memory_space<hbm>>, %arg11: memref<32xi32, #tpu.memory_space<vmem>>, %arg12: memref<32xi32, #tpu.memory_space<vmem>>, %arg13: memref<32xi32, #tpu.memory_space<vmem>>, %arg14: memref<32xi32, #tpu.memory_space<vmem>>, %arg15: memref<16x768xf32, #tpu.memory_space<vmem>>, %arg16: memref<16x768xf32, #tpu.memory_space<vmem>>, %arg17: memref<32xf32, #tpu.memory_space<vmem>>, %arg18: memref<32xf32, #tpu.memory_space<vmem>>, %arg19: memref<!tpu.dma_semaphore, #tpu.memory_space<semaphore_mem>>, %arg20: memref<!tpu.dma_semaphore, #tpu.memory_space<semaphore_mem>>, %arg21: memref<!tpu.dma_semaphore, #tpu.memory_space<semaphore_mem>>, %arg22: memref<!tpu.dma_semaphore, #tpu.memory_space<semaphore_mem>>) attributes {dimension_semantics = [#tpu.dimension_semantics<core_parallel>, #tpu.dimension_semantics<subcore_parallel>], iteration_bounds = array<i64: 2, 16>, scalar_prefetch = 0 : i64, scratch_operands = 12 : i64, tpu.core_type = #tpu.core_type<sc_vector_subcore>, window_params = [{transform_indices = #map}, {transform_indices = #map}, {transform_indices = #map1}, {transform_indices = #map1}, {transform_indices = #map1}, {transform_indices = #map1}, {transform_indices = #map2}, {transform_indices = #map2}, {transform_indices = #map1}]} {
    %mul3A = arith.constant 2 : i32
    %mul3A_0 = arith.muli %arg1, %mul3A : i32
    %add3A = arith.addi %mul3A_0, %arg0 : i32
    %mul3A_1 = arith.constant 32 : i32
    %mul3A_2 = arith.muli %add3A, %mul3A_1 : i32
    %add3A_3 = arith.constant 2048 : i32
    %add3A_4 = arith.addi %add3A_3, %mul3A_2 : i32
    "tpu.region"() ({
      %run_scoped3A_176 = tpu.sem_alloc : memref<!tpu.dma_semaphore, #tpu.memory_space<semaphore_mem>>
      %dma_start3A_177 = tpu.memref_slice %arg6[%add3A_4] : memref<4096xi32, #tpu.memory_space<hbm>> -> memref<32xi32, #tpu.memory_space<hbm>>
      %dma_start3A_178 = tpu.memref_slice %arg6[%add3A_4] : memref<4096xi32, #tpu.memory_space<hbm>> -> memref<32xi32, #tpu.memory_space<hbm>>
      tpu.enqueue_dma source(%dma_start3A_178 : memref<32xi32, #tpu.memory_space<hbm>>) target(%arg11 : memref<32xi32, #tpu.memory_space<vmem>>) target_semaphore(%run_scoped3A_176 : memref<!tpu.dma_semaphore, #tpu.memory_space<semaphore_mem>>)
      %dma_wait3A_179 = tpu.memref_slice %arg6[%add3A_4] : memref<4096xi32, #tpu.memory_space<hbm>> -> memref<32xi32, #tpu.memory_space<hbm>>
      %dma_wait3A_180 = tpu.memref_slice %arg6[%add3A_4] : memref<4096xi32, #tpu.memory_space<hbm>> -> memref<32xi32, #tpu.memory_space<hbm>>
      tpu.wait_dma2 semaphore(%run_scoped3A_176 : memref<!tpu.dma_semaphore, #tpu.memory_space<semaphore_mem>>) src(%dma_wait3A_180 : memref<32xi32, #tpu.memory_space<hbm>>) dst(%arg11 : memref<32xi32, #tpu.memory_space<vmem>>)
      tpu.yield
    }) : () -> ()
    %add3A_5 = arith.constant 2048 : i32
    %add3A_6 = arith.addi %add3A_5, %mul3A_2 : i32
    "tpu.region"() ({
      %run_scoped3A_176 = tpu.sem_alloc : memref<!tpu.dma_semaphore, #tpu.memory_space<semaphore_mem>>
      %dma_start3A_177 = tpu.memref_slice %arg7[%add3A_6] : memref<4096xi32, #tpu.memory_space<hbm>> -> memref<32xi32, #tpu.memory_space<hbm>>
      %dma_start3A_178 = tpu.memref_slice %arg7[%add3A_6] : memref<4096xi32, #tpu.memory_space<hbm>> -> memref<32xi32, #tpu.memory_space<hbm>>
      tpu.enqueue_dma source(%dma_start3A_178 : memref<32xi32, #tpu.memory_space<hbm>>) target(%arg13 : memref<32xi32, #tpu.memory_space<vmem>>) target_semaphore(%run_scoped3A_176 : memref<!tpu.dma_semaphore, #tpu.memory_space<semaphore_mem>>)
      %dma_wait3A_179 = tpu.memref_slice %arg7[%add3A_6] : memref<4096xi32, #tpu.memory_space<hbm>> -> memref<32xi32, #tpu.memory_space<hbm>>
      %dma_wait3A_180 = tpu.memref_slice %arg7[%add3A_6] : memref<4096xi32, #tpu.memory_space<hbm>> -> memref<32xi32, #tpu.memory_space<hbm>>
      tpu.wait_dma2 semaphore(%run_scoped3A_176 : memref<!tpu.dma_semaphore, #tpu.memory_space<semaphore_mem>>) src(%dma_wait3A_180 : memref<32xi32, #tpu.memory_space<hbm>>) dst(%arg13 : memref<32xi32, #tpu.memory_space<vmem>>)
      tpu.yield
    }) : () -> ()
    %dma_start3A = arith.constant 0 : i32
    %dma_start3A_7 = tpu.memref_slice %arg4[%dma_start3A] : memref<100000xf32, #tpu.memory_space<hbm>> -> memref<100000xf32, #tpu.memory_space<hbm>>
    tpu.enqueue_indirect_dma source(%dma_start3A_7 : memref<100000xf32, #tpu.memory_space<hbm>>) target(%arg17 : memref<32xf32, #tpu.memory_space<vmem>>) offsets(%arg11 : memref<32xi32, #tpu.memory_space<vmem>>) semaphore(%arg21 : memref<!tpu.dma_semaphore, #tpu.memory_space<semaphore_mem>>)
    %dma_start3A_8 = arith.constant 0 : i32
    %dma_start3A_9 = tpu.memref_slice %arg5[%dma_start3A_8] : memref<100000xf32, #tpu.memory_space<hbm>> -> memref<100000xf32, #tpu.memory_space<hbm>>
    tpu.enqueue_indirect_dma source(%dma_start3A_9 : memref<100000xf32, #tpu.memory_space<hbm>>) target(%arg18 : memref<32xf32, #tpu.memory_space<vmem>>) offsets(%arg13 : memref<32xi32, #tpu.memory_space<vmem>>) semaphore(%arg22 : memref<!tpu.dma_semaphore, #tpu.memory_space<semaphore_mem>>)
    %get3A = arith.constant 0 : index
    %get3A_10 = tpu.vector_load %arg11[%get3A] {strides = array<i32>} : memref<32xi32, #tpu.memory_space<vmem>>, vector<16xi32>,
    %get3A_11 = vector.shape_cast %get3A_10 : vector<16xi32> to vector<16xi32>
    %add3A_12 = arith.constant 100000 : i32
    %add3A_13 = vector.broadcast %add3A_12 : i32 to vector<16xi32>
    %add3A_14 = arith.addi %get3A_11, %add3A_13 : vector<16xi32>
    %swap3A = arith.constant 0 : index
    %swap3A_15 = tpu.vector_load %arg12[%swap3A] {strides = array<i32>} : memref<32xi32, #tpu.memory_space<vmem>>, vector<16xi32>,
    %swap3A_16 = vector.shape_cast %swap3A_15 : vector<16xi32> to vector<16xi32>
    %swap3A_17 = vector.shape_cast %add3A_14 : vector<16xi32> to vector<16xi32>
    tpu.vector_store %arg12[%swap3A], %swap3A_17 {strides = array<i32>} : memref<32xi32, #tpu.memory_space<vmem>>, vector<16xi32>,
    %get3A_18 = arith.constant 0 : index
    %get3A_19 = tpu.vector_load %arg13[%get3A_18] {strides = array<i32>} : memref<32xi32, #tpu.memory_space<vmem>>, vector<16xi32>,
    %get3A_20 = vector.shape_cast %get3A_19 : vector<16xi32> to vector<16xi32>
    %add3A_21 = arith.constant 100000 : i32
    %add3A_22 = vector.broadcast %add3A_21 : i32 to vector<16xi32>
    %add3A_23 = arith.addi %get3A_20, %add3A_22 : vector<16xi32>
    %swap3A_24 = arith.constant 0 : index
    %swap3A_25 = tpu.vector_load %arg14[%swap3A_24] {strides = array<i32>} : memref<32xi32, #tpu.memory_space<vmem>>, vector<16xi32>,
    %swap3A_26 = vector.shape_cast %swap3A_25 : vector<16xi32> to vector<16xi32>
    %swap3A_27 = vector.shape_cast %add3A_23 : vector<16xi32> to vector<16xi32>
    tpu.vector_store %arg14[%swap3A_24], %swap3A_27 {strides = array<i32>} : memref<32xi32, #tpu.memory_space<vmem>>, vector<16xi32>,
    %get3A_28 = arith.constant 16 : index
    %get3A_29 = tpu.vector_load %arg11[%get3A_28] {strides = array<i32>} : memref<32xi32, #tpu.memory_space<vmem>>, vector<16xi32>,
    %get3A_30 = vector.shape_cast %get3A_29 : vector<16xi32> to vector<16xi32>
    %add3A_31 = arith.constant 100000 : i32
    %add3A_32 = vector.broadcast %add3A_31 : i32 to vector<16xi32>
    %add3A_33 = arith.addi %get3A_30, %add3A_32 : vector<16xi32>
    %swap3A_34 = arith.constant 16 : index
    %swap3A_35 = tpu.vector_load %arg12[%swap3A_34] {strides = array<i32>} : memref<32xi32, #tpu.memory_space<vmem>>, vector<16xi32>,
    %swap3A_36 = vector.shape_cast %swap3A_35 : vector<16xi32> to vector<16xi32>
    %swap3A_37 = vector.shape_cast %add3A_33 : vector<16xi32> to vector<16xi32>
    tpu.vector_store %arg12[%swap3A_34], %swap3A_37 {strides = array<i32>} : memref<32xi32, #tpu.memory_space<vmem>>, vector<16xi32>,
    %get3A_38 = arith.constant 16 : index
    %get3A_39 = tpu.vector_load %arg13[%get3A_38] {strides = array<i32>} : memref<32xi32, #tpu.memory_space<vmem>>, vector<16xi32>,
    %get3A_40 = vector.shape_cast %get3A_39 : vector<16xi32> to vector<16xi32>
    %add3A_41 = arith.constant 100000 : i32
    %add3A_42 = vector.broadcast %add3A_41 : i32 to vector<16xi32>
    %add3A_43 = arith.addi %get3A_40, %add3A_42 : vector<16xi32>
    %swap3A_44 = arith.constant 16 : index
    %swap3A_45 = tpu.vector_load %arg14[%swap3A_44] {strides = array<i32>} : memref<32xi32, #tpu.memory_space<vmem>>, vector<16xi32>,
    %swap3A_46 = vector.shape_cast %swap3A_45 : vector<16xi32> to vector<16xi32>
    %swap3A_47 = vector.shape_cast %add3A_43 : vector<16xi32> to vector<16xi32>
    tpu.vector_store %arg14[%swap3A_44], %swap3A_47 {strides = array<i32>} : memref<32xi32, #tpu.memory_space<vmem>>, vector<16xi32>,
    %dma_start3A_48 = arith.constant 0 : i32
    %dma_start3A_49 = tpu.memref_slice %arg11[%dma_start3A_48] : memref<32xi32, #tpu.memory_space<vmem>> -> memref<16xi32, #tpu.memory_space<vmem>>
    %dma_start3A_50 = arith.constant 0 : i32
    %dma_start3A_51 = arith.constant 0 : i32
    %dma_start3A_52 = tpu.memref_slice %arg2[%dma_start3A_50, %dma_start3A_51] : memref<200000x768xf32, #tpu.memory_space<hbm>> -> memref<200000x768xf32, #tpu.memory_space<hbm>>
    tpu.enqueue_indirect_dma source(%dma_start3A_52 : memref<200000x768xf32, #tpu.memory_space<hbm>>) target(%arg15 : memref<16x768xf32, #tpu.memory_space<vmem>>) offsets(%dma_start3A_49 : memref<16xi32, #tpu.memory_space<vmem>>) semaphore(%arg19 : memref<!tpu.dma_semaphore, #tpu.memory_space<semaphore_mem>>)
    %dma_start3A_53 = arith.constant 16 : i32
    %dma_start3A_54 = tpu.memref_slice %arg11[%dma_start3A_53] : memref<32xi32, #tpu.memory_space<vmem>> -> memref<16xi32, #tpu.memory_space<vmem>>
    %dma_start3A_55 = arith.constant 0 : i32
    %dma_start3A_56 = arith.constant 0 : i32
    %dma_start3A_57 = tpu.memref_slice %arg2[%dma_start3A_55, %dma_start3A_56] : memref<200000x768xf32, #tpu.memory_space<hbm>> -> memref<200000x768xf32, #tpu.memory_space<hbm>>
    tpu.enqueue_indirect_dma source(%dma_start3A_57 : memref<200000x768xf32, #tpu.memory_space<hbm>>) target(%arg16 : memref<16x768xf32, #tpu.memory_space<vmem>>) offsets(%dma_start3A_54 : memref<16xi32, #tpu.memory_space<vmem>>) semaphore(%arg20 : memref<!tpu.dma_semaphore, #tpu.memory_space<semaphore_mem>>)
    %dma_wait3A = arith.constant 0 : i32
    %dma_wait3A_58 = tpu.memref_slice %arg11[%dma_wait3A] : memref<32xi32, #tpu.memory_space<vmem>> -> memref<16xi32, #tpu.memory_space<vmem>>
    %dma_wait3A_59 = arith.constant 0 : i32
    %dma_wait3A_60 = arith.constant 0 : i32
    %dma_wait3A_61 = tpu.memref_slice %arg2[%dma_wait3A_59, %dma_wait3A_60] : memref<200000x768xf32, #tpu.memory_space<hbm>> -> memref<200000x768xf32, #tpu.memory_space<hbm>>
    tpu.wait_indirect_dma semaphore(%arg19 : memref<!tpu.dma_semaphore, #tpu.memory_space<semaphore_mem>>) src(%dma_wait3A_61 : memref<200000x768xf32, #tpu.memory_space<hbm>>) dst(%arg15 : memref<16x768xf32, #tpu.memory_space<vmem>>)
    %add3A_62 = arith.constant 0 : i32
    %add3A_63 = arith.addi %mul3A_2, %add3A_62 : i32
    %run_scoped3A = arith.constant 0 : i32
    "tpu.region"() ({
      %run_scoped3A_176 = tpu.sem_alloc : memref<!tpu.dma_semaphore, #tpu.memory_space<semaphore_mem>>
      %dma_start3A_177 = arith.constant 0 : i32
      %dma_start3A_178 = tpu.memref_slice %arg8[%run_scoped3A, %add3A_63, %dma_start3A_177] : memref<2x1024x768xf32, #tpu.memory_space<hbm>> -> memref<1x16x768xf32, #tpu.memory_space<hbm>>
      %dma_start3A_179 = tpu.memref_squeeze %dma_start3A_178 : memref<1x16x768xf32, #tpu.memory_space<hbm>> -> memref<16x768xf32, #tpu.memory_space<hbm>>
      %dma_start3A_180 = arith.constant 0 : i32
      %dma_start3A_181 = tpu.memref_slice %arg8[%run_scoped3A, %add3A_63, %dma_start3A_180] : memref<2x1024x768xf32, #tpu.memory_space<hbm>> -> memref<1x16x768xf32, #tpu.memory_space<hbm>>
      %dma_start3A_182 = tpu.memref_squeeze %dma_start3A_181 : memref<1x16x768xf32, #tpu.memory_space<hbm>> -> memref<16x768xf32, #tpu.memory_space<hbm>>
      tpu.enqueue_dma source(%arg15 : memref<16x768xf32, #tpu.memory_space<vmem>>) target(%dma_start3A_182 : memref<16x768xf32, #tpu.memory_space<hbm>>) target_semaphore(%run_scoped3A_176 : memref<!tpu.dma_semaphore, #tpu.memory_space<semaphore_mem>>)
      %dma_wait3A_183 = arith.constant 0 : i32
      %dma_wait3A_184 = tpu.memref_slice %arg8[%run_scoped3A, %add3A_63, %dma_wait3A_183] : memref<2x1024x768xf32, #tpu.memory_space<hbm>> -> memref<1x16x768xf32, #tpu.memory_space<hbm>>
      %dma_wait3A_185 = tpu.memref_squeeze %dma_wait3A_184 : memref<1x16x768xf32, #tpu.memory_space<hbm>> -> memref<16x768xf32, #tpu.memory_space<hbm>>
      %dma_wait3A_186 = arith.constant 0 : i32
      %dma_wait3A_187 = tpu.memref_slice %arg8[%run_scoped3A, %add3A_63, %dma_wait3A_186] : memref<2x1024x768xf32, #tpu.memory_space<hbm>> -> memref<1x16x768xf32, #tpu.memory_space<hbm>>
      %dma_wait3A_188 = tpu.memref_squeeze %dma_wait3A_187 : memref<1x16x768xf32, #tpu.memory_space<hbm>> -> memref<16x768xf32, #tpu.memory_space<hbm>>
      tpu.wait_dma2 semaphore(%run_scoped3A_176 : memref<!tpu.dma_semaphore, #tpu.memory_space<semaphore_mem>>) src(%arg15 : memref<16x768xf32, #tpu.memory_space<vmem>>) dst(%dma_wait3A_188 : memref<16x768xf32, #tpu.memory_space<hbm>>)
      tpu.yield
    }) : () -> ()
    %dma_start3A_64 = arith.constant 0 : i32
    %dma_start3A_65 = tpu.memref_slice %arg12[%dma_start3A_64] : memref<32xi32, #tpu.memory_space<vmem>> -> memref<16xi32, #tpu.memory_space<vmem>>
    %dma_start3A_66 = arith.constant 0 : i32
    %dma_start3A_67 = arith.constant 0 : i32
    %dma_start3A_68 = tpu.memref_slice %arg2[%dma_start3A_66, %dma_start3A_67] : memref<200000x768xf32, #tpu.memory_space<hbm>> -> memref<200000x768xf32, #tpu.memory_space<hbm>>
    tpu.enqueue_indirect_dma source(%dma_start3A_68 : memref<200000x768xf32, #tpu.memory_space<hbm>>) target(%arg15 : memref<16x768xf32, #tpu.memory_space<vmem>>) offsets(%dma_start3A_65 : memref<16xi32, #tpu.memory_space<vmem>>) semaphore(%arg19 : memref<!tpu.dma_semaphore, #tpu.memory_space<semaphore_mem>>)
    %dma_wait3A_69 = arith.constant 16 : i32
    %dma_wait3A_70 = tpu.memref_slice %arg11[%dma_wait3A_69] : memref<32xi32, #tpu.memory_space<vmem>> -> memref<16xi32, #tpu.memory_space<vmem>>
    %dma_wait3A_71 = arith.constant 0 : i32
    %dma_wait3A_72 = arith.constant 0 : i32
    %dma_wait3A_73 = tpu.memref_slice %arg2[%dma_wait3A_71, %dma_wait3A_72] : memref<200000x768xf32, #tpu.memory_space<hbm>> -> memref<200000x768xf32, #tpu.memory_space<hbm>>
    tpu.wait_indirect_dma semaphore(%arg20 : memref<!tpu.dma_semaphore, #tpu.memory_space<semaphore_mem>>) src(%dma_wait3A_73 : memref<200000x768xf32, #tpu.memory_space<hbm>>) dst(%arg16 : memref<16x768xf32, #tpu.memory_space<vmem>>)
    %add3A_74 = arith.constant 16 : i32
    %add3A_75 = arith.addi %mul3A_2, %add3A_74 : i32
    %run_scoped3A_76 = arith.constant 0 : i32
    "tpu.region"() ({
      %run_scoped3A_176 = tpu.sem_alloc : memref<!tpu.dma_semaphore, #tpu.memory_space<semaphore_mem>>
      %dma_start3A_177 = arith.constant 0 : i32
      %dma_start3A_178 = tpu.memref_slice %arg8[%run_scoped3A_76, %add3A_75, %dma_start3A_177] : memref<2x1024x768xf32, #tpu.memory_space<hbm>> -> memref<1x16x768xf32, #tpu.memory_space<hbm>>
      %dma_start3A_179 = tpu.memref_squeeze %dma_start3A_178 : memref<1x16x768xf32, #tpu.memory_space<hbm>> -> memref<16x768xf32, #tpu.memory_space<hbm>>
      %dma_start3A_180 = arith.constant 0 : i32
      %dma_start3A_181 = tpu.memref_slice %arg8[%run_scoped3A_76, %add3A_75, %dma_start3A_180] : memref<2x1024x768xf32, #tpu.memory_space<hbm>> -> memref<1x16x768xf32, #tpu.memory_space<hbm>>
      %dma_start3A_182 = tpu.memref_squeeze %dma_start3A_181 : memref<1x16x768xf32, #tpu.memory_space<hbm>> -> memref<16x768xf32, #tpu.memory_space<hbm>>
      tpu.enqueue_dma source(%arg16 : memref<16x768xf32, #tpu.memory_space<vmem>>) target(%dma_start3A_182 : memref<16x768xf32, #tpu.memory_space<hbm>>) target_semaphore(%run_scoped3A_176 : memref<!tpu.dma_semaphore, #tpu.memory_space<semaphore_mem>>)
      %dma_wait3A_183 = arith.constant 0 : i32
      %dma_wait3A_184 = tpu.memref_slice %arg8[%run_scoped3A_76, %add3A_75, %dma_wait3A_183] : memref<2x1024x768xf32, #tpu.memory_space<hbm>> -> memref<1x16x768xf32, #tpu.memory_space<hbm>>
      %dma_wait3A_185 = tpu.memref_squeeze %dma_wait3A_184 : memref<1x16x768xf32, #tpu.memory_space<hbm>> -> memref<16x768xf32, #tpu.memory_space<hbm>>
      %dma_wait3A_186 = arith.constant 0 : i32
      %dma_wait3A_187 = tpu.memref_slice %arg8[%run_scoped3A_76, %add3A_75, %dma_wait3A_186] : memref<2x1024x768xf32, #tpu.memory_space<hbm>> -> memref<1x16x768xf32, #tpu.memory_space<hbm>>
      %dma_wait3A_188 = tpu.memref_squeeze %dma_wait3A_187 : memref<1x16x768xf32, #tpu.memory_space<hbm>> -> memref<16x768xf32, #tpu.memory_space<hbm>>
      tpu.wait_dma2 semaphore(%run_scoped3A_176 : memref<!tpu.dma_semaphore, #tpu.memory_space<semaphore_mem>>) src(%arg16 : memref<16x768xf32, #tpu.memory_space<vmem>>) dst(%dma_wait3A_188 : memref<16x768xf32, #tpu.memory_space<hbm>>)
      tpu.yield
    }) : () -> ()
    %dma_start3A_77 = arith.constant 16 : i32
    %dma_start3A_78 = tpu.memref_slice %arg12[%dma_start3A_77] : memref<32xi32, #tpu.memory_space<vmem>> -> memref<16xi32, #tpu.memory_space<vmem>>
    %dma_start3A_79 = arith.constant 0 : i32
    %dma_start3A_80 = arith.constant 0 : i32
    %dma_start3A_81 = tpu.memref_slice %arg2[%dma_start3A_79, %dma_start3A_80] : memref<200000x768xf32, #tpu.memory_space<hbm>> -> memref<200000x768xf32, #tpu.memory_space<hbm>>
    tpu.enqueue_indirect_dma source(%dma_start3A_81 : memref<200000x768xf32, #tpu.memory_space<hbm>>) target(%arg16 : memref<16x768xf32, #tpu.memory_space<vmem>>) offsets(%dma_start3A_78 : memref<16xi32, #tpu.memory_space<vmem>>) semaphore(%arg20 : memref<!tpu.dma_semaphore, #tpu.memory_space<semaphore_mem>>)
    %dma_wait3A_82 = arith.constant 0 : i32
    %dma_wait3A_83 = tpu.memref_slice %arg12[%dma_wait3A_82] : memref<32xi32, #tpu.memory_space<vmem>> -> memref<16xi32, #tpu.memory_space<vmem>>
    %dma_wait3A_84 = arith.constant 0 : i32
    %dma_wait3A_85 = arith.constant 0 : i32
    %dma_wait3A_86 = tpu.memref_slice %arg2[%dma_wait3A_84, %dma_wait3A_85] : memref<200000x768xf32, #tpu.memory_space<hbm>> -> memref<200000x768xf32, #tpu.memory_space<hbm>>
    tpu.wait_indirect_dma semaphore(%arg19 : memref<!tpu.dma_semaphore, #tpu.memory_space<semaphore_mem>>) src(%dma_wait3A_86 : memref<200000x768xf32, #tpu.memory_space<hbm>>) dst(%arg15 : memref<16x768xf32, #tpu.memory_space<vmem>>)
    %add3A_87 = arith.constant 0 : i32
    %add3A_88 = arith.addi %mul3A_2, %add3A_87 : i32
    %run_scoped3A_89 = arith.constant 1 : i32
    "tpu.region"() ({
      %run_scoped3A_176 = tpu.sem_alloc : memref<!tpu.dma_semaphore, #tpu.memory_space<semaphore_mem>>
      %dma_start3A_177 = arith.constant 0 : i32
      %dma_start3A_178 = tpu.memref_slice %arg8[%run_scoped3A_89, %add3A_88, %dma_start3A_177] : memref<2x1024x768xf32, #tpu.memory_space<hbm>> -> memref<1x16x768xf32, #tpu.memory_space<hbm>>
      %dma_start3A_179 = tpu.memref_squeeze %dma_start3A_178 : memref<1x16x768xf32, #tpu.memory_space<hbm>> -> memref<16x768xf32, #tpu.memory_space<hbm>>
      %dma_start3A_180 = arith.constant 0 : i32
      %dma_start3A_181 = tpu.memref_slice %arg8[%run_scoped3A_89, %add3A_88, %dma_start3A_180] : memref<2x1024x768xf32, #tpu.memory_space<hbm>> -> memref<1x16x768xf32, #tpu.memory_space<hbm>>
      %dma_start3A_182 = tpu.memref_squeeze %dma_start3A_181 : memref<1x16x768xf32, #tpu.memory_space<hbm>> -> memref<16x768xf32, #tpu.memory_space<hbm>>
      tpu.enqueue_dma source(%arg15 : memref<16x768xf32, #tpu.memory_space<vmem>>) target(%dma_start3A_182 : memref<16x768xf32, #tpu.memory_space<hbm>>) target_semaphore(%run_scoped3A_176 : memref<!tpu.dma_semaphore, #tpu.memory_space<semaphore_mem>>)
      %dma_wait3A_183 = arith.constant 0 : i32
      %dma_wait3A_184 = tpu.memref_slice %arg8[%run_scoped3A_89, %add3A_88, %dma_wait3A_183] : memref<2x1024x768xf32, #tpu.memory_space<hbm>> -> memref<1x16x768xf32, #tpu.memory_space<hbm>>
      %dma_wait3A_185 = tpu.memref_squeeze %dma_wait3A_184 : memref<1x16x768xf32, #tpu.memory_space<hbm>> -> memref<16x768xf32, #tpu.memory_space<hbm>>
      %dma_wait3A_186 = arith.constant 0 : i32
      %dma_wait3A_187 = tpu.memref_slice %arg8[%run_scoped3A_89, %add3A_88, %dma_wait3A_186] : memref<2x1024x768xf32, #tpu.memory_space<hbm>> -> memref<1x16x768xf32, #tpu.memory_space<hbm>>
      %dma_wait3A_188 = tpu.memref_squeeze %dma_wait3A_187 : memref<1x16x768xf32, #tpu.memory_space<hbm>> -> memref<16x768xf32, #tpu.memory_space<hbm>>
      tpu.wait_dma2 semaphore(%run_scoped3A_176 : memref<!tpu.dma_semaphore, #tpu.memory_space<semaphore_mem>>) src(%arg15 : memref<16x768xf32, #tpu.memory_space<vmem>>) dst(%dma_wait3A_188 : memref<16x768xf32, #tpu.memory_space<hbm>>)
      tpu.yield
    }) : () -> ()
    %dma_start3A_90 = arith.constant 0 : i32
    %dma_start3A_91 = tpu.memref_slice %arg13[%dma_start3A_90] : memref<32xi32, #tpu.memory_space<vmem>> -> memref<16xi32, #tpu.memory_space<vmem>>
    %dma_start3A_92 = arith.constant 0 : i32
    %dma_start3A_93 = arith.constant 0 : i32
    %dma_start3A_94 = tpu.memref_slice %arg3[%dma_start3A_92, %dma_start3A_93] : memref<200000x768xf32, #tpu.memory_space<hbm>> -> memref<200000x768xf32, #tpu.memory_space<hbm>>
    tpu.enqueue_indirect_dma source(%dma_start3A_94 : memref<200000x768xf32, #tpu.memory_space<hbm>>) target(%arg15 : memref<16x768xf32, #tpu.memory_space<vmem>>) offsets(%dma_start3A_91 : memref<16xi32, #tpu.memory_space<vmem>>) semaphore(%arg19 : memref<!tpu.dma_semaphore, #tpu.memory_space<semaphore_mem>>)
    %dma_wait3A_95 = arith.constant 16 : i32
    %dma_wait3A_96 = tpu.memref_slice %arg12[%dma_wait3A_95] : memref<32xi32, #tpu.memory_space<vmem>> -> memref<16xi32, #tpu.memory_space<vmem>>
    %dma_wait3A_97 = arith.constant 0 : i32
    %dma_wait3A_98 = arith.constant 0 : i32
    %dma_wait3A_99 = tpu.memref_slice %arg2[%dma_wait3A_97, %dma_wait3A_98] : memref<200000x768xf32, #tpu.memory_space<hbm>> -> memref<200000x768xf32, #tpu.memory_space<hbm>>
    tpu.wait_indirect_dma semaphore(%arg20 : memref<!tpu.dma_semaphore, #tpu.memory_space<semaphore_mem>>) src(%dma_wait3A_99 : memref<200000x768xf32, #tpu.memory_space<hbm>>) dst(%arg16 : memref<16x768xf32, #tpu.memory_space<vmem>>)
    %add3A_100 = arith.constant 16 : i32
    %add3A_101 = arith.addi %mul3A_2, %add3A_100 : i32
    %run_scoped3A_102 = arith.constant 1 : i32
    "tpu.region"() ({
      %run_scoped3A_176 = tpu.sem_alloc : memref<!tpu.dma_semaphore, #tpu.memory_space<semaphore_mem>>
      %dma_start3A_177 = arith.constant 0 : i32
      %dma_start3A_178 = tpu.memref_slice %arg8[%run_scoped3A_102, %add3A_101, %dma_start3A_177] : memref<2x1024x768xf32, #tpu.memory_space<hbm>> -> memref<1x16x768xf32, #tpu.memory_space<hbm>>
      %dma_start3A_179 = tpu.memref_squeeze %dma_start3A_178 : memref<1x16x768xf32, #tpu.memory_space<hbm>> -> memref<16x768xf32, #tpu.memory_space<hbm>>
      %dma_start3A_180 = arith.constant 0 : i32
      %dma_start3A_181 = tpu.memref_slice %arg8[%run_scoped3A_102, %add3A_101, %dma_start3A_180] : memref<2x1024x768xf32, #tpu.memory_space<hbm>> -> memref<1x16x768xf32, #tpu.memory_space<hbm>>
      %dma_start3A_182 = tpu.memref_squeeze %dma_start3A_181 : memref<1x16x768xf32, #tpu.memory_space<hbm>> -> memref<16x768xf32, #tpu.memory_space<hbm>>
      tpu.enqueue_dma source(%arg16 : memref<16x768xf32, #tpu.memory_space<vmem>>) target(%dma_start3A_182 : memref<16x768xf32, #tpu.memory_space<hbm>>) target_semaphore(%run_scoped3A_176 : memref<!tpu.dma_semaphore, #tpu.memory_space<semaphore_mem>>)
      %dma_wait3A_183 = arith.constant 0 : i32
      %dma_wait3A_184 = tpu.memref_slice %arg8[%run_scoped3A_102, %add3A_101, %dma_wait3A_183] : memref<2x1024x768xf32, #tpu.memory_space<hbm>> -> memref<1x16x768xf32, #tpu.memory_space<hbm>>
      %dma_wait3A_185 = tpu.memref_squeeze %dma_wait3A_184 : memref<1x16x768xf32, #tpu.memory_space<hbm>> -> memref<16x768xf32, #tpu.memory_space<hbm>>
      %dma_wait3A_186 = arith.constant 0 : i32
      %dma_wait3A_187 = tpu.memref_slice %arg8[%run_scoped3A_102, %add3A_101, %dma_wait3A_186] : memref<2x1024x768xf32, #tpu.memory_space<hbm>> -> memref<1x16x768xf32, #tpu.memory_space<hbm>>
      %dma_wait3A_188 = tpu.memref_squeeze %dma_wait3A_187 : memref<1x16x768xf32, #tpu.memory_space<hbm>> -> memref<16x768xf32, #tpu.memory_space<hbm>>
      tpu.wait_dma2 semaphore(%run_scoped3A_176 : memref<!tpu.dma_semaphore, #tpu.memory_space<semaphore_mem>>) src(%arg16 : memref<16x768xf32, #tpu.memory_space<vmem>>) dst(%dma_wait3A_188 : memref<16x768xf32, #tpu.memory_space<hbm>>)
      tpu.yield
    }) : () -> ()
    %dma_start3A_103 = arith.constant 16 : i32
    %dma_start3A_104 = tpu.memref_slice %arg13[%dma_start3A_103] : memref<32xi32, #tpu.memory_space<vmem>> -> memref<16xi32, #tpu.memory_space<vmem>>
    %dma_start3A_105 = arith.constant 0 : i32
    %dma_start3A_106 = arith.constant 0 : i32
    %dma_start3A_107 = tpu.memref_slice %arg3[%dma_start3A_105, %dma_start3A_106] : memref<200000x768xf32, #tpu.memory_space<hbm>> -> memref<200000x768xf32, #tpu.memory_space<hbm>>
    tpu.enqueue_indirect_dma source(%dma_start3A_107 : memref<200000x768xf32, #tpu.memory_space<hbm>>) target(%arg16 : memref<16x768xf32, #tpu.memory_space<vmem>>) offsets(%dma_start3A_104 : memref<16xi32, #tpu.memory_space<vmem>>) semaphore(%arg20 : memref<!tpu.dma_semaphore, #tpu.memory_space<semaphore_mem>>)
    %dma_wait3A_108 = arith.constant 0 : i32
    %dma_wait3A_109 = tpu.memref_slice %arg13[%dma_wait3A_108] : memref<32xi32, #tpu.memory_space<vmem>> -> memref<16xi32, #tpu.memory_space<vmem>>
    %dma_wait3A_110 = arith.constant 0 : i32
    %dma_wait3A_111 = arith.constant 0 : i32
    %dma_wait3A_112 = tpu.memref_slice %arg3[%dma_wait3A_110, %dma_wait3A_111] : memref<200000x768xf32, #tpu.memory_space<hbm>> -> memref<200000x768xf32, #tpu.memory_space<hbm>>
    tpu.wait_indirect_dma semaphore(%arg19 : memref<!tpu.dma_semaphore, #tpu.memory_space<semaphore_mem>>) src(%dma_wait3A_112 : memref<200000x768xf32, #tpu.memory_space<hbm>>) dst(%arg15 : memref<16x768xf32, #tpu.memory_space<vmem>>)
    %add3A_113 = arith.constant 0 : i32
    %add3A_114 = arith.addi %mul3A_2, %add3A_113 : i32
    %run_scoped3A_115 = arith.constant 0 : i32
    "tpu.region"() ({
      %run_scoped3A_176 = tpu.sem_alloc : memref<!tpu.dma_semaphore, #tpu.memory_space<semaphore_mem>>
      %dma_start3A_177 = arith.constant 0 : i32
      %dma_start3A_178 = tpu.memref_slice %arg9[%run_scoped3A_115, %add3A_114, %dma_start3A_177] : memref<2x1024x768xf32, #tpu.memory_space<hbm>> -> memref<1x16x768xf32, #tpu.memory_space<hbm>>
      %dma_start3A_179 = tpu.memref_squeeze %dma_start3A_178 : memref<1x16x768xf32, #tpu.memory_space<hbm>> -> memref<16x768xf32, #tpu.memory_space<hbm>>
      %dma_start3A_180 = arith.constant 0 : i32
      %dma_start3A_181 = tpu.memref_slice %arg9[%run_scoped3A_115, %add3A_114, %dma_start3A_180] : memref<2x1024x768xf32, #tpu.memory_space<hbm>> -> memref<1x16x768xf32, #tpu.memory_space<hbm>>
      %dma_start3A_182 = tpu.memref_squeeze %dma_start3A_181 : memref<1x16x768xf32, #tpu.memory_space<hbm>> -> memref<16x768xf32, #tpu.memory_space<hbm>>
      tpu.enqueue_dma source(%arg15 : memref<16x768xf32, #tpu.memory_space<vmem>>) target(%dma_start3A_182 : memref<16x768xf32, #tpu.memory_space<hbm>>) target_semaphore(%run_scoped3A_176 : memref<!tpu.dma_semaphore, #tpu.memory_space<semaphore_mem>>)
      %dma_wait3A_183 = arith.constant 0 : i32
      %dma_wait3A_184 = tpu.memref_slice %arg9[%run_scoped3A_115, %add3A_114, %dma_wait3A_183] : memref<2x1024x768xf32, #tpu.memory_space<hbm>> -> memref<1x16x768xf32, #tpu.memory_space<hbm>>
      %dma_wait3A_185 = tpu.memref_squeeze %dma_wait3A_184 : memref<1x16x768xf32, #tpu.memory_space<hbm>> -> memref<16x768xf32, #tpu.memory_space<hbm>>
      %dma_wait3A_186 = arith.constant 0 : i32
      %dma_wait3A_187 = tpu.memref_slice %arg9[%run_scoped3A_115, %add3A_114, %dma_wait3A_186] : memref<2x1024x768xf32, #tpu.memory_space<hbm>> -> memref<1x16x768xf32, #tpu.memory_space<hbm>>
      %dma_wait3A_188 = tpu.memref_squeeze %dma_wait3A_187 : memref<1x16x768xf32, #tpu.memory_space<hbm>> -> memref<16x768xf32, #tpu.memory_space<hbm>>
      tpu.wait_dma2 semaphore(%run_scoped3A_176 : memref<!tpu.dma_semaphore, #tpu.memory_space<semaphore_mem>>) src(%arg15 : memref<16x768xf32, #tpu.memory_space<vmem>>) dst(%dma_wait3A_188 : memref<16x768xf32, #tpu.memory_space<hbm>>)
      tpu.yield
    }) : () -> ()
    %dma_start3A_116 = arith.constant 0 : i32
    %dma_start3A_117 = tpu.memref_slice %arg14[%dma_start3A_116] : memref<32xi32, #tpu.memory_space<vmem>> -> memref<16xi32, #tpu.memory_space<vmem>>
    %dma_start3A_118 = arith.constant 0 : i32
    %dma_start3A_119 = arith.constant 0 : i32
    %dma_start3A_120 = tpu.memref_slice %arg3[%dma_start3A_118, %dma_start3A_119] : memref<200000x768xf32, #tpu.memory_space<hbm>> -> memref<200000x768xf32, #tpu.memory_space<hbm>>
    tpu.enqueue_indirect_dma source(%dma_start3A_120 : memref<200000x768xf32, #tpu.memory_space<hbm>>) target(%arg15 : memref<16x768xf32, #tpu.memory_space<vmem>>) offsets(%dma_start3A_117 : memref<16xi32, #tpu.memory_space<vmem>>) semaphore(%arg19 : memref<!tpu.dma_semaphore, #tpu.memory_space<semaphore_mem>>)
    %dma_wait3A_121 = arith.constant 16 : i32
    %dma_wait3A_122 = tpu.memref_slice %arg13[%dma_wait3A_121] : memref<32xi32, #tpu.memory_space<vmem>> -> memref<16xi32, #tpu.memory_space<vmem>>
    %dma_wait3A_123 = arith.constant 0 : i32
    %dma_wait3A_124 = arith.constant 0 : i32
    %dma_wait3A_125 = tpu.memref_slice %arg3[%dma_wait3A_123, %dma_wait3A_124] : memref<200000x768xf32, #tpu.memory_space<hbm>> -> memref<200000x768xf32, #tpu.memory_space<hbm>>
    tpu.wait_indirect_dma semaphore(%arg20 : memref<!tpu.dma_semaphore, #tpu.memory_space<semaphore_mem>>) src(%dma_wait3A_125 : memref<200000x768xf32, #tpu.memory_space<hbm>>) dst(%arg16 : memref<16x768xf32, #tpu.memory_space<vmem>>)
    %add3A_126 = arith.constant 16 : i32
    %add3A_127 = arith.addi %mul3A_2, %add3A_126 : i32
    %run_scoped3A_128 = arith.constant 0 : i32
    "tpu.region"() ({
      %run_scoped3A_176 = tpu.sem_alloc : memref<!tpu.dma_semaphore, #tpu.memory_space<semaphore_mem>>
      %dma_start3A_177 = arith.constant 0 : i32
      %dma_start3A_178 = tpu.memref_slice %arg9[%run_scoped3A_128, %add3A_127, %dma_start3A_177] : memref<2x1024x768xf32, #tpu.memory_space<hbm>> -> memref<1x16x768xf32, #tpu.memory_space<hbm>>
      %dma_start3A_179 = tpu.memref_squeeze %dma_start3A_178 : memref<1x16x768xf32, #tpu.memory_space<hbm>> -> memref<16x768xf32, #tpu.memory_space<hbm>>
      %dma_start3A_180 = arith.constant 0 : i32
      %dma_start3A_181 = tpu.memref_slice %arg9[%run_scoped3A_128, %add3A_127, %dma_start3A_180] : memref<2x1024x768xf32, #tpu.memory_space<hbm>> -> memref<1x16x768xf32, #tpu.memory_space<hbm>>
      %dma_start3A_182 = tpu.memref_squeeze %dma_start3A_181 : memref<1x16x768xf32, #tpu.memory_space<hbm>> -> memref<16x768xf32, #tpu.memory_space<hbm>>
      tpu.enqueue_dma source(%arg16 : memref<16x768xf32, #tpu.memory_space<vmem>>) target(%dma_start3A_182 : memref<16x768xf32, #tpu.memory_space<hbm>>) target_semaphore(%run_scoped3A_176 : memref<!tpu.dma_semaphore, #tpu.memory_space<semaphore_mem>>)
      %dma_wait3A_183 = arith.constant 0 : i32
      %dma_wait3A_184 = tpu.memref_slice %arg9[%run_scoped3A_128, %add3A_127, %dma_wait3A_183] : memref<2x1024x768xf32, #tpu.memory_space<hbm>> -> memref<1x16x768xf32, #tpu.memory_space<hbm>>
      %dma_wait3A_185 = tpu.memref_squeeze %dma_wait3A_184 : memref<1x16x768xf32, #tpu.memory_space<hbm>> -> memref<16x768xf32, #tpu.memory_space<hbm>>
      %dma_wait3A_186 = arith.constant 0 : i32
      %dma_wait3A_187 = tpu.memref_slice %arg9[%run_scoped3A_128, %add3A_127, %dma_wait3A_186] : memref<2x1024x768xf32, #tpu.memory_space<hbm>> -> memref<1x16x768xf32, #tpu.memory_space<hbm>>
      %dma_wait3A_188 = tpu.memref_squeeze %dma_wait3A_187 : memref<1x16x768xf32, #tpu.memory_space<hbm>> -> memref<16x768xf32, #tpu.memory_space<hbm>>
      tpu.wait_dma2 semaphore(%run_scoped3A_176 : memref<!tpu.dma_semaphore, #tpu.memory_space<semaphore_mem>>) src(%arg16 : memref<16x768xf32, #tpu.memory_space<vmem>>) dst(%dma_wait3A_188 : memref<16x768xf32, #tpu.memory_space<hbm>>)
      tpu.yield
    }) : () -> ()
    %dma_start3A_129 = arith.constant 16 : i32
    %dma_start3A_130 = tpu.memref_slice %arg14[%dma_start3A_129] : memref<32xi32, #tpu.memory_space<vmem>> -> memref<16xi32, #tpu.memory_space<vmem>>
    %dma_start3A_131 = arith.constant 0 : i32
    %dma_start3A_132 = arith.constant 0 : i32
    %dma_start3A_133 = tpu.memref_slice %arg3[%dma_start3A_131, %dma_start3A_132] : memref<200000x768xf32, #tpu.memory_space<hbm>> -> memref<200000x768xf32, #tpu.memory_space<hbm>>
    tpu.enqueue_indirect_dma source(%dma_start3A_133 : memref<200000x768xf32, #tpu.memory_space<hbm>>) target(%arg16 : memref<16x768xf32, #tpu.memory_space<vmem>>) offsets(%dma_start3A_130 : memref<16xi32, #tpu.memory_space<vmem>>) semaphore(%arg20 : memref<!tpu.dma_semaphore, #tpu.memory_space<semaphore_mem>>)
    %dma_wait3A_134 = arith.constant 0 : i32
    %dma_wait3A_135 = tpu.memref_slice %arg14[%dma_wait3A_134] : memref<32xi32, #tpu.memory_space<vmem>> -> memref<16xi32, #tpu.memory_space<vmem>>
    %dma_wait3A_136 = arith.constant 0 : i32
    %dma_wait3A_137 = arith.constant 0 : i32
    %dma_wait3A_138 = tpu.memref_slice %arg3[%dma_wait3A_136, %dma_wait3A_137] : memref<200000x768xf32, #tpu.memory_space<hbm>> -> memref<200000x768xf32, #tpu.memory_space<hbm>>
    tpu.wait_indirect_dma semaphore(%arg19 : memref<!tpu.dma_semaphore, #tpu.memory_space<semaphore_mem>>) src(%dma_wait3A_138 : memref<200000x768xf32, #tpu.memory_space<hbm>>) dst(%arg15 : memref<16x768xf32, #tpu.memory_space<vmem>>)
    %add3A_139 = arith.constant 0 : i32
    %add3A_140 = arith.addi %mul3A_2, %add3A_139 : i32
    %run_scoped3A_141 = arith.constant 1 : i32
    "tpu.region"() ({
      %run_scoped3A_176 = tpu.sem_alloc : memref<!tpu.dma_semaphore, #tpu.memory_space<semaphore_mem>>
      %dma_start3A_177 = arith.constant 0 : i32
      %dma_start3A_178 = tpu.memref_slice %arg9[%run_scoped3A_141, %add3A_140, %dma_start3A_177] : memref<2x1024x768xf32, #tpu.memory_space<hbm>> -> memref<1x16x768xf32, #tpu.memory_space<hbm>>
      %dma_start3A_179 = tpu.memref_squeeze %dma_start3A_178 : memref<1x16x768xf32, #tpu.memory_space<hbm>> -> memref<16x768xf32, #tpu.memory_space<hbm>>
      %dma_start3A_180 = arith.constant 0 : i32
      %dma_start3A_181 = tpu.memref_slice %arg9[%run_scoped3A_141, %add3A_140, %dma_start3A_180] : memref<2x1024x768xf32, #tpu.memory_space<hbm>> -> memref<1x16x768xf32, #tpu.memory_space<hbm>>
      %dma_start3A_182 = tpu.memref_squeeze %dma_start3A_181 : memref<1x16x768xf32, #tpu.memory_space<hbm>> -> memref<16x768xf32, #tpu.memory_space<hbm>>
      tpu.enqueue_dma source(%arg15 : memref<16x768xf32, #tpu.memory_space<vmem>>) target(%dma_start3A_182 : memref<16x768xf32, #tpu.memory_space<hbm>>) target_semaphore(%run_scoped3A_176 : memref<!tpu.dma_semaphore, #tpu.memory_space<semaphore_mem>>)
      %dma_wait3A_183 = arith.constant 0 : i32
      %dma_wait3A_184 = tpu.memref_slice %arg9[%run_scoped3A_141, %add3A_140, %dma_wait3A_183] : memref<2x1024x768xf32, #tpu.memory_space<hbm>> -> memref<1x16x768xf32, #tpu.memory_space<hbm>>
      %dma_wait3A_185 = tpu.memref_squeeze %dma_wait3A_184 : memref<1x16x768xf32, #tpu.memory_space<hbm>> -> memref<16x768xf32, #tpu.memory_space<hbm>>
      %dma_wait3A_186 = arith.constant 0 : i32
      %dma_wait3A_187 = tpu.memref_slice %arg9[%run_scoped3A_141, %add3A_140, %dma_wait3A_186] : memref<2x1024x768xf32, #tpu.memory_space<hbm>> -> memref<1x16x768xf32, #tpu.memory_space<hbm>>
      %dma_wait3A_188 = tpu.memref_squeeze %dma_wait3A_187 : memref<1x16x768xf32, #tpu.memory_space<hbm>> -> memref<16x768xf32, #tpu.memory_space<hbm>>
      tpu.wait_dma2 semaphore(%run_scoped3A_176 : memref<!tpu.dma_semaphore, #tpu.memory_space<semaphore_mem>>) src(%arg15 : memref<16x768xf32, #tpu.memory_space<vmem>>) dst(%dma_wait3A_188 : memref<16x768xf32, #tpu.memory_space<hbm>>)
      tpu.yield
    }) : () -> ()
    %dma_wait3A_142 = arith.constant 16 : i32
    %dma_wait3A_143 = tpu.memref_slice %arg14[%dma_wait3A_142] : memref<32xi32, #tpu.memory_space<vmem>> -> memref<16xi32, #tpu.memory_space<vmem>>
    %dma_wait3A_144 = arith.constant 0 : i32
    %dma_wait3A_145 = arith.constant 0 : i32
    %dma_wait3A_146 = tpu.memref_slice %arg3[%dma_wait3A_144, %dma_wait3A_145] : memref<200000x768xf32, #tpu.memory_space<hbm>> -> memref<200000x768xf32, #tpu.memory_space<hbm>>
    tpu.wait_indirect_dma semaphore(%arg20 : memref<!tpu.dma_semaphore, #tpu.memory_space<semaphore_mem>>) src(%dma_wait3A_146 : memref<200000x768xf32, #tpu.memory_space<hbm>>) dst(%arg16 : memref<16x768xf32, #tpu.memory_space<vmem>>)
    %add3A_147 = arith.constant 16 : i32
    %add3A_148 = arith.addi %mul3A_2, %add3A_147 : i32
    %run_scoped3A_149 = arith.constant 1 : i32
    "tpu.region"() ({
      %run_scoped3A_176 = tpu.sem_alloc : memref<!tpu.dma_semaphore, #tpu.memory_space<semaphore_mem>>
      %dma_start3A_177 = arith.constant 0 : i32
      %dma_start3A_178 = tpu.memref_slice %arg9[%run_scoped3A_149, %add3A_148, %dma_start3A_177] : memref<2x1024x768xf32, #tpu.memory_space<hbm>> -> memref<1x16x768xf32, #tpu.memory_space<hbm>>
      %dma_start3A_179 = tpu.memref_squeeze %dma_start3A_178 : memref<1x16x768xf32, #tpu.memory_space<hbm>> -> memref<16x768xf32, #tpu.memory_space<hbm>>
      %dma_start3A_180 = arith.constant 0 : i32
      %dma_start3A_181 = tpu.memref_slice %arg9[%run_scoped3A_149, %add3A_148, %dma_start3A_180] : memref<2x1024x768xf32, #tpu.memory_space<hbm>> -> memref<1x16x768xf32, #tpu.memory_space<hbm>>
      %dma_start3A_182 = tpu.memref_squeeze %dma_start3A_181 : memref<1x16x768xf32, #tpu.memory_space<hbm>> -> memref<16x768xf32, #tpu.memory_space<hbm>>
      tpu.enqueue_dma source(%arg16 : memref<16x768xf32, #tpu.memory_space<vmem>>) target(%dma_start3A_182 : memref<16x768xf32, #tpu.memory_space<hbm>>) target_semaphore(%run_scoped3A_176 : memref<!tpu.dma_semaphore, #tpu.memory_space<semaphore_mem>>)
      %dma_wait3A_183 = arith.constant 0 : i32
      %dma_wait3A_184 = tpu.memref_slice %arg9[%run_scoped3A_149, %add3A_148, %dma_wait3A_183] : memref<2x1024x768xf32, #tpu.memory_space<hbm>> -> memref<1x16x768xf32, #tpu.memory_space<hbm>>
      %dma_wait3A_185 = tpu.memref_squeeze %dma_wait3A_184 : memref<1x16x768xf32, #tpu.memory_space<hbm>> -> memref<16x768xf32, #tpu.memory_space<hbm>>
      %dma_wait3A_186 = arith.constant 0 : i32
      %dma_wait3A_187 = tpu.memref_slice %arg9[%run_scoped3A_149, %add3A_148, %dma_wait3A_186] : memref<2x1024x768xf32, #tpu.memory_space<hbm>> -> memref<1x16x768xf32, #tpu.memory_space<hbm>>
      %dma_wait3A_188 = tpu.memref_squeeze %dma_wait3A_187 : memref<1x16x768xf32, #tpu.memory_space<hbm>> -> memref<16x768xf32, #tpu.memory_space<hbm>>
      tpu.wait_dma2 semaphore(%run_scoped3A_176 : memref<!tpu.dma_semaphore, #tpu.memory_space<semaphore_mem>>) src(%arg16 : memref<16x768xf32, #tpu.memory_space<vmem>>) dst(%dma_wait3A_188 : memref<16x768xf32, #tpu.memory_space<hbm>>)
      tpu.yield
    }) : () -> ()
    %dma_wait3A_150 = arith.constant 0 : i32
    %dma_wait3A_151 = tpu.memref_slice %arg4[%dma_wait3A_150] : memref<100000xf32, #tpu.memory_space<hbm>> -> memref<100000xf32, #tpu.memory_space<hbm>>
    tpu.wait_indirect_dma semaphore(%arg21 : memref<!tpu.dma_semaphore, #tpu.memory_space<semaphore_mem>>) src(%dma_wait3A_151 : memref<100000xf32, #tpu.memory_space<hbm>>) dst(%arg17 : memref<32xf32, #tpu.memory_space<vmem>>)
    %dma_wait3A_152 = arith.constant 0 : i32
    %dma_wait3A_153 = tpu.memref_slice %arg5[%dma_wait3A_152] : memref<100000xf32, #tpu.memory_space<hbm>> -> memref<100000xf32, #tpu.memory_space<hbm>>
    tpu.wait_indirect_dma semaphore(%arg22 : memref<!tpu.dma_semaphore, #tpu.memory_space<semaphore_mem>>) src(%dma_wait3A_153 : memref<100000xf32, #tpu.memory_space<hbm>>) dst(%arg18 : memref<32xf32, #tpu.memory_space<vmem>>)
    %get3A_154 = arith.constant 0 : index
    %get3A_155 = tpu.vector_load %arg17[%get3A_154] {strides = array<i32>} : memref<32xf32, #tpu.memory_space<vmem>>, vector<16xf32>,
    %get3A_156 = vector.shape_cast %get3A_155 : vector<16xf32> to vector<16xf32>
    %get3A_157 = arith.constant 0 : index
    %get3A_158 = tpu.vector_load %arg18[%get3A_157] {strides = array<i32>} : memref<32xf32, #tpu.memory_space<vmem>>, vector<16xf32>,
    %get3A_159 = vector.shape_cast %get3A_158 : vector<16xf32> to vector<16xf32>
    %add3A_160 = arith.addf %get3A_156, %get3A_159 : vector<16xf32>
    %swap3A_161 = arith.constant 0 : index
    %swap3A_162 = tpu.vector_load %arg17[%swap3A_161] {strides = array<i32>} : memref<32xf32, #tpu.memory_space<vmem>>, vector<16xf32>,
    %swap3A_163 = vector.shape_cast %swap3A_162 : vector<16xf32> to vector<16xf32>
    %swap3A_164 = vector.shape_cast %add3A_160 : vector<16xf32> to vector<16xf32>
    tpu.vector_store %arg17[%swap3A_161], %swap3A_164 {strides = array<i32>} : memref<32xf32, #tpu.memory_space<vmem>>, vector<16xf32>,
    %get3A_165 = arith.constant 16 : index
    %get3A_166 = tpu.vector_load %arg17[%get3A_165] {strides = array<i32>} : memref<32xf32, #tpu.memory_space<vmem>>, vector<16xf32>,
    %get3A_167 = vector.shape_cast %get3A_166 : vector<16xf32> to vector<16xf32>
    %get3A_168 = arith.constant 16 : index
    %get3A_169 = tpu.vector_load %arg18[%get3A_168] {strides = array<i32>} : memref<32xf32, #tpu.memory_space<vmem>>, vector<16xf32>,
    %get3A_170 = vector.shape_cast %get3A_169 : vector<16xf32> to vector<16xf32>
    %add3A_171 = arith.addf %get3A_167, %get3A_170 : vector<16xf32>
    %swap3A_172 = arith.constant 16 : index
    %swap3A_173 = tpu.vector_load %arg17[%swap3A_172] {strides = array<i32>} : memref<32xf32, #tpu.memory_space<vmem>>, vector<16xf32>,
    %swap3A_174 = vector.shape_cast %swap3A_173 : vector<16xf32> to vector<16xf32>
    %swap3A_175 = vector.shape_cast %add3A_171 : vector<16xf32> to vector<16xf32>
    tpu.vector_store %arg17[%swap3A_172], %swap3A_175 {strides = array<i32>} : memref<32xf32, #tpu.memory_space<vmem>>, vector<16xf32>,
    "tpu.region"() ({
      %run_scoped3A_176 = tpu.sem_alloc : memref<!tpu.dma_semaphore, #tpu.memory_space<semaphore_mem>>
      %dma_start3A_177 = tpu.memref_slice %arg10[%mul3A_2] : memref<1024xf32, #tpu.memory_space<hbm>> -> memref<32xf32, #tpu.memory_space<hbm>>
      %dma_start3A_178 = tpu.memref_slice %arg10[%mul3A_2] : memref<1024xf32, #tpu.memory_space<hbm>> -> memref<32xf32, #tpu.memory_space<hbm>>
      tpu.enqueue_dma source(%arg17 : memref<32xf32, #tpu.memory_space<vmem>>) target(%dma_start3A_178 : memref<32xf32, #tpu.memory_space<hbm>>) target_semaphore(%run_scoped3A_176 : memref<!tpu.dma_semaphore, #tpu.memory_space<semaphore_mem>>)
      %dma_wait3A_179 = tpu.memref_slice %arg10[%mul3A_2] : memref<1024xf32, #tpu.memory_space<hbm>> -> memref<32xf32, #tpu.memory_space<hbm>>
      %dma_wait3A_180 = tpu.memref_slice %arg10[%mul3A_2] : memref<1024xf32, #tpu.memory_space<hbm>> -> memref<32xf32, #tpu.memory_space<hbm>>
      tpu.wait_dma2 semaphore(%run_scoped3A_176 : memref<!tpu.dma_semaphore, #tpu.memory_space<semaphore_mem>>) src(%arg17 : memref<32xf32, #tpu.memory_space<vmem>>) dst(%dma_wait3A_180 : memref<32xf32, #tpu.memory_space<hbm>>)
      tpu.yield
    }) : () -> ()
    return
  }
}

#map = affine_map<(d0, d1) -> (0, 0)>
#map1 = affine_map<(d0, d1) -> (0)>
#map2 = affine_map<(d0, d1) -> (0, 0, 0)>
module attributes {stable_mosaic.version = 14 : i64} {
  func.func @body(%arg0: i32, %arg1: i32, %arg2: memref<200000x768xf32, #tpu.memory_space<hbm>>, %arg3: memref<200000x768xf32, #tpu.memory_space<hbm>>, %arg4: memref<100000xf32, #tpu.memory_space<hbm>>, %arg5: memref<100000xf32, #tpu.memory_space<hbm>>, %arg6: memref<4096xi32, #tpu.memory_space<hbm>>, %arg7: memref<4096xi32, #tpu.memory_space<hbm>>, %arg8: memref<2x1024x768xf32, #tpu.memory_space<hbm>>, %arg9: memref<2x1024x768xf32, #tpu.memory_space<hbm>>, %arg10: memref<1024xf32, #tpu.memory_space<hbm>>, %arg11: memref<32xi32, #tpu.memory_space<vmem>>, %arg12: memref<32xi32, #tpu.memory_space<vmem>>, %arg13: memref<32xi32, #tpu.memory_space<vmem>>, %arg14: memref<32xi32, #tpu.memory_space<vmem>>, %arg15: memref<16x768xf32, #tpu.memory_space<vmem>>, %arg16: memref<16x768xf32, #tpu.memory_space<vmem>>, %arg17: memref<32xf32, #tpu.memory_space<vmem>>, %arg18: memref<32xf32, #tpu.memory_space<vmem>>, %arg19: memref<!tpu.dma_semaphore, #tpu.memory_space<semaphore_mem>>, %arg20: memref<!tpu.dma_semaphore, #tpu.memory_space<semaphore_mem>>, %arg21: memref<!tpu.dma_semaphore, #tpu.memory_space<semaphore_mem>>, %arg22: memref<!tpu.dma_semaphore, #tpu.memory_space<semaphore_mem>>) attributes {dimension_semantics = [#tpu.dimension_semantics<core_parallel>, #tpu.dimension_semantics<subcore_parallel>], iteration_bounds = array<i64: 2, 16>, scalar_prefetch = 0 : i64, scratch_operands = 12 : i64, tpu.core_type = #tpu.core_type<sc_vector_subcore>, window_params = [{transform_indices = #map}, {transform_indices = #map}, {transform_indices = #map1}, {transform_indices = #map1}, {transform_indices = #map1}, {transform_indices = #map1}, {transform_indices = #map2}, {transform_indices = #map2}, {transform_indices = #map1}]} {
    %mul3A = arith.constant 2 : i32
    %mul3A_0 = arith.muli %arg1, %mul3A : i32
    %add3A = arith.addi %mul3A_0, %arg0 : i32
    %mul3A_1 = arith.constant 32 : i32
    %mul3A_2 = arith.muli %add3A, %mul3A_1 : i32
    %add3A_3 = arith.constant 3072 : i32
    %add3A_4 = arith.addi %add3A_3, %mul3A_2 : i32
    "tpu.region"() ({
      %run_scoped3A_176 = tpu.sem_alloc : memref<!tpu.dma_semaphore, #tpu.memory_space<semaphore_mem>>
      %dma_start3A_177 = tpu.memref_slice %arg6[%add3A_4] : memref<4096xi32, #tpu.memory_space<hbm>> -> memref<32xi32, #tpu.memory_space<hbm>>
      %dma_start3A_178 = tpu.memref_slice %arg6[%add3A_4] : memref<4096xi32, #tpu.memory_space<hbm>> -> memref<32xi32, #tpu.memory_space<hbm>>
      tpu.enqueue_dma source(%dma_start3A_178 : memref<32xi32, #tpu.memory_space<hbm>>) target(%arg11 : memref<32xi32, #tpu.memory_space<vmem>>) target_semaphore(%run_scoped3A_176 : memref<!tpu.dma_semaphore, #tpu.memory_space<semaphore_mem>>)
      %dma_wait3A_179 = tpu.memref_slice %arg6[%add3A_4] : memref<4096xi32, #tpu.memory_space<hbm>> -> memref<32xi32, #tpu.memory_space<hbm>>
      %dma_wait3A_180 = tpu.memref_slice %arg6[%add3A_4] : memref<4096xi32, #tpu.memory_space<hbm>> -> memref<32xi32, #tpu.memory_space<hbm>>
      tpu.wait_dma2 semaphore(%run_scoped3A_176 : memref<!tpu.dma_semaphore, #tpu.memory_space<semaphore_mem>>) src(%dma_wait3A_180 : memref<32xi32, #tpu.memory_space<hbm>>) dst(%arg11 : memref<32xi32, #tpu.memory_space<vmem>>)
      tpu.yield
    }) : () -> ()
    %add3A_5 = arith.constant 3072 : i32
    %add3A_6 = arith.addi %add3A_5, %mul3A_2 : i32
    "tpu.region"() ({
      %run_scoped3A_176 = tpu.sem_alloc : memref<!tpu.dma_semaphore, #tpu.memory_space<semaphore_mem>>
      %dma_start3A_177 = tpu.memref_slice %arg7[%add3A_6] : memref<4096xi32, #tpu.memory_space<hbm>> -> memref<32xi32, #tpu.memory_space<hbm>>
      %dma_start3A_178 = tpu.memref_slice %arg7[%add3A_6] : memref<4096xi32, #tpu.memory_space<hbm>> -> memref<32xi32, #tpu.memory_space<hbm>>
      tpu.enqueue_dma source(%dma_start3A_178 : memref<32xi32, #tpu.memory_space<hbm>>) target(%arg13 : memref<32xi32, #tpu.memory_space<vmem>>) target_semaphore(%run_scoped3A_176 : memref<!tpu.dma_semaphore, #tpu.memory_space<semaphore_mem>>)
      %dma_wait3A_179 = tpu.memref_slice %arg7[%add3A_6] : memref<4096xi32, #tpu.memory_space<hbm>> -> memref<32xi32, #tpu.memory_space<hbm>>
      %dma_wait3A_180 = tpu.memref_slice %arg7[%add3A_6] : memref<4096xi32, #tpu.memory_space<hbm>> -> memref<32xi32, #tpu.memory_space<hbm>>
      tpu.wait_dma2 semaphore(%run_scoped3A_176 : memref<!tpu.dma_semaphore, #tpu.memory_space<semaphore_mem>>) src(%dma_wait3A_180 : memref<32xi32, #tpu.memory_space<hbm>>) dst(%arg13 : memref<32xi32, #tpu.memory_space<vmem>>)
      tpu.yield
    }) : () -> ()
    %dma_start3A = arith.constant 0 : i32
    %dma_start3A_7 = tpu.memref_slice %arg4[%dma_start3A] : memref<100000xf32, #tpu.memory_space<hbm>> -> memref<100000xf32, #tpu.memory_space<hbm>>
    tpu.enqueue_indirect_dma source(%dma_start3A_7 : memref<100000xf32, #tpu.memory_space<hbm>>) target(%arg17 : memref<32xf32, #tpu.memory_space<vmem>>) offsets(%arg11 : memref<32xi32, #tpu.memory_space<vmem>>) semaphore(%arg21 : memref<!tpu.dma_semaphore, #tpu.memory_space<semaphore_mem>>)
    %dma_start3A_8 = arith.constant 0 : i32
    %dma_start3A_9 = tpu.memref_slice %arg5[%dma_start3A_8] : memref<100000xf32, #tpu.memory_space<hbm>> -> memref<100000xf32, #tpu.memory_space<hbm>>
    tpu.enqueue_indirect_dma source(%dma_start3A_9 : memref<100000xf32, #tpu.memory_space<hbm>>) target(%arg18 : memref<32xf32, #tpu.memory_space<vmem>>) offsets(%arg13 : memref<32xi32, #tpu.memory_space<vmem>>) semaphore(%arg22 : memref<!tpu.dma_semaphore, #tpu.memory_space<semaphore_mem>>)
    %get3A = arith.constant 0 : index
    %get3A_10 = tpu.vector_load %arg11[%get3A] {strides = array<i32>} : memref<32xi32, #tpu.memory_space<vmem>>, vector<16xi32>,
    %get3A_11 = vector.shape_cast %get3A_10 : vector<16xi32> to vector<16xi32>
    %add3A_12 = arith.constant 100000 : i32
    %add3A_13 = vector.broadcast %add3A_12 : i32 to vector<16xi32>
    %add3A_14 = arith.addi %get3A_11, %add3A_13 : vector<16xi32>
    %swap3A = arith.constant 0 : index
    %swap3A_15 = tpu.vector_load %arg12[%swap3A] {strides = array<i32>} : memref<32xi32, #tpu.memory_space<vmem>>, vector<16xi32>,
    %swap3A_16 = vector.shape_cast %swap3A_15 : vector<16xi32> to vector<16xi32>
    %swap3A_17 = vector.shape_cast %add3A_14 : vector<16xi32> to vector<16xi32>
    tpu.vector_store %arg12[%swap3A], %swap3A_17 {strides = array<i32>} : memref<32xi32, #tpu.memory_space<vmem>>, vector<16xi32>,
    %get3A_18 = arith.constant 0 : index
    %get3A_19 = tpu.vector_load %arg13[%get3A_18] {strides = array<i32>} : memref<32xi32, #tpu.memory_space<vmem>>, vector<16xi32>,
    %get3A_20 = vector.shape_cast %get3A_19 : vector<16xi32> to vector<16xi32>
    %add3A_21 = arith.constant 100000 : i32
    %add3A_22 = vector.broadcast %add3A_21 : i32 to vector<16xi32>
    %add3A_23 = arith.addi %get3A_20, %add3A_22 : vector<16xi32>
    %swap3A_24 = arith.constant 0 : index
    %swap3A_25 = tpu.vector_load %arg14[%swap3A_24] {strides = array<i32>} : memref<32xi32, #tpu.memory_space<vmem>>, vector<16xi32>,
    %swap3A_26 = vector.shape_cast %swap3A_25 : vector<16xi32> to vector<16xi32>
    %swap3A_27 = vector.shape_cast %add3A_23 : vector<16xi32> to vector<16xi32>
    tpu.vector_store %arg14[%swap3A_24], %swap3A_27 {strides = array<i32>} : memref<32xi32, #tpu.memory_space<vmem>>, vector<16xi32>,
    %get3A_28 = arith.constant 16 : index
    %get3A_29 = tpu.vector_load %arg11[%get3A_28] {strides = array<i32>} : memref<32xi32, #tpu.memory_space<vmem>>, vector<16xi32>,
    %get3A_30 = vector.shape_cast %get3A_29 : vector<16xi32> to vector<16xi32>
    %add3A_31 = arith.constant 100000 : i32
    %add3A_32 = vector.broadcast %add3A_31 : i32 to vector<16xi32>
    %add3A_33 = arith.addi %get3A_30, %add3A_32 : vector<16xi32>
    %swap3A_34 = arith.constant 16 : index
    %swap3A_35 = tpu.vector_load %arg12[%swap3A_34] {strides = array<i32>} : memref<32xi32, #tpu.memory_space<vmem>>, vector<16xi32>,
    %swap3A_36 = vector.shape_cast %swap3A_35 : vector<16xi32> to vector<16xi32>
    %swap3A_37 = vector.shape_cast %add3A_33 : vector<16xi32> to vector<16xi32>
    tpu.vector_store %arg12[%swap3A_34], %swap3A_37 {strides = array<i32>} : memref<32xi32, #tpu.memory_space<vmem>>, vector<16xi32>,
    %get3A_38 = arith.constant 16 : index
    %get3A_39 = tpu.vector_load %arg13[%get3A_38] {strides = array<i32>} : memref<32xi32, #tpu.memory_space<vmem>>, vector<16xi32>,
    %get3A_40 = vector.shape_cast %get3A_39 : vector<16xi32> to vector<16xi32>
    %add3A_41 = arith.constant 100000 : i32
    %add3A_42 = vector.broadcast %add3A_41 : i32 to vector<16xi32>
    %add3A_43 = arith.addi %get3A_40, %add3A_42 : vector<16xi32>
    %swap3A_44 = arith.constant 16 : index
    %swap3A_45 = tpu.vector_load %arg14[%swap3A_44] {strides = array<i32>} : memref<32xi32, #tpu.memory_space<vmem>>, vector<16xi32>,
    %swap3A_46 = vector.shape_cast %swap3A_45 : vector<16xi32> to vector<16xi32>
    %swap3A_47 = vector.shape_cast %add3A_43 : vector<16xi32> to vector<16xi32>
    tpu.vector_store %arg14[%swap3A_44], %swap3A_47 {strides = array<i32>} : memref<32xi32, #tpu.memory_space<vmem>>, vector<16xi32>,
    %dma_start3A_48 = arith.constant 0 : i32
    %dma_start3A_49 = tpu.memref_slice %arg11[%dma_start3A_48] : memref<32xi32, #tpu.memory_space<vmem>> -> memref<16xi32, #tpu.memory_space<vmem>>
    %dma_start3A_50 = arith.constant 0 : i32
    %dma_start3A_51 = arith.constant 0 : i32
    %dma_start3A_52 = tpu.memref_slice %arg2[%dma_start3A_50, %dma_start3A_51] : memref<200000x768xf32, #tpu.memory_space<hbm>> -> memref<200000x768xf32, #tpu.memory_space<hbm>>
    tpu.enqueue_indirect_dma source(%dma_start3A_52 : memref<200000x768xf32, #tpu.memory_space<hbm>>) target(%arg15 : memref<16x768xf32, #tpu.memory_space<vmem>>) offsets(%dma_start3A_49 : memref<16xi32, #tpu.memory_space<vmem>>) semaphore(%arg19 : memref<!tpu.dma_semaphore, #tpu.memory_space<semaphore_mem>>)
    %dma_start3A_53 = arith.constant 16 : i32
    %dma_start3A_54 = tpu.memref_slice %arg11[%dma_start3A_53] : memref<32xi32, #tpu.memory_space<vmem>> -> memref<16xi32, #tpu.memory_space<vmem>>
    %dma_start3A_55 = arith.constant 0 : i32
    %dma_start3A_56 = arith.constant 0 : i32
    %dma_start3A_57 = tpu.memref_slice %arg2[%dma_start3A_55, %dma_start3A_56] : memref<200000x768xf32, #tpu.memory_space<hbm>> -> memref<200000x768xf32, #tpu.memory_space<hbm>>
    tpu.enqueue_indirect_dma source(%dma_start3A_57 : memref<200000x768xf32, #tpu.memory_space<hbm>>) target(%arg16 : memref<16x768xf32, #tpu.memory_space<vmem>>) offsets(%dma_start3A_54 : memref<16xi32, #tpu.memory_space<vmem>>) semaphore(%arg20 : memref<!tpu.dma_semaphore, #tpu.memory_space<semaphore_mem>>)
    %dma_wait3A = arith.constant 0 : i32
    %dma_wait3A_58 = tpu.memref_slice %arg11[%dma_wait3A] : memref<32xi32, #tpu.memory_space<vmem>> -> memref<16xi32, #tpu.memory_space<vmem>>
    %dma_wait3A_59 = arith.constant 0 : i32
    %dma_wait3A_60 = arith.constant 0 : i32
    %dma_wait3A_61 = tpu.memref_slice %arg2[%dma_wait3A_59, %dma_wait3A_60] : memref<200000x768xf32, #tpu.memory_space<hbm>> -> memref<200000x768xf32, #tpu.memory_space<hbm>>
    tpu.wait_indirect_dma semaphore(%arg19 : memref<!tpu.dma_semaphore, #tpu.memory_space<semaphore_mem>>) src(%dma_wait3A_61 : memref<200000x768xf32, #tpu.memory_space<hbm>>) dst(%arg15 : memref<16x768xf32, #tpu.memory_space<vmem>>)
    %add3A_62 = arith.constant 0 : i32
    %add3A_63 = arith.addi %mul3A_2, %add3A_62 : i32
    %run_scoped3A = arith.constant 0 : i32
    "tpu.region"() ({
      %run_scoped3A_176 = tpu.sem_alloc : memref<!tpu.dma_semaphore, #tpu.memory_space<semaphore_mem>>
      %dma_start3A_177 = arith.constant 0 : i32
      %dma_start3A_178 = tpu.memref_slice %arg8[%run_scoped3A, %add3A_63, %dma_start3A_177] : memref<2x1024x768xf32, #tpu.memory_space<hbm>> -> memref<1x16x768xf32, #tpu.memory_space<hbm>>
      %dma_start3A_179 = tpu.memref_squeeze %dma_start3A_178 : memref<1x16x768xf32, #tpu.memory_space<hbm>> -> memref<16x768xf32, #tpu.memory_space<hbm>>
      %dma_start3A_180 = arith.constant 0 : i32
      %dma_start3A_181 = tpu.memref_slice %arg8[%run_scoped3A, %add3A_63, %dma_start3A_180] : memref<2x1024x768xf32, #tpu.memory_space<hbm>> -> memref<1x16x768xf32, #tpu.memory_space<hbm>>
      %dma_start3A_182 = tpu.memref_squeeze %dma_start3A_181 : memref<1x16x768xf32, #tpu.memory_space<hbm>> -> memref<16x768xf32, #tpu.memory_space<hbm>>
      tpu.enqueue_dma source(%arg15 : memref<16x768xf32, #tpu.memory_space<vmem>>) target(%dma_start3A_182 : memref<16x768xf32, #tpu.memory_space<hbm>>) target_semaphore(%run_scoped3A_176 : memref<!tpu.dma_semaphore, #tpu.memory_space<semaphore_mem>>)
      %dma_wait3A_183 = arith.constant 0 : i32
      %dma_wait3A_184 = tpu.memref_slice %arg8[%run_scoped3A, %add3A_63, %dma_wait3A_183] : memref<2x1024x768xf32, #tpu.memory_space<hbm>> -> memref<1x16x768xf32, #tpu.memory_space<hbm>>
      %dma_wait3A_185 = tpu.memref_squeeze %dma_wait3A_184 : memref<1x16x768xf32, #tpu.memory_space<hbm>> -> memref<16x768xf32, #tpu.memory_space<hbm>>
      %dma_wait3A_186 = arith.constant 0 : i32
      %dma_wait3A_187 = tpu.memref_slice %arg8[%run_scoped3A, %add3A_63, %dma_wait3A_186] : memref<2x1024x768xf32, #tpu.memory_space<hbm>> -> memref<1x16x768xf32, #tpu.memory_space<hbm>>
      %dma_wait3A_188 = tpu.memref_squeeze %dma_wait3A_187 : memref<1x16x768xf32, #tpu.memory_space<hbm>> -> memref<16x768xf32, #tpu.memory_space<hbm>>
      tpu.wait_dma2 semaphore(%run_scoped3A_176 : memref<!tpu.dma_semaphore, #tpu.memory_space<semaphore_mem>>) src(%arg15 : memref<16x768xf32, #tpu.memory_space<vmem>>) dst(%dma_wait3A_188 : memref<16x768xf32, #tpu.memory_space<hbm>>)
      tpu.yield
    }) : () -> ()
    %dma_start3A_64 = arith.constant 0 : i32
    %dma_start3A_65 = tpu.memref_slice %arg12[%dma_start3A_64] : memref<32xi32, #tpu.memory_space<vmem>> -> memref<16xi32, #tpu.memory_space<vmem>>
    %dma_start3A_66 = arith.constant 0 : i32
    %dma_start3A_67 = arith.constant 0 : i32
    %dma_start3A_68 = tpu.memref_slice %arg2[%dma_start3A_66, %dma_start3A_67] : memref<200000x768xf32, #tpu.memory_space<hbm>> -> memref<200000x768xf32, #tpu.memory_space<hbm>>
    tpu.enqueue_indirect_dma source(%dma_start3A_68 : memref<200000x768xf32, #tpu.memory_space<hbm>>) target(%arg15 : memref<16x768xf32, #tpu.memory_space<vmem>>) offsets(%dma_start3A_65 : memref<16xi32, #tpu.memory_space<vmem>>) semaphore(%arg19 : memref<!tpu.dma_semaphore, #tpu.memory_space<semaphore_mem>>)
    %dma_wait3A_69 = arith.constant 16 : i32
    %dma_wait3A_70 = tpu.memref_slice %arg11[%dma_wait3A_69] : memref<32xi32, #tpu.memory_space<vmem>> -> memref<16xi32, #tpu.memory_space<vmem>>
    %dma_wait3A_71 = arith.constant 0 : i32
    %dma_wait3A_72 = arith.constant 0 : i32
    %dma_wait3A_73 = tpu.memref_slice %arg2[%dma_wait3A_71, %dma_wait3A_72] : memref<200000x768xf32, #tpu.memory_space<hbm>> -> memref<200000x768xf32, #tpu.memory_space<hbm>>
    tpu.wait_indirect_dma semaphore(%arg20 : memref<!tpu.dma_semaphore, #tpu.memory_space<semaphore_mem>>) src(%dma_wait3A_73 : memref<200000x768xf32, #tpu.memory_space<hbm>>) dst(%arg16 : memref<16x768xf32, #tpu.memory_space<vmem>>)
    %add3A_74 = arith.constant 16 : i32
    %add3A_75 = arith.addi %mul3A_2, %add3A_74 : i32
    %run_scoped3A_76 = arith.constant 0 : i32
    "tpu.region"() ({
      %run_scoped3A_176 = tpu.sem_alloc : memref<!tpu.dma_semaphore, #tpu.memory_space<semaphore_mem>>
      %dma_start3A_177 = arith.constant 0 : i32
      %dma_start3A_178 = tpu.memref_slice %arg8[%run_scoped3A_76, %add3A_75, %dma_start3A_177] : memref<2x1024x768xf32, #tpu.memory_space<hbm>> -> memref<1x16x768xf32, #tpu.memory_space<hbm>>
      %dma_start3A_179 = tpu.memref_squeeze %dma_start3A_178 : memref<1x16x768xf32, #tpu.memory_space<hbm>> -> memref<16x768xf32, #tpu.memory_space<hbm>>
      %dma_start3A_180 = arith.constant 0 : i32
      %dma_start3A_181 = tpu.memref_slice %arg8[%run_scoped3A_76, %add3A_75, %dma_start3A_180] : memref<2x1024x768xf32, #tpu.memory_space<hbm>> -> memref<1x16x768xf32, #tpu.memory_space<hbm>>
      %dma_start3A_182 = tpu.memref_squeeze %dma_start3A_181 : memref<1x16x768xf32, #tpu.memory_space<hbm>> -> memref<16x768xf32, #tpu.memory_space<hbm>>
      tpu.enqueue_dma source(%arg16 : memref<16x768xf32, #tpu.memory_space<vmem>>) target(%dma_start3A_182 : memref<16x768xf32, #tpu.memory_space<hbm>>) target_semaphore(%run_scoped3A_176 : memref<!tpu.dma_semaphore, #tpu.memory_space<semaphore_mem>>)
      %dma_wait3A_183 = arith.constant 0 : i32
      %dma_wait3A_184 = tpu.memref_slice %arg8[%run_scoped3A_76, %add3A_75, %dma_wait3A_183] : memref<2x1024x768xf32, #tpu.memory_space<hbm>> -> memref<1x16x768xf32, #tpu.memory_space<hbm>>
      %dma_wait3A_185 = tpu.memref_squeeze %dma_wait3A_184 : memref<1x16x768xf32, #tpu.memory_space<hbm>> -> memref<16x768xf32, #tpu.memory_space<hbm>>
      %dma_wait3A_186 = arith.constant 0 : i32
      %dma_wait3A_187 = tpu.memref_slice %arg8[%run_scoped3A_76, %add3A_75, %dma_wait3A_186] : memref<2x1024x768xf32, #tpu.memory_space<hbm>> -> memref<1x16x768xf32, #tpu.memory_space<hbm>>
      %dma_wait3A_188 = tpu.memref_squeeze %dma_wait3A_187 : memref<1x16x768xf32, #tpu.memory_space<hbm>> -> memref<16x768xf32, #tpu.memory_space<hbm>>
      tpu.wait_dma2 semaphore(%run_scoped3A_176 : memref<!tpu.dma_semaphore, #tpu.memory_space<semaphore_mem>>) src(%arg16 : memref<16x768xf32, #tpu.memory_space<vmem>>) dst(%dma_wait3A_188 : memref<16x768xf32, #tpu.memory_space<hbm>>)
      tpu.yield
    }) : () -> ()
    %dma_start3A_77 = arith.constant 16 : i32
    %dma_start3A_78 = tpu.memref_slice %arg12[%dma_start3A_77] : memref<32xi32, #tpu.memory_space<vmem>> -> memref<16xi32, #tpu.memory_space<vmem>>
    %dma_start3A_79 = arith.constant 0 : i32
    %dma_start3A_80 = arith.constant 0 : i32
    %dma_start3A_81 = tpu.memref_slice %arg2[%dma_start3A_79, %dma_start3A_80] : memref<200000x768xf32, #tpu.memory_space<hbm>> -> memref<200000x768xf32, #tpu.memory_space<hbm>>
    tpu.enqueue_indirect_dma source(%dma_start3A_81 : memref<200000x768xf32, #tpu.memory_space<hbm>>) target(%arg16 : memref<16x768xf32, #tpu.memory_space<vmem>>) offsets(%dma_start3A_78 : memref<16xi32, #tpu.memory_space<vmem>>) semaphore(%arg20 : memref<!tpu.dma_semaphore, #tpu.memory_space<semaphore_mem>>)
    %dma_wait3A_82 = arith.constant 0 : i32
    %dma_wait3A_83 = tpu.memref_slice %arg12[%dma_wait3A_82] : memref<32xi32, #tpu.memory_space<vmem>> -> memref<16xi32, #tpu.memory_space<vmem>>
    %dma_wait3A_84 = arith.constant 0 : i32
    %dma_wait3A_85 = arith.constant 0 : i32
    %dma_wait3A_86 = tpu.memref_slice %arg2[%dma_wait3A_84, %dma_wait3A_85] : memref<200000x768xf32, #tpu.memory_space<hbm>> -> memref<200000x768xf32, #tpu.memory_space<hbm>>
    tpu.wait_indirect_dma semaphore(%arg19 : memref<!tpu.dma_semaphore, #tpu.memory_space<semaphore_mem>>) src(%dma_wait3A_86 : memref<200000x768xf32, #tpu.memory_space<hbm>>) dst(%arg15 : memref<16x768xf32, #tpu.memory_space<vmem>>)
    %add3A_87 = arith.constant 0 : i32
    %add3A_88 = arith.addi %mul3A_2, %add3A_87 : i32
    %run_scoped3A_89 = arith.constant 1 : i32
    "tpu.region"() ({
      %run_scoped3A_176 = tpu.sem_alloc : memref<!tpu.dma_semaphore, #tpu.memory_space<semaphore_mem>>
      %dma_start3A_177 = arith.constant 0 : i32
      %dma_start3A_178 = tpu.memref_slice %arg8[%run_scoped3A_89, %add3A_88, %dma_start3A_177] : memref<2x1024x768xf32, #tpu.memory_space<hbm>> -> memref<1x16x768xf32, #tpu.memory_space<hbm>>
      %dma_start3A_179 = tpu.memref_squeeze %dma_start3A_178 : memref<1x16x768xf32, #tpu.memory_space<hbm>> -> memref<16x768xf32, #tpu.memory_space<hbm>>
      %dma_start3A_180 = arith.constant 0 : i32
      %dma_start3A_181 = tpu.memref_slice %arg8[%run_scoped3A_89, %add3A_88, %dma_start3A_180] : memref<2x1024x768xf32, #tpu.memory_space<hbm>> -> memref<1x16x768xf32, #tpu.memory_space<hbm>>
      %dma_start3A_182 = tpu.memref_squeeze %dma_start3A_181 : memref<1x16x768xf32, #tpu.memory_space<hbm>> -> memref<16x768xf32, #tpu.memory_space<hbm>>
      tpu.enqueue_dma source(%arg15 : memref<16x768xf32, #tpu.memory_space<vmem>>) target(%dma_start3A_182 : memref<16x768xf32, #tpu.memory_space<hbm>>) target_semaphore(%run_scoped3A_176 : memref<!tpu.dma_semaphore, #tpu.memory_space<semaphore_mem>>)
      %dma_wait3A_183 = arith.constant 0 : i32
      %dma_wait3A_184 = tpu.memref_slice %arg8[%run_scoped3A_89, %add3A_88, %dma_wait3A_183] : memref<2x1024x768xf32, #tpu.memory_space<hbm>> -> memref<1x16x768xf32, #tpu.memory_space<hbm>>
      %dma_wait3A_185 = tpu.memref_squeeze %dma_wait3A_184 : memref<1x16x768xf32, #tpu.memory_space<hbm>> -> memref<16x768xf32, #tpu.memory_space<hbm>>
      %dma_wait3A_186 = arith.constant 0 : i32
      %dma_wait3A_187 = tpu.memref_slice %arg8[%run_scoped3A_89, %add3A_88, %dma_wait3A_186] : memref<2x1024x768xf32, #tpu.memory_space<hbm>> -> memref<1x16x768xf32, #tpu.memory_space<hbm>>
      %dma_wait3A_188 = tpu.memref_squeeze %dma_wait3A_187 : memref<1x16x768xf32, #tpu.memory_space<hbm>> -> memref<16x768xf32, #tpu.memory_space<hbm>>
      tpu.wait_dma2 semaphore(%run_scoped3A_176 : memref<!tpu.dma_semaphore, #tpu.memory_space<semaphore_mem>>) src(%arg15 : memref<16x768xf32, #tpu.memory_space<vmem>>) dst(%dma_wait3A_188 : memref<16x768xf32, #tpu.memory_space<hbm>>)
      tpu.yield
    }) : () -> ()
    %dma_start3A_90 = arith.constant 0 : i32
    %dma_start3A_91 = tpu.memref_slice %arg13[%dma_start3A_90] : memref<32xi32, #tpu.memory_space<vmem>> -> memref<16xi32, #tpu.memory_space<vmem>>
    %dma_start3A_92 = arith.constant 0 : i32
    %dma_start3A_93 = arith.constant 0 : i32
    %dma_start3A_94 = tpu.memref_slice %arg3[%dma_start3A_92, %dma_start3A_93] : memref<200000x768xf32, #tpu.memory_space<hbm>> -> memref<200000x768xf32, #tpu.memory_space<hbm>>
    tpu.enqueue_indirect_dma source(%dma_start3A_94 : memref<200000x768xf32, #tpu.memory_space<hbm>>) target(%arg15 : memref<16x768xf32, #tpu.memory_space<vmem>>) offsets(%dma_start3A_91 : memref<16xi32, #tpu.memory_space<vmem>>) semaphore(%arg19 : memref<!tpu.dma_semaphore, #tpu.memory_space<semaphore_mem>>)
    %dma_wait3A_95 = arith.constant 16 : i32
    %dma_wait3A_96 = tpu.memref_slice %arg12[%dma_wait3A_95] : memref<32xi32, #tpu.memory_space<vmem>> -> memref<16xi32, #tpu.memory_space<vmem>>
    %dma_wait3A_97 = arith.constant 0 : i32
    %dma_wait3A_98 = arith.constant 0 : i32
    %dma_wait3A_99 = tpu.memref_slice %arg2[%dma_wait3A_97, %dma_wait3A_98] : memref<200000x768xf32, #tpu.memory_space<hbm>> -> memref<200000x768xf32, #tpu.memory_space<hbm>>
    tpu.wait_indirect_dma semaphore(%arg20 : memref<!tpu.dma_semaphore, #tpu.memory_space<semaphore_mem>>) src(%dma_wait3A_99 : memref<200000x768xf32, #tpu.memory_space<hbm>>) dst(%arg16 : memref<16x768xf32, #tpu.memory_space<vmem>>)
    %add3A_100 = arith.constant 16 : i32
    %add3A_101 = arith.addi %mul3A_2, %add3A_100 : i32
    %run_scoped3A_102 = arith.constant 1 : i32
    "tpu.region"() ({
      %run_scoped3A_176 = tpu.sem_alloc : memref<!tpu.dma_semaphore, #tpu.memory_space<semaphore_mem>>
      %dma_start3A_177 = arith.constant 0 : i32
      %dma_start3A_178 = tpu.memref_slice %arg8[%run_scoped3A_102, %add3A_101, %dma_start3A_177] : memref<2x1024x768xf32, #tpu.memory_space<hbm>> -> memref<1x16x768xf32, #tpu.memory_space<hbm>>
      %dma_start3A_179 = tpu.memref_squeeze %dma_start3A_178 : memref<1x16x768xf32, #tpu.memory_space<hbm>> -> memref<16x768xf32, #tpu.memory_space<hbm>>
      %dma_start3A_180 = arith.constant 0 : i32
      %dma_start3A_181 = tpu.memref_slice %arg8[%run_scoped3A_102, %add3A_101, %dma_start3A_180] : memref<2x1024x768xf32, #tpu.memory_space<hbm>> -> memref<1x16x768xf32, #tpu.memory_space<hbm>>
      %dma_start3A_182 = tpu.memref_squeeze %dma_start3A_181 : memref<1x16x768xf32, #tpu.memory_space<hbm>> -> memref<16x768xf32, #tpu.memory_space<hbm>>
      tpu.enqueue_dma source(%arg16 : memref<16x768xf32, #tpu.memory_space<vmem>>) target(%dma_start3A_182 : memref<16x768xf32, #tpu.memory_space<hbm>>) target_semaphore(%run_scoped3A_176 : memref<!tpu.dma_semaphore, #tpu.memory_space<semaphore_mem>>)
      %dma_wait3A_183 = arith.constant 0 : i32
      %dma_wait3A_184 = tpu.memref_slice %arg8[%run_scoped3A_102, %add3A_101, %dma_wait3A_183] : memref<2x1024x768xf32, #tpu.memory_space<hbm>> -> memref<1x16x768xf32, #tpu.memory_space<hbm>>
      %dma_wait3A_185 = tpu.memref_squeeze %dma_wait3A_184 : memref<1x16x768xf32, #tpu.memory_space<hbm>> -> memref<16x768xf32, #tpu.memory_space<hbm>>
      %dma_wait3A_186 = arith.constant 0 : i32
      %dma_wait3A_187 = tpu.memref_slice %arg8[%run_scoped3A_102, %add3A_101, %dma_wait3A_186] : memref<2x1024x768xf32, #tpu.memory_space<hbm>> -> memref<1x16x768xf32, #tpu.memory_space<hbm>>
      %dma_wait3A_188 = tpu.memref_squeeze %dma_wait3A_187 : memref<1x16x768xf32, #tpu.memory_space<hbm>> -> memref<16x768xf32, #tpu.memory_space<hbm>>
      tpu.wait_dma2 semaphore(%run_scoped3A_176 : memref<!tpu.dma_semaphore, #tpu.memory_space<semaphore_mem>>) src(%arg16 : memref<16x768xf32, #tpu.memory_space<vmem>>) dst(%dma_wait3A_188 : memref<16x768xf32, #tpu.memory_space<hbm>>)
      tpu.yield
    }) : () -> ()
    %dma_start3A_103 = arith.constant 16 : i32
    %dma_start3A_104 = tpu.memref_slice %arg13[%dma_start3A_103] : memref<32xi32, #tpu.memory_space<vmem>> -> memref<16xi32, #tpu.memory_space<vmem>>
    %dma_start3A_105 = arith.constant 0 : i32
    %dma_start3A_106 = arith.constant 0 : i32
    %dma_start3A_107 = tpu.memref_slice %arg3[%dma_start3A_105, %dma_start3A_106] : memref<200000x768xf32, #tpu.memory_space<hbm>> -> memref<200000x768xf32, #tpu.memory_space<hbm>>
    tpu.enqueue_indirect_dma source(%dma_start3A_107 : memref<200000x768xf32, #tpu.memory_space<hbm>>) target(%arg16 : memref<16x768xf32, #tpu.memory_space<vmem>>) offsets(%dma_start3A_104 : memref<16xi32, #tpu.memory_space<vmem>>) semaphore(%arg20 : memref<!tpu.dma_semaphore, #tpu.memory_space<semaphore_mem>>)
    %dma_wait3A_108 = arith.constant 0 : i32
    %dma_wait3A_109 = tpu.memref_slice %arg13[%dma_wait3A_108] : memref<32xi32, #tpu.memory_space<vmem>> -> memref<16xi32, #tpu.memory_space<vmem>>
    %dma_wait3A_110 = arith.constant 0 : i32
    %dma_wait3A_111 = arith.constant 0 : i32
    %dma_wait3A_112 = tpu.memref_slice %arg3[%dma_wait3A_110, %dma_wait3A_111] : memref<200000x768xf32, #tpu.memory_space<hbm>> -> memref<200000x768xf32, #tpu.memory_space<hbm>>
    tpu.wait_indirect_dma semaphore(%arg19 : memref<!tpu.dma_semaphore, #tpu.memory_space<semaphore_mem>>) src(%dma_wait3A_112 : memref<200000x768xf32, #tpu.memory_space<hbm>>) dst(%arg15 : memref<16x768xf32, #tpu.memory_space<vmem>>)
    %add3A_113 = arith.constant 0 : i32
    %add3A_114 = arith.addi %mul3A_2, %add3A_113 : i32
    %run_scoped3A_115 = arith.constant 0 : i32
    "tpu.region"() ({
      %run_scoped3A_176 = tpu.sem_alloc : memref<!tpu.dma_semaphore, #tpu.memory_space<semaphore_mem>>
      %dma_start3A_177 = arith.constant 0 : i32
      %dma_start3A_178 = tpu.memref_slice %arg9[%run_scoped3A_115, %add3A_114, %dma_start3A_177] : memref<2x1024x768xf32, #tpu.memory_space<hbm>> -> memref<1x16x768xf32, #tpu.memory_space<hbm>>
      %dma_start3A_179 = tpu.memref_squeeze %dma_start3A_178 : memref<1x16x768xf32, #tpu.memory_space<hbm>> -> memref<16x768xf32, #tpu.memory_space<hbm>>
      %dma_start3A_180 = arith.constant 0 : i32
      %dma_start3A_181 = tpu.memref_slice %arg9[%run_scoped3A_115, %add3A_114, %dma_start3A_180] : memref<2x1024x768xf32, #tpu.memory_space<hbm>> -> memref<1x16x768xf32, #tpu.memory_space<hbm>>
      %dma_start3A_182 = tpu.memref_squeeze %dma_start3A_181 : memref<1x16x768xf32, #tpu.memory_space<hbm>> -> memref<16x768xf32, #tpu.memory_space<hbm>>
      tpu.enqueue_dma source(%arg15 : memref<16x768xf32, #tpu.memory_space<vmem>>) target(%dma_start3A_182 : memref<16x768xf32, #tpu.memory_space<hbm>>) target_semaphore(%run_scoped3A_176 : memref<!tpu.dma_semaphore, #tpu.memory_space<semaphore_mem>>)
      %dma_wait3A_183 = arith.constant 0 : i32
      %dma_wait3A_184 = tpu.memref_slice %arg9[%run_scoped3A_115, %add3A_114, %dma_wait3A_183] : memref<2x1024x768xf32, #tpu.memory_space<hbm>> -> memref<1x16x768xf32, #tpu.memory_space<hbm>>
      %dma_wait3A_185 = tpu.memref_squeeze %dma_wait3A_184 : memref<1x16x768xf32, #tpu.memory_space<hbm>> -> memref<16x768xf32, #tpu.memory_space<hbm>>
      %dma_wait3A_186 = arith.constant 0 : i32
      %dma_wait3A_187 = tpu.memref_slice %arg9[%run_scoped3A_115, %add3A_114, %dma_wait3A_186] : memref<2x1024x768xf32, #tpu.memory_space<hbm>> -> memref<1x16x768xf32, #tpu.memory_space<hbm>>
      %dma_wait3A_188 = tpu.memref_squeeze %dma_wait3A_187 : memref<1x16x768xf32, #tpu.memory_space<hbm>> -> memref<16x768xf32, #tpu.memory_space<hbm>>
      tpu.wait_dma2 semaphore(%run_scoped3A_176 : memref<!tpu.dma_semaphore, #tpu.memory_space<semaphore_mem>>) src(%arg15 : memref<16x768xf32, #tpu.memory_space<vmem>>) dst(%dma_wait3A_188 : memref<16x768xf32, #tpu.memory_space<hbm>>)
      tpu.yield
    }) : () -> ()
    %dma_start3A_116 = arith.constant 0 : i32
    %dma_start3A_117 = tpu.memref_slice %arg14[%dma_start3A_116] : memref<32xi32, #tpu.memory_space<vmem>> -> memref<16xi32, #tpu.memory_space<vmem>>
    %dma_start3A_118 = arith.constant 0 : i32
    %dma_start3A_119 = arith.constant 0 : i32
    %dma_start3A_120 = tpu.memref_slice %arg3[%dma_start3A_118, %dma_start3A_119] : memref<200000x768xf32, #tpu.memory_space<hbm>> -> memref<200000x768xf32, #tpu.memory_space<hbm>>
    tpu.enqueue_indirect_dma source(%dma_start3A_120 : memref<200000x768xf32, #tpu.memory_space<hbm>>) target(%arg15 : memref<16x768xf32, #tpu.memory_space<vmem>>) offsets(%dma_start3A_117 : memref<16xi32, #tpu.memory_space<vmem>>) semaphore(%arg19 : memref<!tpu.dma_semaphore, #tpu.memory_space<semaphore_mem>>)
    %dma_wait3A_121 = arith.constant 16 : i32
    %dma_wait3A_122 = tpu.memref_slice %arg13[%dma_wait3A_121] : memref<32xi32, #tpu.memory_space<vmem>> -> memref<16xi32, #tpu.memory_space<vmem>>
    %dma_wait3A_123 = arith.constant 0 : i32
    %dma_wait3A_124 = arith.constant 0 : i32
    %dma_wait3A_125 = tpu.memref_slice %arg3[%dma_wait3A_123, %dma_wait3A_124] : memref<200000x768xf32, #tpu.memory_space<hbm>> -> memref<200000x768xf32, #tpu.memory_space<hbm>>
    tpu.wait_indirect_dma semaphore(%arg20 : memref<!tpu.dma_semaphore, #tpu.memory_space<semaphore_mem>>) src(%dma_wait3A_125 : memref<200000x768xf32, #tpu.memory_space<hbm>>) dst(%arg16 : memref<16x768xf32, #tpu.memory_space<vmem>>)
    %add3A_126 = arith.constant 16 : i32
    %add3A_127 = arith.addi %mul3A_2, %add3A_126 : i32
    %run_scoped3A_128 = arith.constant 0 : i32
    "tpu.region"() ({
      %run_scoped3A_176 = tpu.sem_alloc : memref<!tpu.dma_semaphore, #tpu.memory_space<semaphore_mem>>
      %dma_start3A_177 = arith.constant 0 : i32
      %dma_start3A_178 = tpu.memref_slice %arg9[%run_scoped3A_128, %add3A_127, %dma_start3A_177] : memref<2x1024x768xf32, #tpu.memory_space<hbm>> -> memref<1x16x768xf32, #tpu.memory_space<hbm>>
      %dma_start3A_179 = tpu.memref_squeeze %dma_start3A_178 : memref<1x16x768xf32, #tpu.memory_space<hbm>> -> memref<16x768xf32, #tpu.memory_space<hbm>>
      %dma_start3A_180 = arith.constant 0 : i32
      %dma_start3A_181 = tpu.memref_slice %arg9[%run_scoped3A_128, %add3A_127, %dma_start3A_180] : memref<2x1024x768xf32, #tpu.memory_space<hbm>> -> memref<1x16x768xf32, #tpu.memory_space<hbm>>
      %dma_start3A_182 = tpu.memref_squeeze %dma_start3A_181 : memref<1x16x768xf32, #tpu.memory_space<hbm>> -> memref<16x768xf32, #tpu.memory_space<hbm>>
      tpu.enqueue_dma source(%arg16 : memref<16x768xf32, #tpu.memory_space<vmem>>) target(%dma_start3A_182 : memref<16x768xf32, #tpu.memory_space<hbm>>) target_semaphore(%run_scoped3A_176 : memref<!tpu.dma_semaphore, #tpu.memory_space<semaphore_mem>>)
      %dma_wait3A_183 = arith.constant 0 : i32
      %dma_wait3A_184 = tpu.memref_slice %arg9[%run_scoped3A_128, %add3A_127, %dma_wait3A_183] : memref<2x1024x768xf32, #tpu.memory_space<hbm>> -> memref<1x16x768xf32, #tpu.memory_space<hbm>>
      %dma_wait3A_185 = tpu.memref_squeeze %dma_wait3A_184 : memref<1x16x768xf32, #tpu.memory_space<hbm>> -> memref<16x768xf32, #tpu.memory_space<hbm>>
      %dma_wait3A_186 = arith.constant 0 : i32
      %dma_wait3A_187 = tpu.memref_slice %arg9[%run_scoped3A_128, %add3A_127, %dma_wait3A_186] : memref<2x1024x768xf32, #tpu.memory_space<hbm>> -> memref<1x16x768xf32, #tpu.memory_space<hbm>>
      %dma_wait3A_188 = tpu.memref_squeeze %dma_wait3A_187 : memref<1x16x768xf32, #tpu.memory_space<hbm>> -> memref<16x768xf32, #tpu.memory_space<hbm>>
      tpu.wait_dma2 semaphore(%run_scoped3A_176 : memref<!tpu.dma_semaphore, #tpu.memory_space<semaphore_mem>>) src(%arg16 : memref<16x768xf32, #tpu.memory_space<vmem>>) dst(%dma_wait3A_188 : memref<16x768xf32, #tpu.memory_space<hbm>>)
      tpu.yield
    }) : () -> ()
    %dma_start3A_129 = arith.constant 16 : i32
    %dma_start3A_130 = tpu.memref_slice %arg14[%dma_start3A_129] : memref<32xi32, #tpu.memory_space<vmem>> -> memref<16xi32, #tpu.memory_space<vmem>>
    %dma_start3A_131 = arith.constant 0 : i32
    %dma_start3A_132 = arith.constant 0 : i32
    %dma_start3A_133 = tpu.memref_slice %arg3[%dma_start3A_131, %dma_start3A_132] : memref<200000x768xf32, #tpu.memory_space<hbm>> -> memref<200000x768xf32, #tpu.memory_space<hbm>>
    tpu.enqueue_indirect_dma source(%dma_start3A_133 : memref<200000x768xf32, #tpu.memory_space<hbm>>) target(%arg16 : memref<16x768xf32, #tpu.memory_space<vmem>>) offsets(%dma_start3A_130 : memref<16xi32, #tpu.memory_space<vmem>>) semaphore(%arg20 : memref<!tpu.dma_semaphore, #tpu.memory_space<semaphore_mem>>)
    %dma_wait3A_134 = arith.constant 0 : i32
    %dma_wait3A_135 = tpu.memref_slice %arg14[%dma_wait3A_134] : memref<32xi32, #tpu.memory_space<vmem>> -> memref<16xi32, #tpu.memory_space<vmem>>
    %dma_wait3A_136 = arith.constant 0 : i32
    %dma_wait3A_137 = arith.constant 0 : i32
    %dma_wait3A_138 = tpu.memref_slice %arg3[%dma_wait3A_136, %dma_wait3A_137] : memref<200000x768xf32, #tpu.memory_space<hbm>> -> memref<200000x768xf32, #tpu.memory_space<hbm>>
    tpu.wait_indirect_dma semaphore(%arg19 : memref<!tpu.dma_semaphore, #tpu.memory_space<semaphore_mem>>) src(%dma_wait3A_138 : memref<200000x768xf32, #tpu.memory_space<hbm>>) dst(%arg15 : memref<16x768xf32, #tpu.memory_space<vmem>>)
    %add3A_139 = arith.constant 0 : i32
    %add3A_140 = arith.addi %mul3A_2, %add3A_139 : i32
    %run_scoped3A_141 = arith.constant 1 : i32
    "tpu.region"() ({
      %run_scoped3A_176 = tpu.sem_alloc : memref<!tpu.dma_semaphore, #tpu.memory_space<semaphore_mem>>
      %dma_start3A_177 = arith.constant 0 : i32
      %dma_start3A_178 = tpu.memref_slice %arg9[%run_scoped3A_141, %add3A_140, %dma_start3A_177] : memref<2x1024x768xf32, #tpu.memory_space<hbm>> -> memref<1x16x768xf32, #tpu.memory_space<hbm>>
      %dma_start3A_179 = tpu.memref_squeeze %dma_start3A_178 : memref<1x16x768xf32, #tpu.memory_space<hbm>> -> memref<16x768xf32, #tpu.memory_space<hbm>>
      %dma_start3A_180 = arith.constant 0 : i32
      %dma_start3A_181 = tpu.memref_slice %arg9[%run_scoped3A_141, %add3A_140, %dma_start3A_180] : memref<2x1024x768xf32, #tpu.memory_space<hbm>> -> memref<1x16x768xf32, #tpu.memory_space<hbm>>
      %dma_start3A_182 = tpu.memref_squeeze %dma_start3A_181 : memref<1x16x768xf32, #tpu.memory_space<hbm>> -> memref<16x768xf32, #tpu.memory_space<hbm>>
      tpu.enqueue_dma source(%arg15 : memref<16x768xf32, #tpu.memory_space<vmem>>) target(%dma_start3A_182 : memref<16x768xf32, #tpu.memory_space<hbm>>) target_semaphore(%run_scoped3A_176 : memref<!tpu.dma_semaphore, #tpu.memory_space<semaphore_mem>>)
      %dma_wait3A_183 = arith.constant 0 : i32
      %dma_wait3A_184 = tpu.memref_slice %arg9[%run_scoped3A_141, %add3A_140, %dma_wait3A_183] : memref<2x1024x768xf32, #tpu.memory_space<hbm>> -> memref<1x16x768xf32, #tpu.memory_space<hbm>>
      %dma_wait3A_185 = tpu.memref_squeeze %dma_wait3A_184 : memref<1x16x768xf32, #tpu.memory_space<hbm>> -> memref<16x768xf32, #tpu.memory_space<hbm>>
      %dma_wait3A_186 = arith.constant 0 : i32
      %dma_wait3A_187 = tpu.memref_slice %arg9[%run_scoped3A_141, %add3A_140, %dma_wait3A_186] : memref<2x1024x768xf32, #tpu.memory_space<hbm>> -> memref<1x16x768xf32, #tpu.memory_space<hbm>>
      %dma_wait3A_188 = tpu.memref_squeeze %dma_wait3A_187 : memref<1x16x768xf32, #tpu.memory_space<hbm>> -> memref<16x768xf32, #tpu.memory_space<hbm>>
      tpu.wait_dma2 semaphore(%run_scoped3A_176 : memref<!tpu.dma_semaphore, #tpu.memory_space<semaphore_mem>>) src(%arg15 : memref<16x768xf32, #tpu.memory_space<vmem>>) dst(%dma_wait3A_188 : memref<16x768xf32, #tpu.memory_space<hbm>>)
      tpu.yield
    }) : () -> ()
    %dma_wait3A_142 = arith.constant 16 : i32
    %dma_wait3A_143 = tpu.memref_slice %arg14[%dma_wait3A_142] : memref<32xi32, #tpu.memory_space<vmem>> -> memref<16xi32, #tpu.memory_space<vmem>>
    %dma_wait3A_144 = arith.constant 0 : i32
    %dma_wait3A_145 = arith.constant 0 : i32
    %dma_wait3A_146 = tpu.memref_slice %arg3[%dma_wait3A_144, %dma_wait3A_145] : memref<200000x768xf32, #tpu.memory_space<hbm>> -> memref<200000x768xf32, #tpu.memory_space<hbm>>
    tpu.wait_indirect_dma semaphore(%arg20 : memref<!tpu.dma_semaphore, #tpu.memory_space<semaphore_mem>>) src(%dma_wait3A_146 : memref<200000x768xf32, #tpu.memory_space<hbm>>) dst(%arg16 : memref<16x768xf32, #tpu.memory_space<vmem>>)
    %add3A_147 = arith.constant 16 : i32
    %add3A_148 = arith.addi %mul3A_2, %add3A_147 : i32
    %run_scoped3A_149 = arith.constant 1 : i32
    "tpu.region"() ({
      %run_scoped3A_176 = tpu.sem_alloc : memref<!tpu.dma_semaphore, #tpu.memory_space<semaphore_mem>>
      %dma_start3A_177 = arith.constant 0 : i32
      %dma_start3A_178 = tpu.memref_slice %arg9[%run_scoped3A_149, %add3A_148, %dma_start3A_177] : memref<2x1024x768xf32, #tpu.memory_space<hbm>> -> memref<1x16x768xf32, #tpu.memory_space<hbm>>
      %dma_start3A_179 = tpu.memref_squeeze %dma_start3A_178 : memref<1x16x768xf32, #tpu.memory_space<hbm>> -> memref<16x768xf32, #tpu.memory_space<hbm>>
      %dma_start3A_180 = arith.constant 0 : i32
      %dma_start3A_181 = tpu.memref_slice %arg9[%run_scoped3A_149, %add3A_148, %dma_start3A_180] : memref<2x1024x768xf32, #tpu.memory_space<hbm>> -> memref<1x16x768xf32, #tpu.memory_space<hbm>>
      %dma_start3A_182 = tpu.memref_squeeze %dma_start3A_181 : memref<1x16x768xf32, #tpu.memory_space<hbm>> -> memref<16x768xf32, #tpu.memory_space<hbm>>
      tpu.enqueue_dma source(%arg16 : memref<16x768xf32, #tpu.memory_space<vmem>>) target(%dma_start3A_182 : memref<16x768xf32, #tpu.memory_space<hbm>>) target_semaphore(%run_scoped3A_176 : memref<!tpu.dma_semaphore, #tpu.memory_space<semaphore_mem>>)
      %dma_wait3A_183 = arith.constant 0 : i32
      %dma_wait3A_184 = tpu.memref_slice %arg9[%run_scoped3A_149, %add3A_148, %dma_wait3A_183] : memref<2x1024x768xf32, #tpu.memory_space<hbm>> -> memref<1x16x768xf32, #tpu.memory_space<hbm>>
      %dma_wait3A_185 = tpu.memref_squeeze %dma_wait3A_184 : memref<1x16x768xf32, #tpu.memory_space<hbm>> -> memref<16x768xf32, #tpu.memory_space<hbm>>
      %dma_wait3A_186 = arith.constant 0 : i32
      %dma_wait3A_187 = tpu.memref_slice %arg9[%run_scoped3A_149, %add3A_148, %dma_wait3A_186] : memref<2x1024x768xf32, #tpu.memory_space<hbm>> -> memref<1x16x768xf32, #tpu.memory_space<hbm>>
      %dma_wait3A_188 = tpu.memref_squeeze %dma_wait3A_187 : memref<1x16x768xf32, #tpu.memory_space<hbm>> -> memref<16x768xf32, #tpu.memory_space<hbm>>
      tpu.wait_dma2 semaphore(%run_scoped3A_176 : memref<!tpu.dma_semaphore, #tpu.memory_space<semaphore_mem>>) src(%arg16 : memref<16x768xf32, #tpu.memory_space<vmem>>) dst(%dma_wait3A_188 : memref<16x768xf32, #tpu.memory_space<hbm>>)
      tpu.yield
    }) : () -> ()
    %dma_wait3A_150 = arith.constant 0 : i32
    %dma_wait3A_151 = tpu.memref_slice %arg4[%dma_wait3A_150] : memref<100000xf32, #tpu.memory_space<hbm>> -> memref<100000xf32, #tpu.memory_space<hbm>>
    tpu.wait_indirect_dma semaphore(%arg21 : memref<!tpu.dma_semaphore, #tpu.memory_space<semaphore_mem>>) src(%dma_wait3A_151 : memref<100000xf32, #tpu.memory_space<hbm>>) dst(%arg17 : memref<32xf32, #tpu.memory_space<vmem>>)
    %dma_wait3A_152 = arith.constant 0 : i32
    %dma_wait3A_153 = tpu.memref_slice %arg5[%dma_wait3A_152] : memref<100000xf32, #tpu.memory_space<hbm>> -> memref<100000xf32, #tpu.memory_space<hbm>>
    tpu.wait_indirect_dma semaphore(%arg22 : memref<!tpu.dma_semaphore, #tpu.memory_space<semaphore_mem>>) src(%dma_wait3A_153 : memref<100000xf32, #tpu.memory_space<hbm>>) dst(%arg18 : memref<32xf32, #tpu.memory_space<vmem>>)
    %get3A_154 = arith.constant 0 : index
    %get3A_155 = tpu.vector_load %arg17[%get3A_154] {strides = array<i32>} : memref<32xf32, #tpu.memory_space<vmem>>, vector<16xf32>,
    %get3A_156 = vector.shape_cast %get3A_155 : vector<16xf32> to vector<16xf32>
    %get3A_157 = arith.constant 0 : index
    %get3A_158 = tpu.vector_load %arg18[%get3A_157] {strides = array<i32>} : memref<32xf32, #tpu.memory_space<vmem>>, vector<16xf32>,
    %get3A_159 = vector.shape_cast %get3A_158 : vector<16xf32> to vector<16xf32>
    %add3A_160 = arith.addf %get3A_156, %get3A_159 : vector<16xf32>
    %swap3A_161 = arith.constant 0 : index
    %swap3A_162 = tpu.vector_load %arg17[%swap3A_161] {strides = array<i32>} : memref<32xf32, #tpu.memory_space<vmem>>, vector<16xf32>,
    %swap3A_163 = vector.shape_cast %swap3A_162 : vector<16xf32> to vector<16xf32>
    %swap3A_164 = vector.shape_cast %add3A_160 : vector<16xf32> to vector<16xf32>
    tpu.vector_store %arg17[%swap3A_161], %swap3A_164 {strides = array<i32>} : memref<32xf32, #tpu.memory_space<vmem>>, vector<16xf32>,
    %get3A_165 = arith.constant 16 : index
    %get3A_166 = tpu.vector_load %arg17[%get3A_165] {strides = array<i32>} : memref<32xf32, #tpu.memory_space<vmem>>, vector<16xf32>,
    %get3A_167 = vector.shape_cast %get3A_166 : vector<16xf32> to vector<16xf32>
    %get3A_168 = arith.constant 16 : index
    %get3A_169 = tpu.vector_load %arg18[%get3A_168] {strides = array<i32>} : memref<32xf32, #tpu.memory_space<vmem>>, vector<16xf32>,
    %get3A_170 = vector.shape_cast %get3A_169 : vector<16xf32> to vector<16xf32>
    %add3A_171 = arith.addf %get3A_167, %get3A_170 : vector<16xf32>
    %swap3A_172 = arith.constant 16 : index
    %swap3A_173 = tpu.vector_load %arg17[%swap3A_172] {strides = array<i32>} : memref<32xf32, #tpu.memory_space<vmem>>, vector<16xf32>,
    %swap3A_174 = vector.shape_cast %swap3A_173 : vector<16xf32> to vector<16xf32>
    %swap3A_175 = vector.shape_cast %add3A_171 : vector<16xf32> to vector<16xf32>
    tpu.vector_store %arg17[%swap3A_172], %swap3A_175 {strides = array<i32>} : memref<32xf32, #tpu.memory_space<vmem>>, vector<16xf32>,
    "tpu.region"() ({
      %run_scoped3A_176 = tpu.sem_alloc : memref<!tpu.dma_semaphore, #tpu.memory_space<semaphore_mem>>
      %dma_start3A_177 = tpu.memref_slice %arg10[%mul3A_2] : memref<1024xf32, #tpu.memory_space<hbm>> -> memref<32xf32, #tpu.memory_space<hbm>>
      %dma_start3A_178 = tpu.memref_slice %arg10[%mul3A_2] : memref<1024xf32, #tpu.memory_space<hbm>> -> memref<32xf32, #tpu.memory_space<hbm>>
      tpu.enqueue_dma source(%arg17 : memref<32xf32, #tpu.memory_space<vmem>>) target(%dma_start3A_178 : memref<32xf32, #tpu.memory_space<hbm>>) target_semaphore(%run_scoped3A_176 : memref<!tpu.dma_semaphore, #tpu.memory_space<semaphore_mem>>)
      %dma_wait3A_179 = tpu.memref_slice %arg10[%mul3A_2] : memref<1024xf32, #tpu.memory_space<hbm>> -> memref<32xf32, #tpu.memory_space<hbm>>
      %dma_wait3A_180 = tpu.memref_slice %arg10[%mul3A_2] : memref<1024xf32, #tpu.memory_space<hbm>> -> memref<32xf32, #tpu.memory_space<hbm>>
      tpu.wait_dma2 semaphore(%run_scoped3A_176 : memref<!tpu.dma_semaphore, #tpu.memory_space<semaphore_mem>>) src(%arg17 : memref<32xf32, #tpu.memory_space<vmem>>) dst(%dma_wait3A_180 : memref<32xf32, #tpu.memory_space<hbm>>)
      tpu.yield
    }) : () -> ()
    return
  }
}

#map = affine_map<(d0, d1) -> (0, 0)>
#map1 = affine_map<(d0, d1) -> (0)>
#map2 = affine_map<(d0, d1) -> (0, 0, 0)>
module attributes {stable_mosaic.version = 14 : i64} {
  func.func @body(%arg0: i32, %arg1: i32, %arg2: memref<200000x768xf32, #tpu.memory_space<hbm>>, %arg3: memref<200000x768xf32, #tpu.memory_space<hbm>>, %arg4: memref<100000xf32, #tpu.memory_space<hbm>>, %arg5: memref<100000xf32, #tpu.memory_space<hbm>>, %arg6: memref<4096xi32, #tpu.memory_space<hbm>>, %arg7: memref<4096xi32, #tpu.memory_space<hbm>>, %arg8: memref<2x1024x768xf32, #tpu.memory_space<hbm>>, %arg9: memref<2x1024x768xf32, #tpu.memory_space<hbm>>, %arg10: memref<1024xf32, #tpu.memory_space<hbm>>, %arg11: memref<32xi32, #tpu.memory_space<vmem>>, %arg12: memref<32xi32, #tpu.memory_space<vmem>>, %arg13: memref<32xi32, #tpu.memory_space<vmem>>, %arg14: memref<32xi32, #tpu.memory_space<vmem>>, %arg15: memref<16x768xf32, #tpu.memory_space<vmem>>, %arg16: memref<16x768xf32, #tpu.memory_space<vmem>>, %arg17: memref<32xf32, #tpu.memory_space<vmem>>, %arg18: memref<32xf32, #tpu.memory_space<vmem>>, %arg19: memref<!tpu.dma_semaphore, #tpu.memory_space<semaphore_mem>>, %arg20: memref<!tpu.dma_semaphore, #tpu.memory_space<semaphore_mem>>, %arg21: memref<!tpu.dma_semaphore, #tpu.memory_space<semaphore_mem>>, %arg22: memref<!tpu.dma_semaphore, #tpu.memory_space<semaphore_mem>>) attributes {dimension_semantics = [#tpu.dimension_semantics<core_parallel>, #tpu.dimension_semantics<subcore_parallel>], iteration_bounds = array<i64: 2, 16>, scalar_prefetch = 0 : i64, scratch_operands = 12 : i64, tpu.core_type = #tpu.core_type<sc_vector_subcore>, window_params = [{transform_indices = #map}, {transform_indices = #map}, {transform_indices = #map1}, {transform_indices = #map1}, {transform_indices = #map1}, {transform_indices = #map1}, {transform_indices = #map2}, {transform_indices = #map2}, {transform_indices = #map1}]} {
    %mul3A = arith.constant 2 : i32
    %mul3A_0 = arith.muli %arg1, %mul3A : i32
    %add3A = arith.addi %mul3A_0, %arg0 : i32
    %mul3A_1 = arith.constant 32 : i32
    %mul3A_2 = arith.muli %add3A, %mul3A_1 : i32
    %add3A_3 = arith.constant 0 : i32
    %add3A_4 = arith.addi %add3A_3, %mul3A_2 : i32
    "tpu.region"() ({
      %run_scoped3A_176 = tpu.sem_alloc : memref<!tpu.dma_semaphore, #tpu.memory_space<semaphore_mem>>
      %dma_start3A_177 = tpu.memref_slice %arg6[%add3A_4] : memref<4096xi32, #tpu.memory_space<hbm>> -> memref<32xi32, #tpu.memory_space<hbm>>
      %dma_start3A_178 = tpu.memref_slice %arg6[%add3A_4] : memref<4096xi32, #tpu.memory_space<hbm>> -> memref<32xi32, #tpu.memory_space<hbm>>
      tpu.enqueue_dma source(%dma_start3A_178 : memref<32xi32, #tpu.memory_space<hbm>>) target(%arg11 : memref<32xi32, #tpu.memory_space<vmem>>) target_semaphore(%run_scoped3A_176 : memref<!tpu.dma_semaphore, #tpu.memory_space<semaphore_mem>>)
      %dma_wait3A_179 = tpu.memref_slice %arg6[%add3A_4] : memref<4096xi32, #tpu.memory_space<hbm>> -> memref<32xi32, #tpu.memory_space<hbm>>
      %dma_wait3A_180 = tpu.memref_slice %arg6[%add3A_4] : memref<4096xi32, #tpu.memory_space<hbm>> -> memref<32xi32, #tpu.memory_space<hbm>>
      tpu.wait_dma2 semaphore(%run_scoped3A_176 : memref<!tpu.dma_semaphore, #tpu.memory_space<semaphore_mem>>) src(%dma_wait3A_180 : memref<32xi32, #tpu.memory_space<hbm>>) dst(%arg11 : memref<32xi32, #tpu.memory_space<vmem>>)
      tpu.yield
    }) : () -> ()
    %add3A_5 = arith.constant 0 : i32
    %add3A_6 = arith.addi %add3A_5, %mul3A_2 : i32
    "tpu.region"() ({
      %run_scoped3A_176 = tpu.sem_alloc : memref<!tpu.dma_semaphore, #tpu.memory_space<semaphore_mem>>
      %dma_start3A_177 = tpu.memref_slice %arg7[%add3A_6] : memref<4096xi32, #tpu.memory_space<hbm>> -> memref<32xi32, #tpu.memory_space<hbm>>
      %dma_start3A_178 = tpu.memref_slice %arg7[%add3A_6] : memref<4096xi32, #tpu.memory_space<hbm>> -> memref<32xi32, #tpu.memory_space<hbm>>
      tpu.enqueue_dma source(%dma_start3A_178 : memref<32xi32, #tpu.memory_space<hbm>>) target(%arg13 : memref<32xi32, #tpu.memory_space<vmem>>) target_semaphore(%run_scoped3A_176 : memref<!tpu.dma_semaphore, #tpu.memory_space<semaphore_mem>>)
      %dma_wait3A_179 = tpu.memref_slice %arg7[%add3A_6] : memref<4096xi32, #tpu.memory_space<hbm>> -> memref<32xi32, #tpu.memory_space<hbm>>
      %dma_wait3A_180 = tpu.memref_slice %arg7[%add3A_6] : memref<4096xi32, #tpu.memory_space<hbm>> -> memref<32xi32, #tpu.memory_space<hbm>>
      tpu.wait_dma2 semaphore(%run_scoped3A_176 : memref<!tpu.dma_semaphore, #tpu.memory_space<semaphore_mem>>) src(%dma_wait3A_180 : memref<32xi32, #tpu.memory_space<hbm>>) dst(%arg13 : memref<32xi32, #tpu.memory_space<vmem>>)
      tpu.yield
    }) : () -> ()
    %dma_start3A = arith.constant 0 : i32
    %dma_start3A_7 = tpu.memref_slice %arg4[%dma_start3A] : memref<100000xf32, #tpu.memory_space<hbm>> -> memref<100000xf32, #tpu.memory_space<hbm>>
    tpu.enqueue_indirect_dma source(%dma_start3A_7 : memref<100000xf32, #tpu.memory_space<hbm>>) target(%arg17 : memref<32xf32, #tpu.memory_space<vmem>>) offsets(%arg11 : memref<32xi32, #tpu.memory_space<vmem>>) semaphore(%arg21 : memref<!tpu.dma_semaphore, #tpu.memory_space<semaphore_mem>>)
    %dma_start3A_8 = arith.constant 0 : i32
    %dma_start3A_9 = tpu.memref_slice %arg5[%dma_start3A_8] : memref<100000xf32, #tpu.memory_space<hbm>> -> memref<100000xf32, #tpu.memory_space<hbm>>
    tpu.enqueue_indirect_dma source(%dma_start3A_9 : memref<100000xf32, #tpu.memory_space<hbm>>) target(%arg18 : memref<32xf32, #tpu.memory_space<vmem>>) offsets(%arg13 : memref<32xi32, #tpu.memory_space<vmem>>) semaphore(%arg22 : memref<!tpu.dma_semaphore, #tpu.memory_space<semaphore_mem>>)
    %get3A = arith.constant 0 : index
    %get3A_10 = tpu.vector_load %arg11[%get3A] {strides = array<i32>} : memref<32xi32, #tpu.memory_space<vmem>>, vector<16xi32>,
    %get3A_11 = vector.shape_cast %get3A_10 : vector<16xi32> to vector<16xi32>
    %add3A_12 = arith.constant 100000 : i32
    %add3A_13 = vector.broadcast %add3A_12 : i32 to vector<16xi32>
    %add3A_14 = arith.addi %get3A_11, %add3A_13 : vector<16xi32>
    %swap3A = arith.constant 0 : index
    %swap3A_15 = tpu.vector_load %arg12[%swap3A] {strides = array<i32>} : memref<32xi32, #tpu.memory_space<vmem>>, vector<16xi32>,
    %swap3A_16 = vector.shape_cast %swap3A_15 : vector<16xi32> to vector<16xi32>
    %swap3A_17 = vector.shape_cast %add3A_14 : vector<16xi32> to vector<16xi32>
    tpu.vector_store %arg12[%swap3A], %swap3A_17 {strides = array<i32>} : memref<32xi32, #tpu.memory_space<vmem>>, vector<16xi32>,
    %get3A_18 = arith.constant 0 : index
    %get3A_19 = tpu.vector_load %arg13[%get3A_18] {strides = array<i32>} : memref<32xi32, #tpu.memory_space<vmem>>, vector<16xi32>,
    %get3A_20 = vector.shape_cast %get3A_19 : vector<16xi32> to vector<16xi32>
    %add3A_21 = arith.constant 100000 : i32
    %add3A_22 = vector.broadcast %add3A_21 : i32 to vector<16xi32>
    %add3A_23 = arith.addi %get3A_20, %add3A_22 : vector<16xi32>
    %swap3A_24 = arith.constant 0 : index
    %swap3A_25 = tpu.vector_load %arg14[%swap3A_24] {strides = array<i32>} : memref<32xi32, #tpu.memory_space<vmem>>, vector<16xi32>,
    %swap3A_26 = vector.shape_cast %swap3A_25 : vector<16xi32> to vector<16xi32>
    %swap3A_27 = vector.shape_cast %add3A_23 : vector<16xi32> to vector<16xi32>
    tpu.vector_store %arg14[%swap3A_24], %swap3A_27 {strides = array<i32>} : memref<32xi32, #tpu.memory_space<vmem>>, vector<16xi32>,
    %get3A_28 = arith.constant 16 : index
    %get3A_29 = tpu.vector_load %arg11[%get3A_28] {strides = array<i32>} : memref<32xi32, #tpu.memory_space<vmem>>, vector<16xi32>,
    %get3A_30 = vector.shape_cast %get3A_29 : vector<16xi32> to vector<16xi32>
    %add3A_31 = arith.constant 100000 : i32
    %add3A_32 = vector.broadcast %add3A_31 : i32 to vector<16xi32>
    %add3A_33 = arith.addi %get3A_30, %add3A_32 : vector<16xi32>
    %swap3A_34 = arith.constant 16 : index
    %swap3A_35 = tpu.vector_load %arg12[%swap3A_34] {strides = array<i32>} : memref<32xi32, #tpu.memory_space<vmem>>, vector<16xi32>,
    %swap3A_36 = vector.shape_cast %swap3A_35 : vector<16xi32> to vector<16xi32>
    %swap3A_37 = vector.shape_cast %add3A_33 : vector<16xi32> to vector<16xi32>
    tpu.vector_store %arg12[%swap3A_34], %swap3A_37 {strides = array<i32>} : memref<32xi32, #tpu.memory_space<vmem>>, vector<16xi32>,
    %get3A_38 = arith.constant 16 : index
    %get3A_39 = tpu.vector_load %arg13[%get3A_38] {strides = array<i32>} : memref<32xi32, #tpu.memory_space<vmem>>, vector<16xi32>,
    %get3A_40 = vector.shape_cast %get3A_39 : vector<16xi32> to vector<16xi32>
    %add3A_41 = arith.constant 100000 : i32
    %add3A_42 = vector.broadcast %add3A_41 : i32 to vector<16xi32>
    %add3A_43 = arith.addi %get3A_40, %add3A_42 : vector<16xi32>
    %swap3A_44 = arith.constant 16 : index
    %swap3A_45 = tpu.vector_load %arg14[%swap3A_44] {strides = array<i32>} : memref<32xi32, #tpu.memory_space<vmem>>, vector<16xi32>,
    %swap3A_46 = vector.shape_cast %swap3A_45 : vector<16xi32> to vector<16xi32>
    %swap3A_47 = vector.shape_cast %add3A_43 : vector<16xi32> to vector<16xi32>
    tpu.vector_store %arg14[%swap3A_44], %swap3A_47 {strides = array<i32>} : memref<32xi32, #tpu.memory_space<vmem>>, vector<16xi32>,
    %dma_start3A_48 = arith.constant 0 : i32
    %dma_start3A_49 = tpu.memref_slice %arg11[%dma_start3A_48] : memref<32xi32, #tpu.memory_space<vmem>> -> memref<16xi32, #tpu.memory_space<vmem>>
    %dma_start3A_50 = arith.constant 0 : i32
    %dma_start3A_51 = arith.constant 0 : i32
    %dma_start3A_52 = tpu.memref_slice %arg2[%dma_start3A_50, %dma_start3A_51] : memref<200000x768xf32, #tpu.memory_space<hbm>> -> memref<200000x768xf32, #tpu.memory_space<hbm>>
    tpu.enqueue_indirect_dma source(%dma_start3A_52 : memref<200000x768xf32, #tpu.memory_space<hbm>>) target(%arg15 : memref<16x768xf32, #tpu.memory_space<vmem>>) offsets(%dma_start3A_49 : memref<16xi32, #tpu.memory_space<vmem>>) semaphore(%arg19 : memref<!tpu.dma_semaphore, #tpu.memory_space<semaphore_mem>>)
    %dma_start3A_53 = arith.constant 16 : i32
    %dma_start3A_54 = tpu.memref_slice %arg11[%dma_start3A_53] : memref<32xi32, #tpu.memory_space<vmem>> -> memref<16xi32, #tpu.memory_space<vmem>>
    %dma_start3A_55 = arith.constant 0 : i32
    %dma_start3A_56 = arith.constant 0 : i32
    %dma_start3A_57 = tpu.memref_slice %arg2[%dma_start3A_55, %dma_start3A_56] : memref<200000x768xf32, #tpu.memory_space<hbm>> -> memref<200000x768xf32, #tpu.memory_space<hbm>>
    tpu.enqueue_indirect_dma source(%dma_start3A_57 : memref<200000x768xf32, #tpu.memory_space<hbm>>) target(%arg16 : memref<16x768xf32, #tpu.memory_space<vmem>>) offsets(%dma_start3A_54 : memref<16xi32, #tpu.memory_space<vmem>>) semaphore(%arg20 : memref<!tpu.dma_semaphore, #tpu.memory_space<semaphore_mem>>)
    %dma_wait3A = arith.constant 0 : i32
    %dma_wait3A_58 = tpu.memref_slice %arg11[%dma_wait3A] : memref<32xi32, #tpu.memory_space<vmem>> -> memref<16xi32, #tpu.memory_space<vmem>>
    %dma_wait3A_59 = arith.constant 0 : i32
    %dma_wait3A_60 = arith.constant 0 : i32
    %dma_wait3A_61 = tpu.memref_slice %arg2[%dma_wait3A_59, %dma_wait3A_60] : memref<200000x768xf32, #tpu.memory_space<hbm>> -> memref<200000x768xf32, #tpu.memory_space<hbm>>
    tpu.wait_indirect_dma semaphore(%arg19 : memref<!tpu.dma_semaphore, #tpu.memory_space<semaphore_mem>>) src(%dma_wait3A_61 : memref<200000x768xf32, #tpu.memory_space<hbm>>) dst(%arg15 : memref<16x768xf32, #tpu.memory_space<vmem>>)
    %add3A_62 = arith.constant 0 : i32
    %add3A_63 = arith.addi %mul3A_2, %add3A_62 : i32
    %run_scoped3A = arith.constant 0 : i32
    "tpu.region"() ({
      %run_scoped3A_176 = tpu.sem_alloc : memref<!tpu.dma_semaphore, #tpu.memory_space<semaphore_mem>>
      %dma_start3A_177 = arith.constant 0 : i32
      %dma_start3A_178 = tpu.memref_slice %arg8[%run_scoped3A, %add3A_63, %dma_start3A_177] : memref<2x1024x768xf32, #tpu.memory_space<hbm>> -> memref<1x16x768xf32, #tpu.memory_space<hbm>>
      %dma_start3A_179 = tpu.memref_squeeze %dma_start3A_178 : memref<1x16x768xf32, #tpu.memory_space<hbm>> -> memref<16x768xf32, #tpu.memory_space<hbm>>
      %dma_start3A_180 = arith.constant 0 : i32
      %dma_start3A_181 = tpu.memref_slice %arg8[%run_scoped3A, %add3A_63, %dma_start3A_180] : memref<2x1024x768xf32, #tpu.memory_space<hbm>> -> memref<1x16x768xf32, #tpu.memory_space<hbm>>
      %dma_start3A_182 = tpu.memref_squeeze %dma_start3A_181 : memref<1x16x768xf32, #tpu.memory_space<hbm>> -> memref<16x768xf32, #tpu.memory_space<hbm>>
      tpu.enqueue_dma source(%arg15 : memref<16x768xf32, #tpu.memory_space<vmem>>) target(%dma_start3A_182 : memref<16x768xf32, #tpu.memory_space<hbm>>) target_semaphore(%run_scoped3A_176 : memref<!tpu.dma_semaphore, #tpu.memory_space<semaphore_mem>>)
      %dma_wait3A_183 = arith.constant 0 : i32
      %dma_wait3A_184 = tpu.memref_slice %arg8[%run_scoped3A, %add3A_63, %dma_wait3A_183] : memref<2x1024x768xf32, #tpu.memory_space<hbm>> -> memref<1x16x768xf32, #tpu.memory_space<hbm>>
      %dma_wait3A_185 = tpu.memref_squeeze %dma_wait3A_184 : memref<1x16x768xf32, #tpu.memory_space<hbm>> -> memref<16x768xf32, #tpu.memory_space<hbm>>
      %dma_wait3A_186 = arith.constant 0 : i32
      %dma_wait3A_187 = tpu.memref_slice %arg8[%run_scoped3A, %add3A_63, %dma_wait3A_186] : memref<2x1024x768xf32, #tpu.memory_space<hbm>> -> memref<1x16x768xf32, #tpu.memory_space<hbm>>
      %dma_wait3A_188 = tpu.memref_squeeze %dma_wait3A_187 : memref<1x16x768xf32, #tpu.memory_space<hbm>> -> memref<16x768xf32, #tpu.memory_space<hbm>>
      tpu.wait_dma2 semaphore(%run_scoped3A_176 : memref<!tpu.dma_semaphore, #tpu.memory_space<semaphore_mem>>) src(%arg15 : memref<16x768xf32, #tpu.memory_space<vmem>>) dst(%dma_wait3A_188 : memref<16x768xf32, #tpu.memory_space<hbm>>)
      tpu.yield
    }) : () -> ()
    %dma_start3A_64 = arith.constant 0 : i32
    %dma_start3A_65 = tpu.memref_slice %arg12[%dma_start3A_64] : memref<32xi32, #tpu.memory_space<vmem>> -> memref<16xi32, #tpu.memory_space<vmem>>
    %dma_start3A_66 = arith.constant 0 : i32
    %dma_start3A_67 = arith.constant 0 : i32
    %dma_start3A_68 = tpu.memref_slice %arg2[%dma_start3A_66, %dma_start3A_67] : memref<200000x768xf32, #tpu.memory_space<hbm>> -> memref<200000x768xf32, #tpu.memory_space<hbm>>
    tpu.enqueue_indirect_dma source(%dma_start3A_68 : memref<200000x768xf32, #tpu.memory_space<hbm>>) target(%arg15 : memref<16x768xf32, #tpu.memory_space<vmem>>) offsets(%dma_start3A_65 : memref<16xi32, #tpu.memory_space<vmem>>) semaphore(%arg19 : memref<!tpu.dma_semaphore, #tpu.memory_space<semaphore_mem>>)
    %dma_wait3A_69 = arith.constant 16 : i32
    %dma_wait3A_70 = tpu.memref_slice %arg11[%dma_wait3A_69] : memref<32xi32, #tpu.memory_space<vmem>> -> memref<16xi32, #tpu.memory_space<vmem>>
    %dma_wait3A_71 = arith.constant 0 : i32
    %dma_wait3A_72 = arith.constant 0 : i32
    %dma_wait3A_73 = tpu.memref_slice %arg2[%dma_wait3A_71, %dma_wait3A_72] : memref<200000x768xf32, #tpu.memory_space<hbm>> -> memref<200000x768xf32, #tpu.memory_space<hbm>>
    tpu.wait_indirect_dma semaphore(%arg20 : memref<!tpu.dma_semaphore, #tpu.memory_space<semaphore_mem>>) src(%dma_wait3A_73 : memref<200000x768xf32, #tpu.memory_space<hbm>>) dst(%arg16 : memref<16x768xf32, #tpu.memory_space<vmem>>)
    %add3A_74 = arith.constant 16 : i32
    %add3A_75 = arith.addi %mul3A_2, %add3A_74 : i32
    %run_scoped3A_76 = arith.constant 0 : i32
    "tpu.region"() ({
      %run_scoped3A_176 = tpu.sem_alloc : memref<!tpu.dma_semaphore, #tpu.memory_space<semaphore_mem>>
      %dma_start3A_177 = arith.constant 0 : i32
      %dma_start3A_178 = tpu.memref_slice %arg8[%run_scoped3A_76, %add3A_75, %dma_start3A_177] : memref<2x1024x768xf32, #tpu.memory_space<hbm>> -> memref<1x16x768xf32, #tpu.memory_space<hbm>>
      %dma_start3A_179 = tpu.memref_squeeze %dma_start3A_178 : memref<1x16x768xf32, #tpu.memory_space<hbm>> -> memref<16x768xf32, #tpu.memory_space<hbm>>
      %dma_start3A_180 = arith.constant 0 : i32
      %dma_start3A_181 = tpu.memref_slice %arg8[%run_scoped3A_76, %add3A_75, %dma_start3A_180] : memref<2x1024x768xf32, #tpu.memory_space<hbm>> -> memref<1x16x768xf32, #tpu.memory_space<hbm>>
      %dma_start3A_182 = tpu.memref_squeeze %dma_start3A_181 : memref<1x16x768xf32, #tpu.memory_space<hbm>> -> memref<16x768xf32, #tpu.memory_space<hbm>>
      tpu.enqueue_dma source(%arg16 : memref<16x768xf32, #tpu.memory_space<vmem>>) target(%dma_start3A_182 : memref<16x768xf32, #tpu.memory_space<hbm>>) target_semaphore(%run_scoped3A_176 : memref<!tpu.dma_semaphore, #tpu.memory_space<semaphore_mem>>)
      %dma_wait3A_183 = arith.constant 0 : i32
      %dma_wait3A_184 = tpu.memref_slice %arg8[%run_scoped3A_76, %add3A_75, %dma_wait3A_183] : memref<2x1024x768xf32, #tpu.memory_space<hbm>> -> memref<1x16x768xf32, #tpu.memory_space<hbm>>
      %dma_wait3A_185 = tpu.memref_squeeze %dma_wait3A_184 : memref<1x16x768xf32, #tpu.memory_space<hbm>> -> memref<16x768xf32, #tpu.memory_space<hbm>>
      %dma_wait3A_186 = arith.constant 0 : i32
      %dma_wait3A_187 = tpu.memref_slice %arg8[%run_scoped3A_76, %add3A_75, %dma_wait3A_186] : memref<2x1024x768xf32, #tpu.memory_space<hbm>> -> memref<1x16x768xf32, #tpu.memory_space<hbm>>
      %dma_wait3A_188 = tpu.memref_squeeze %dma_wait3A_187 : memref<1x16x768xf32, #tpu.memory_space<hbm>> -> memref<16x768xf32, #tpu.memory_space<hbm>>
      tpu.wait_dma2 semaphore(%run_scoped3A_176 : memref<!tpu.dma_semaphore, #tpu.memory_space<semaphore_mem>>) src(%arg16 : memref<16x768xf32, #tpu.memory_space<vmem>>) dst(%dma_wait3A_188 : memref<16x768xf32, #tpu.memory_space<hbm>>)
      tpu.yield
    }) : () -> ()
    %dma_start3A_77 = arith.constant 16 : i32
    %dma_start3A_78 = tpu.memref_slice %arg12[%dma_start3A_77] : memref<32xi32, #tpu.memory_space<vmem>> -> memref<16xi32, #tpu.memory_space<vmem>>
    %dma_start3A_79 = arith.constant 0 : i32
    %dma_start3A_80 = arith.constant 0 : i32
    %dma_start3A_81 = tpu.memref_slice %arg2[%dma_start3A_79, %dma_start3A_80] : memref<200000x768xf32, #tpu.memory_space<hbm>> -> memref<200000x768xf32, #tpu.memory_space<hbm>>
    tpu.enqueue_indirect_dma source(%dma_start3A_81 : memref<200000x768xf32, #tpu.memory_space<hbm>>) target(%arg16 : memref<16x768xf32, #tpu.memory_space<vmem>>) offsets(%dma_start3A_78 : memref<16xi32, #tpu.memory_space<vmem>>) semaphore(%arg20 : memref<!tpu.dma_semaphore, #tpu.memory_space<semaphore_mem>>)
    %dma_wait3A_82 = arith.constant 0 : i32
    %dma_wait3A_83 = tpu.memref_slice %arg12[%dma_wait3A_82] : memref<32xi32, #tpu.memory_space<vmem>> -> memref<16xi32, #tpu.memory_space<vmem>>
    %dma_wait3A_84 = arith.constant 0 : i32
    %dma_wait3A_85 = arith.constant 0 : i32
    %dma_wait3A_86 = tpu.memref_slice %arg2[%dma_wait3A_84, %dma_wait3A_85] : memref<200000x768xf32, #tpu.memory_space<hbm>> -> memref<200000x768xf32, #tpu.memory_space<hbm>>
    tpu.wait_indirect_dma semaphore(%arg19 : memref<!tpu.dma_semaphore, #tpu.memory_space<semaphore_mem>>) src(%dma_wait3A_86 : memref<200000x768xf32, #tpu.memory_space<hbm>>) dst(%arg15 : memref<16x768xf32, #tpu.memory_space<vmem>>)
    %add3A_87 = arith.constant 0 : i32
    %add3A_88 = arith.addi %mul3A_2, %add3A_87 : i32
    %run_scoped3A_89 = arith.constant 1 : i32
    "tpu.region"() ({
      %run_scoped3A_176 = tpu.sem_alloc : memref<!tpu.dma_semaphore, #tpu.memory_space<semaphore_mem>>
      %dma_start3A_177 = arith.constant 0 : i32
      %dma_start3A_178 = tpu.memref_slice %arg8[%run_scoped3A_89, %add3A_88, %dma_start3A_177] : memref<2x1024x768xf32, #tpu.memory_space<hbm>> -> memref<1x16x768xf32, #tpu.memory_space<hbm>>
      %dma_start3A_179 = tpu.memref_squeeze %dma_start3A_178 : memref<1x16x768xf32, #tpu.memory_space<hbm>> -> memref<16x768xf32, #tpu.memory_space<hbm>>
      %dma_start3A_180 = arith.constant 0 : i32
      %dma_start3A_181 = tpu.memref_slice %arg8[%run_scoped3A_89, %add3A_88, %dma_start3A_180] : memref<2x1024x768xf32, #tpu.memory_space<hbm>> -> memref<1x16x768xf32, #tpu.memory_space<hbm>>
      %dma_start3A_182 = tpu.memref_squeeze %dma_start3A_181 : memref<1x16x768xf32, #tpu.memory_space<hbm>> -> memref<16x768xf32, #tpu.memory_space<hbm>>
      tpu.enqueue_dma source(%arg15 : memref<16x768xf32, #tpu.memory_space<vmem>>) target(%dma_start3A_182 : memref<16x768xf32, #tpu.memory_space<hbm>>) target_semaphore(%run_scoped3A_176 : memref<!tpu.dma_semaphore, #tpu.memory_space<semaphore_mem>>)
      %dma_wait3A_183 = arith.constant 0 : i32
      %dma_wait3A_184 = tpu.memref_slice %arg8[%run_scoped3A_89, %add3A_88, %dma_wait3A_183] : memref<2x1024x768xf32, #tpu.memory_space<hbm>> -> memref<1x16x768xf32, #tpu.memory_space<hbm>>
      %dma_wait3A_185 = tpu.memref_squeeze %dma_wait3A_184 : memref<1x16x768xf32, #tpu.memory_space<hbm>> -> memref<16x768xf32, #tpu.memory_space<hbm>>
      %dma_wait3A_186 = arith.constant 0 : i32
      %dma_wait3A_187 = tpu.memref_slice %arg8[%run_scoped3A_89, %add3A_88, %dma_wait3A_186] : memref<2x1024x768xf32, #tpu.memory_space<hbm>> -> memref<1x16x768xf32, #tpu.memory_space<hbm>>
      %dma_wait3A_188 = tpu.memref_squeeze %dma_wait3A_187 : memref<1x16x768xf32, #tpu.memory_space<hbm>> -> memref<16x768xf32, #tpu.memory_space<hbm>>
      tpu.wait_dma2 semaphore(%run_scoped3A_176 : memref<!tpu.dma_semaphore, #tpu.memory_space<semaphore_mem>>) src(%arg15 : memref<16x768xf32, #tpu.memory_space<vmem>>) dst(%dma_wait3A_188 : memref<16x768xf32, #tpu.memory_space<hbm>>)
      tpu.yield
    }) : () -> ()
    %dma_start3A_90 = arith.constant 0 : i32
    %dma_start3A_91 = tpu.memref_slice %arg13[%dma_start3A_90] : memref<32xi32, #tpu.memory_space<vmem>> -> memref<16xi32, #tpu.memory_space<vmem>>
    %dma_start3A_92 = arith.constant 0 : i32
    %dma_start3A_93 = arith.constant 0 : i32
    %dma_start3A_94 = tpu.memref_slice %arg3[%dma_start3A_92, %dma_start3A_93] : memref<200000x768xf32, #tpu.memory_space<hbm>> -> memref<200000x768xf32, #tpu.memory_space<hbm>>
    tpu.enqueue_indirect_dma source(%dma_start3A_94 : memref<200000x768xf32, #tpu.memory_space<hbm>>) target(%arg15 : memref<16x768xf32, #tpu.memory_space<vmem>>) offsets(%dma_start3A_91 : memref<16xi32, #tpu.memory_space<vmem>>) semaphore(%arg19 : memref<!tpu.dma_semaphore, #tpu.memory_space<semaphore_mem>>)
    %dma_wait3A_95 = arith.constant 16 : i32
    %dma_wait3A_96 = tpu.memref_slice %arg12[%dma_wait3A_95] : memref<32xi32, #tpu.memory_space<vmem>> -> memref<16xi32, #tpu.memory_space<vmem>>
    %dma_wait3A_97 = arith.constant 0 : i32
    %dma_wait3A_98 = arith.constant 0 : i32
    %dma_wait3A_99 = tpu.memref_slice %arg2[%dma_wait3A_97, %dma_wait3A_98] : memref<200000x768xf32, #tpu.memory_space<hbm>> -> memref<200000x768xf32, #tpu.memory_space<hbm>>
    tpu.wait_indirect_dma semaphore(%arg20 : memref<!tpu.dma_semaphore, #tpu.memory_space<semaphore_mem>>) src(%dma_wait3A_99 : memref<200000x768xf32, #tpu.memory_space<hbm>>) dst(%arg16 : memref<16x768xf32, #tpu.memory_space<vmem>>)
    %add3A_100 = arith.constant 16 : i32
    %add3A_101 = arith.addi %mul3A_2, %add3A_100 : i32
    %run_scoped3A_102 = arith.constant 1 : i32
    "tpu.region"() ({
      %run_scoped3A_176 = tpu.sem_alloc : memref<!tpu.dma_semaphore, #tpu.memory_space<semaphore_mem>>
      %dma_start3A_177 = arith.constant 0 : i32
      %dma_start3A_178 = tpu.memref_slice %arg8[%run_scoped3A_102, %add3A_101, %dma_start3A_177] : memref<2x1024x768xf32, #tpu.memory_space<hbm>> -> memref<1x16x768xf32, #tpu.memory_space<hbm>>
      %dma_start3A_179 = tpu.memref_squeeze %dma_start3A_178 : memref<1x16x768xf32, #tpu.memory_space<hbm>> -> memref<16x768xf32, #tpu.memory_space<hbm>>
      %dma_start3A_180 = arith.constant 0 : i32
      %dma_start3A_181 = tpu.memref_slice %arg8[%run_scoped3A_102, %add3A_101, %dma_start3A_180] : memref<2x1024x768xf32, #tpu.memory_space<hbm>> -> memref<1x16x768xf32, #tpu.memory_space<hbm>>
      %dma_start3A_182 = tpu.memref_squeeze %dma_start3A_181 : memref<1x16x768xf32, #tpu.memory_space<hbm>> -> memref<16x768xf32, #tpu.memory_space<hbm>>
      tpu.enqueue_dma source(%arg16 : memref<16x768xf32, #tpu.memory_space<vmem>>) target(%dma_start3A_182 : memref<16x768xf32, #tpu.memory_space<hbm>>) target_semaphore(%run_scoped3A_176 : memref<!tpu.dma_semaphore, #tpu.memory_space<semaphore_mem>>)
      %dma_wait3A_183 = arith.constant 0 : i32
      %dma_wait3A_184 = tpu.memref_slice %arg8[%run_scoped3A_102, %add3A_101, %dma_wait3A_183] : memref<2x1024x768xf32, #tpu.memory_space<hbm>> -> memref<1x16x768xf32, #tpu.memory_space<hbm>>
      %dma_wait3A_185 = tpu.memref_squeeze %dma_wait3A_184 : memref<1x16x768xf32, #tpu.memory_space<hbm>> -> memref<16x768xf32, #tpu.memory_space<hbm>>
      %dma_wait3A_186 = arith.constant 0 : i32
      %dma_wait3A_187 = tpu.memref_slice %arg8[%run_scoped3A_102, %add3A_101, %dma_wait3A_186] : memref<2x1024x768xf32, #tpu.memory_space<hbm>> -> memref<1x16x768xf32, #tpu.memory_space<hbm>>
      %dma_wait3A_188 = tpu.memref_squeeze %dma_wait3A_187 : memref<1x16x768xf32, #tpu.memory_space<hbm>> -> memref<16x768xf32, #tpu.memory_space<hbm>>
      tpu.wait_dma2 semaphore(%run_scoped3A_176 : memref<!tpu.dma_semaphore, #tpu.memory_space<semaphore_mem>>) src(%arg16 : memref<16x768xf32, #tpu.memory_space<vmem>>) dst(%dma_wait3A_188 : memref<16x768xf32, #tpu.memory_space<hbm>>)
      tpu.yield
    }) : () -> ()
    %dma_start3A_103 = arith.constant 16 : i32
    %dma_start3A_104 = tpu.memref_slice %arg13[%dma_start3A_103] : memref<32xi32, #tpu.memory_space<vmem>> -> memref<16xi32, #tpu.memory_space<vmem>>
    %dma_start3A_105 = arith.constant 0 : i32
    %dma_start3A_106 = arith.constant 0 : i32
    %dma_start3A_107 = tpu.memref_slice %arg3[%dma_start3A_105, %dma_start3A_106] : memref<200000x768xf32, #tpu.memory_space<hbm>> -> memref<200000x768xf32, #tpu.memory_space<hbm>>
    tpu.enqueue_indirect_dma source(%dma_start3A_107 : memref<200000x768xf32, #tpu.memory_space<hbm>>) target(%arg16 : memref<16x768xf32, #tpu.memory_space<vmem>>) offsets(%dma_start3A_104 : memref<16xi32, #tpu.memory_space<vmem>>) semaphore(%arg20 : memref<!tpu.dma_semaphore, #tpu.memory_space<semaphore_mem>>)
    %dma_wait3A_108 = arith.constant 0 : i32
    %dma_wait3A_109 = tpu.memref_slice %arg13[%dma_wait3A_108] : memref<32xi32, #tpu.memory_space<vmem>> -> memref<16xi32, #tpu.memory_space<vmem>>
    %dma_wait3A_110 = arith.constant 0 : i32
    %dma_wait3A_111 = arith.constant 0 : i32
    %dma_wait3A_112 = tpu.memref_slice %arg3[%dma_wait3A_110, %dma_wait3A_111] : memref<200000x768xf32, #tpu.memory_space<hbm>> -> memref<200000x768xf32, #tpu.memory_space<hbm>>
    tpu.wait_indirect_dma semaphore(%arg19 : memref<!tpu.dma_semaphore, #tpu.memory_space<semaphore_mem>>) src(%dma_wait3A_112 : memref<200000x768xf32, #tpu.memory_space<hbm>>) dst(%arg15 : memref<16x768xf32, #tpu.memory_space<vmem>>)
    %add3A_113 = arith.constant 0 : i32
    %add3A_114 = arith.addi %mul3A_2, %add3A_113 : i32
    %run_scoped3A_115 = arith.constant 0 : i32
    "tpu.region"() ({
      %run_scoped3A_176 = tpu.sem_alloc : memref<!tpu.dma_semaphore, #tpu.memory_space<semaphore_mem>>
      %dma_start3A_177 = arith.constant 0 : i32
      %dma_start3A_178 = tpu.memref_slice %arg9[%run_scoped3A_115, %add3A_114, %dma_start3A_177] : memref<2x1024x768xf32, #tpu.memory_space<hbm>> -> memref<1x16x768xf32, #tpu.memory_space<hbm>>
      %dma_start3A_179 = tpu.memref_squeeze %dma_start3A_178 : memref<1x16x768xf32, #tpu.memory_space<hbm>> -> memref<16x768xf32, #tpu.memory_space<hbm>>
      %dma_start3A_180 = arith.constant 0 : i32
      %dma_start3A_181 = tpu.memref_slice %arg9[%run_scoped3A_115, %add3A_114, %dma_start3A_180] : memref<2x1024x768xf32, #tpu.memory_space<hbm>> -> memref<1x16x768xf32, #tpu.memory_space<hbm>>
      %dma_start3A_182 = tpu.memref_squeeze %dma_start3A_181 : memref<1x16x768xf32, #tpu.memory_space<hbm>> -> memref<16x768xf32, #tpu.memory_space<hbm>>
      tpu.enqueue_dma source(%arg15 : memref<16x768xf32, #tpu.memory_space<vmem>>) target(%dma_start3A_182 : memref<16x768xf32, #tpu.memory_space<hbm>>) target_semaphore(%run_scoped3A_176 : memref<!tpu.dma_semaphore, #tpu.memory_space<semaphore_mem>>)
      %dma_wait3A_183 = arith.constant 0 : i32
      %dma_wait3A_184 = tpu.memref_slice %arg9[%run_scoped3A_115, %add3A_114, %dma_wait3A_183] : memref<2x1024x768xf32, #tpu.memory_space<hbm>> -> memref<1x16x768xf32, #tpu.memory_space<hbm>>
      %dma_wait3A_185 = tpu.memref_squeeze %dma_wait3A_184 : memref<1x16x768xf32, #tpu.memory_space<hbm>> -> memref<16x768xf32, #tpu.memory_space<hbm>>
      %dma_wait3A_186 = arith.constant 0 : i32
      %dma_wait3A_187 = tpu.memref_slice %arg9[%run_scoped3A_115, %add3A_114, %dma_wait3A_186] : memref<2x1024x768xf32, #tpu.memory_space<hbm>> -> memref<1x16x768xf32, #tpu.memory_space<hbm>>
      %dma_wait3A_188 = tpu.memref_squeeze %dma_wait3A_187 : memref<1x16x768xf32, #tpu.memory_space<hbm>> -> memref<16x768xf32, #tpu.memory_space<hbm>>
      tpu.wait_dma2 semaphore(%run_scoped3A_176 : memref<!tpu.dma_semaphore, #tpu.memory_space<semaphore_mem>>) src(%arg15 : memref<16x768xf32, #tpu.memory_space<vmem>>) dst(%dma_wait3A_188 : memref<16x768xf32, #tpu.memory_space<hbm>>)
      tpu.yield
    }) : () -> ()
    %dma_start3A_116 = arith.constant 0 : i32
    %dma_start3A_117 = tpu.memref_slice %arg14[%dma_start3A_116] : memref<32xi32, #tpu.memory_space<vmem>> -> memref<16xi32, #tpu.memory_space<vmem>>
    %dma_start3A_118 = arith.constant 0 : i32
    %dma_start3A_119 = arith.constant 0 : i32
    %dma_start3A_120 = tpu.memref_slice %arg3[%dma_start3A_118, %dma_start3A_119] : memref<200000x768xf32, #tpu.memory_space<hbm>> -> memref<200000x768xf32, #tpu.memory_space<hbm>>
    tpu.enqueue_indirect_dma source(%dma_start3A_120 : memref<200000x768xf32, #tpu.memory_space<hbm>>) target(%arg15 : memref<16x768xf32, #tpu.memory_space<vmem>>) offsets(%dma_start3A_117 : memref<16xi32, #tpu.memory_space<vmem>>) semaphore(%arg19 : memref<!tpu.dma_semaphore, #tpu.memory_space<semaphore_mem>>)
    %dma_wait3A_121 = arith.constant 16 : i32
    %dma_wait3A_122 = tpu.memref_slice %arg13[%dma_wait3A_121] : memref<32xi32, #tpu.memory_space<vmem>> -> memref<16xi32, #tpu.memory_space<vmem>>
    %dma_wait3A_123 = arith.constant 0 : i32
    %dma_wait3A_124 = arith.constant 0 : i32
    %dma_wait3A_125 = tpu.memref_slice %arg3[%dma_wait3A_123, %dma_wait3A_124] : memref<200000x768xf32, #tpu.memory_space<hbm>> -> memref<200000x768xf32, #tpu.memory_space<hbm>>
    tpu.wait_indirect_dma semaphore(%arg20 : memref<!tpu.dma_semaphore, #tpu.memory_space<semaphore_mem>>) src(%dma_wait3A_125 : memref<200000x768xf32, #tpu.memory_space<hbm>>) dst(%arg16 : memref<16x768xf32, #tpu.memory_space<vmem>>)
    %add3A_126 = arith.constant 16 : i32
    %add3A_127 = arith.addi %mul3A_2, %add3A_126 : i32
    %run_scoped3A_128 = arith.constant 0 : i32
    "tpu.region"() ({
      %run_scoped3A_176 = tpu.sem_alloc : memref<!tpu.dma_semaphore, #tpu.memory_space<semaphore_mem>>
      %dma_start3A_177 = arith.constant 0 : i32
      %dma_start3A_178 = tpu.memref_slice %arg9[%run_scoped3A_128, %add3A_127, %dma_start3A_177] : memref<2x1024x768xf32, #tpu.memory_space<hbm>> -> memref<1x16x768xf32, #tpu.memory_space<hbm>>
      %dma_start3A_179 = tpu.memref_squeeze %dma_start3A_178 : memref<1x16x768xf32, #tpu.memory_space<hbm>> -> memref<16x768xf32, #tpu.memory_space<hbm>>
      %dma_start3A_180 = arith.constant 0 : i32
      %dma_start3A_181 = tpu.memref_slice %arg9[%run_scoped3A_128, %add3A_127, %dma_start3A_180] : memref<2x1024x768xf32, #tpu.memory_space<hbm>> -> memref<1x16x768xf32, #tpu.memory_space<hbm>>
      %dma_start3A_182 = tpu.memref_squeeze %dma_start3A_181 : memref<1x16x768xf32, #tpu.memory_space<hbm>> -> memref<16x768xf32, #tpu.memory_space<hbm>>
      tpu.enqueue_dma source(%arg16 : memref<16x768xf32, #tpu.memory_space<vmem>>) target(%dma_start3A_182 : memref<16x768xf32, #tpu.memory_space<hbm>>) target_semaphore(%run_scoped3A_176 : memref<!tpu.dma_semaphore, #tpu.memory_space<semaphore_mem>>)
      %dma_wait3A_183 = arith.constant 0 : i32
      %dma_wait3A_184 = tpu.memref_slice %arg9[%run_scoped3A_128, %add3A_127, %dma_wait3A_183] : memref<2x1024x768xf32, #tpu.memory_space<hbm>> -> memref<1x16x768xf32, #tpu.memory_space<hbm>>
      %dma_wait3A_185 = tpu.memref_squeeze %dma_wait3A_184 : memref<1x16x768xf32, #tpu.memory_space<hbm>> -> memref<16x768xf32, #tpu.memory_space<hbm>>
      %dma_wait3A_186 = arith.constant 0 : i32
      %dma_wait3A_187 = tpu.memref_slice %arg9[%run_scoped3A_128, %add3A_127, %dma_wait3A_186] : memref<2x1024x768xf32, #tpu.memory_space<hbm>> -> memref<1x16x768xf32, #tpu.memory_space<hbm>>
      %dma_wait3A_188 = tpu.memref_squeeze %dma_wait3A_187 : memref<1x16x768xf32, #tpu.memory_space<hbm>> -> memref<16x768xf32, #tpu.memory_space<hbm>>
      tpu.wait_dma2 semaphore(%run_scoped3A_176 : memref<!tpu.dma_semaphore, #tpu.memory_space<semaphore_mem>>) src(%arg16 : memref<16x768xf32, #tpu.memory_space<vmem>>) dst(%dma_wait3A_188 : memref<16x768xf32, #tpu.memory_space<hbm>>)
      tpu.yield
    }) : () -> ()
    %dma_start3A_129 = arith.constant 16 : i32
    %dma_start3A_130 = tpu.memref_slice %arg14[%dma_start3A_129] : memref<32xi32, #tpu.memory_space<vmem>> -> memref<16xi32, #tpu.memory_space<vmem>>
    %dma_start3A_131 = arith.constant 0 : i32
    %dma_start3A_132 = arith.constant 0 : i32
    %dma_start3A_133 = tpu.memref_slice %arg3[%dma_start3A_131, %dma_start3A_132] : memref<200000x768xf32, #tpu.memory_space<hbm>> -> memref<200000x768xf32, #tpu.memory_space<hbm>>
    tpu.enqueue_indirect_dma source(%dma_start3A_133 : memref<200000x768xf32, #tpu.memory_space<hbm>>) target(%arg16 : memref<16x768xf32, #tpu.memory_space<vmem>>) offsets(%dma_start3A_130 : memref<16xi32, #tpu.memory_space<vmem>>) semaphore(%arg20 : memref<!tpu.dma_semaphore, #tpu.memory_space<semaphore_mem>>)
    %dma_wait3A_134 = arith.constant 0 : i32
    %dma_wait3A_135 = tpu.memref_slice %arg14[%dma_wait3A_134] : memref<32xi32, #tpu.memory_space<vmem>> -> memref<16xi32, #tpu.memory_space<vmem>>
    %dma_wait3A_136 = arith.constant 0 : i32
    %dma_wait3A_137 = arith.constant 0 : i32
    %dma_wait3A_138 = tpu.memref_slice %arg3[%dma_wait3A_136, %dma_wait3A_137] : memref<200000x768xf32, #tpu.memory_space<hbm>> -> memref<200000x768xf32, #tpu.memory_space<hbm>>
    tpu.wait_indirect_dma semaphore(%arg19 : memref<!tpu.dma_semaphore, #tpu.memory_space<semaphore_mem>>) src(%dma_wait3A_138 : memref<200000x768xf32, #tpu.memory_space<hbm>>) dst(%arg15 : memref<16x768xf32, #tpu.memory_space<vmem>>)
    %add3A_139 = arith.constant 0 : i32
    %add3A_140 = arith.addi %mul3A_2, %add3A_139 : i32
    %run_scoped3A_141 = arith.constant 1 : i32
    "tpu.region"() ({
      %run_scoped3A_176 = tpu.sem_alloc : memref<!tpu.dma_semaphore, #tpu.memory_space<semaphore_mem>>
      %dma_start3A_177 = arith.constant 0 : i32
      %dma_start3A_178 = tpu.memref_slice %arg9[%run_scoped3A_141, %add3A_140, %dma_start3A_177] : memref<2x1024x768xf32, #tpu.memory_space<hbm>> -> memref<1x16x768xf32, #tpu.memory_space<hbm>>
      %dma_start3A_179 = tpu.memref_squeeze %dma_start3A_178 : memref<1x16x768xf32, #tpu.memory_space<hbm>> -> memref<16x768xf32, #tpu.memory_space<hbm>>
      %dma_start3A_180 = arith.constant 0 : i32
      %dma_start3A_181 = tpu.memref_slice %arg9[%run_scoped3A_141, %add3A_140, %dma_start3A_180] : memref<2x1024x768xf32, #tpu.memory_space<hbm>> -> memref<1x16x768xf32, #tpu.memory_space<hbm>>
      %dma_start3A_182 = tpu.memref_squeeze %dma_start3A_181 : memref<1x16x768xf32, #tpu.memory_space<hbm>> -> memref<16x768xf32, #tpu.memory_space<hbm>>
      tpu.enqueue_dma source(%arg15 : memref<16x768xf32, #tpu.memory_space<vmem>>) target(%dma_start3A_182 : memref<16x768xf32, #tpu.memory_space<hbm>>) target_semaphore(%run_scoped3A_176 : memref<!tpu.dma_semaphore, #tpu.memory_space<semaphore_mem>>)
      %dma_wait3A_183 = arith.constant 0 : i32
      %dma_wait3A_184 = tpu.memref_slice %arg9[%run_scoped3A_141, %add3A_140, %dma_wait3A_183] : memref<2x1024x768xf32, #tpu.memory_space<hbm>> -> memref<1x16x768xf32, #tpu.memory_space<hbm>>
      %dma_wait3A_185 = tpu.memref_squeeze %dma_wait3A_184 : memref<1x16x768xf32, #tpu.memory_space<hbm>> -> memref<16x768xf32, #tpu.memory_space<hbm>>
      %dma_wait3A_186 = arith.constant 0 : i32
      %dma_wait3A_187 = tpu.memref_slice %arg9[%run_scoped3A_141, %add3A_140, %dma_wait3A_186] : memref<2x1024x768xf32, #tpu.memory_space<hbm>> -> memref<1x16x768xf32, #tpu.memory_space<hbm>>
      %dma_wait3A_188 = tpu.memref_squeeze %dma_wait3A_187 : memref<1x16x768xf32, #tpu.memory_space<hbm>> -> memref<16x768xf32, #tpu.memory_space<hbm>>
      tpu.wait_dma2 semaphore(%run_scoped3A_176 : memref<!tpu.dma_semaphore, #tpu.memory_space<semaphore_mem>>) src(%arg15 : memref<16x768xf32, #tpu.memory_space<vmem>>) dst(%dma_wait3A_188 : memref<16x768xf32, #tpu.memory_space<hbm>>)
      tpu.yield
    }) : () -> ()
    %dma_wait3A_142 = arith.constant 16 : i32
    %dma_wait3A_143 = tpu.memref_slice %arg14[%dma_wait3A_142] : memref<32xi32, #tpu.memory_space<vmem>> -> memref<16xi32, #tpu.memory_space<vmem>>
    %dma_wait3A_144 = arith.constant 0 : i32
    %dma_wait3A_145 = arith.constant 0 : i32
    %dma_wait3A_146 = tpu.memref_slice %arg3[%dma_wait3A_144, %dma_wait3A_145] : memref<200000x768xf32, #tpu.memory_space<hbm>> -> memref<200000x768xf32, #tpu.memory_space<hbm>>
    tpu.wait_indirect_dma semaphore(%arg20 : memref<!tpu.dma_semaphore, #tpu.memory_space<semaphore_mem>>) src(%dma_wait3A_146 : memref<200000x768xf32, #tpu.memory_space<hbm>>) dst(%arg16 : memref<16x768xf32, #tpu.memory_space<vmem>>)
    %add3A_147 = arith.constant 16 : i32
    %add3A_148 = arith.addi %mul3A_2, %add3A_147 : i32
    %run_scoped3A_149 = arith.constant 1 : i32
    "tpu.region"() ({
      %run_scoped3A_176 = tpu.sem_alloc : memref<!tpu.dma_semaphore, #tpu.memory_space<semaphore_mem>>
      %dma_start3A_177 = arith.constant 0 : i32
      %dma_start3A_178 = tpu.memref_slice %arg9[%run_scoped3A_149, %add3A_148, %dma_start3A_177] : memref<2x1024x768xf32, #tpu.memory_space<hbm>> -> memref<1x16x768xf32, #tpu.memory_space<hbm>>
      %dma_start3A_179 = tpu.memref_squeeze %dma_start3A_178 : memref<1x16x768xf32, #tpu.memory_space<hbm>> -> memref<16x768xf32, #tpu.memory_space<hbm>>
      %dma_start3A_180 = arith.constant 0 : i32
      %dma_start3A_181 = tpu.memref_slice %arg9[%run_scoped3A_149, %add3A_148, %dma_start3A_180] : memref<2x1024x768xf32, #tpu.memory_space<hbm>> -> memref<1x16x768xf32, #tpu.memory_space<hbm>>
      %dma_start3A_182 = tpu.memref_squeeze %dma_start3A_181 : memref<1x16x768xf32, #tpu.memory_space<hbm>> -> memref<16x768xf32, #tpu.memory_space<hbm>>
      tpu.enqueue_dma source(%arg16 : memref<16x768xf32, #tpu.memory_space<vmem>>) target(%dma_start3A_182 : memref<16x768xf32, #tpu.memory_space<hbm>>) target_semaphore(%run_scoped3A_176 : memref<!tpu.dma_semaphore, #tpu.memory_space<semaphore_mem>>)
      %dma_wait3A_183 = arith.constant 0 : i32
      %dma_wait3A_184 = tpu.memref_slice %arg9[%run_scoped3A_149, %add3A_148, %dma_wait3A_183] : memref<2x1024x768xf32, #tpu.memory_space<hbm>> -> memref<1x16x768xf32, #tpu.memory_space<hbm>>
      %dma_wait3A_185 = tpu.memref_squeeze %dma_wait3A_184 : memref<1x16x768xf32, #tpu.memory_space<hbm>> -> memref<16x768xf32, #tpu.memory_space<hbm>>
      %dma_wait3A_186 = arith.constant 0 : i32
      %dma_wait3A_187 = tpu.memref_slice %arg9[%run_scoped3A_149, %add3A_148, %dma_wait3A_186] : memref<2x1024x768xf32, #tpu.memory_space<hbm>> -> memref<1x16x768xf32, #tpu.memory_space<hbm>>
      %dma_wait3A_188 = tpu.memref_squeeze %dma_wait3A_187 : memref<1x16x768xf32, #tpu.memory_space<hbm>> -> memref<16x768xf32, #tpu.memory_space<hbm>>
      tpu.wait_dma2 semaphore(%run_scoped3A_176 : memref<!tpu.dma_semaphore, #tpu.memory_space<semaphore_mem>>) src(%arg16 : memref<16x768xf32, #tpu.memory_space<vmem>>) dst(%dma_wait3A_188 : memref<16x768xf32, #tpu.memory_space<hbm>>)
      tpu.yield
    }) : () -> ()
    %dma_wait3A_150 = arith.constant 0 : i32
    %dma_wait3A_151 = tpu.memref_slice %arg4[%dma_wait3A_150] : memref<100000xf32, #tpu.memory_space<hbm>> -> memref<100000xf32, #tpu.memory_space<hbm>>
    tpu.wait_indirect_dma semaphore(%arg21 : memref<!tpu.dma_semaphore, #tpu.memory_space<semaphore_mem>>) src(%dma_wait3A_151 : memref<100000xf32, #tpu.memory_space<hbm>>) dst(%arg17 : memref<32xf32, #tpu.memory_space<vmem>>)
    %dma_wait3A_152 = arith.constant 0 : i32
    %dma_wait3A_153 = tpu.memref_slice %arg5[%dma_wait3A_152] : memref<100000xf32, #tpu.memory_space<hbm>> -> memref<100000xf32, #tpu.memory_space<hbm>>
    tpu.wait_indirect_dma semaphore(%arg22 : memref<!tpu.dma_semaphore, #tpu.memory_space<semaphore_mem>>) src(%dma_wait3A_153 : memref<100000xf32, #tpu.memory_space<hbm>>) dst(%arg18 : memref<32xf32, #tpu.memory_space<vmem>>)
    %get3A_154 = arith.constant 0 : index
    %get3A_155 = tpu.vector_load %arg17[%get3A_154] {strides = array<i32>} : memref<32xf32, #tpu.memory_space<vmem>>, vector<16xf32>,
    %get3A_156 = vector.shape_cast %get3A_155 : vector<16xf32> to vector<16xf32>
    %get3A_157 = arith.constant 0 : index
    %get3A_158 = tpu.vector_load %arg18[%get3A_157] {strides = array<i32>} : memref<32xf32, #tpu.memory_space<vmem>>, vector<16xf32>,
    %get3A_159 = vector.shape_cast %get3A_158 : vector<16xf32> to vector<16xf32>
    %add3A_160 = arith.addf %get3A_156, %get3A_159 : vector<16xf32>
    %swap3A_161 = arith.constant 0 : index
    %swap3A_162 = tpu.vector_load %arg17[%swap3A_161] {strides = array<i32>} : memref<32xf32, #tpu.memory_space<vmem>>, vector<16xf32>,
    %swap3A_163 = vector.shape_cast %swap3A_162 : vector<16xf32> to vector<16xf32>
    %swap3A_164 = vector.shape_cast %add3A_160 : vector<16xf32> to vector<16xf32>
    tpu.vector_store %arg17[%swap3A_161], %swap3A_164 {strides = array<i32>} : memref<32xf32, #tpu.memory_space<vmem>>, vector<16xf32>,
    %get3A_165 = arith.constant 16 : index
    %get3A_166 = tpu.vector_load %arg17[%get3A_165] {strides = array<i32>} : memref<32xf32, #tpu.memory_space<vmem>>, vector<16xf32>,
    %get3A_167 = vector.shape_cast %get3A_166 : vector<16xf32> to vector<16xf32>
    %get3A_168 = arith.constant 16 : index
    %get3A_169 = tpu.vector_load %arg18[%get3A_168] {strides = array<i32>} : memref<32xf32, #tpu.memory_space<vmem>>, vector<16xf32>,
    %get3A_170 = vector.shape_cast %get3A_169 : vector<16xf32> to vector<16xf32>
    %add3A_171 = arith.addf %get3A_167, %get3A_170 : vector<16xf32>
    %swap3A_172 = arith.constant 16 : index
    %swap3A_173 = tpu.vector_load %arg17[%swap3A_172] {strides = array<i32>} : memref<32xf32, #tpu.memory_space<vmem>>, vector<16xf32>,
    %swap3A_174 = vector.shape_cast %swap3A_173 : vector<16xf32> to vector<16xf32>
    %swap3A_175 = vector.shape_cast %add3A_171 : vector<16xf32> to vector<16xf32>
    tpu.vector_store %arg17[%swap3A_172], %swap3A_175 {strides = array<i32>} : memref<32xf32, #tpu.memory_space<vmem>>, vector<16xf32>,
    "tpu.region"() ({
      %run_scoped3A_176 = tpu.sem_alloc : memref<!tpu.dma_semaphore, #tpu.memory_space<semaphore_mem>>
      %dma_start3A_177 = tpu.memref_slice %arg10[%mul3A_2] : memref<1024xf32, #tpu.memory_space<hbm>> -> memref<32xf32, #tpu.memory_space<hbm>>
      %dma_start3A_178 = tpu.memref_slice %arg10[%mul3A_2] : memref<1024xf32, #tpu.memory_space<hbm>> -> memref<32xf32, #tpu.memory_space<hbm>>
      tpu.enqueue_dma source(%arg17 : memref<32xf32, #tpu.memory_space<vmem>>) target(%dma_start3A_178 : memref<32xf32, #tpu.memory_space<hbm>>) target_semaphore(%run_scoped3A_176 : memref<!tpu.dma_semaphore, #tpu.memory_space<semaphore_mem>>)
      %dma_wait3A_179 = tpu.memref_slice %arg10[%mul3A_2] : memref<1024xf32, #tpu.memory_space<hbm>> -> memref<32xf32, #tpu.memory_space<hbm>>
      %dma_wait3A_180 = tpu.memref_slice %arg10[%mul3A_2] : memref<1024xf32, #tpu.memory_space<hbm>> -> memref<32xf32, #tpu.memory_space<hbm>>
      tpu.wait_dma2 semaphore(%run_scoped3A_176 : memref<!tpu.dma_semaphore, #tpu.memory_space<semaphore_mem>>) src(%arg17 : memref<32xf32, #tpu.memory_space<vmem>>) dst(%dma_wait3A_180 : memref<32xf32, #tpu.memory_space<hbm>>)
      tpu.yield
    }) : () -> ()
    return
  }
}

#map = affine_map<(d0, d1) -> (0, 0)>
#map1 = affine_map<(d0, d1) -> (0)>
#map2 = affine_map<(d0, d1) -> (0, 0, 0)>
module attributes {stable_mosaic.version = 14 : i64} {
  func.func @body(%arg0: i32, %arg1: i32, %arg2: memref<200000x768xf32, #tpu.memory_space<hbm>>, %arg3: memref<200000x768xf32, #tpu.memory_space<hbm>>, %arg4: memref<100000xf32, #tpu.memory_space<hbm>>, %arg5: memref<100000xf32, #tpu.memory_space<hbm>>, %arg6: memref<4096xi32, #tpu.memory_space<hbm>>, %arg7: memref<4096xi32, #tpu.memory_space<hbm>>, %arg8: memref<2x1024x768xf32, #tpu.memory_space<hbm>>, %arg9: memref<2x1024x768xf32, #tpu.memory_space<hbm>>, %arg10: memref<1024xf32, #tpu.memory_space<hbm>>, %arg11: memref<32xi32, #tpu.memory_space<vmem>>, %arg12: memref<32xi32, #tpu.memory_space<vmem>>, %arg13: memref<32xi32, #tpu.memory_space<vmem>>, %arg14: memref<32xi32, #tpu.memory_space<vmem>>, %arg15: memref<16x768xf32, #tpu.memory_space<vmem>>, %arg16: memref<16x768xf32, #tpu.memory_space<vmem>>, %arg17: memref<32xf32, #tpu.memory_space<vmem>>, %arg18: memref<32xf32, #tpu.memory_space<vmem>>, %arg19: memref<!tpu.dma_semaphore, #tpu.memory_space<semaphore_mem>>, %arg20: memref<!tpu.dma_semaphore, #tpu.memory_space<semaphore_mem>>, %arg21: memref<!tpu.dma_semaphore, #tpu.memory_space<semaphore_mem>>, %arg22: memref<!tpu.dma_semaphore, #tpu.memory_space<semaphore_mem>>) attributes {dimension_semantics = [#tpu.dimension_semantics<core_parallel>, #tpu.dimension_semantics<subcore_parallel>], iteration_bounds = array<i64: 2, 16>, scalar_prefetch = 0 : i64, scratch_operands = 12 : i64, tpu.core_type = #tpu.core_type<sc_vector_subcore>, window_params = [{transform_indices = #map}, {transform_indices = #map}, {transform_indices = #map1}, {transform_indices = #map1}, {transform_indices = #map1}, {transform_indices = #map1}, {transform_indices = #map2}, {transform_indices = #map2}, {transform_indices = #map1}]} {
    %mul3A = arith.constant 2 : i32
    %mul3A_0 = arith.muli %arg1, %mul3A : i32
    %add3A = arith.addi %mul3A_0, %arg0 : i32
    %mul3A_1 = arith.constant 32 : i32
    %mul3A_2 = arith.muli %add3A, %mul3A_1 : i32
    %add3A_3 = arith.constant 1024 : i32
    %add3A_4 = arith.addi %add3A_3, %mul3A_2 : i32
    "tpu.region"() ({
      %run_scoped3A_176 = tpu.sem_alloc : memref<!tpu.dma_semaphore, #tpu.memory_space<semaphore_mem>>
      %dma_start3A_177 = tpu.memref_slice %arg6[%add3A_4] : memref<4096xi32, #tpu.memory_space<hbm>> -> memref<32xi32, #tpu.memory_space<hbm>>
      %dma_start3A_178 = tpu.memref_slice %arg6[%add3A_4] : memref<4096xi32, #tpu.memory_space<hbm>> -> memref<32xi32, #tpu.memory_space<hbm>>
      tpu.enqueue_dma source(%dma_start3A_178 : memref<32xi32, #tpu.memory_space<hbm>>) target(%arg11 : memref<32xi32, #tpu.memory_space<vmem>>) target_semaphore(%run_scoped3A_176 : memref<!tpu.dma_semaphore, #tpu.memory_space<semaphore_mem>>)
      %dma_wait3A_179 = tpu.memref_slice %arg6[%add3A_4] : memref<4096xi32, #tpu.memory_space<hbm>> -> memref<32xi32, #tpu.memory_space<hbm>>
      %dma_wait3A_180 = tpu.memref_slice %arg6[%add3A_4] : memref<4096xi32, #tpu.memory_space<hbm>> -> memref<32xi32, #tpu.memory_space<hbm>>
      tpu.wait_dma2 semaphore(%run_scoped3A_176 : memref<!tpu.dma_semaphore, #tpu.memory_space<semaphore_mem>>) src(%dma_wait3A_180 : memref<32xi32, #tpu.memory_space<hbm>>) dst(%arg11 : memref<32xi32, #tpu.memory_space<vmem>>)
      tpu.yield
    }) : () -> ()
    %add3A_5 = arith.constant 1024 : i32
    %add3A_6 = arith.addi %add3A_5, %mul3A_2 : i32
    "tpu.region"() ({
      %run_scoped3A_176 = tpu.sem_alloc : memref<!tpu.dma_semaphore, #tpu.memory_space<semaphore_mem>>
      %dma_start3A_177 = tpu.memref_slice %arg7[%add3A_6] : memref<4096xi32, #tpu.memory_space<hbm>> -> memref<32xi32, #tpu.memory_space<hbm>>
      %dma_start3A_178 = tpu.memref_slice %arg7[%add3A_6] : memref<4096xi32, #tpu.memory_space<hbm>> -> memref<32xi32, #tpu.memory_space<hbm>>
      tpu.enqueue_dma source(%dma_start3A_178 : memref<32xi32, #tpu.memory_space<hbm>>) target(%arg13 : memref<32xi32, #tpu.memory_space<vmem>>) target_semaphore(%run_scoped3A_176 : memref<!tpu.dma_semaphore, #tpu.memory_space<semaphore_mem>>)
      %dma_wait3A_179 = tpu.memref_slice %arg7[%add3A_6] : memref<4096xi32, #tpu.memory_space<hbm>> -> memref<32xi32, #tpu.memory_space<hbm>>
      %dma_wait3A_180 = tpu.memref_slice %arg7[%add3A_6] : memref<4096xi32, #tpu.memory_space<hbm>> -> memref<32xi32, #tpu.memory_space<hbm>>
      tpu.wait_dma2 semaphore(%run_scoped3A_176 : memref<!tpu.dma_semaphore, #tpu.memory_space<semaphore_mem>>) src(%dma_wait3A_180 : memref<32xi32, #tpu.memory_space<hbm>>) dst(%arg13 : memref<32xi32, #tpu.memory_space<vmem>>)
      tpu.yield
    }) : () -> ()
    %dma_start3A = arith.constant 0 : i32
    %dma_start3A_7 = tpu.memref_slice %arg4[%dma_start3A] : memref<100000xf32, #tpu.memory_space<hbm>> -> memref<100000xf32, #tpu.memory_space<hbm>>
    tpu.enqueue_indirect_dma source(%dma_start3A_7 : memref<100000xf32, #tpu.memory_space<hbm>>) target(%arg17 : memref<32xf32, #tpu.memory_space<vmem>>) offsets(%arg11 : memref<32xi32, #tpu.memory_space<vmem>>) semaphore(%arg21 : memref<!tpu.dma_semaphore, #tpu.memory_space<semaphore_mem>>)
    %dma_start3A_8 = arith.constant 0 : i32
    %dma_start3A_9 = tpu.memref_slice %arg5[%dma_start3A_8] : memref<100000xf32, #tpu.memory_space<hbm>> -> memref<100000xf32, #tpu.memory_space<hbm>>
    tpu.enqueue_indirect_dma source(%dma_start3A_9 : memref<100000xf32, #tpu.memory_space<hbm>>) target(%arg18 : memref<32xf32, #tpu.memory_space<vmem>>) offsets(%arg13 : memref<32xi32, #tpu.memory_space<vmem>>) semaphore(%arg22 : memref<!tpu.dma_semaphore, #tpu.memory_space<semaphore_mem>>)
    %get3A = arith.constant 0 : index
    %get3A_10 = tpu.vector_load %arg11[%get3A] {strides = array<i32>} : memref<32xi32, #tpu.memory_space<vmem>>, vector<16xi32>,
    %get3A_11 = vector.shape_cast %get3A_10 : vector<16xi32> to vector<16xi32>
    %add3A_12 = arith.constant 100000 : i32
    %add3A_13 = vector.broadcast %add3A_12 : i32 to vector<16xi32>
    %add3A_14 = arith.addi %get3A_11, %add3A_13 : vector<16xi32>
    %swap3A = arith.constant 0 : index
    %swap3A_15 = tpu.vector_load %arg12[%swap3A] {strides = array<i32>} : memref<32xi32, #tpu.memory_space<vmem>>, vector<16xi32>,
    %swap3A_16 = vector.shape_cast %swap3A_15 : vector<16xi32> to vector<16xi32>
    %swap3A_17 = vector.shape_cast %add3A_14 : vector<16xi32> to vector<16xi32>
    tpu.vector_store %arg12[%swap3A], %swap3A_17 {strides = array<i32>} : memref<32xi32, #tpu.memory_space<vmem>>, vector<16xi32>,
    %get3A_18 = arith.constant 0 : index
    %get3A_19 = tpu.vector_load %arg13[%get3A_18] {strides = array<i32>} : memref<32xi32, #tpu.memory_space<vmem>>, vector<16xi32>,
    %get3A_20 = vector.shape_cast %get3A_19 : vector<16xi32> to vector<16xi32>
    %add3A_21 = arith.constant 100000 : i32
    %add3A_22 = vector.broadcast %add3A_21 : i32 to vector<16xi32>
    %add3A_23 = arith.addi %get3A_20, %add3A_22 : vector<16xi32>
    %swap3A_24 = arith.constant 0 : index
    %swap3A_25 = tpu.vector_load %arg14[%swap3A_24] {strides = array<i32>} : memref<32xi32, #tpu.memory_space<vmem>>, vector<16xi32>,
    %swap3A_26 = vector.shape_cast %swap3A_25 : vector<16xi32> to vector<16xi32>
    %swap3A_27 = vector.shape_cast %add3A_23 : vector<16xi32> to vector<16xi32>
    tpu.vector_store %arg14[%swap3A_24], %swap3A_27 {strides = array<i32>} : memref<32xi32, #tpu.memory_space<vmem>>, vector<16xi32>,
    %get3A_28 = arith.constant 16 : index
    %get3A_29 = tpu.vector_load %arg11[%get3A_28] {strides = array<i32>} : memref<32xi32, #tpu.memory_space<vmem>>, vector<16xi32>,
    %get3A_30 = vector.shape_cast %get3A_29 : vector<16xi32> to vector<16xi32>
    %add3A_31 = arith.constant 100000 : i32
    %add3A_32 = vector.broadcast %add3A_31 : i32 to vector<16xi32>
    %add3A_33 = arith.addi %get3A_30, %add3A_32 : vector<16xi32>
    %swap3A_34 = arith.constant 16 : index
    %swap3A_35 = tpu.vector_load %arg12[%swap3A_34] {strides = array<i32>} : memref<32xi32, #tpu.memory_space<vmem>>, vector<16xi32>,
    %swap3A_36 = vector.shape_cast %swap3A_35 : vector<16xi32> to vector<16xi32>
    %swap3A_37 = vector.shape_cast %add3A_33 : vector<16xi32> to vector<16xi32>
    tpu.vector_store %arg12[%swap3A_34], %swap3A_37 {strides = array<i32>} : memref<32xi32, #tpu.memory_space<vmem>>, vector<16xi32>,
    %get3A_38 = arith.constant 16 : index
    %get3A_39 = tpu.vector_load %arg13[%get3A_38] {strides = array<i32>} : memref<32xi32, #tpu.memory_space<vmem>>, vector<16xi32>,
    %get3A_40 = vector.shape_cast %get3A_39 : vector<16xi32> to vector<16xi32>
    %add3A_41 = arith.constant 100000 : i32
    %add3A_42 = vector.broadcast %add3A_41 : i32 to vector<16xi32>
    %add3A_43 = arith.addi %get3A_40, %add3A_42 : vector<16xi32>
    %swap3A_44 = arith.constant 16 : index
    %swap3A_45 = tpu.vector_load %arg14[%swap3A_44] {strides = array<i32>} : memref<32xi32, #tpu.memory_space<vmem>>, vector<16xi32>,
    %swap3A_46 = vector.shape_cast %swap3A_45 : vector<16xi32> to vector<16xi32>
    %swap3A_47 = vector.shape_cast %add3A_43 : vector<16xi32> to vector<16xi32>
    tpu.vector_store %arg14[%swap3A_44], %swap3A_47 {strides = array<i32>} : memref<32xi32, #tpu.memory_space<vmem>>, vector<16xi32>,
    %dma_start3A_48 = arith.constant 0 : i32
    %dma_start3A_49 = tpu.memref_slice %arg11[%dma_start3A_48] : memref<32xi32, #tpu.memory_space<vmem>> -> memref<16xi32, #tpu.memory_space<vmem>>
    %dma_start3A_50 = arith.constant 0 : i32
    %dma_start3A_51 = arith.constant 0 : i32
    %dma_start3A_52 = tpu.memref_slice %arg2[%dma_start3A_50, %dma_start3A_51] : memref<200000x768xf32, #tpu.memory_space<hbm>> -> memref<200000x768xf32, #tpu.memory_space<hbm>>
    tpu.enqueue_indirect_dma source(%dma_start3A_52 : memref<200000x768xf32, #tpu.memory_space<hbm>>) target(%arg15 : memref<16x768xf32, #tpu.memory_space<vmem>>) offsets(%dma_start3A_49 : memref<16xi32, #tpu.memory_space<vmem>>) semaphore(%arg19 : memref<!tpu.dma_semaphore, #tpu.memory_space<semaphore_mem>>)
    %dma_start3A_53 = arith.constant 16 : i32
    %dma_start3A_54 = tpu.memref_slice %arg11[%dma_start3A_53] : memref<32xi32, #tpu.memory_space<vmem>> -> memref<16xi32, #tpu.memory_space<vmem>>
    %dma_start3A_55 = arith.constant 0 : i32
    %dma_start3A_56 = arith.constant 0 : i32
    %dma_start3A_57 = tpu.memref_slice %arg2[%dma_start3A_55, %dma_start3A_56] : memref<200000x768xf32, #tpu.memory_space<hbm>> -> memref<200000x768xf32, #tpu.memory_space<hbm>>
    tpu.enqueue_indirect_dma source(%dma_start3A_57 : memref<200000x768xf32, #tpu.memory_space<hbm>>) target(%arg16 : memref<16x768xf32, #tpu.memory_space<vmem>>) offsets(%dma_start3A_54 : memref<16xi32, #tpu.memory_space<vmem>>) semaphore(%arg20 : memref<!tpu.dma_semaphore, #tpu.memory_space<semaphore_mem>>)
    %dma_wait3A = arith.constant 0 : i32
    %dma_wait3A_58 = tpu.memref_slice %arg11[%dma_wait3A] : memref<32xi32, #tpu.memory_space<vmem>> -> memref<16xi32, #tpu.memory_space<vmem>>
    %dma_wait3A_59 = arith.constant 0 : i32
    %dma_wait3A_60 = arith.constant 0 : i32
    %dma_wait3A_61 = tpu.memref_slice %arg2[%dma_wait3A_59, %dma_wait3A_60] : memref<200000x768xf32, #tpu.memory_space<hbm>> -> memref<200000x768xf32, #tpu.memory_space<hbm>>
    tpu.wait_indirect_dma semaphore(%arg19 : memref<!tpu.dma_semaphore, #tpu.memory_space<semaphore_mem>>) src(%dma_wait3A_61 : memref<200000x768xf32, #tpu.memory_space<hbm>>) dst(%arg15 : memref<16x768xf32, #tpu.memory_space<vmem>>)
    %add3A_62 = arith.constant 0 : i32
    %add3A_63 = arith.addi %mul3A_2, %add3A_62 : i32
    %run_scoped3A = arith.constant 0 : i32
    "tpu.region"() ({
      %run_scoped3A_176 = tpu.sem_alloc : memref<!tpu.dma_semaphore, #tpu.memory_space<semaphore_mem>>
      %dma_start3A_177 = arith.constant 0 : i32
      %dma_start3A_178 = tpu.memref_slice %arg8[%run_scoped3A, %add3A_63, %dma_start3A_177] : memref<2x1024x768xf32, #tpu.memory_space<hbm>> -> memref<1x16x768xf32, #tpu.memory_space<hbm>>
      %dma_start3A_179 = tpu.memref_squeeze %dma_start3A_178 : memref<1x16x768xf32, #tpu.memory_space<hbm>> -> memref<16x768xf32, #tpu.memory_space<hbm>>
      %dma_start3A_180 = arith.constant 0 : i32
      %dma_start3A_181 = tpu.memref_slice %arg8[%run_scoped3A, %add3A_63, %dma_start3A_180] : memref<2x1024x768xf32, #tpu.memory_space<hbm>> -> memref<1x16x768xf32, #tpu.memory_space<hbm>>
      %dma_start3A_182 = tpu.memref_squeeze %dma_start3A_181 : memref<1x16x768xf32, #tpu.memory_space<hbm>> -> memref<16x768xf32, #tpu.memory_space<hbm>>
      tpu.enqueue_dma source(%arg15 : memref<16x768xf32, #tpu.memory_space<vmem>>) target(%dma_start3A_182 : memref<16x768xf32, #tpu.memory_space<hbm>>) target_semaphore(%run_scoped3A_176 : memref<!tpu.dma_semaphore, #tpu.memory_space<semaphore_mem>>)
      %dma_wait3A_183 = arith.constant 0 : i32
      %dma_wait3A_184 = tpu.memref_slice %arg8[%run_scoped3A, %add3A_63, %dma_wait3A_183] : memref<2x1024x768xf32, #tpu.memory_space<hbm>> -> memref<1x16x768xf32, #tpu.memory_space<hbm>>
      %dma_wait3A_185 = tpu.memref_squeeze %dma_wait3A_184 : memref<1x16x768xf32, #tpu.memory_space<hbm>> -> memref<16x768xf32, #tpu.memory_space<hbm>>
      %dma_wait3A_186 = arith.constant 0 : i32
      %dma_wait3A_187 = tpu.memref_slice %arg8[%run_scoped3A, %add3A_63, %dma_wait3A_186] : memref<2x1024x768xf32, #tpu.memory_space<hbm>> -> memref<1x16x768xf32, #tpu.memory_space<hbm>>
      %dma_wait3A_188 = tpu.memref_squeeze %dma_wait3A_187 : memref<1x16x768xf32, #tpu.memory_space<hbm>> -> memref<16x768xf32, #tpu.memory_space<hbm>>
      tpu.wait_dma2 semaphore(%run_scoped3A_176 : memref<!tpu.dma_semaphore, #tpu.memory_space<semaphore_mem>>) src(%arg15 : memref<16x768xf32, #tpu.memory_space<vmem>>) dst(%dma_wait3A_188 : memref<16x768xf32, #tpu.memory_space<hbm>>)
      tpu.yield
    }) : () -> ()
    %dma_start3A_64 = arith.constant 0 : i32
    %dma_start3A_65 = tpu.memref_slice %arg12[%dma_start3A_64] : memref<32xi32, #tpu.memory_space<vmem>> -> memref<16xi32, #tpu.memory_space<vmem>>
    %dma_start3A_66 = arith.constant 0 : i32
    %dma_start3A_67 = arith.constant 0 : i32
    %dma_start3A_68 = tpu.memref_slice %arg2[%dma_start3A_66, %dma_start3A_67] : memref<200000x768xf32, #tpu.memory_space<hbm>> -> memref<200000x768xf32, #tpu.memory_space<hbm>>
    tpu.enqueue_indirect_dma source(%dma_start3A_68 : memref<200000x768xf32, #tpu.memory_space<hbm>>) target(%arg15 : memref<16x768xf32, #tpu.memory_space<vmem>>) offsets(%dma_start3A_65 : memref<16xi32, #tpu.memory_space<vmem>>) semaphore(%arg19 : memref<!tpu.dma_semaphore, #tpu.memory_space<semaphore_mem>>)
    %dma_wait3A_69 = arith.constant 16 : i32
    %dma_wait3A_70 = tpu.memref_slice %arg11[%dma_wait3A_69] : memref<32xi32, #tpu.memory_space<vmem>> -> memref<16xi32, #tpu.memory_space<vmem>>
    %dma_wait3A_71 = arith.constant 0 : i32
    %dma_wait3A_72 = arith.constant 0 : i32
    %dma_wait3A_73 = tpu.memref_slice %arg2[%dma_wait3A_71, %dma_wait3A_72] : memref<200000x768xf32, #tpu.memory_space<hbm>> -> memref<200000x768xf32, #tpu.memory_space<hbm>>
    tpu.wait_indirect_dma semaphore(%arg20 : memref<!tpu.dma_semaphore, #tpu.memory_space<semaphore_mem>>) src(%dma_wait3A_73 : memref<200000x768xf32, #tpu.memory_space<hbm>>) dst(%arg16 : memref<16x768xf32, #tpu.memory_space<vmem>>)
    %add3A_74 = arith.constant 16 : i32
    %add3A_75 = arith.addi %mul3A_2, %add3A_74 : i32
    %run_scoped3A_76 = arith.constant 0 : i32
    "tpu.region"() ({
      %run_scoped3A_176 = tpu.sem_alloc : memref<!tpu.dma_semaphore, #tpu.memory_space<semaphore_mem>>
      %dma_start3A_177 = arith.constant 0 : i32
      %dma_start3A_178 = tpu.memref_slice %arg8[%run_scoped3A_76, %add3A_75, %dma_start3A_177] : memref<2x1024x768xf32, #tpu.memory_space<hbm>> -> memref<1x16x768xf32, #tpu.memory_space<hbm>>
      %dma_start3A_179 = tpu.memref_squeeze %dma_start3A_178 : memref<1x16x768xf32, #tpu.memory_space<hbm>> -> memref<16x768xf32, #tpu.memory_space<hbm>>
      %dma_start3A_180 = arith.constant 0 : i32
      %dma_start3A_181 = tpu.memref_slice %arg8[%run_scoped3A_76, %add3A_75, %dma_start3A_180] : memref<2x1024x768xf32, #tpu.memory_space<hbm>> -> memref<1x16x768xf32, #tpu.memory_space<hbm>>
      %dma_start3A_182 = tpu.memref_squeeze %dma_start3A_181 : memref<1x16x768xf32, #tpu.memory_space<hbm>> -> memref<16x768xf32, #tpu.memory_space<hbm>>
      tpu.enqueue_dma source(%arg16 : memref<16x768xf32, #tpu.memory_space<vmem>>) target(%dma_start3A_182 : memref<16x768xf32, #tpu.memory_space<hbm>>) target_semaphore(%run_scoped3A_176 : memref<!tpu.dma_semaphore, #tpu.memory_space<semaphore_mem>>)
      %dma_wait3A_183 = arith.constant 0 : i32
      %dma_wait3A_184 = tpu.memref_slice %arg8[%run_scoped3A_76, %add3A_75, %dma_wait3A_183] : memref<2x1024x768xf32, #tpu.memory_space<hbm>> -> memref<1x16x768xf32, #tpu.memory_space<hbm>>
      %dma_wait3A_185 = tpu.memref_squeeze %dma_wait3A_184 : memref<1x16x768xf32, #tpu.memory_space<hbm>> -> memref<16x768xf32, #tpu.memory_space<hbm>>
      %dma_wait3A_186 = arith.constant 0 : i32
      %dma_wait3A_187 = tpu.memref_slice %arg8[%run_scoped3A_76, %add3A_75, %dma_wait3A_186] : memref<2x1024x768xf32, #tpu.memory_space<hbm>> -> memref<1x16x768xf32, #tpu.memory_space<hbm>>
      %dma_wait3A_188 = tpu.memref_squeeze %dma_wait3A_187 : memref<1x16x768xf32, #tpu.memory_space<hbm>> -> memref<16x768xf32, #tpu.memory_space<hbm>>
      tpu.wait_dma2 semaphore(%run_scoped3A_176 : memref<!tpu.dma_semaphore, #tpu.memory_space<semaphore_mem>>) src(%arg16 : memref<16x768xf32, #tpu.memory_space<vmem>>) dst(%dma_wait3A_188 : memref<16x768xf32, #tpu.memory_space<hbm>>)
      tpu.yield
    }) : () -> ()
    %dma_start3A_77 = arith.constant 16 : i32
    %dma_start3A_78 = tpu.memref_slice %arg12[%dma_start3A_77] : memref<32xi32, #tpu.memory_space<vmem>> -> memref<16xi32, #tpu.memory_space<vmem>>
    %dma_start3A_79 = arith.constant 0 : i32
    %dma_start3A_80 = arith.constant 0 : i32
    %dma_start3A_81 = tpu.memref_slice %arg2[%dma_start3A_79, %dma_start3A_80] : memref<200000x768xf32, #tpu.memory_space<hbm>> -> memref<200000x768xf32, #tpu.memory_space<hbm>>
    tpu.enqueue_indirect_dma source(%dma_start3A_81 : memref<200000x768xf32, #tpu.memory_space<hbm>>) target(%arg16 : memref<16x768xf32, #tpu.memory_space<vmem>>) offsets(%dma_start3A_78 : memref<16xi32, #tpu.memory_space<vmem>>) semaphore(%arg20 : memref<!tpu.dma_semaphore, #tpu.memory_space<semaphore_mem>>)
    %dma_wait3A_82 = arith.constant 0 : i32
    %dma_wait3A_83 = tpu.memref_slice %arg12[%dma_wait3A_82] : memref<32xi32, #tpu.memory_space<vmem>> -> memref<16xi32, #tpu.memory_space<vmem>>
    %dma_wait3A_84 = arith.constant 0 : i32
    %dma_wait3A_85 = arith.constant 0 : i32
    %dma_wait3A_86 = tpu.memref_slice %arg2[%dma_wait3A_84, %dma_wait3A_85] : memref<200000x768xf32, #tpu.memory_space<hbm>> -> memref<200000x768xf32, #tpu.memory_space<hbm>>
    tpu.wait_indirect_dma semaphore(%arg19 : memref<!tpu.dma_semaphore, #tpu.memory_space<semaphore_mem>>) src(%dma_wait3A_86 : memref<200000x768xf32, #tpu.memory_space<hbm>>) dst(%arg15 : memref<16x768xf32, #tpu.memory_space<vmem>>)
    %add3A_87 = arith.constant 0 : i32
    %add3A_88 = arith.addi %mul3A_2, %add3A_87 : i32
    %run_scoped3A_89 = arith.constant 1 : i32
    "tpu.region"() ({
      %run_scoped3A_176 = tpu.sem_alloc : memref<!tpu.dma_semaphore, #tpu.memory_space<semaphore_mem>>
      %dma_start3A_177 = arith.constant 0 : i32
      %dma_start3A_178 = tpu.memref_slice %arg8[%run_scoped3A_89, %add3A_88, %dma_start3A_177] : memref<2x1024x768xf32, #tpu.memory_space<hbm>> -> memref<1x16x768xf32, #tpu.memory_space<hbm>>
      %dma_start3A_179 = tpu.memref_squeeze %dma_start3A_178 : memref<1x16x768xf32, #tpu.memory_space<hbm>> -> memref<16x768xf32, #tpu.memory_space<hbm>>
      %dma_start3A_180 = arith.constant 0 : i32
      %dma_start3A_181 = tpu.memref_slice %arg8[%run_scoped3A_89, %add3A_88, %dma_start3A_180] : memref<2x1024x768xf32, #tpu.memory_space<hbm>> -> memref<1x16x768xf32, #tpu.memory_space<hbm>>
      %dma_start3A_182 = tpu.memref_squeeze %dma_start3A_181 : memref<1x16x768xf32, #tpu.memory_space<hbm>> -> memref<16x768xf32, #tpu.memory_space<hbm>>
      tpu.enqueue_dma source(%arg15 : memref<16x768xf32, #tpu.memory_space<vmem>>) target(%dma_start3A_182 : memref<16x768xf32, #tpu.memory_space<hbm>>) target_semaphore(%run_scoped3A_176 : memref<!tpu.dma_semaphore, #tpu.memory_space<semaphore_mem>>)
      %dma_wait3A_183 = arith.constant 0 : i32
      %dma_wait3A_184 = tpu.memref_slice %arg8[%run_scoped3A_89, %add3A_88, %dma_wait3A_183] : memref<2x1024x768xf32, #tpu.memory_space<hbm>> -> memref<1x16x768xf32, #tpu.memory_space<hbm>>
      %dma_wait3A_185 = tpu.memref_squeeze %dma_wait3A_184 : memref<1x16x768xf32, #tpu.memory_space<hbm>> -> memref<16x768xf32, #tpu.memory_space<hbm>>
      %dma_wait3A_186 = arith.constant 0 : i32
      %dma_wait3A_187 = tpu.memref_slice %arg8[%run_scoped3A_89, %add3A_88, %dma_wait3A_186] : memref<2x1024x768xf32, #tpu.memory_space<hbm>> -> memref<1x16x768xf32, #tpu.memory_space<hbm>>
      %dma_wait3A_188 = tpu.memref_squeeze %dma_wait3A_187 : memref<1x16x768xf32, #tpu.memory_space<hbm>> -> memref<16x768xf32, #tpu.memory_space<hbm>>
      tpu.wait_dma2 semaphore(%run_scoped3A_176 : memref<!tpu.dma_semaphore, #tpu.memory_space<semaphore_mem>>) src(%arg15 : memref<16x768xf32, #tpu.memory_space<vmem>>) dst(%dma_wait3A_188 : memref<16x768xf32, #tpu.memory_space<hbm>>)
      tpu.yield
    }) : () -> ()
    %dma_start3A_90 = arith.constant 0 : i32
    %dma_start3A_91 = tpu.memref_slice %arg13[%dma_start3A_90] : memref<32xi32, #tpu.memory_space<vmem>> -> memref<16xi32, #tpu.memory_space<vmem>>
    %dma_start3A_92 = arith.constant 0 : i32
    %dma_start3A_93 = arith.constant 0 : i32
    %dma_start3A_94 = tpu.memref_slice %arg3[%dma_start3A_92, %dma_start3A_93] : memref<200000x768xf32, #tpu.memory_space<hbm>> -> memref<200000x768xf32, #tpu.memory_space<hbm>>
    tpu.enqueue_indirect_dma source(%dma_start3A_94 : memref<200000x768xf32, #tpu.memory_space<hbm>>) target(%arg15 : memref<16x768xf32, #tpu.memory_space<vmem>>) offsets(%dma_start3A_91 : memref<16xi32, #tpu.memory_space<vmem>>) semaphore(%arg19 : memref<!tpu.dma_semaphore, #tpu.memory_space<semaphore_mem>>)
    %dma_wait3A_95 = arith.constant 16 : i32
    %dma_wait3A_96 = tpu.memref_slice %arg12[%dma_wait3A_95] : memref<32xi32, #tpu.memory_space<vmem>> -> memref<16xi32, #tpu.memory_space<vmem>>
    %dma_wait3A_97 = arith.constant 0 : i32
    %dma_wait3A_98 = arith.constant 0 : i32
    %dma_wait3A_99 = tpu.memref_slice %arg2[%dma_wait3A_97, %dma_wait3A_98] : memref<200000x768xf32, #tpu.memory_space<hbm>> -> memref<200000x768xf32, #tpu.memory_space<hbm>>
    tpu.wait_indirect_dma semaphore(%arg20 : memref<!tpu.dma_semaphore, #tpu.memory_space<semaphore_mem>>) src(%dma_wait3A_99 : memref<200000x768xf32, #tpu.memory_space<hbm>>) dst(%arg16 : memref<16x768xf32, #tpu.memory_space<vmem>>)
    %add3A_100 = arith.constant 16 : i32
    %add3A_101 = arith.addi %mul3A_2, %add3A_100 : i32
    %run_scoped3A_102 = arith.constant 1 : i32
    "tpu.region"() ({
      %run_scoped3A_176 = tpu.sem_alloc : memref<!tpu.dma_semaphore, #tpu.memory_space<semaphore_mem>>
      %dma_start3A_177 = arith.constant 0 : i32
      %dma_start3A_178 = tpu.memref_slice %arg8[%run_scoped3A_102, %add3A_101, %dma_start3A_177] : memref<2x1024x768xf32, #tpu.memory_space<hbm>> -> memref<1x16x768xf32, #tpu.memory_space<hbm>>
      %dma_start3A_179 = tpu.memref_squeeze %dma_start3A_178 : memref<1x16x768xf32, #tpu.memory_space<hbm>> -> memref<16x768xf32, #tpu.memory_space<hbm>>
      %dma_start3A_180 = arith.constant 0 : i32
      %dma_start3A_181 = tpu.memref_slice %arg8[%run_scoped3A_102, %add3A_101, %dma_start3A_180] : memref<2x1024x768xf32, #tpu.memory_space<hbm>> -> memref<1x16x768xf32, #tpu.memory_space<hbm>>
      %dma_start3A_182 = tpu.memref_squeeze %dma_start3A_181 : memref<1x16x768xf32, #tpu.memory_space<hbm>> -> memref<16x768xf32, #tpu.memory_space<hbm>>
      tpu.enqueue_dma source(%arg16 : memref<16x768xf32, #tpu.memory_space<vmem>>) target(%dma_start3A_182 : memref<16x768xf32, #tpu.memory_space<hbm>>) target_semaphore(%run_scoped3A_176 : memref<!tpu.dma_semaphore, #tpu.memory_space<semaphore_mem>>)
      %dma_wait3A_183 = arith.constant 0 : i32
      %dma_wait3A_184 = tpu.memref_slice %arg8[%run_scoped3A_102, %add3A_101, %dma_wait3A_183] : memref<2x1024x768xf32, #tpu.memory_space<hbm>> -> memref<1x16x768xf32, #tpu.memory_space<hbm>>
      %dma_wait3A_185 = tpu.memref_squeeze %dma_wait3A_184 : memref<1x16x768xf32, #tpu.memory_space<hbm>> -> memref<16x768xf32, #tpu.memory_space<hbm>>
      %dma_wait3A_186 = arith.constant 0 : i32
      %dma_wait3A_187 = tpu.memref_slice %arg8[%run_scoped3A_102, %add3A_101, %dma_wait3A_186] : memref<2x1024x768xf32, #tpu.memory_space<hbm>> -> memref<1x16x768xf32, #tpu.memory_space<hbm>>
      %dma_wait3A_188 = tpu.memref_squeeze %dma_wait3A_187 : memref<1x16x768xf32, #tpu.memory_space<hbm>> -> memref<16x768xf32, #tpu.memory_space<hbm>>
      tpu.wait_dma2 semaphore(%run_scoped3A_176 : memref<!tpu.dma_semaphore, #tpu.memory_space<semaphore_mem>>) src(%arg16 : memref<16x768xf32, #tpu.memory_space<vmem>>) dst(%dma_wait3A_188 : memref<16x768xf32, #tpu.memory_space<hbm>>)
      tpu.yield
    }) : () -> ()
    %dma_start3A_103 = arith.constant 16 : i32
    %dma_start3A_104 = tpu.memref_slice %arg13[%dma_start3A_103] : memref<32xi32, #tpu.memory_space<vmem>> -> memref<16xi32, #tpu.memory_space<vmem>>
    %dma_start3A_105 = arith.constant 0 : i32
    %dma_start3A_106 = arith.constant 0 : i32
    %dma_start3A_107 = tpu.memref_slice %arg3[%dma_start3A_105, %dma_start3A_106] : memref<200000x768xf32, #tpu.memory_space<hbm>> -> memref<200000x768xf32, #tpu.memory_space<hbm>>
    tpu.enqueue_indirect_dma source(%dma_start3A_107 : memref<200000x768xf32, #tpu.memory_space<hbm>>) target(%arg16 : memref<16x768xf32, #tpu.memory_space<vmem>>) offsets(%dma_start3A_104 : memref<16xi32, #tpu.memory_space<vmem>>) semaphore(%arg20 : memref<!tpu.dma_semaphore, #tpu.memory_space<semaphore_mem>>)
    %dma_wait3A_108 = arith.constant 0 : i32
    %dma_wait3A_109 = tpu.memref_slice %arg13[%dma_wait3A_108] : memref<32xi32, #tpu.memory_space<vmem>> -> memref<16xi32, #tpu.memory_space<vmem>>
    %dma_wait3A_110 = arith.constant 0 : i32
    %dma_wait3A_111 = arith.constant 0 : i32
    %dma_wait3A_112 = tpu.memref_slice %arg3[%dma_wait3A_110, %dma_wait3A_111] : memref<200000x768xf32, #tpu.memory_space<hbm>> -> memref<200000x768xf32, #tpu.memory_space<hbm>>
    tpu.wait_indirect_dma semaphore(%arg19 : memref<!tpu.dma_semaphore, #tpu.memory_space<semaphore_mem>>) src(%dma_wait3A_112 : memref<200000x768xf32, #tpu.memory_space<hbm>>) dst(%arg15 : memref<16x768xf32, #tpu.memory_space<vmem>>)
    %add3A_113 = arith.constant 0 : i32
    %add3A_114 = arith.addi %mul3A_2, %add3A_113 : i32
    %run_scoped3A_115 = arith.constant 0 : i32
    "tpu.region"() ({
      %run_scoped3A_176 = tpu.sem_alloc : memref<!tpu.dma_semaphore, #tpu.memory_space<semaphore_mem>>
      %dma_start3A_177 = arith.constant 0 : i32
      %dma_start3A_178 = tpu.memref_slice %arg9[%run_scoped3A_115, %add3A_114, %dma_start3A_177] : memref<2x1024x768xf32, #tpu.memory_space<hbm>> -> memref<1x16x768xf32, #tpu.memory_space<hbm>>
      %dma_start3A_179 = tpu.memref_squeeze %dma_start3A_178 : memref<1x16x768xf32, #tpu.memory_space<hbm>> -> memref<16x768xf32, #tpu.memory_space<hbm>>
      %dma_start3A_180 = arith.constant 0 : i32
      %dma_start3A_181 = tpu.memref_slice %arg9[%run_scoped3A_115, %add3A_114, %dma_start3A_180] : memref<2x1024x768xf32, #tpu.memory_space<hbm>> -> memref<1x16x768xf32, #tpu.memory_space<hbm>>
      %dma_start3A_182 = tpu.memref_squeeze %dma_start3A_181 : memref<1x16x768xf32, #tpu.memory_space<hbm>> -> memref<16x768xf32, #tpu.memory_space<hbm>>
      tpu.enqueue_dma source(%arg15 : memref<16x768xf32, #tpu.memory_space<vmem>>) target(%dma_start3A_182 : memref<16x768xf32, #tpu.memory_space<hbm>>) target_semaphore(%run_scoped3A_176 : memref<!tpu.dma_semaphore, #tpu.memory_space<semaphore_mem>>)
      %dma_wait3A_183 = arith.constant 0 : i32
      %dma_wait3A_184 = tpu.memref_slice %arg9[%run_scoped3A_115, %add3A_114, %dma_wait3A_183] : memref<2x1024x768xf32, #tpu.memory_space<hbm>> -> memref<1x16x768xf32, #tpu.memory_space<hbm>>
      %dma_wait3A_185 = tpu.memref_squeeze %dma_wait3A_184 : memref<1x16x768xf32, #tpu.memory_space<hbm>> -> memref<16x768xf32, #tpu.memory_space<hbm>>
      %dma_wait3A_186 = arith.constant 0 : i32
      %dma_wait3A_187 = tpu.memref_slice %arg9[%run_scoped3A_115, %add3A_114, %dma_wait3A_186] : memref<2x1024x768xf32, #tpu.memory_space<hbm>> -> memref<1x16x768xf32, #tpu.memory_space<hbm>>
      %dma_wait3A_188 = tpu.memref_squeeze %dma_wait3A_187 : memref<1x16x768xf32, #tpu.memory_space<hbm>> -> memref<16x768xf32, #tpu.memory_space<hbm>>
      tpu.wait_dma2 semaphore(%run_scoped3A_176 : memref<!tpu.dma_semaphore, #tpu.memory_space<semaphore_mem>>) src(%arg15 : memref<16x768xf32, #tpu.memory_space<vmem>>) dst(%dma_wait3A_188 : memref<16x768xf32, #tpu.memory_space<hbm>>)
      tpu.yield
    }) : () -> ()
    %dma_start3A_116 = arith.constant 0 : i32
    %dma_start3A_117 = tpu.memref_slice %arg14[%dma_start3A_116] : memref<32xi32, #tpu.memory_space<vmem>> -> memref<16xi32, #tpu.memory_space<vmem>>
    %dma_start3A_118 = arith.constant 0 : i32
    %dma_start3A_119 = arith.constant 0 : i32
    %dma_start3A_120 = tpu.memref_slice %arg3[%dma_start3A_118, %dma_start3A_119] : memref<200000x768xf32, #tpu.memory_space<hbm>> -> memref<200000x768xf32, #tpu.memory_space<hbm>>
    tpu.enqueue_indirect_dma source(%dma_start3A_120 : memref<200000x768xf32, #tpu.memory_space<hbm>>) target(%arg15 : memref<16x768xf32, #tpu.memory_space<vmem>>) offsets(%dma_start3A_117 : memref<16xi32, #tpu.memory_space<vmem>>) semaphore(%arg19 : memref<!tpu.dma_semaphore, #tpu.memory_space<semaphore_mem>>)
    %dma_wait3A_121 = arith.constant 16 : i32
    %dma_wait3A_122 = tpu.memref_slice %arg13[%dma_wait3A_121] : memref<32xi32, #tpu.memory_space<vmem>> -> memref<16xi32, #tpu.memory_space<vmem>>
    %dma_wait3A_123 = arith.constant 0 : i32
    %dma_wait3A_124 = arith.constant 0 : i32
    %dma_wait3A_125 = tpu.memref_slice %arg3[%dma_wait3A_123, %dma_wait3A_124] : memref<200000x768xf32, #tpu.memory_space<hbm>> -> memref<200000x768xf32, #tpu.memory_space<hbm>>
    tpu.wait_indirect_dma semaphore(%arg20 : memref<!tpu.dma_semaphore, #tpu.memory_space<semaphore_mem>>) src(%dma_wait3A_125 : memref<200000x768xf32, #tpu.memory_space<hbm>>) dst(%arg16 : memref<16x768xf32, #tpu.memory_space<vmem>>)
    %add3A_126 = arith.constant 16 : i32
    %add3A_127 = arith.addi %mul3A_2, %add3A_126 : i32
    %run_scoped3A_128 = arith.constant 0 : i32
    "tpu.region"() ({
      %run_scoped3A_176 = tpu.sem_alloc : memref<!tpu.dma_semaphore, #tpu.memory_space<semaphore_mem>>
      %dma_start3A_177 = arith.constant 0 : i32
      %dma_start3A_178 = tpu.memref_slice %arg9[%run_scoped3A_128, %add3A_127, %dma_start3A_177] : memref<2x1024x768xf32, #tpu.memory_space<hbm>> -> memref<1x16x768xf32, #tpu.memory_space<hbm>>
      %dma_start3A_179 = tpu.memref_squeeze %dma_start3A_178 : memref<1x16x768xf32, #tpu.memory_space<hbm>> -> memref<16x768xf32, #tpu.memory_space<hbm>>
      %dma_start3A_180 = arith.constant 0 : i32
      %dma_start3A_181 = tpu.memref_slice %arg9[%run_scoped3A_128, %add3A_127, %dma_start3A_180] : memref<2x1024x768xf32, #tpu.memory_space<hbm>> -> memref<1x16x768xf32, #tpu.memory_space<hbm>>
      %dma_start3A_182 = tpu.memref_squeeze %dma_start3A_181 : memref<1x16x768xf32, #tpu.memory_space<hbm>> -> memref<16x768xf32, #tpu.memory_space<hbm>>
      tpu.enqueue_dma source(%arg16 : memref<16x768xf32, #tpu.memory_space<vmem>>) target(%dma_start3A_182 : memref<16x768xf32, #tpu.memory_space<hbm>>) target_semaphore(%run_scoped3A_176 : memref<!tpu.dma_semaphore, #tpu.memory_space<semaphore_mem>>)
      %dma_wait3A_183 = arith.constant 0 : i32
      %dma_wait3A_184 = tpu.memref_slice %arg9[%run_scoped3A_128, %add3A_127, %dma_wait3A_183] : memref<2x1024x768xf32, #tpu.memory_space<hbm>> -> memref<1x16x768xf32, #tpu.memory_space<hbm>>
      %dma_wait3A_185 = tpu.memref_squeeze %dma_wait3A_184 : memref<1x16x768xf32, #tpu.memory_space<hbm>> -> memref<16x768xf32, #tpu.memory_space<hbm>>
      %dma_wait3A_186 = arith.constant 0 : i32
      %dma_wait3A_187 = tpu.memref_slice %arg9[%run_scoped3A_128, %add3A_127, %dma_wait3A_186] : memref<2x1024x768xf32, #tpu.memory_space<hbm>> -> memref<1x16x768xf32, #tpu.memory_space<hbm>>
      %dma_wait3A_188 = tpu.memref_squeeze %dma_wait3A_187 : memref<1x16x768xf32, #tpu.memory_space<hbm>> -> memref<16x768xf32, #tpu.memory_space<hbm>>
      tpu.wait_dma2 semaphore(%run_scoped3A_176 : memref<!tpu.dma_semaphore, #tpu.memory_space<semaphore_mem>>) src(%arg16 : memref<16x768xf32, #tpu.memory_space<vmem>>) dst(%dma_wait3A_188 : memref<16x768xf32, #tpu.memory_space<hbm>>)
      tpu.yield
    }) : () -> ()
    %dma_start3A_129 = arith.constant 16 : i32
    %dma_start3A_130 = tpu.memref_slice %arg14[%dma_start3A_129] : memref<32xi32, #tpu.memory_space<vmem>> -> memref<16xi32, #tpu.memory_space<vmem>>
    %dma_start3A_131 = arith.constant 0 : i32
    %dma_start3A_132 = arith.constant 0 : i32
    %dma_start3A_133 = tpu.memref_slice %arg3[%dma_start3A_131, %dma_start3A_132] : memref<200000x768xf32, #tpu.memory_space<hbm>> -> memref<200000x768xf32, #tpu.memory_space<hbm>>
    tpu.enqueue_indirect_dma source(%dma_start3A_133 : memref<200000x768xf32, #tpu.memory_space<hbm>>) target(%arg16 : memref<16x768xf32, #tpu.memory_space<vmem>>) offsets(%dma_start3A_130 : memref<16xi32, #tpu.memory_space<vmem>>) semaphore(%arg20 : memref<!tpu.dma_semaphore, #tpu.memory_space<semaphore_mem>>)
    %dma_wait3A_134 = arith.constant 0 : i32
    %dma_wait3A_135 = tpu.memref_slice %arg14[%dma_wait3A_134] : memref<32xi32, #tpu.memory_space<vmem>> -> memref<16xi32, #tpu.memory_space<vmem>>
    %dma_wait3A_136 = arith.constant 0 : i32
    %dma_wait3A_137 = arith.constant 0 : i32
    %dma_wait3A_138 = tpu.memref_slice %arg3[%dma_wait3A_136, %dma_wait3A_137] : memref<200000x768xf32, #tpu.memory_space<hbm>> -> memref<200000x768xf32, #tpu.memory_space<hbm>>
    tpu.wait_indirect_dma semaphore(%arg19 : memref<!tpu.dma_semaphore, #tpu.memory_space<semaphore_mem>>) src(%dma_wait3A_138 : memref<200000x768xf32, #tpu.memory_space<hbm>>) dst(%arg15 : memref<16x768xf32, #tpu.memory_space<vmem>>)
    %add3A_139 = arith.constant 0 : i32
    %add3A_140 = arith.addi %mul3A_2, %add3A_139 : i32
    %run_scoped3A_141 = arith.constant 1 : i32
    "tpu.region"() ({
      %run_scoped3A_176 = tpu.sem_alloc : memref<!tpu.dma_semaphore, #tpu.memory_space<semaphore_mem>>
      %dma_start3A_177 = arith.constant 0 : i32
      %dma_start3A_178 = tpu.memref_slice %arg9[%run_scoped3A_141, %add3A_140, %dma_start3A_177] : memref<2x1024x768xf32, #tpu.memory_space<hbm>> -> memref<1x16x768xf32, #tpu.memory_space<hbm>>
      %dma_start3A_179 = tpu.memref_squeeze %dma_start3A_178 : memref<1x16x768xf32, #tpu.memory_space<hbm>> -> memref<16x768xf32, #tpu.memory_space<hbm>>
      %dma_start3A_180 = arith.constant 0 : i32
      %dma_start3A_181 = tpu.memref_slice %arg9[%run_scoped3A_141, %add3A_140, %dma_start3A_180] : memref<2x1024x768xf32, #tpu.memory_space<hbm>> -> memref<1x16x768xf32, #tpu.memory_space<hbm>>
      %dma_start3A_182 = tpu.memref_squeeze %dma_start3A_181 : memref<1x16x768xf32, #tpu.memory_space<hbm>> -> memref<16x768xf32, #tpu.memory_space<hbm>>
      tpu.enqueue_dma source(%arg15 : memref<16x768xf32, #tpu.memory_space<vmem>>) target(%dma_start3A_182 : memref<16x768xf32, #tpu.memory_space<hbm>>) target_semaphore(%run_scoped3A_176 : memref<!tpu.dma_semaphore, #tpu.memory_space<semaphore_mem>>)
      %dma_wait3A_183 = arith.constant 0 : i32
      %dma_wait3A_184 = tpu.memref_slice %arg9[%run_scoped3A_141, %add3A_140, %dma_wait3A_183] : memref<2x1024x768xf32, #tpu.memory_space<hbm>> -> memref<1x16x768xf32, #tpu.memory_space<hbm>>
      %dma_wait3A_185 = tpu.memref_squeeze %dma_wait3A_184 : memref<1x16x768xf32, #tpu.memory_space<hbm>> -> memref<16x768xf32, #tpu.memory_space<hbm>>
      %dma_wait3A_186 = arith.constant 0 : i32
      %dma_wait3A_187 = tpu.memref_slice %arg9[%run_scoped3A_141, %add3A_140, %dma_wait3A_186] : memref<2x1024x768xf32, #tpu.memory_space<hbm>> -> memref<1x16x768xf32, #tpu.memory_space<hbm>>
      %dma_wait3A_188 = tpu.memref_squeeze %dma_wait3A_187 : memref<1x16x768xf32, #tpu.memory_space<hbm>> -> memref<16x768xf32, #tpu.memory_space<hbm>>
      tpu.wait_dma2 semaphore(%run_scoped3A_176 : memref<!tpu.dma_semaphore, #tpu.memory_space<semaphore_mem>>) src(%arg15 : memref<16x768xf32, #tpu.memory_space<vmem>>) dst(%dma_wait3A_188 : memref<16x768xf32, #tpu.memory_space<hbm>>)
      tpu.yield
    }) : () -> ()
    %dma_wait3A_142 = arith.constant 16 : i32
    %dma_wait3A_143 = tpu.memref_slice %arg14[%dma_wait3A_142] : memref<32xi32, #tpu.memory_space<vmem>> -> memref<16xi32, #tpu.memory_space<vmem>>
    %dma_wait3A_144 = arith.constant 0 : i32
    %dma_wait3A_145 = arith.constant 0 : i32
    %dma_wait3A_146 = tpu.memref_slice %arg3[%dma_wait3A_144, %dma_wait3A_145] : memref<200000x768xf32, #tpu.memory_space<hbm>> -> memref<200000x768xf32, #tpu.memory_space<hbm>>
    tpu.wait_indirect_dma semaphore(%arg20 : memref<!tpu.dma_semaphore, #tpu.memory_space<semaphore_mem>>) src(%dma_wait3A_146 : memref<200000x768xf32, #tpu.memory_space<hbm>>) dst(%arg16 : memref<16x768xf32, #tpu.memory_space<vmem>>)
    %add3A_147 = arith.constant 16 : i32
    %add3A_148 = arith.addi %mul3A_2, %add3A_147 : i32
    %run_scoped3A_149 = arith.constant 1 : i32
    "tpu.region"() ({
      %run_scoped3A_176 = tpu.sem_alloc : memref<!tpu.dma_semaphore, #tpu.memory_space<semaphore_mem>>
      %dma_start3A_177 = arith.constant 0 : i32
      %dma_start3A_178 = tpu.memref_slice %arg9[%run_scoped3A_149, %add3A_148, %dma_start3A_177] : memref<2x1024x768xf32, #tpu.memory_space<hbm>> -> memref<1x16x768xf32, #tpu.memory_space<hbm>>
      %dma_start3A_179 = tpu.memref_squeeze %dma_start3A_178 : memref<1x16x768xf32, #tpu.memory_space<hbm>> -> memref<16x768xf32, #tpu.memory_space<hbm>>
      %dma_start3A_180 = arith.constant 0 : i32
      %dma_start3A_181 = tpu.memref_slice %arg9[%run_scoped3A_149, %add3A_148, %dma_start3A_180] : memref<2x1024x768xf32, #tpu.memory_space<hbm>> -> memref<1x16x768xf32, #tpu.memory_space<hbm>>
      %dma_start3A_182 = tpu.memref_squeeze %dma_start3A_181 : memref<1x16x768xf32, #tpu.memory_space<hbm>> -> memref<16x768xf32, #tpu.memory_space<hbm>>
      tpu.enqueue_dma source(%arg16 : memref<16x768xf32, #tpu.memory_space<vmem>>) target(%dma_start3A_182 : memref<16x768xf32, #tpu.memory_space<hbm>>) target_semaphore(%run_scoped3A_176 : memref<!tpu.dma_semaphore, #tpu.memory_space<semaphore_mem>>)
      %dma_wait3A_183 = arith.constant 0 : i32
      %dma_wait3A_184 = tpu.memref_slice %arg9[%run_scoped3A_149, %add3A_148, %dma_wait3A_183] : memref<2x1024x768xf32, #tpu.memory_space<hbm>> -> memref<1x16x768xf32, #tpu.memory_space<hbm>>
      %dma_wait3A_185 = tpu.memref_squeeze %dma_wait3A_184 : memref<1x16x768xf32, #tpu.memory_space<hbm>> -> memref<16x768xf32, #tpu.memory_space<hbm>>
      %dma_wait3A_186 = arith.constant 0 : i32
      %dma_wait3A_187 = tpu.memref_slice %arg9[%run_scoped3A_149, %add3A_148, %dma_wait3A_186] : memref<2x1024x768xf32, #tpu.memory_space<hbm>> -> memref<1x16x768xf32, #tpu.memory_space<hbm>>
      %dma_wait3A_188 = tpu.memref_squeeze %dma_wait3A_187 : memref<1x16x768xf32, #tpu.memory_space<hbm>> -> memref<16x768xf32, #tpu.memory_space<hbm>>
      tpu.wait_dma2 semaphore(%run_scoped3A_176 : memref<!tpu.dma_semaphore, #tpu.memory_space<semaphore_mem>>) src(%arg16 : memref<16x768xf32, #tpu.memory_space<vmem>>) dst(%dma_wait3A_188 : memref<16x768xf32, #tpu.memory_space<hbm>>)
      tpu.yield
    }) : () -> ()
    %dma_wait3A_150 = arith.constant 0 : i32
    %dma_wait3A_151 = tpu.memref_slice %arg4[%dma_wait3A_150] : memref<100000xf32, #tpu.memory_space<hbm>> -> memref<100000xf32, #tpu.memory_space<hbm>>
    tpu.wait_indirect_dma semaphore(%arg21 : memref<!tpu.dma_semaphore, #tpu.memory_space<semaphore_mem>>) src(%dma_wait3A_151 : memref<100000xf32, #tpu.memory_space<hbm>>) dst(%arg17 : memref<32xf32, #tpu.memory_space<vmem>>)
    %dma_wait3A_152 = arith.constant 0 : i32
    %dma_wait3A_153 = tpu.memref_slice %arg5[%dma_wait3A_152] : memref<100000xf32, #tpu.memory_space<hbm>> -> memref<100000xf32, #tpu.memory_space<hbm>>
    tpu.wait_indirect_dma semaphore(%arg22 : memref<!tpu.dma_semaphore, #tpu.memory_space<semaphore_mem>>) src(%dma_wait3A_153 : memref<100000xf32, #tpu.memory_space<hbm>>) dst(%arg18 : memref<32xf32, #tpu.memory_space<vmem>>)
    %get3A_154 = arith.constant 0 : index
    %get3A_155 = tpu.vector_load %arg17[%get3A_154] {strides = array<i32>} : memref<32xf32, #tpu.memory_space<vmem>>, vector<16xf32>,
    %get3A_156 = vector.shape_cast %get3A_155 : vector<16xf32> to vector<16xf32>
    %get3A_157 = arith.constant 0 : index
    %get3A_158 = tpu.vector_load %arg18[%get3A_157] {strides = array<i32>} : memref<32xf32, #tpu.memory_space<vmem>>, vector<16xf32>,
    %get3A_159 = vector.shape_cast %get3A_158 : vector<16xf32> to vector<16xf32>
    %add3A_160 = arith.addf %get3A_156, %get3A_159 : vector<16xf32>
    %swap3A_161 = arith.constant 0 : index
    %swap3A_162 = tpu.vector_load %arg17[%swap3A_161] {strides = array<i32>} : memref<32xf32, #tpu.memory_space<vmem>>, vector<16xf32>,
    %swap3A_163 = vector.shape_cast %swap3A_162 : vector<16xf32> to vector<16xf32>
    %swap3A_164 = vector.shape_cast %add3A_160 : vector<16xf32> to vector<16xf32>
    tpu.vector_store %arg17[%swap3A_161], %swap3A_164 {strides = array<i32>} : memref<32xf32, #tpu.memory_space<vmem>>, vector<16xf32>,
    %get3A_165 = arith.constant 16 : index
    %get3A_166 = tpu.vector_load %arg17[%get3A_165] {strides = array<i32>} : memref<32xf32, #tpu.memory_space<vmem>>, vector<16xf32>,
    %get3A_167 = vector.shape_cast %get3A_166 : vector<16xf32> to vector<16xf32>
    %get3A_168 = arith.constant 16 : index
    %get3A_169 = tpu.vector_load %arg18[%get3A_168] {strides = array<i32>} : memref<32xf32, #tpu.memory_space<vmem>>, vector<16xf32>,
    %get3A_170 = vector.shape_cast %get3A_169 : vector<16xf32> to vector<16xf32>
    %add3A_171 = arith.addf %get3A_167, %get3A_170 : vector<16xf32>
    %swap3A_172 = arith.constant 16 : index
    %swap3A_173 = tpu.vector_load %arg17[%swap3A_172] {strides = array<i32>} : memref<32xf32, #tpu.memory_space<vmem>>, vector<16xf32>,
    %swap3A_174 = vector.shape_cast %swap3A_173 : vector<16xf32> to vector<16xf32>
    %swap3A_175 = vector.shape_cast %add3A_171 : vector<16xf32> to vector<16xf32>
    tpu.vector_store %arg17[%swap3A_172], %swap3A_175 {strides = array<i32>} : memref<32xf32, #tpu.memory_space<vmem>>, vector<16xf32>,
    "tpu.region"() ({
      %run_scoped3A_176 = tpu.sem_alloc : memref<!tpu.dma_semaphore, #tpu.memory_space<semaphore_mem>>
      %dma_start3A_177 = tpu.memref_slice %arg10[%mul3A_2] : memref<1024xf32, #tpu.memory_space<hbm>> -> memref<32xf32, #tpu.memory_space<hbm>>
      %dma_start3A_178 = tpu.memref_slice %arg10[%mul3A_2] : memref<1024xf32, #tpu.memory_space<hbm>> -> memref<32xf32, #tpu.memory_space<hbm>>
      tpu.enqueue_dma source(%arg17 : memref<32xf32, #tpu.memory_space<vmem>>) target(%dma_start3A_178 : memref<32xf32, #tpu.memory_space<hbm>>) target_semaphore(%run_scoped3A_176 : memref<!tpu.dma_semaphore, #tpu.memory_space<semaphore_mem>>)
      %dma_wait3A_179 = tpu.memref_slice %arg10[%mul3A_2] : memref<1024xf32, #tpu.memory_space<hbm>> -> memref<32xf32, #tpu.memory_space<hbm>>
      %dma_wait3A_180 = tpu.memref_slice %arg10[%mul3A_2] : memref<1024xf32, #tpu.memory_space<hbm>> -> memref<32xf32, #tpu.memory_space<hbm>>
      tpu.wait_dma2 semaphore(%run_scoped3A_176 : memref<!tpu.dma_semaphore, #tpu.memory_space<semaphore_mem>>) src(%arg17 : memref<32xf32, #tpu.memory_space<vmem>>) dst(%dma_wait3A_180 : memref<32xf32, #tpu.memory_space<hbm>>)
      tpu.yield
    }) : () -> ()
    return
  }
}

module attributes {stable_mosaic.version = 14 : i64} {
  func.func @_tc_ffn_body(%arg0: i32, %arg1: memref<2x512x768xf32, #tpu.memory_space<vmem>>, %arg2: memref<2x512x768xf32, #tpu.memory_space<vmem>>, %arg3: memref<768x1024xbf16, #tpu.memory_space<vmem>>, %arg4: memref<1024xf32, #tpu.memory_space<vmem>>, %arg5: memref<1024x256xbf16, #tpu.memory_space<vmem>>, %arg6: memref<256xf32, #tpu.memory_space<vmem>>, %arg7: memref<768x1024xbf16, #tpu.memory_space<vmem>>, %arg8: memref<1024xf32, #tpu.memory_space<vmem>>, %arg9: memref<1024x256xbf16, #tpu.memory_space<vmem>>, %arg10: memref<256xf32, #tpu.memory_space<vmem>>, %arg11: memref<512xf32, #tpu.memory_space<vmem>>, %arg12: memref<512xf32, #tpu.memory_space<vmem>>) attributes {dimension_semantics = [#tpu.dimension_semantics<arbitrary>], iteration_bounds = array<i64: 2>, scalar_prefetch = 0 : i64, scratch_operands = 0 : i64, tpu.core_type = #tpu.core_type<tc>, window_params = [{transform_indices = @transform_0, window_bounds = array<i64: 2, 512, 768>}, {transform_indices = @transform_1, window_bounds = array<i64: 2, 512, 768>}, {pipeline_mode = #tpu.pipeline_mode<synchronous>, transform_indices = @transform_2, window_bounds = array<i64: 768, 1024>}, {pipeline_mode = #tpu.pipeline_mode<synchronous>, transform_indices = @transform_3, window_bounds = array<i64: 1024>}, {pipeline_mode = #tpu.pipeline_mode<synchronous>, transform_indices = @transform_4, window_bounds = array<i64: 1024, 256>}, {pipeline_mode = #tpu.pipeline_mode<synchronous>, transform_indices = @transform_5, window_bounds = array<i64: 256>}, {pipeline_mode = #tpu.pipeline_mode<synchronous>, transform_indices = @transform_6, window_bounds = array<i64: 768, 1024>}, {pipeline_mode = #tpu.pipeline_mode<synchronous>, transform_indices = @transform_7, window_bounds = array<i64: 1024>}, {pipeline_mode = #tpu.pipeline_mode<synchronous>, transform_indices = @transform_8, window_bounds = array<i64: 1024, 256>}, {pipeline_mode = #tpu.pipeline_mode<synchronous>, transform_indices = @transform_9, window_bounds = array<i64: 256>}, {transform_indices = @transform_10, window_bounds = array<i64: 512>}, {transform_indices = @transform_11, window_bounds = array<i64: 512>}]} {
    %get3A = arith.constant 0 : index
    %get3A_0 = arith.constant 0 : index
    %get3A_1 = arith.constant 0 : index
    %get3A_2 = vector.load %arg1[%get3A, %get3A_0, %get3A_1] : memref<2x512x768xf32, #tpu.memory_space<vmem>>, vector<1x512x768xf32>
    %get3A_3 = vector.shape_cast %get3A_2 : vector<1x512x768xf32> to vector<512x768xf32>
    %convert_element_type3A = arith.truncf %get3A_3 : vector<512x768xf32> to vector<512x768xbf16>
    %get3A_4 = arith.constant 0 : index
    %get3A_5 = arith.constant 0 : index
    %get3A_6 = vector.load %arg3[%get3A_4, %get3A_5] : memref<768x1024xbf16, #tpu.memory_space<vmem>>, vector<768x1024xbf16>
    %dot_general3A = arith.constant dense<0.000000e+00> : vector<512x1024xf32>
    %dot_general3A_7 = tpu.matmul %convert_element_type3A, %get3A_6, %dot_general3A {dimension_numbers = #tpu.dot_dimension_numbers<[1], [0], [0], [1], [0, 0, 1, 1], [], []>, transpose_lhs_hint = false} : vector<512x768xbf16>, vector<768x1024xbf16>, vector<512x1024xf32> -> vector<512x1024xf32>
    %get3A_8 = arith.constant 0 : index
    %get3A_9 = vector.load %arg4[%get3A_8] : memref<1024xf32, #tpu.memory_space<vmem>>, vector<1024xf32>
    %broadcast_in_dim3A = vector.shape_cast %get3A_9 : vector<1024xf32> to vector<1x1024xf32>
    %add3A = vector.broadcast %broadcast_in_dim3A : vector<1x1024xf32> to vector<512x1024xf32>
    %add3A_10 = arith.addf %dot_general3A_7, %add3A : vector<512x1024xf32>
    %max3A = arith.constant 0.000000e+00 : f32
    %max3A_11 = vector.broadcast %max3A : f32 to vector<512x1024xf32>
    %max3A_12 = arith.maximumf %add3A_10, %max3A_11 : vector<512x1024xf32>
    %convert_element_type3A_13 = arith.truncf %max3A_12 : vector<512x1024xf32> to vector<512x1024xbf16>
    %get3A_14 = arith.constant 0 : index
    %get3A_15 = arith.constant 0 : index
    %get3A_16 = vector.load %arg5[%get3A_14, %get3A_15] : memref<1024x256xbf16, #tpu.memory_space<vmem>>, vector<1024x256xbf16>
    %dot_general3A_17 = arith.constant dense<0.000000e+00> : vector<512x256xf32>
    %dot_general3A_18 = tpu.matmul %convert_element_type3A_13, %get3A_16, %dot_general3A_17 {dimension_numbers = #tpu.dot_dimension_numbers<[1], [0], [0], [1], [0, 0, 1, 1], [], []>, transpose_lhs_hint = false} : vector<512x1024xbf16>, vector<1024x256xbf16>, vector<512x256xf32> -> vector<512x256xf32>
    %get3A_19 = arith.constant 0 : index
    %get3A_20 = vector.load %arg6[%get3A_19] : memref<256xf32, #tpu.memory_space<vmem>>, vector<256xf32>
    %broadcast_in_dim3A_21 = vector.shape_cast %get3A_20 : vector<256xf32> to vector<1x256xf32>
    %add3A_22 = vector.broadcast %broadcast_in_dim3A_21 : vector<1x256xf32> to vector<512x256xf32>
    %add3A_23 = arith.addf %dot_general3A_18, %add3A_22 : vector<512x256xf32>
    %get3A_24 = arith.constant 1 : index
    %get3A_25 = arith.constant 0 : index
    %get3A_26 = arith.constant 0 : index
    %get3A_27 = vector.load %arg1[%get3A_24, %get3A_25, %get3A_26] : memref<2x512x768xf32, #tpu.memory_space<vmem>>, vector<1x512x768xf32>
    %get3A_28 = vector.shape_cast %get3A_27 : vector<1x512x768xf32> to vector<512x768xf32>
    %convert_element_type3A_29 = arith.truncf %get3A_28 : vector<512x768xf32> to vector<512x768xbf16>
    %get3A_30 = arith.constant 0 : index
    %get3A_31 = arith.constant 0 : index
    %get3A_32 = vector.load %arg3[%get3A_30, %get3A_31] : memref<768x1024xbf16, #tpu.memory_space<vmem>>, vector<768x1024xbf16>
    %dot_general3A_33 = arith.constant dense<0.000000e+00> : vector<512x1024xf32>
    %dot_general3A_34 = tpu.matmul %convert_element_type3A_29, %get3A_32, %dot_general3A_33 {dimension_numbers = #tpu.dot_dimension_numbers<[1], [0], [0], [1], [0, 0, 1, 1], [], []>, transpose_lhs_hint = false} : vector<512x768xbf16>, vector<768x1024xbf16>, vector<512x1024xf32> -> vector<512x1024xf32>
    %get3A_35 = arith.constant 0 : index
    %get3A_36 = vector.load %arg4[%get3A_35] : memref<1024xf32, #tpu.memory_space<vmem>>, vector<1024xf32>
    %broadcast_in_dim3A_37 = vector.shape_cast %get3A_36 : vector<1024xf32> to vector<1x1024xf32>
    %add3A_38 = vector.broadcast %broadcast_in_dim3A_37 : vector<1x1024xf32> to vector<512x1024xf32>
    %add3A_39 = arith.addf %dot_general3A_34, %add3A_38 : vector<512x1024xf32>
    %max3A_40 = arith.constant 0.000000e+00 : f32
    %max3A_41 = vector.broadcast %max3A_40 : f32 to vector<512x1024xf32>
    %max3A_42 = arith.maximumf %add3A_39, %max3A_41 : vector<512x1024xf32>
    %convert_element_type3A_43 = arith.truncf %max3A_42 : vector<512x1024xf32> to vector<512x1024xbf16>
    %get3A_44 = arith.constant 0 : index
    %get3A_45 = arith.constant 0 : index
    %get3A_46 = vector.load %arg5[%get3A_44, %get3A_45] : memref<1024x256xbf16, #tpu.memory_space<vmem>>, vector<1024x256xbf16>
    %dot_general3A_47 = arith.constant dense<0.000000e+00> : vector<512x256xf32>
    %dot_general3A_48 = tpu.matmul %convert_element_type3A_43, %get3A_46, %dot_general3A_47 {dimension_numbers = #tpu.dot_dimension_numbers<[1], [0], [0], [1], [0, 0, 1, 1], [], []>, transpose_lhs_hint = false} : vector<512x1024xbf16>, vector<1024x256xbf16>, vector<512x256xf32> -> vector<512x256xf32>
    %get3A_49 = arith.constant 0 : index
    %get3A_50 = vector.load %arg6[%get3A_49] : memref<256xf32, #tpu.memory_space<vmem>>, vector<256xf32>
    %broadcast_in_dim3A_51 = vector.shape_cast %get3A_50 : vector<256xf32> to vector<1x256xf32>
    %add3A_52 = vector.broadcast %broadcast_in_dim3A_51 : vector<1x256xf32> to vector<512x256xf32>
    %add3A_53 = arith.addf %dot_general3A_48, %add3A_52 : vector<512x256xf32>
    %max3A_54 = arith.maximumf %add3A_23, %add3A_53 : vector<512x256xf32>
    %get3A_55 = arith.constant 0 : index
    %get3A_56 = arith.constant 0 : index
    %get3A_57 = arith.constant 0 : index
    %get3A_58 = vector.load %arg2[%get3A_55, %get3A_56, %get3A_57] : memref<2x512x768xf32, #tpu.memory_space<vmem>>, vector<1x512x768xf32>
    %get3A_59 = vector.shape_cast %get3A_58 : vector<1x512x768xf32> to vector<512x768xf32>
    %convert_element_type3A_60 = arith.truncf %get3A_59 : vector<512x768xf32> to vector<512x768xbf16>
    %get3A_61 = arith.constant 0 : index
    %get3A_62 = arith.constant 0 : index
    %get3A_63 = vector.load %arg7[%get3A_61, %get3A_62] : memref<768x1024xbf16, #tpu.memory_space<vmem>>, vector<768x1024xbf16>
    %dot_general3A_64 = arith.constant dense<0.000000e+00> : vector<512x1024xf32>
    %dot_general3A_65 = tpu.matmul %convert_element_type3A_60, %get3A_63, %dot_general3A_64 {dimension_numbers = #tpu.dot_dimension_numbers<[1], [0], [0], [1], [0, 0, 1, 1], [], []>, transpose_lhs_hint = false} : vector<512x768xbf16>, vector<768x1024xbf16>, vector<512x1024xf32> -> vector<512x1024xf32>
    %get3A_66 = arith.constant 0 : index
    %get3A_67 = vector.load %arg8[%get3A_66] : memref<1024xf32, #tpu.memory_space<vmem>>, vector<1024xf32>
    %broadcast_in_dim3A_68 = vector.shape_cast %get3A_67 : vector<1024xf32> to vector<1x1024xf32>
    %add3A_69 = vector.broadcast %broadcast_in_dim3A_68 : vector<1x1024xf32> to vector<512x1024xf32>
    %add3A_70 = arith.addf %dot_general3A_65, %add3A_69 : vector<512x1024xf32>
    %max3A_71 = arith.constant 0.000000e+00 : f32
    %max3A_72 = vector.broadcast %max3A_71 : f32 to vector<512x1024xf32>
    %max3A_73 = arith.maximumf %add3A_70, %max3A_72 : vector<512x1024xf32>
    %convert_element_type3A_74 = arith.truncf %max3A_73 : vector<512x1024xf32> to vector<512x1024xbf16>
    %get3A_75 = arith.constant 0 : index
    %get3A_76 = arith.constant 0 : index
    %get3A_77 = vector.load %arg9[%get3A_75, %get3A_76] : memref<1024x256xbf16, #tpu.memory_space<vmem>>, vector<1024x256xbf16>
    %dot_general3A_78 = arith.constant dense<0.000000e+00> : vector<512x256xf32>
    %dot_general3A_79 = tpu.matmul %convert_element_type3A_74, %get3A_77, %dot_general3A_78 {dimension_numbers = #tpu.dot_dimension_numbers<[1], [0], [0], [1], [0, 0, 1, 1], [], []>, transpose_lhs_hint = false} : vector<512x1024xbf16>, vector<1024x256xbf16>, vector<512x256xf32> -> vector<512x256xf32>
    %get3A_80 = arith.constant 0 : index
    %get3A_81 = vector.load %arg10[%get3A_80] : memref<256xf32, #tpu.memory_space<vmem>>, vector<256xf32>
    %broadcast_in_dim3A_82 = vector.shape_cast %get3A_81 : vector<256xf32> to vector<1x256xf32>
    %add3A_83 = vector.broadcast %broadcast_in_dim3A_82 : vector<1x256xf32> to vector<512x256xf32>
    %add3A_84 = arith.addf %dot_general3A_79, %add3A_83 : vector<512x256xf32>
    %get3A_85 = arith.constant 1 : index
    %get3A_86 = arith.constant 0 : index
    %get3A_87 = arith.constant 0 : index
    %get3A_88 = vector.load %arg2[%get3A_85, %get3A_86, %get3A_87] : memref<2x512x768xf32, #tpu.memory_space<vmem>>, vector<1x512x768xf32>
    %get3A_89 = vector.shape_cast %get3A_88 : vector<1x512x768xf32> to vector<512x768xf32>
    %convert_element_type3A_90 = arith.truncf %get3A_89 : vector<512x768xf32> to vector<512x768xbf16>
    %get3A_91 = arith.constant 0 : index
    %get3A_92 = arith.constant 0 : index
    %get3A_93 = vector.load %arg7[%get3A_91, %get3A_92] : memref<768x1024xbf16, #tpu.memory_space<vmem>>, vector<768x1024xbf16>
    %dot_general3A_94 = arith.constant dense<0.000000e+00> : vector<512x1024xf32>
    %dot_general3A_95 = tpu.matmul %convert_element_type3A_90, %get3A_93, %dot_general3A_94 {dimension_numbers = #tpu.dot_dimension_numbers<[1], [0], [0], [1], [0, 0, 1, 1], [], []>, transpose_lhs_hint = false} : vector<512x768xbf16>, vector<768x1024xbf16>, vector<512x1024xf32> -> vector<512x1024xf32>
    %get3A_96 = arith.constant 0 : index
    %get3A_97 = vector.load %arg8[%get3A_96] : memref<1024xf32, #tpu.memory_space<vmem>>, vector<1024xf32>
    %broadcast_in_dim3A_98 = vector.shape_cast %get3A_97 : vector<1024xf32> to vector<1x1024xf32>
    %add3A_99 = vector.broadcast %broadcast_in_dim3A_98 : vector<1x1024xf32> to vector<512x1024xf32>
    %add3A_100 = arith.addf %dot_general3A_95, %add3A_99 : vector<512x1024xf32>
    %max3A_101 = arith.constant 0.000000e+00 : f32
    %max3A_102 = vector.broadcast %max3A_101 : f32 to vector<512x1024xf32>
    %max3A_103 = arith.maximumf %add3A_100, %max3A_102 : vector<512x1024xf32>
    %convert_element_type3A_104 = arith.truncf %max3A_103 : vector<512x1024xf32> to vector<512x1024xbf16>
    %get3A_105 = arith.constant 0 : index
    %get3A_106 = arith.constant 0 : index
    %get3A_107 = vector.load %arg9[%get3A_105, %get3A_106] : memref<1024x256xbf16, #tpu.memory_space<vmem>>, vector<1024x256xbf16>
    %dot_general3A_108 = arith.constant dense<0.000000e+00> : vector<512x256xf32>
    %dot_general3A_109 = tpu.matmul %convert_element_type3A_104, %get3A_107, %dot_general3A_108 {dimension_numbers = #tpu.dot_dimension_numbers<[1], [0], [0], [1], [0, 0, 1, 1], [], []>, transpose_lhs_hint = false} : vector<512x1024xbf16>, vector<1024x256xbf16>, vector<512x256xf32> -> vector<512x256xf32>
    %get3A_110 = arith.constant 0 : index
    %get3A_111 = vector.load %arg10[%get3A_110] : memref<256xf32, #tpu.memory_space<vmem>>, vector<256xf32>
    %broadcast_in_dim3A_112 = vector.shape_cast %get3A_111 : vector<256xf32> to vector<1x256xf32>
    %add3A_113 = vector.broadcast %broadcast_in_dim3A_112 : vector<1x256xf32> to vector<512x256xf32>
    %add3A_114 = arith.addf %dot_general3A_109, %add3A_113 : vector<512x256xf32>
    %max3A_115 = arith.maximumf %add3A_84, %add3A_114 : vector<512x256xf32>
    %mul3A = arith.mulf %max3A_54, %max3A_115 : vector<512x256xf32>
    %reduce_sum3A = arith.constant dense<0.000000e+00> : vector<512xf32>
    %reduce_sum3A_116 = vector.multi_reduction <add>, %mul3A, %reduce_sum3A [1] : vector<512x256xf32> to vector<512xf32>
    %get3A_117 = arith.constant 0 : index
    %get3A_118 = vector.load %arg11[%get3A_117] : memref<512xf32, #tpu.memory_space<vmem>>, vector<512xf32>
    %add3A_119 = arith.addf %reduce_sum3A_116, %get3A_118 : vector<512xf32>
    %swap3A = arith.constant 0 : index
    %swap3A_120 = vector.load %arg12[%swap3A] : memref<512xf32, #tpu.memory_space<vmem>>, vector<512xf32>
    tpu.vector_store %arg12[%swap3A], %add3A_119 {strides = array<i32>} : memref<512xf32, #tpu.memory_space<vmem>>, vector<512xf32>,
    return
  }
  func.func @transform_0(%arg0: i32) -> (i32, i32, i32) {
    %c0_i32 = arith.constant 0 : i32
    %c0_i32_0 = arith.constant 0 : i32
    %c0_i32_1 = arith.constant 0 : i32
    return %c0_i32, %arg0, %c0_i32_0 : i32, i32, i32
  }
  func.func @transform_1(%arg0: i32) -> (i32, i32, i32) {
    %c0_i32 = arith.constant 0 : i32
    %c0_i32_0 = arith.constant 0 : i32
    %c0_i32_1 = arith.constant 0 : i32
    return %c0_i32, %arg0, %c0_i32_0 : i32, i32, i32
  }
  func.func @transform_2(%arg0: i32) -> (i32, i32) {
    %c0_i32 = arith.constant 0 : i32
    %c0_i32_0 = arith.constant 0 : i32
    %c0_i32_1 = arith.constant 0 : i32
    return %c0_i32, %c0_i32_0 : i32, i32
  }
  func.func @transform_3(%arg0: i32) -> i32 {
    %c0_i32 = arith.constant 0 : i32
    %c0_i32_0 = arith.constant 0 : i32
    return %c0_i32 : i32
  }
  func.func @transform_4(%arg0: i32) -> (i32, i32) {
    %c0_i32 = arith.constant 0 : i32
    %c0_i32_0 = arith.constant 0 : i32
    %c0_i32_1 = arith.constant 0 : i32
    return %c0_i32, %c0_i32_0 : i32, i32
  }
  func.func @transform_5(%arg0: i32) -> i32 {
    %c0_i32 = arith.constant 0 : i32
    %c0_i32_0 = arith.constant 0 : i32
    return %c0_i32 : i32
  }
  func.func @transform_6(%arg0: i32) -> (i32, i32) {
    %c0_i32 = arith.constant 0 : i32
    %c0_i32_0 = arith.constant 0 : i32
    %c0_i32_1 = arith.constant 0 : i32
    return %c0_i32, %c0_i32_0 : i32, i32
  }
  func.func @transform_7(%arg0: i32) -> i32 {
    %c0_i32 = arith.constant 0 : i32
    %c0_i32_0 = arith.constant 0 : i32
    return %c0_i32 : i32
  }
  func.func @transform_8(%arg0: i32) -> (i32, i32) {
    %c0_i32 = arith.constant 0 : i32
    %c0_i32_0 = arith.constant 0 : i32
    %c0_i32_1 = arith.constant 0 : i32
    return %c0_i32, %c0_i32_0 : i32, i32
  }
  func.func @transform_9(%arg0: i32) -> i32 {
    %c0_i32 = arith.constant 0 : i32
    %c0_i32_0 = arith.constant 0 : i32
    return %c0_i32 : i32
  }
  func.func @transform_10(%arg0: i32) -> i32 {
    %c0_i32 = arith.constant 0 : i32
    return %arg0 : i32
  }
  func.func @transform_11(%arg0: i32) -> i32 {
    %c0_i32 = arith.constant 0 : i32
    return %arg0 : i32
  }
}

</mosaic_0001>

<sc_bundles>
// kernel: kernel.10.cloned.1.call-start
scs
__scs_entry_jumppad:
0x0: {  	(pc) =	sbr.rel $0x88, $3  }
0x1: {  	(tag) =	ssettag $0x0;
	lr =	simm.s32 $0x1  }
0x2: {  	[smem:$0x3F93] =	sst lr;
	_ =	strace $0xD0000000  }
0x3: {  	_ = 	snop  }
0x4: {  	_ = 	snop  }
0x5: {  	_ = 	snop  }
0x6: {  	_ = 	snop  }
0x7: {  	_ = 	snop  }
__scs_overlays_trampoline_lowered:
0x8: {  	[smem:$0x3FA2] =	sst s0  }
0x9: {  	[smem:$0x3FA3] =	sst s1  }
0xa: {  	[smem:$0x3FA4] =	sst s2  }
0xb: {  	[smem:$0x3FA5] =	sst s3  }
0xc: {  	[smem:$0x3FA6] =	sst s4  }
0xd: {  	[smem:$0x3FA7] =	sst s5  }
0xe: {  	[smem:$0x3FA8] =	sst s6  }
0xf: {  	[smem:$0x3FA9] =	sst s7  }
0x10: {  	[smem:$0x3FAA] =	sst s8  }
0x11: {  	[smem:$0x3FAB] =	sst s9;
	s0 =	simm.s32 @!p0 $0x0  }
0x12: {  	s1 =	sld [smem:$0x3F91];
	s0 =	simm.s32 @p0 $0x1  }
0x13: {  	[smem:$0x3FAC] =	sst s0;
	s0 =	simm.s32 @!p1 $0x0  }
0x14: {  	s2 =	sld [smem:$0x3F90];
	s0 =	simm.s32 @p1 $0x1  }
0x15: {  	[smem:$0x3FAD] =	sst s0;
	s0 =	simm.s32 @!p2 $0x0  }
0x16: {  	s3 =	sld [smem:$0x3FDB];
	s0 =	simm.s32 @p2 $0x1  }
0x17: {  	s4 =	simm.s32 $0x1BF5;
	[smem:$0x3FAF] =	sst s0  }
0x18: {  	s0 =	sld [smem:$0x3F92];
	_ =	swait.ge [sflag:s4], $0x0  }
0x19: {  	s7 =	sld [smem:$0x3F93]  }
0x1a: {  	s8 =	sadd.s32 $0xFFFFE003, lr  }
0x1b: {  	s9 =	sadd.s32 $0xFFFFFEF7, lr;
	s5 =	simm.s32 $0xFFFFFFFF;
	p2 =	slt.u32 s8, $0xFFFFF086  }
0x1c: {  	p1 =	slt.u32 s9, $0xF7A;
	s5 =	simm.s32 @!p2 $0x0  }
0x1d: {  	s5 =	simm.s32 @p1 $0x1;
	p0 =	seq.s32 s7, s2  }
0x1e: {  	s7 =	smul.u32 @!p0 $0xF7A, s2;
	p2 =	seq.s32 @!p0 s5, $0x0  }
0x1f: {  	s9 =	smul.u32 $0xF7A, s1;
	s8 =	simm.s32 @!p0 $0x1BF5;
	p2 =	por !p2, p0  }
0x20: {  	[sflag:s8] =	ssyncset.s32 @!p0 $0xFFFFF086;
	s6 =	sadd.s32 @!p0 s3, s7;
	s7 =	simm.s32 @!p0 $0x108  }
0x21: {  	s3 =	sadd.s32 s3, s9;
	s6 =	sadd.s32 @!p0 $0x88, s6;
	s7 =	simm.s32 @p2 $0x1082  }
0x22: {  	[simem:s7], [sflag:s8] =	dma.local @!p0 [hbm:s6], $0xF7A  }
0x23: {  	s9 =	sor.u32 $0xD0000000, s2;
	s6 =	simm.s32 $0x108;
	_ =	swait.ge @!p0 [sflag:s8], $0x0  }
0x24: {  	s3 =	sadd.s32 $0x88, s3;
	s6 =	simm.s32 @!p1 $0x1082;
	[sflag:s4] =	ssyncset.s32 $0xFFFFF086  }
0x25: {  	[simem:s6], [sflag:s4] =	dma.local [hbm:s3], $0xF7A  }
0x26: {  	[smem:$0x3F93] =	sst s1;
	(tag) =	ssettag s2;
	_ =	strace s9  }
0x27: {  	s1 =	sld [smem:$0x3FA3]  }
0x28: {  	s2 =	sld [smem:$0x3FA4]  }
0x29: {  	s4 =	sld [smem:$0x3FA6]  }
0x2a: {  	p0 =	seq.s32 s5, $0x0;
	s5 =	sld [smem:$0x3FA7]  }
0x2b: {  	s6 =	sld [smem:$0x3FA8]  }
0x2c: {  	s7 =	sld [smem:$0x3FA9]  }
0x2d: {  	s3 =	simm.s32 $0x108;
	s8 =	sld [smem:$0x3FAA]  }
0x2e: {  	s3 =	simm.s32 @!p0 $0x1082;
	s9 =	sld [smem:$0x3FAB]  }
0x2f: {  	lr =	sadd.s32 s0, s3;
	s0 =	sld [smem:$0x3FA2]  }
0x30: {  	s3 =	sld [smem:$0x3FA5]  }
0x31: {  	[smem:$0x3FAE] =	sst s10  }
0x32: {  	s10 =	sld [smem:$0x3FAC];
	_ =	sdelay $0x3  }
0x33: {  	p0 =	seq.s32 s10, $0x1;
	s10 =	sld [smem:$0x3FAE];
	_ =	sdelay $0x3  }
0x34: {  	[smem:$0x3FAE] =	sst s10  }
0x35: {  	s10 =	sld [smem:$0x3FAD];
	_ =	sdelay $0x3  }
0x36: {  	p1 =	seq.s32 s10, $0x1;
	s10 =	sld [smem:$0x3FAE];
	_ =	sdelay $0x3  }
0x37: {  	[smem:$0x3FAE] =	sst s10  }
0x38: {  	s10 =	sld [smem:$0x3FAF]  }
0x39: {  	_ = 	snop;
	(pc) =	sbr.ind lr, $3  }
0x3a: {  	_ = 	snop  }
0x3b: {  	_ = 	snop  }
0x3c: {  	p2 =	seq.s32 s10, $0x1;
	s10 =	sld [smem:$0x3FAE]  }
0x3d: {  	_ =	shalt  }
0x3e: {  	_ =	shalt  }
0x3f: {  	_ =	shalt  }
0x40: {  	_ =	shalt  }
0x41: {  	_ =	shalt  }
0x42: {  	_ =	shalt  }
0x43: {  	_ =	shalt  }
0x44: {  	_ =	shalt  }
0x45: {  	_ =	shalt  }
0x46: {  	_ =	shalt  }
0x47: {  	_ =	shalt  }
0x48: {  	_ =	shalt  }
0x49: {  	_ =	shalt  }
0x4a: {  	_ =	shalt  }
0x4b: {  	_ =	shalt  }
0x4c: {  	_ =	shalt  }
0x4d: {  	_ =	shalt  }
0x4e: {  	_ =	shalt  }
0x4f: {  	_ =	shalt  }
0x50: {  	_ =	shalt  }
0x51: {  	_ =	shalt  }
0x52: {  	_ =	shalt  }
0x53: {  	_ =	shalt  }
0x54: {  	_ =	shalt  }
0x55: {  	_ =	shalt  }
0x56: {  	_ =	shalt  }
0x57: {  	_ =	shalt  }
0x58: {  	_ =	shalt  }
0x59: {  	_ =	shalt  }
0x5a: {  	_ =	shalt  }
0x5b: {  	_ =	shalt  }
0x5c: {  	_ =	shalt  }
0x5d: {  	_ =	shalt  }
0x5e: {  	_ =	shalt  }
0x5f: {  	_ =	shalt  }
0x60: {  	_ =	shalt  }
0x61: {  	_ =	shalt  }
0x62: {  	_ =	shalt  }
0x63: {  	_ =	shalt  }
0x64: {  	_ =	shalt  }
0x65: {  	_ =	shalt  }
0x66: {  	_ =	shalt  }
0x67: {  	_ =	shalt  }
0x68: {  	_ =	shalt  }
0x69: {  	_ =	shalt  }
0x6a: {  	_ =	shalt  }
0x6b: {  	_ =	shalt  }
0x6c: {  	_ =	shalt  }
0x6d: {  	_ =	shalt  }
0x6e: {  	_ =	shalt  }
0x6f: {  	_ =	shalt  }
0x70: {  	_ =	shalt  }
0x71: {  	_ =	shalt  }
0x72: {  	_ =	shalt  }
0x73: {  	_ =	shalt  }
0x74: {  	_ =	shalt  }
0x75: {  	_ =	shalt  }
0x76: {  	_ =	shalt  }
0x77: {  	_ =	shalt  }
0x78: {  	_ =	shalt  }
0x79: {  	_ =	shalt  }
0x7a: {  	_ =	shalt  }
0x7b: {  	_ =	shalt  }
0x7c: {  	_ =	shalt  }
0x7d: {  	_ =	shalt  }
0x7e: {  	_ =	shalt  }
0x7f: {  	_ =	shalt  }
0x80: {  	_ =	shalt  }
0x81: {  	_ =	shalt  }
0x82: {  	_ =	shalt  }
0x83: {  	_ =	shalt  }
0x84: {  	_ =	shalt  }
0x85: {  	_ =	shalt  }
0x86: {  	_ =	shalt  }
0x87: {  	_ =	shalt  }
.Lfunc_end0:
.L_simem_size_0:
called_computation_lowered:
.L_overlay_start_0:
0x88: {  	s2 =	sld [smem:$0x3FD9]  }
0x89: {  	s3 =	sld [smem:$0x3FFE];
	_ =	sdelay $0x1  }
0x8a: {  	s1 =	srdreg.scid  }
0x8b: {  	s0 =	sand.u32 $0x1, s1  }
0x8c: {  	s17 =	sshll.u32 s0, $0xA;
	s2 =	sadd.s32 s3, s2  }
0x8d: {  	s2 =	sadd.s32 s2, s17  }
0x8e: {  	[smem:$0x3FBA] =	sst s2  }
0x8f: {  	_ = 	snop  }
0x90: {  	s18 =	sld [smem:$0x3FC9]  }
0x91: {  	s4 =	sld [smem:$0x3FC8]  }
0x92: {  	s6 =	sld [smem:$0x3FC7]  }
0x93: {  	s7 =	sld [smem:$0x3FC6]  }
0x94: {  	s8 =	sld [smem:$0x3FBD]  }
0x95: {  	s9 =	sld [smem:$0x3FBC]  }
0x96: {  	s5 =	sld [smem:$0x3FD0];
	(tm) =	ssettm $0x1  }
0x97: {  	s19 =	sld [smem:$0x3FFB];
	_ =	sdelay $0x3  }
0x98: {  	_ =	strace s19  }
0x99: {  	s2 =	sld [smem:$0x3FFC];
	_ =	sdelay $0x3  }
0x9a: {  	_ =	strace s2  }
0x9b: {  	s2 =	sld [smem:$0x3FFD];
	_ =	sdelay $0x3  }
0x9c: {  	_ =	strace s2  }
0x9d: {  	_ =	strace $0x8FFFFFFF  }
0x9e: {  	s20 =	sld [smem:$0x3FDB];
	_ =	sdelay $0x1  }
0x9f: {  	s10 =	simm.s32 $_scs_section_size  }
0xa0: {  	s11 =	simm.s32 $_size__tile_overlayer_lowered;
	s12 =	simm.s32 $_tile_overlayer_lowered  }
0xa1: {  	s13 =	simm.s32 $0x1BFF;
	s21 =	sshll.u32 s12, $0x1;
	s10 =	sadd.s32 s10, s20  }
0xa2: {  	s22 =	simm.s32 $0x0;
	s11 =	sshll.u32 s11, $0x1;
	s12 =	sadd.s32 s21, s10  }
0xa3: {  	[timem:s22], [sflag:s13] =	dma.local [hbm:s12], s11  }
0xa4: {  	_ =	swait.ge [sflag:s13], s11  }
0xa5: {  	s11 =	ssub.s32 $0x0, s11;
	[sflag:s13] =	ssyncset.done $0x0  }
0xa6: {  	[sflag:s13] =	ssyncadd.s32 s11;
	_ =	sdelay $0x1  }
0xa7: {  	s23 =	simm.s32 $0x1B8B  }
0xa8: {  	_ =	swait.ge [sflag:s23], $0x1  }
0xa9: {  	[sflag:s23] =	ssyncset.done $0x0  }
0xaa: {  	[sflag:s23] =	ssyncadd.s32 $0xFFFFFFFF  }
0xab: {  	s11 =	sld [smem:$0x0]  }
0xac: {  	s12 =	sand.u32 $0xFFFFFFFE, s1  }
0xad: {  	p0 =	sne.s32 s1, s12  }
0xae: {  	s12 =	sshll.u32 @p0 s12, $0xE  }
0xaf: {  	s12 =	sadd.s32 @p0 $0x11B8D, s12;
	s13 =	sshll.u32 @p0 s11, $0x11  }
0xb0: {  	s12 =	sor.u32 @p0 s13, s12  }
0xb1: {  	[sflag:s12] =	ssyncadd.remote.s32 @p0 $0x1;
	_ =	sdelay $0x1  }
0xb2: {  	s12 =	simm.s32 @p0 $0x1B8D  }
0xb3: {  	_ =	swait.eq @p0 [sflag:s12], $0x1  }
0xb4: {  	[sflag:s12] =	ssyncadd.s32 @p0 $0xFFFFFFFF  }
0xb5: {  	s13 =	sshll.u32 @!p0 s1, $0xE  }
0xb6: {  	s13 =	sor.u32 @!p0 $0x4000, s13;
	s12 =	simm.s32 @!p0 $0x1B8D  }
0xb7: {  	s11 =	sshll.u32 @!p0 s11, $0x11;
	s13 =	sadd.s32 @!p0 $0x11B8D, s13;
	_ =	swait.eq @!p0 [sflag:s12], $0x1  }
0xb8: {  	s11 =	sor.u32 @!p0 s11, s13;
	[sflag:s12] =	ssyncadd.s32 @!p0 $0xFFFFFFFF  }
0xb9: {  	s25 =	simm.s32 $0x1B8E;
	s24 =	sld [smem:$0x3FFE];
	[sflag:s11] =	ssyncadd.remote.s32 @!p0 $0x1  }
0xba: {  	s26 =	simm.s32 $execute0_lowered;
	[smem:$0x3FD2] =	sst s25  }
0xbb: {  	s12 =	sshll.u32 s26, $0x1;
	_ =	strace $0x8000004F;
	[dreg:$0x1] =	wrdreg $0xFFFFFFFF  }
0xbc: {  	s28 =	simm.s32 $_size_execute0_lowered;
	s10 =	sadd.s32 s10, s12;
	[dreg:$0x0] =	wrdreg $0x0  }
0xbd: {  	s12 =	sshll.u32 s28, $0x1;
	[dreg:$0x2] =	wrdreg s10  }
0xbe: {  	[dreg:$0x3] =	wrdreg s12  }
0xbf: {  	[dreg:$0x4] =	wrdreg $0xC0  }
0xc0: {  	_ =	task [dreg:s22], $0x5FFFF  }
0xc1: {  	[dreg:$0x1] =	wrdreg $0xFFFFFFFF  }
0xc2: {  	[dreg:$0x0] =	wrdreg $0x60  }
0xc3: {  	[dreg:$0x2] =	wrdreg s6  }
0xc4: {  	[dreg:$0x3] =	wrdreg s7  }
0xc5: {  	[dreg:$0x4] =	wrdreg s8  }
0xc6: {  	[dreg:$0x5] =	wrdreg s9  }
0xc7: {  	[dreg:$0x6] =	wrdreg s18  }
0xc8: {  	[dreg:$0x7] =	wrdreg s4  }
0xc9: {  	[dreg:$0x8] =	wrdreg s24  }
0xca: {  	[dreg:$0x9] =	wrdreg s5  }
0xcb: {  	[dreg:$0xa] =	wrdreg $0x9  }
0xcc: {  	_ =	task.clear_ibuf [dreg:s22], $0xBFFFF;
	_ =	strace $0x9000004F  }
0xcd: {  	s29 =	simm.s32 $0x9;
	_ =	strace $0x80000051  }
0xce: {  	_ =	swait.ge [sflag:s29], $0x1  }
0xcf: {  	[sflag:s29] =	ssyncadd.s32 $0xFFFFFFFF  }
0xd0: {  	_ =	strace $0x90000051  }
0xd1: {  	_ =	sfence  }
0xd2: {  	s30 =	sld [smem:$0x0];
	_ =	sdelay $0x2  }
0xd3: {  	s31 =	sshll.u32 s1, $0xD;
	s1 =	sshrl.u32 s1, $0x2  }
0xd4: {  	s4 =	sand.u32 $0x4000, s31;
	s1 =	sadd.s32 s1, s30  }
0xd5: {  	s0 =	sor.u32 s4, s0;
	s1 =	sshll.u32 s1, $0x11  }
0xd6: {  	s0 =	sor.u32 s1, s0  }
0xd7: {  	s0 =	sadd.s32 $0x8F2B, s0  }
0xd8: {  	[sflag:s0] =	ssyncadd.remote.s32 $0x1  }
0xd9: {  	_ =	sfence.sel $0xFFFF  }
0xda: {  	[dreg:$0x0] =	wrdreg $0xFFFFFFFF;
	(pc) =	sbr.abs _section_cstart, $3  }
0xdb: {  	[dreg:$0x1] =	wrdreg $0xFFFFFFFF  }
0xdc: {  	_ =	task.clear_ibuf [dreg:s22], $0x2FFFF;
	_ =	strace $0x9FFFFFFF  }
0xdd: {  	(tm) =	ssettm $0x7FFFFFFF  }
tec
execute0_lowered:
.L_overlay_start_1:
0x0: {  	(tag) =	ssettag $0x1  }
0x1: {  	s0 =	rddreg [dreg:$0x0]  }
0x2: {  	s1 =	rddreg [dreg:$0x1]  }
0x3: {  	s2 =	rddreg [dreg:$0x2]  }
0x4: {  	s25 =	rddreg [dreg:$0x3]  }
0x5: {  	s26 =	rddreg [dreg:$0x4]  }
0x6: {  	s5 =	rddreg [dreg:$0x5]  }
0x7: {  	s6 =	rddreg [dreg:$0x6]  }
0x8: {  	s9 =	rddreg [dreg:$0x7];
	s7 =	srdreg.scid  }
0x9: {  	s4 =	simm.s32 $0x0;
	s3 =	stileid.u32;
	s28 =	simm.s32 $0x5A00  }
0xa: {  	s29 =	simm.s32 $0x1;
	s30 =	simm.s32 $0x2;
	[dreg:$0x9] =	wrdreg s2  }
0xb: {  	s31 =	simm.s32 $0x3;
	[dreg:$0xa] =	wrdreg s25;
	s7 =	sand.u32 $0x1, s7  }
0xc: {  	[smem:$0x7FF] =	sst s4;
	s8 =	sshll.u32 s3, $0x3;
	s3 =	sadd.s32 $0x124E00, s6  }
0xd: {  	s12 =	sadd.s32 $0x154E00, s6;
	s6 =	sadd.s32 $0x200, s0;
	s10 =	sshll.u32 s7, $0x2  }
0xe: {  	_ =	strace $0x80000050;
	s7 =	ssub.s32 $0x2, s7;
	s10 =	sor.u32 s10, s8  }
0xf: {  	s17 =	sshrl.u32 s7, $0x1;
	s8 =	sadd.s32 $0x200, s1;
	s11 =	smul.u32 $0x1800, s10  }
0x10: {  	s2 =	sadd.s32 s26, s10;
	s18 =	sadd.s32 s5, s10;
	s16 =	ssub.s32 s7, s17  }
0x11: {  	s5 =	sadd.s32 $0x100, s0;
	s7 =	sadd.s32 $0x100, s1;
	[dreg:$0xb] =	wrdreg s2  }
0x12: {  	s9 =	sadd.s32 s9, s10;
	s17 =	simm.s32 $0xA00;
	[dreg:$0xc] =	wrdreg s18  }
0x13: {  	s10 =	smax.u32 s16, $0x1;
	s16 =	simm.s32 $0x200;
	s11 =	sshrl.u32 s11, $0x3  }
0x14: {  	s18 =	simm.s32 $0x1200;
	s2 =	simm.s32 $0x4;
	s19 =	sadd.s32 s3, s11  }
0x15: {  	s13 =	sadd.s32 $0x600, s11;
	s23 =	sadd.s32 s12, s11;
	[dreg:$0xd] =	wrdreg s19  }
0x16: {  	s14 =	sadd.s32 $0x18000, s11;
	s20 =	sadd.s32 s3, s13;
	[dreg:$0x11] =	wrdreg s23  }
0x17: {  	s15 =	sadd.s32 $0x18600, s11;
	s21 =	sadd.s32 s3, s14;
	[dreg:$0xe] =	wrdreg s20  }
0x18: {  	s11 =	simm.s32 $0x5;
	s22 =	sadd.s32 s3, s15;
	[dreg:$0xf] =	wrdreg s21  }
0x19: {  	s24 =	sadd.s32 s12, s13;
	s25 =	sadd.s32 s12, s14;
	[dreg:$0x10] =	wrdreg s22  }
0x1a: {  	s26 =	sadd.s32 s12, s15;
	s12 =	simm.s32 $0x100;
	[dreg:$0x12] =	wrdreg s24  }
0x1b: {  	s13 =	simm.s32 $0x20;
	s14 =	simm.s32 $0x6200;
	[dreg:$0x13] =	wrdreg s25  }
0x1c: {  	v2 =	vlaneseq.u32;
	s19 =	simm.s32 $0x1A00;
	s23 =	simm.s32 $0x3A00;
	[dreg:$0x14] =	wrdreg s26  }
0x1d: {  	vm0 =	vmmov $0xffff;
	v1 =	vshrl.u32 v2, $0x3;
	s20 =	simm.s32 $0x2200;
	s21 =	simm.s32 $0x2A00;
	s22 =	simm.s32 $0x3200  }
0x1e: {  	v0 =	vand.u32 $0x7, v2;
	v2 =	vor.u32 $0x8, v2;
	v1 =	vmul.u32 $0x8, v1;
	s24 =	simm.s32 $0x4200;
	s25 =	simm.s32 $0x4A00;
	s26 =	simm.s32 $0x5200  }
.LBB2_1:
0x1f: {  	s3 =	rddreg [dreg:$0xb]  }
0x20: {  	[tilespmem:s4], [sflag:$0x5] =	stream.linear.gather [hbm4b:s3+s4], $0x20, $0x38;
	[tilespmem:$0x6300] =	vst v63  }
0x21: {  	_ =	swait.ge [sflag:s11], $0x20  }
0x22: {  	[sflag:s11] =	ssyncset.done $0x0  }
0x23: {  	s15 =	rddreg [dreg:$0xc];
	[sflag:s11] =	ssyncadd.s32 $0xFFFFFFE0  }
0x24: {  	[tilespmem:s12], [sflag:$0x5] =	stream.linear.gather [hbm4b:s15+s4], $0x20, $0x38;
	[tilespmem:$0x6300] =	vst v63  }
0x25: {  	_ =	swait.ge [sflag:s11], $0x20  }
0x26: {  	[sflag:s11] =	ssyncset.done $0x0  }
0x27: {  	s3 =	rddreg [dreg:$0x9];
	[sflag:s11] =	ssyncadd.s32 $0xFFFFFFE0  }
0x28: {  	[tilespmem:s14], [sflag:$0x3] =	stream.indirect.gather [hbm4b:s3+s13], $0x1, s4, s13, $0xb8;
	[tilespmem:$0x6300] =	vst v63  }
0x29: {  	s15 =	rddreg [dreg:$0xa];
	s3 =	simm.s32 $0x6280  }
0x2a: {  	[tilespmem:s3], [sflag:$0x4] =	stream.indirect.gather [hbm4b:s15+s13], $0x1, s12, s13, $0xb8;
	[tilespmem:$0x6300] =	vst v63  }
0x2b: {  	v3 =	vld [tilespmem:$0x0];
	_ =	sdelay $0x4  }
0x2c: {  	v4 =	vshrl.u32 v3, $0x3  }
0x2d: {  	v5 =	vld [tilespmem:$0x0];
	v4 =	vmul.u32 $0x30, v4  }
0x2e: {  	v6 =	vld [tilespmem:$0x100];
	v3 =	vand.u32 $0x7, v3  }
0x2f: {  	v7 =	vld [tilespmem:$0x10];
	v3 =	vor.u32 v3, v4  }
0x30: {  	v50 =	vld [tilespmem:$0x110];
	v8 =	vperm.xlane v3, v0;
	_ =	sdelay $0x1  }
0x31: {  	v5 =	vadd.s32 $0x186A0, v5;
	v8 =	vadd.s32 v1, v8  }
0x32: {  	v51 =	vadd.s32 $0x186A0, v6;
	[tilespmem:$0x80] =	vst v5  }
0x33: {  	v52 =	vadd.s32 $0x186A0, v7;
	[tilespmem:$0x180] =	vst v51  }
0x34: {  	[tilespmem:$0x90] =	vst v52;
	v4 =	vadd.s32 $0x186A0, v50  }
0x35: {  	[tilespmem:$0x190] =	vst v4;
	v3 =	vperm.xlane v3, v2  }
0x36: {  	[tilespmem:s16], [sflag:$0x1] =	stream.indirect_vreg.gather [hbm4b:s0+s4], $0x80, v8, vm0, $0xb8;
	[tilespmem:$0x6300] =	vst v63  }
0x37: {  	v3 =	vadd.s32 v1, v3  }
0x38: {  	[tilespmem:s17], [sflag:$0x1] =	stream.indirect_vreg.gather [hbm4b:s5+s4], $0x80, v8, vm0, $0xb8;
	[tilespmem:$0x6300] =	vst v63  }
0x39: {  	_ = 	snop  }
0x3a: {  	[tilespmem:s18], [sflag:$0x1] =	stream.indirect_vreg.gather [hbm4b:s6+s4], $0x80, v8, vm0, $0xb8;
	[tilespmem:$0x6300] =	vst v63  }
0x3b: {  	_ = 	snop  }
0x3c: {  	[tilespmem:s19], [sflag:$0x1] =	stream.indirect_vreg.gather [hbm4b:s0+s4], $0x80, v3, vm0, $0xb8;
	[tilespmem:$0x6300] =	vst v63  }
0x3d: {  	_ = 	snop  }
0x3e: {  	[tilespmem:s20], [sflag:$0x1] =	stream.indirect_vreg.gather [hbm4b:s5+s4], $0x80, v3, vm0, $0xb8;
	[tilespmem:$0x6300] =	vst v63  }
0x3f: {  	_ = 	snop  }
0x40: {  	[tilespmem:s21], [sflag:$0x1] =	stream.indirect_vreg.gather [hbm4b:s6+s4], $0x80, v3, vm0, $0xb8;
	[tilespmem:$0x6300] =	vst v63  }
0x41: {  	v3 =	vld [tilespmem:$0x10];
	_ =	sdelay $0x4  }
0x42: {  	v53 =	vshrl.u32 v3, $0x3  }
0x43: {  	v4 =	vmul.u32 $0x30, v53  }
0x44: {  	v3 =	vand.u32 $0x7, v3  }
0x45: {  	v3 =	vor.u32 v3, v4  }
0x46: {  	v4 =	vperm.xlane v3, v0;
	_ =	sdelay $0x1  }
0x47: {  	v4 =	vadd.s32 v1, v4;
	_ =	sdelay $0x3  }
0x48: {  	v3 =	vperm.xlane v3, v2  }
0x49: {  	[tilespmem:s22], [sflag:$0x2] =	stream.indirect_vreg.gather [hbm4b:s0+s4], $0x80, v4, vm0, $0xb8;
	[tilespmem:$0x6300] =	vst v63  }
0x4a: {  	v3 =	vadd.s32 v1, v3  }
0x4b: {  	[tilespmem:s23], [sflag:$0x2] =	stream.indirect_vreg.gather [hbm4b:s5+s4], $0x80, v4, vm0, $0xb8;
	[tilespmem:$0x6300] =	vst v63  }
0x4c: {  	_ = 	snop  }
0x4d: {  	[tilespmem:s24], [sflag:$0x2] =	stream.indirect_vreg.gather [hbm4b:s6+s4], $0x80, v4, vm0, $0xb8;
	[tilespmem:$0x6300] =	vst v63  }
0x4e: {  	_ = 	snop  }
0x4f: {  	[tilespmem:s25], [sflag:$0x2] =	stream.indirect_vreg.gather [hbm4b:s0+s4], $0x80, v3, vm0, $0xb8;
	[tilespmem:$0x6300] =	vst v63  }
0x50: {  	_ = 	snop  }
0x51: {  	[tilespmem:s26], [sflag:$0x2] =	stream.indirect_vreg.gather [hbm4b:s5+s4], $0x80, v3, vm0, $0xb8;
	[tilespmem:$0x6300] =	vst v63  }
0x52: {  	_ = 	snop  }
0x53: {  	[tilespmem:s28], [sflag:$0x2] =	stream.indirect_vreg.gather [hbm4b:s6+s4], $0x80, v3, vm0, $0xb8;
	[tilespmem:$0x6300] =	vst v63  }
0x54: {  	_ =	swait.ge [sflag:s29], $0x3000  }
0x55: {  	[sflag:s29] =	ssyncset.done $0x0  }
0x56: {  	s15 =	rddreg [dreg:$0xd];
	[sflag:s29] =	ssyncadd.s32 $0xFFFFD000  }
0x57: {  	[hbm4b:s15+s4] =	stream.linear.scatter [tilespmem:s16], [sflag:$0x5], $0x3000, $0x38;
	[tilespmem:$0x6300] =	vst v63  }
0x58: {  	_ =	swait.ge [sflag:s11], $0x3000  }
0x59: {  	[sflag:s11] =	ssyncset.done $0x0  }
0x5a: {  	[sflag:s11] =	ssyncadd.s32 $0xFFFFD000  }
0x5b: {  	v3 =	vld [tilespmem:$0x80];
	_ =	sdelay $0x4  }
0x5c: {  	v54 =	vshrl.u32 v3, $0x3  }
0x5d: {  	v4 =	vmul.u32 $0x30, v54  }
0x5e: {  	v3 =	vand.u32 $0x7, v3  }
0x5f: {  	v3 =	vor.u32 v3, v4  }
0x60: {  	v4 =	vperm.xlane v3, v0;
	_ =	sdelay $0x1  }
0x61: {  	v4 =	vadd.s32 v1, v4;
	_ =	sdelay $0x3  }
0x62: {  	v3 =	vperm.xlane v3, v2  }
0x63: {  	[tilespmem:s16], [sflag:$0x1] =	stream.indirect_vreg.gather [hbm4b:s0+s4], $0x80, v4, vm0, $0xb8;
	[tilespmem:$0x6300] =	vst v63  }
0x64: {  	v3 =	vadd.s32 v1, v3  }
0x65: {  	[tilespmem:s17], [sflag:$0x1] =	stream.indirect_vreg.gather [hbm4b:s5+s4], $0x80, v4, vm0, $0xb8;
	[tilespmem:$0x6300] =	vst v63  }
0x66: {  	_ = 	snop  }
0x67: {  	[tilespmem:s18], [sflag:$0x1] =	stream.indirect_vreg.gather [hbm4b:s6+s4], $0x80, v4, vm0, $0xb8;
	[tilespmem:$0x6300] =	vst v63  }
0x68: {  	_ = 	snop  }
0x69: {  	[tilespmem:s19], [sflag:$0x1] =	stream.indirect_vreg.gather [hbm4b:s0+s4], $0x80, v3, vm0, $0xb8;
	[tilespmem:$0x6300] =	vst v63  }
0x6a: {  	_ = 	snop  }
0x6b: {  	[tilespmem:s20], [sflag:$0x1] =	stream.indirect_vreg.gather [hbm4b:s5+s4], $0x80, v3, vm0, $0xb8;
	[tilespmem:$0x6300] =	vst v63  }
0x6c: {  	_ = 	snop  }
0x6d: {  	[tilespmem:s21], [sflag:$0x1] =	stream.indirect_vreg.gather [hbm4b:s6+s4], $0x80, v3, vm0, $0xb8;
	[tilespmem:$0x6300] =	vst v63  }
0x6e: {  	_ =	swait.ge [sflag:s30], $0x3000  }
0x6f: {  	[sflag:s30] =	ssyncset.done $0x0  }
0x70: {  	s15 =	rddreg [dreg:$0xe];
	[sflag:s30] =	ssyncadd.s32 $0xFFFFD000  }
0x71: {  	[hbm4b:s15+s4] =	stream.linear.scatter [tilespmem:s22], [sflag:$0x5], $0x3000, $0x38;
	[tilespmem:$0x6300] =	vst v63  }
0x72: {  	_ =	swait.ge [sflag:s11], $0x3000  }
0x73: {  	[sflag:s11] =	ssyncset.done $0x0  }
0x74: {  	[sflag:s11] =	ssyncadd.s32 $0xFFFFD000  }
0x75: {  	v3 =	vld [tilespmem:$0x90];
	_ =	sdelay $0x4  }
0x76: {  	v55 =	vshrl.u32 v3, $0x3  }
0x77: {  	v4 =	vmul.u32 $0x30, v55  }
0x78: {  	v3 =	vand.u32 $0x7, v3  }
0x79: {  	v3 =	vor.u32 v3, v4  }
0x7a: {  	v4 =	vperm.xlane v3, v0;
	_ =	sdelay $0x1  }
0x7b: {  	v4 =	vadd.s32 v1, v4;
	_ =	sdelay $0x3  }
0x7c: {  	v3 =	vperm.xlane v3, v2  }
0x7d: {  	[tilespmem:s22], [sflag:$0x2] =	stream.indirect_vreg.gather [hbm4b:s0+s4], $0x80, v4, vm0, $0xb8;
	[tilespmem:$0x6300] =	vst v63  }
0x7e: {  	v3 =	vadd.s32 v1, v3  }
0x7f: {  	[tilespmem:s23], [sflag:$0x2] =	stream.indirect_vreg.gather [hbm4b:s5+s4], $0x80, v4, vm0, $0xb8;
	[tilespmem:$0x6300] =	vst v63  }
0x80: {  	_ = 	snop  }
0x81: {  	[tilespmem:s24], [sflag:$0x2] =	stream.indirect_vreg.gather [hbm4b:s6+s4], $0x80, v4, vm0, $0xb8;
	[tilespmem:$0x6300] =	vst v63  }
0x82: {  	_ = 	snop  }
0x83: {  	[tilespmem:s25], [sflag:$0x2] =	stream.indirect_vreg.gather [hbm4b:s0+s4], $0x80, v3, vm0, $0xb8;
	[tilespmem:$0x6300] =	vst v63  }
0x84: {  	_ = 	snop  }
0x85: {  	[tilespmem:s26], [sflag:$0x2] =	stream.indirect_vreg.gather [hbm4b:s5+s4], $0x80, v3, vm0, $0xb8;
	[tilespmem:$0x6300] =	vst v63  }
0x86: {  	_ = 	snop  }
0x87: {  	[tilespmem:s28], [sflag:$0x2] =	stream.indirect_vreg.gather [hbm4b:s6+s4], $0x80, v3, vm0, $0xb8;
	[tilespmem:$0x6300] =	vst v63  }
0x88: {  	_ =	swait.ge [sflag:s29], $0x3000  }
0x89: {  	[sflag:s29] =	ssyncset.done $0x0  }
0x8a: {  	s15 =	rddreg [dreg:$0xf];
	[sflag:s29] =	ssyncadd.s32 $0xFFFFD000  }
0x8b: {  	[hbm4b:s15+s4] =	stream.linear.scatter [tilespmem:s16], [sflag:$0x5], $0x3000, $0x38;
	[tilespmem:$0x6300] =	vst v63  }
0x8c: {  	_ =	swait.ge [sflag:s11], $0x3000  }
0x8d: {  	[sflag:s11] =	ssyncset.done $0x0  }
0x8e: {  	[sflag:s11] =	ssyncadd.s32 $0xFFFFD000  }
0x8f: {  	v3 =	vld [tilespmem:$0x100];
	_ =	sdelay $0x4  }
0x90: {  	v56 =	vshrl.u32 v3, $0x3  }
0x91: {  	v4 =	vmul.u32 $0x30, v56  }
0x92: {  	v3 =	vand.u32 $0x7, v3  }
0x93: {  	v3 =	vor.u32 v3, v4  }
0x94: {  	v4 =	vperm.xlane v3, v0;
	_ =	sdelay $0x1  }
0x95: {  	v4 =	vadd.s32 v1, v4;
	_ =	sdelay $0x3  }
0x96: {  	v3 =	vperm.xlane v3, v2  }
0x97: {  	[tilespmem:s16], [sflag:$0x1] =	stream.indirect_vreg.gather [hbm4b:s1+s4], $0x80, v4, vm0, $0xb8;
	[tilespmem:$0x6300] =	vst v63  }
0x98: {  	v3 =	vadd.s32 v1, v3  }
0x99: {  	[tilespmem:s17], [sflag:$0x1] =	stream.indirect_vreg.gather [hbm4b:s7+s4], $0x80, v4, vm0, $0xb8;
	[tilespmem:$0x6300] =	vst v63  }
0x9a: {  	_ = 	snop  }
0x9b: {  	[tilespmem:s18], [sflag:$0x1] =	stream.indirect_vreg.gather [hbm4b:s8+s4], $0x80, v4, vm0, $0xb8;
	[tilespmem:$0x6300] =	vst v63  }
0x9c: {  	_ = 	snop  }
0x9d: {  	[tilespmem:s19], [sflag:$0x1] =	stream.indirect_vreg.gather [hbm4b:s1+s4], $0x80, v3, vm0, $0xb8;
	[tilespmem:$0x6300] =	vst v63  }
0x9e: {  	_ = 	snop  }
0x9f: {  	[tilespmem:s20], [sflag:$0x1] =	stream.indirect_vreg.gather [hbm4b:s7+s4], $0x80, v3, vm0, $0xb8;
	[tilespmem:$0x6300] =	vst v63  }
0xa0: {  	_ = 	snop  }
0xa1: {  	[tilespmem:s21], [sflag:$0x1] =	stream.indirect_vreg.gather [hbm4b:s8+s4], $0x80, v3, vm0, $0xb8;
	[tilespmem:$0x6300] =	vst v63  }
0xa2: {  	_ =	swait.ge [sflag:s30], $0x3000  }
0xa3: {  	[sflag:s30] =	ssyncset.done $0x0  }
0xa4: {  	s15 =	rddreg [dreg:$0x10];
	[sflag:s30] =	ssyncadd.s32 $0xFFFFD000  }
0xa5: {  	[hbm4b:s15+s4] =	stream.linear.scatter [tilespmem:s22], [sflag:$0x5], $0x3000, $0x38;
	[tilespmem:$0x6300] =	vst v63  }
0xa6: {  	_ =	swait.ge [sflag:s11], $0x3000  }
0xa7: {  	[sflag:s11] =	ssyncset.done $0x0  }
0xa8: {  	[sflag:s11] =	ssyncadd.s32 $0xFFFFD000  }
0xa9: {  	v3 =	vld [tilespmem:$0x110];
	_ =	sdelay $0x4  }
0xaa: {  	v57 =	vshrl.u32 v3, $0x3  }
0xab: {  	v4 =	vmul.u32 $0x30, v57  }
0xac: {  	v3 =	vand.u32 $0x7, v3  }
0xad: {  	v3 =	vor.u32 v3, v4  }
0xae: {  	v4 =	vperm.xlane v3, v0;
	_ =	sdelay $0x1  }
0xaf: {  	v4 =	vadd.s32 v1, v4;
	_ =	sdelay $0x3  }
0xb0: {  	v3 =	vperm.xlane v3, v2  }
0xb1: {  	[tilespmem:s22], [sflag:$0x2] =	stream.indirect_vreg.gather [hbm4b:s1+s4], $0x80, v4, vm0, $0xb8;
	[tilespmem:$0x6300] =	vst v63  }
0xb2: {  	v3 =	vadd.s32 v1, v3  }
0xb3: {  	[tilespmem:s23], [sflag:$0x2] =	stream.indirect_vreg.gather [hbm4b:s7+s4], $0x80, v4, vm0, $0xb8;
	[tilespmem:$0x6300] =	vst v63  }
0xb4: {  	_ = 	snop  }
0xb5: {  	[tilespmem:s24], [sflag:$0x2] =	stream.indirect_vreg.gather [hbm4b:s8+s4], $0x80, v4, vm0, $0xb8;
	[tilespmem:$0x6300] =	vst v63  }
0xb6: {  	_ = 	snop  }
0xb7: {  	[tilespmem:s25], [sflag:$0x2] =	stream.indirect_vreg.gather [hbm4b:s1+s4], $0x80, v3, vm0, $0xb8;
	[tilespmem:$0x6300] =	vst v63  }
0xb8: {  	_ = 	snop  }
0xb9: {  	[tilespmem:s26], [sflag:$0x2] =	stream.indirect_vreg.gather [hbm4b:s7+s4], $0x80, v3, vm0, $0xb8;
	[tilespmem:$0x6300] =	vst v63  }
0xba: {  	_ = 	snop  }
0xbb: {  	[tilespmem:s28], [sflag:$0x2] =	stream.indirect_vreg.gather [hbm4b:s8+s4], $0x80, v3, vm0, $0xb8;
	[tilespmem:$0x6300] =	vst v63  }
0xbc: {  	_ =	swait.ge [sflag:s29], $0x3000  }
0xbd: {  	[sflag:s29] =	ssyncset.done $0x0  }
0xbe: {  	s15 =	rddreg [dreg:$0x11];
	[sflag:s29] =	ssyncadd.s32 $0xFFFFD000  }
0xbf: {  	[hbm4b:s15+s4] =	stream.linear.scatter [tilespmem:s16], [sflag:$0x5], $0x3000, $0x38;
	[tilespmem:$0x6300] =	vst v63  }
0xc0: {  	_ =	swait.ge [sflag:s11], $0x3000  }
0xc1: {  	[sflag:s11] =	ssyncset.done $0x0  }
0xc2: {  	[sflag:s11] =	ssyncadd.s32 $0xFFFFD000  }
0xc3: {  	v3 =	vld [tilespmem:$0x180];
	_ =	sdelay $0x4  }
0xc4: {  	v58 =	vshrl.u32 v3, $0x3  }
0xc5: {  	v4 =	vmul.u32 $0x30, v58  }
0xc6: {  	v3 =	vand.u32 $0x7, v3  }
0xc7: {  	v3 =	vor.u32 v3, v4  }
0xc8: {  	v4 =	vperm.xlane v3, v0;
	_ =	sdelay $0x1  }
0xc9: {  	v4 =	vadd.s32 v1, v4;
	_ =	sdelay $0x3  }
0xca: {  	v3 =	vperm.xlane v3, v2  }
0xcb: {  	[tilespmem:s16], [sflag:$0x1] =	stream.indirect_vreg.gather [hbm4b:s1+s4], $0x80, v4, vm0, $0xb8;
	[tilespmem:$0x6300] =	vst v63  }
0xcc: {  	v3 =	vadd.s32 v1, v3  }
0xcd: {  	[tilespmem:s17], [sflag:$0x1] =	stream.indirect_vreg.gather [hbm4b:s7+s4], $0x80, v4, vm0, $0xb8;
	[tilespmem:$0x6300] =	vst v63  }
0xce: {  	_ = 	snop  }
0xcf: {  	[tilespmem:s18], [sflag:$0x1] =	stream.indirect_vreg.gather [hbm4b:s8+s4], $0x80, v4, vm0, $0xb8;
	[tilespmem:$0x6300] =	vst v63  }
0xd0: {  	_ = 	snop  }
0xd1: {  	[tilespmem:s19], [sflag:$0x1] =	stream.indirect_vreg.gather [hbm4b:s1+s4], $0x80, v3, vm0, $0xb8;
	[tilespmem:$0x6300] =	vst v63  }
0xd2: {  	_ = 	snop  }
0xd3: {  	[tilespmem:s20], [sflag:$0x1] =	stream.indirect_vreg.gather [hbm4b:s7+s4], $0x80, v3, vm0, $0xb8;
	[tilespmem:$0x6300] =	vst v63  }
0xd4: {  	_ = 	snop  }
0xd5: {  	[tilespmem:s21], [sflag:$0x1] =	stream.indirect_vreg.gather [hbm4b:s8+s4], $0x80, v3, vm0, $0xb8;
	[tilespmem:$0x6300] =	vst v63  }
0xd6: {  	_ =	swait.ge [sflag:s30], $0x3000  }
0xd7: {  	[sflag:s30] =	ssyncset.done $0x0  }
0xd8: {  	s15 =	rddreg [dreg:$0x12];
	[sflag:s30] =	ssyncadd.s32 $0xFFFFD000  }
0xd9: {  	[hbm4b:s15+s4] =	stream.linear.scatter [tilespmem:s22], [sflag:$0x5], $0x3000, $0x38;
	[tilespmem:$0x6300] =	vst v63  }
0xda: {  	_ =	swait.ge [sflag:s11], $0x3000  }
0xdb: {  	[sflag:s11] =	ssyncset.done $0x0  }
0xdc: {  	[sflag:s11] =	ssyncadd.s32 $0xFFFFD000  }
0xdd: {  	v3 =	vld [tilespmem:$0x190];
	_ =	sdelay $0x4  }
0xde: {  	v59 =	vshrl.u32 v3, $0x3  }
0xdf: {  	v4 =	vmul.u32 $0x30, v59  }
0xe0: {  	v3 =	vand.u32 $0x7, v3  }
0xe1: {  	v3 =	vor.u32 v3, v4  }
0xe2: {  	v4 =	vperm.xlane v3, v0;
	_ =	sdelay $0x1  }
0xe3: {  	v4 =	vadd.s32 v1, v4;
	_ =	sdelay $0x3  }
0xe4: {  	v3 =	vperm.xlane v3, v2  }
0xe5: {  	[tilespmem:s22], [sflag:$0x2] =	stream.indirect_vreg.gather [hbm4b:s1+s4], $0x80, v4, vm0, $0xb8;
	[tilespmem:$0x6300] =	vst v63  }
0xe6: {  	v3 =	vadd.s32 v1, v3  }
0xe7: {  	[tilespmem:s23], [sflag:$0x2] =	stream.indirect_vreg.gather [hbm4b:s7+s4], $0x80, v4, vm0, $0xb8;
	[tilespmem:$0x6300] =	vst v63  }
0xe8: {  	_ = 	snop  }
0xe9: {  	[tilespmem:s24], [sflag:$0x2] =	stream.indirect_vreg.gather [hbm4b:s8+s4], $0x80, v4, vm0, $0xb8;
	[tilespmem:$0x6300] =	vst v63  }
0xea: {  	_ = 	snop  }
0xeb: {  	[tilespmem:s25], [sflag:$0x2] =	stream.indirect_vreg.gather [hbm4b:s1+s4], $0x80, v3, vm0, $0xb8;
	[tilespmem:$0x6300] =	vst v63  }
0xec: {  	_ = 	snop  }
0xed: {  	[tilespmem:s26], [sflag:$0x2] =	stream.indirect_vreg.gather [hbm4b:s7+s4], $0x80, v3, vm0, $0xb8;
	[tilespmem:$0x6300] =	vst v63  }
0xee: {  	_ = 	snop  }
0xef: {  	[tilespmem:s28], [sflag:$0x2] =	stream.indirect_vreg.gather [hbm4b:s8+s4], $0x80, v3, vm0, $0xb8;
	[tilespmem:$0x6300] =	vst v63  }
0xf0: {  	_ =	swait.ge [sflag:s29], $0x3000  }
0xf1: {  	[sflag:s29] =	ssyncset.done $0x0  }
0xf2: {  	s15 =	rddreg [dreg:$0x13];
	[sflag:s29] =	ssyncadd.s32 $0xFFFFD000  }
0xf3: {  	[hbm4b:s15+s4] =	stream.linear.scatter [tilespmem:s16], [sflag:$0x5], $0x3000, $0x38;
	[tilespmem:$0x6300] =	vst v63  }
0xf4: {  	_ =	swait.ge [sflag:s11], $0x3000  }
0xf5: {  	[sflag:s11] =	ssyncset.done $0x0  }
0xf6: {  	[sflag:s11] =	ssyncadd.s32 $0xFFFFD000  }
0xf7: {  	_ =	swait.ge [sflag:s30], $0x3000  }
0xf8: {  	[sflag:s30] =	ssyncset.done $0x0  }
0xf9: {  	s15 =	rddreg [dreg:$0x14];
	[sflag:s30] =	ssyncadd.s32 $0xFFFFD000  }
0xfa: {  	[hbm4b:s15+s4] =	stream.linear.scatter [tilespmem:s22], [sflag:$0x5], $0x3000, $0x38;
	[tilespmem:$0x6300] =	vst v63  }
0xfb: {  	_ =	swait.ge [sflag:s11], $0x3000  }
0xfc: {  	[sflag:s11] =	ssyncset.done $0x0  }
0xfd: {  	[sflag:s11] =	ssyncadd.s32 $0xFFFFD000  }
0xfe: {  	_ =	swait.ge [sflag:s31], $0x20  }
0xff: {  	[sflag:s31] =	ssyncset.done $0x0  }
0x100: {  	[sflag:s31] =	ssyncadd.s32 $0xFFFFFFE0  }
0x101: {  	_ =	swait.ge [sflag:s2], $0x20  }
0x102: {  	[sflag:s2] =	ssyncset.done $0x0  }
0x103: {  	[sflag:s2] =	ssyncadd.s32 $0xFFFFFFE0  }
0x104: {  	v3 =	vld [tilespmem:$0x6200]  }
0x105: {  	v60 =	vld [tilespmem:$0x6280]  }
0x106: {  	v61 =	vld [tilespmem:$0x6210]  }
0x107: {  	v62 =	vld [tilespmem:$0x6290];
	_ =	sdelay $0x3  }
0x108: {  	v3 =	vadd.f32 v60, v3  }
0x109: {  	v63 =	vadd.f32 v62, v61  }
0x10a: {  	p0 =	sne.s32 s10, $0x1;
	[tilespmem:$0x6200] =	vst v3  }
.Ltmp0:
0x10b: {  	[tilespmem:$0x6210] =	vst v63;
	(pc) =	sbr.rel @p0 .LBB2_1-.Ltmp0, $4  }
0x10c: {  	[hbm4b:s9+s4] =	stream.linear.scatter [tilespmem:s14], [sflag:$0x5], $0x20, $0x38;
	[tilespmem:$0x6300] =	vst v63  }
0x10d: {  	_ =	swait.ge [sflag:s11], $0x20  }
0x10e: {  	[sflag:s11] =	ssyncset.done $0x0  }
0x10f: {  	s10 =	sadd.s32 $0xFFFFFFFF, s10;
	[sflag:s11] =	ssyncadd.s32 $0xFFFFFFE0  }
0x110: {  	_ =	sfence.sel $0x180000  }
0x111: {  	[bflag:$0x0] =	sbarrier.arrive $0xFFFF  }
0x112: {  	_ =	strace $0x90000050  }
0x113: {  	s0 =	stileid.u32;
	[bflag:$0x2] =	sbarrier.arrive $0xFFFF  }
0x114: {  	p0 =	sne.s32 s0, $0x0;
	s0 =	rddreg [dreg:$0x8]  }
0x115: {  	s0 =	sadd.s32 @!p0 $0x100000, s0  }
0x116: {  	[sflag:s0] =	ssyncadd.tile.s32 @!p0 $0x1;
	_ =	shalt  }
.Lfunc_end2:
_tile_overlayer_lowered:
.L_overlay_start_2:
0x117: {  	(tag) =	ssettag $0x2  }
0x118: {  	s0 =	rddreg [dreg:$0x0];
	s2 =	stileid.u32  }
0x119: {  	s1 =	rddreg [dreg:$0x1];
	p0 =	sne.s32 s2, $0x0  }
0x11a: {  	s3 =	rddreg [dreg:$0x2];
	[bflag:$0x3] =	sbarrier.arrive $0xFFFF;
	s2 =	simm.s32 @!p0 $0x1C05  }
0x11b: {  	[timem:s3], [sflag:s2] =	dma.local @!p0 [hbm:s0], s1  }
0x11c: {  	s0 =	simm.s32 @!p0 $0x5  }
0x11d: {  	_ =	swait.ge @!p0 [sflag:s0], s1  }
0x11e: {  	s1 =	ssub.s32 @!p0 $0x0, s1;
	[sflag:s0] =	ssyncset.done @!p0 $0x0  }
0x11f: {  	[sflag:s0] =	ssyncadd.s32 @!p0 s1  }
0x120: {  	[bflag:$0x3] =	sbarrier.arrive $0xFFFF  }
0x121: {  	_ =	shalt  }

// kernel: kernel.13.cloned.1.call-start
scs
__scs_entry_jumppad:
0x0: {  	(pc) =	sbr.rel $0x88, $3  }
0x1: {  	(tag) =	ssettag $0x0;
	lr =	simm.s32 $0x1  }
0x2: {  	[smem:$0x3F93] =	sst lr;
	_ =	strace $0xD0000000  }
0x3: {  	_ = 	snop  }
0x4: {  	_ = 	snop  }
0x5: {  	_ = 	snop  }
0x6: {  	_ = 	snop  }
0x7: {  	_ = 	snop  }
__scs_overlays_trampoline_lowered:
0x8: {  	[smem:$0x3FA2] =	sst s0  }
0x9: {  	[smem:$0x3FA3] =	sst s1  }
0xa: {  	[smem:$0x3FA4] =	sst s2  }
0xb: {  	[smem:$0x3FA5] =	sst s3  }
0xc: {  	[smem:$0x3FA6] =	sst s4  }
0xd: {  	[smem:$0x3FA7] =	sst s5  }
0xe: {  	[smem:$0x3FA8] =	sst s6  }
0xf: {  	[smem:$0x3FA9] =	sst s7  }
0x10: {  	[smem:$0x3FAA] =	sst s8  }
0x11: {  	[smem:$0x3FAB] =	sst s9;
	s0 =	simm.s32 @!p0 $0x0  }
0x12: {  	s1 =	sld [smem:$0x3F91];
	s0 =	simm.s32 @p0 $0x1  }
0x13: {  	[smem:$0x3FAC] =	sst s0;
	s0 =	simm.s32 @!p1 $0x0  }
0x14: {  	s2 =	sld [smem:$0x3F90];
	s0 =	simm.s32 @p1 $0x1  }
0x15: {  	[smem:$0x3FAD] =	sst s0;
	s0 =	simm.s32 @!p2 $0x0  }
0x16: {  	s3 =	sld [smem:$0x3FDB];
	s0 =	simm.s32 @p2 $0x1  }
0x17: {  	s4 =	simm.s32 $0x1BF5;
	[smem:$0x3FAF] =	sst s0  }
0x18: {  	s0 =	sld [smem:$0x3F92];
	_ =	swait.ge [sflag:s4], $0x0  }
0x19: {  	s7 =	sld [smem:$0x3F93]  }
0x1a: {  	s8 =	sadd.s32 $0xFFFFE003, lr  }
0x1b: {  	s9 =	sadd.s32 $0xFFFFFEF7, lr;
	s5 =	simm.s32 $0xFFFFFFFF;
	p2 =	slt.u32 s8, $0xFFFFF086  }
0x1c: {  	p1 =	slt.u32 s9, $0xF7A;
	s5 =	simm.s32 @!p2 $0x0  }
0x1d: {  	s5 =	simm.s32 @p1 $0x1;
	p0 =	seq.s32 s7, s2  }
0x1e: {  	s7 =	smul.u32 @!p0 $0xF7A, s2;
	p2 =	seq.s32 @!p0 s5, $0x0  }
0x1f: {  	s9 =	smul.u32 $0xF7A, s1;
	s8 =	simm.s32 @!p0 $0x1BF5;
	p2 =	por !p2, p0  }
0x20: {  	[sflag:s8] =	ssyncset.s32 @!p0 $0xFFFFF086;
	s6 =	sadd.s32 @!p0 s3, s7;
	s7 =	simm.s32 @!p0 $0x108  }
0x21: {  	s3 =	sadd.s32 s3, s9;
	s6 =	sadd.s32 @!p0 $0x88, s6;
	s7 =	simm.s32 @p2 $0x1082  }
0x22: {  	[simem:s7], [sflag:s8] =	dma.local @!p0 [hbm:s6], $0xF7A  }
0x23: {  	s9 =	sor.u32 $0xD0000000, s2;
	s6 =	simm.s32 $0x108;
	_ =	swait.ge @!p0 [sflag:s8], $0x0  }
0x24: {  	s3 =	sadd.s32 $0x88, s3;
	s6 =	simm.s32 @!p1 $0x1082;
	[sflag:s4] =	ssyncset.s32 $0xFFFFF086  }
0x25: {  	[simem:s6], [sflag:s4] =	dma.local [hbm:s3], $0xF7A  }
0x26: {  	[smem:$0x3F93] =	sst s1;
	(tag) =	ssettag s2;
	_ =	strace s9  }
0x27: {  	s1 =	sld [smem:$0x3FA3]  }
0x28: {  	s2 =	sld [smem:$0x3FA4]  }
0x29: {  	s4 =	sld [smem:$0x3FA6]  }
0x2a: {  	p0 =	seq.s32 s5, $0x0;
	s5 =	sld [smem:$0x3FA7]  }
0x2b: {  	s6 =	sld [smem:$0x3FA8]  }
0x2c: {  	s7 =	sld [smem:$0x3FA9]  }
0x2d: {  	s3 =	simm.s32 $0x108;
	s8 =	sld [smem:$0x3FAA]  }
0x2e: {  	s3 =	simm.s32 @!p0 $0x1082;
	s9 =	sld [smem:$0x3FAB]  }
0x2f: {  	lr =	sadd.s32 s0, s3;
	s0 =	sld [smem:$0x3FA2]  }
0x30: {  	s3 =	sld [smem:$0x3FA5]  }
0x31: {  	[smem:$0x3FAE] =	sst s10  }
0x32: {  	s10 =	sld [smem:$0x3FAC];
	_ =	sdelay $0x3  }
0x33: {  	p0 =	seq.s32 s10, $0x1;
	s10 =	sld [smem:$0x3FAE];
	_ =	sdelay $0x3  }
0x34: {  	[smem:$0x3FAE] =	sst s10  }
0x35: {  	s10 =	sld [smem:$0x3FAD];
	_ =	sdelay $0x3  }
0x36: {  	p1 =	seq.s32 s10, $0x1;
	s10 =	sld [smem:$0x3FAE];
	_ =	sdelay $0x3  }
0x37: {  	[smem:$0x3FAE] =	sst s10  }
0x38: {  	s10 =	sld [smem:$0x3FAF]  }
0x39: {  	_ = 	snop;
	(pc) =	sbr.ind lr, $3  }
0x3a: {  	_ = 	snop  }
0x3b: {  	_ = 	snop  }
0x3c: {  	p2 =	seq.s32 s10, $0x1;
	s10 =	sld [smem:$0x3FAE]  }
0x3d: {  	_ =	shalt  }
0x3e: {  	_ =	shalt  }
0x3f: {  	_ =	shalt  }
0x40: {  	_ =	shalt  }
0x41: {  	_ =	shalt  }
0x42: {  	_ =	shalt  }
0x43: {  	_ =	shalt  }
0x44: {  	_ =	shalt  }
0x45: {  	_ =	shalt  }
0x46: {  	_ =	shalt  }
0x47: {  	_ =	shalt  }
0x48: {  	_ =	shalt  }
0x49: {  	_ =	shalt  }
0x4a: {  	_ =	shalt  }
0x4b: {  	_ =	shalt  }
0x4c: {  	_ =	shalt  }
0x4d: {  	_ =	shalt  }
0x4e: {  	_ =	shalt  }
0x4f: {  	_ =	shalt  }
0x50: {  	_ =	shalt  }
0x51: {  	_ =	shalt  }
0x52: {  	_ =	shalt  }
0x53: {  	_ =	shalt  }
0x54: {  	_ =	shalt  }
0x55: {  	_ =	shalt  }
0x56: {  	_ =	shalt  }
0x57: {  	_ =	shalt  }
0x58: {  	_ =	shalt  }
0x59: {  	_ =	shalt  }
0x5a: {  	_ =	shalt  }
0x5b: {  	_ =	shalt  }
0x5c: {  	_ =	shalt  }
0x5d: {  	_ =	shalt  }
0x5e: {  	_ =	shalt  }
0x5f: {  	_ =	shalt  }
0x60: {  	_ =	shalt  }
0x61: {  	_ =	shalt  }
0x62: {  	_ =	shalt  }
0x63: {  	_ =	shalt  }
0x64: {  	_ =	shalt  }
0x65: {  	_ =	shalt  }
0x66: {  	_ =	shalt  }
0x67: {  	_ =	shalt  }
0x68: {  	_ =	shalt  }
0x69: {  	_ =	shalt  }
0x6a: {  	_ =	shalt  }
0x6b: {  	_ =	shalt  }
0x6c: {  	_ =	shalt  }
0x6d: {  	_ =	shalt  }
0x6e: {  	_ =	shalt  }
0x6f: {  	_ =	shalt  }
0x70: {  	_ =	shalt  }
0x71: {  	_ =	shalt  }
0x72: {  	_ =	shalt  }
0x73: {  	_ =	shalt  }
0x74: {  	_ =	shalt  }
0x75: {  	_ =	shalt  }
0x76: {  	_ =	shalt  }
0x77: {  	_ =	shalt  }
0x78: {  	_ =	shalt  }
0x79: {  	_ =	shalt  }
0x7a: {  	_ =	shalt  }
0x7b: {  	_ =	shalt  }
0x7c: {  	_ =	shalt  }
0x7d: {  	_ =	shalt  }
0x7e: {  	_ =	shalt  }
0x7f: {  	_ =	shalt  }
0x80: {  	_ =	shalt  }
0x81: {  	_ =	shalt  }
0x82: {  	_ =	shalt  }
0x83: {  	_ =	shalt  }
0x84: {  	_ =	shalt  }
0x85: {  	_ =	shalt  }
0x86: {  	_ =	shalt  }
0x87: {  	_ =	shalt  }
.Lfunc_end0:
.L_simem_size_0:
called_computation.1_lowered:
.L_overlay_start_0:
0x88: {  	s2 =	sld [smem:$0x3FD9]  }
0x89: {  	s3 =	sld [smem:$0x3FFE];
	_ =	sdelay $0x1  }
0x8a: {  	s1 =	srdreg.scid  }
0x8b: {  	s0 =	sand.u32 $0x1, s1  }
0x8c: {  	s17 =	sshll.u32 s0, $0xA;
	s2 =	sadd.s32 s3, s2  }
0x8d: {  	s2 =	sadd.s32 s2, s17  }
0x8e: {  	[smem:$0x3FBA] =	sst s2  }
0x8f: {  	_ = 	snop  }
0x90: {  	s18 =	sld [smem:$0x3FC9]  }
0x91: {  	s4 =	sld [smem:$0x3FC8]  }
0x92: {  	s5 =	sld [smem:$0x3FC7]  }
0x93: {  	s6 =	sld [smem:$0x3FC6]  }
0x94: {  	s7 =	sld [smem:$0x3FBD]  }
0x95: {  	s8 =	sld [smem:$0x3FBC];
	(tm) =	ssettm $0x1  }
0x96: {  	s19 =	sld [smem:$0x3FFB];
	_ =	sdelay $0x3  }
0x97: {  	_ =	strace s19  }
0x98: {  	s2 =	sld [smem:$0x3FFC];
	_ =	sdelay $0x3  }
0x99: {  	_ =	strace s2  }
0x9a: {  	s2 =	sld [smem:$0x3FFD];
	_ =	sdelay $0x3  }
0x9b: {  	_ =	strace s2  }
0x9c: {  	_ =	strace $0x8FFFFFFF  }
0x9d: {  	s20 =	sld [smem:$0x3FDB];
	_ =	sdelay $0x1  }
0x9e: {  	s9 =	simm.s32 $_scs_section_size  }
0x9f: {  	s10 =	simm.s32 $_size__tile_overlayer_lowered;
	s11 =	simm.s32 $_tile_overlayer_lowered  }
0xa0: {  	s12 =	simm.s32 $0x1BFF;
	s21 =	sshll.u32 s11, $0x1;
	s9 =	sadd.s32 s9, s20  }
0xa1: {  	s22 =	simm.s32 $0x0;
	s10 =	sshll.u32 s10, $0x1;
	s11 =	sadd.s32 s21, s9  }
0xa2: {  	[timem:s22], [sflag:s12] =	dma.local [hbm:s11], s10  }
0xa3: {  	_ =	swait.ge [sflag:s12], s10  }
0xa4: {  	s10 =	ssub.s32 $0x0, s10;
	[sflag:s12] =	ssyncset.done $0x0  }
0xa5: {  	[sflag:s12] =	ssyncadd.s32 s10;
	_ =	sdelay $0x1  }
0xa6: {  	s23 =	simm.s32 $0x1B8B  }
0xa7: {  	_ =	swait.ge [sflag:s23], $0x1  }
0xa8: {  	[sflag:s23] =	ssyncset.done $0x0  }
0xa9: {  	[sflag:s23] =	ssyncadd.s32 $0xFFFFFFFF  }
0xaa: {  	s10 =	sld [smem:$0x0]  }
0xab: {  	s11 =	sand.u32 $0xFFFFFFFE, s1  }
0xac: {  	p0 =	sne.s32 s1, s11  }
0xad: {  	s11 =	sshll.u32 @p0 s11, $0xE  }
0xae: {  	s11 =	sadd.s32 @p0 $0x11B8D, s11;
	s12 =	sshll.u32 @p0 s10, $0x11  }
0xaf: {  	s11 =	sor.u32 @p0 s12, s11  }
0xb0: {  	[sflag:s11] =	ssyncadd.remote.s32 @p0 $0x1;
	_ =	sdelay $0x1  }
0xb1: {  	s11 =	simm.s32 @p0 $0x1B8D  }
0xb2: {  	_ =	swait.eq @p0 [sflag:s11], $0x1  }
0xb3: {  	[sflag:s11] =	ssyncadd.s32 @p0 $0xFFFFFFFF  }
0xb4: {  	s12 =	sshll.u32 @!p0 s1, $0xE  }
0xb5: {  	s12 =	sor.u32 @!p0 $0x4000, s12;
	s11 =	simm.s32 @!p0 $0x1B8D  }
0xb6: {  	s10 =	sshll.u32 @!p0 s10, $0x11;
	s12 =	sadd.s32 @!p0 $0x11B8D, s12;
	_ =	swait.eq @!p0 [sflag:s11], $0x1  }
0xb7: {  	s10 =	sor.u32 @!p0 s10, s12;
	[sflag:s11] =	ssyncadd.s32 @!p0 $0xFFFFFFFF  }
0xb8: {  	s25 =	simm.s32 $0x1B8E;
	s24 =	sld [smem:$0x3FFE];
	[sflag:s10] =	ssyncadd.remote.s32 @!p0 $0x1  }
0xb9: {  	s26 =	simm.s32 $execute0_lowered;
	[smem:$0x3FD2] =	sst s25  }
0xba: {  	s11 =	sshll.u32 s26, $0x1;
	_ =	strace $0x8000004C;
	[dreg:$0x1] =	wrdreg $0xFFFFFFFF  }
0xbb: {  	s28 =	simm.s32 $_size_execute0_lowered;
	s9 =	sadd.s32 s9, s11;
	[dreg:$0x0] =	wrdreg $0x0  }
0xbc: {  	s11 =	sshll.u32 s28, $0x1;
	[dreg:$0x2] =	wrdreg s9  }
0xbd: {  	[dreg:$0x3] =	wrdreg s11  }
0xbe: {  	[dreg:$0x4] =	wrdreg $0xC0  }
0xbf: {  	_ =	task [dreg:s22], $0x5FFFF  }
0xc0: {  	[dreg:$0x1] =	wrdreg $0xFFFFFFFF  }
0xc1: {  	[dreg:$0x0] =	wrdreg $0x60  }
0xc2: {  	[dreg:$0x2] =	wrdreg s5  }
0xc3: {  	[dreg:$0x3] =	wrdreg s6  }
0xc4: {  	[dreg:$0x4] =	wrdreg s7  }
0xc5: {  	[dreg:$0x5] =	wrdreg s8  }
0xc6: {  	[dreg:$0x6] =	wrdreg s18  }
0xc7: {  	[dreg:$0x7] =	wrdreg s4  }
0xc8: {  	[dreg:$0x8] =	wrdreg s24  }
0xc9: {  	[dreg:$0x9] =	wrdreg $0xA  }
0xca: {  	_ =	task.clear_ibuf [dreg:s22], $0xAFFFF;
	_ =	strace $0x9000004C  }
0xcb: {  	s29 =	simm.s32 $0xA;
	_ =	strace $0x8000004E  }
0xcc: {  	_ =	swait.ge [sflag:s29], $0x1  }
0xcd: {  	[sflag:s29] =	ssyncadd.s32 $0xFFFFFFFF  }
0xce: {  	_ =	strace $0x9000004E  }
0xcf: {  	_ =	sfence  }
0xd0: {  	s30 =	sld [smem:$0x0];
	_ =	sdelay $0x2  }
0xd1: {  	s31 =	sshll.u32 s1, $0xD;
	s1 =	sshrl.u32 s1, $0x2  }
0xd2: {  	s4 =	sand.u32 $0x4000, s31;
	s1 =	sadd.s32 s1, s30  }
0xd3: {  	s0 =	sor.u32 s4, s0;
	s1 =	sshll.u32 s1, $0x11  }
0xd4: {  	s0 =	sor.u32 s1, s0  }
0xd5: {  	s0 =	sadd.s32 $0x8F2B, s0  }
0xd6: {  	[sflag:s0] =	ssyncadd.remote.s32 $0x1  }
0xd7: {  	_ =	sfence.sel $0xFFFF  }
0xd8: {  	[dreg:$0x0] =	wrdreg $0xFFFFFFFF;
	(pc) =	sbr.abs _section_cstart, $3  }
0xd9: {  	[dreg:$0x1] =	wrdreg $0xFFFFFFFF  }
0xda: {  	_ =	task.clear_ibuf [dreg:s22], $0x2FFFF;
	_ =	strace $0x9FFFFFFF  }
0xdb: {  	(tm) =	ssettm $0x7FFFFFFF  }
tec
execute0_lowered:
.L_overlay_start_1:
0x0: {  	(tag) =	ssettag $0x1  }
0x1: {  	s0 =	rddreg [dreg:$0x0]  }
0x2: {  	s1 =	rddreg [dreg:$0x1]  }
0x3: {  	s2 =	rddreg [dreg:$0x2]  }
0x4: {  	s13 =	rddreg [dreg:$0x3]  }
0x5: {  	s14 =	rddreg [dreg:$0x4]  }
0x6: {  	s5 =	rddreg [dreg:$0x5]  }
0x7: {  	s6 =	rddreg [dreg:$0x6]  }
0x8: {  	s4 =	simm.s32 $0x0;
	s7 =	srdreg.scid;
	s3 =	stileid.u32  }
0x9: {  	s28 =	simm.s32 $0x5A00;
	s29 =	simm.s32 $0x1;
	[dreg:$0x8] =	wrdreg s2  }
0xa: {  	s30 =	simm.s32 $0x2;
	s31 =	simm.s32 $0x3;
	[dreg:$0x9] =	wrdreg s13  }
0xb: {  	[smem:$0x7FF] =	sst s4;
	s7 =	sand.u32 $0x1, s7;
	s8 =	sshll.u32 s3, $0x3  }
0xc: {  	s10 =	sadd.s32 $0xC4C00, s6;
	s11 =	sadd.s32 $0xF4C00, s6;
	s9 =	sshll.u32 s7, $0x2  }
0xd: {  	_ =	strace $0x8000004D;
	s7 =	ssub.s32 $0x2, s7;
	s8 =	sor.u32 s9, s8  }
0xe: {  	s15 =	sshrl.u32 s7, $0x1;
	s9 =	sor.u32 $0x80, s8;
	s12 =	smul.u32 $0x1800, s8  }
0xf: {  	s13 =	sadd.s32 s8, s6;
	s15 =	ssub.s32 s7, s15;
	s6 =	sadd.s32 $0x200, s0  }
0x10: {  	s7 =	sadd.s32 $0x100, s1;
	s8 =	sadd.s32 $0x200, s1;
	s2 =	sadd.s32 s14, s9  }
0x11: {  	s16 =	sadd.s32 s5, s9;
	s5 =	sadd.s32 $0x100, s0;
	s9 =	sadd.s32 $0x124C00, s13  }
0x12: {  	s13 =	simm.s32 $0x20;
	[dreg:$0xa] =	wrdreg s2;
	s17 =	sshrl.u32 s12, $0x3  }
0x13: {  	[dreg:$0xb] =	wrdreg s16;
	s16 =	simm.s32 $0x200;
	s2 =	simm.s32 $0x4  }
0x14: {  	s18 =	sadd.s32 s10, s17;
	s19 =	sadd.s32 $0x600, s17;
	s12 =	sadd.s32 $0x18000, s17  }
0x15: {  	s14 =	sadd.s32 $0x18600, s17;
	s23 =	sadd.s32 s11, s17;
	[dreg:$0xc] =	wrdreg s18  }
0x16: {  	s17 =	simm.s32 $0xA00;
	s20 =	sadd.s32 s10, s19;
	[dreg:$0x10] =	wrdreg s23  }
0x17: {  	s21 =	sadd.s32 s10, s12;
	s22 =	sadd.s32 s10, s14;
	[dreg:$0xd] =	wrdreg s20  }
0x18: {  	s24 =	sadd.s32 s11, s19;
	s25 =	sadd.s32 s11, s12;
	[dreg:$0xe] =	wrdreg s21  }
0x19: {  	s26 =	sadd.s32 s11, s14;
	s10 =	smax.u32 s15, $0x1;
	[dreg:$0xf] =	wrdreg s22  }
0x1a: {  	s11 =	simm.s32 $0x5;
	s12 =	simm.s32 $0x100;
	[dreg:$0x11] =	wrdreg s24  }
0x1b: {  	s14 =	simm.s32 $0x6200;
	s18 =	simm.s32 $0x1200;
	[dreg:$0x12] =	wrdreg s25  }
0x1c: {  	v2 =	vlaneseq.u32;
	s19 =	simm.s32 $0x1A00;
	s23 =	simm.s32 $0x3A00;
	[dreg:$0x13] =	wrdreg s26  }
0x1d: {  	vm0 =	vmmov $0xffff;
	v1 =	vshrl.u32 v2, $0x3;
	s20 =	simm.s32 $0x2200;
	s21 =	simm.s32 $0x2A00;
	s22 =	simm.s32 $0x3200  }
0x1e: {  	v0 =	vand.u32 $0x7, v2;
	v2 =	vor.u32 $0x8, v2;
	v1 =	vmul.u32 $0x8, v1;
	s24 =	simm.s32 $0x4200;
	s25 =	simm.s32 $0x4A00;
	s26 =	simm.s32 $0x5200  }
.LBB2_1:
0x1f: {  	s3 =	rddreg [dreg:$0xa]  }
0x20: {  	[tilespmem:s4], [sflag:$0x5] =	stream.linear.gather [hbm4b:s3+s4], $0x20, $0x38;
	[tilespmem:$0x6300] =	vst v63  }
0x21: {  	_ =	swait.ge [sflag:s11], $0x20  }
0x22: {  	[sflag:s11] =	ssyncset.done $0x0  }
0x23: {  	s15 =	rddreg [dreg:$0xb];
	[sflag:s11] =	ssyncadd.s32 $0xFFFFFFE0  }
0x24: {  	[tilespmem:s12], [sflag:$0x5] =	stream.linear.gather [hbm4b:s15+s4], $0x20, $0x38;
	[tilespmem:$0x6300] =	vst v63  }
0x25: {  	_ =	swait.ge [sflag:s11], $0x20  }
0x26: {  	[sflag:s11] =	ssyncset.done $0x0  }
0x27: {  	s3 =	rddreg [dreg:$0x8];
	[sflag:s11] =	ssyncadd.s32 $0xFFFFFFE0  }
0x28: {  	[tilespmem:s14], [sflag:$0x3] =	stream.indirect.gather [hbm4b:s3+s13], $0x1, s4, s13, $0xb8;
	[tilespmem:$0x6300] =	vst v63  }
0x29: {  	s15 =	rddreg [dreg:$0x9];
	s3 =	simm.s32 $0x6280  }
0x2a: {  	[tilespmem:s3], [sflag:$0x4] =	stream.indirect.gather [hbm4b:s15+s13], $0x1, s12, s13, $0xb8;
	[tilespmem:$0x6300] =	vst v63  }
0x2b: {  	v3 =	vld [tilespmem:$0x0];
	_ =	sdelay $0x4  }
0x2c: {  	v4 =	vshrl.u32 v3, $0x3  }
0x2d: {  	v5 =	vld [tilespmem:$0x0];
	v4 =	vmul.u32 $0x30, v4  }
0x2e: {  	v6 =	vld [tilespmem:$0x100];
	v3 =	vand.u32 $0x7, v3  }
0x2f: {  	v7 =	vld [tilespmem:$0x10];
	v3 =	vor.u32 v3, v4  }
0x30: {  	v50 =	vld [tilespmem:$0x110];
	v8 =	vperm.xlane v3, v0;
	_ =	sdelay $0x1  }
0x31: {  	v5 =	vadd.s32 $0x186A0, v5;
	v8 =	vadd.s32 v1, v8  }
0x32: {  	v51 =	vadd.s32 $0x186A0, v6;
	[tilespmem:$0x80] =	vst v5  }
0x33: {  	v52 =	vadd.s32 $0x186A0, v7;
	[tilespmem:$0x180] =	vst v51  }
0x34: {  	[tilespmem:$0x90] =	vst v52;
	v4 =	vadd.s32 $0x186A0, v50  }
0x35: {  	[tilespmem:$0x190] =	vst v4;
	v3 =	vperm.xlane v3, v2  }
0x36: {  	[tilespmem:s16], [sflag:$0x1] =	stream.indirect_vreg.gather [hbm4b:s0+s4], $0x80, v8, vm0, $0xb8;
	[tilespmem:$0x6300] =	vst v63  }
0x37: {  	v3 =	vadd.s32 v1, v3  }
0x38: {  	[tilespmem:s17], [sflag:$0x1] =	stream.indirect_vreg.gather [hbm4b:s5+s4], $0x80, v8, vm0, $0xb8;
	[tilespmem:$0x6300] =	vst v63  }
0x39: {  	_ = 	snop  }
0x3a: {  	[tilespmem:s18], [sflag:$0x1] =	stream.indirect_vreg.gather [hbm4b:s6+s4], $0x80, v8, vm0, $0xb8;
	[tilespmem:$0x6300] =	vst v63  }
0x3b: {  	_ = 	snop  }
0x3c: {  	[tilespmem:s19], [sflag:$0x1] =	stream.indirect_vreg.gather [hbm4b:s0+s4], $0x80, v3, vm0, $0xb8;
	[tilespmem:$0x6300] =	vst v63  }
0x3d: {  	_ = 	snop  }
0x3e: {  	[tilespmem:s20], [sflag:$0x1] =	stream.indirect_vreg.gather [hbm4b:s5+s4], $0x80, v3, vm0, $0xb8;
	[tilespmem:$0x6300] =	vst v63  }
0x3f: {  	_ = 	snop  }
0x40: {  	[tilespmem:s21], [sflag:$0x1] =	stream.indirect_vreg.gather [hbm4b:s6+s4], $0x80, v3, vm0, $0xb8;
	[tilespmem:$0x6300] =	vst v63  }
0x41: {  	v3 =	vld [tilespmem:$0x10];
	_ =	sdelay $0x4  }
0x42: {  	v53 =	vshrl.u32 v3, $0x3  }
0x43: {  	v4 =	vmul.u32 $0x30, v53  }
0x44: {  	v3 =	vand.u32 $0x7, v3  }
0x45: {  	v3 =	vor.u32 v3, v4  }
0x46: {  	v4 =	vperm.xlane v3, v0;
	_ =	sdelay $0x1  }
0x47: {  	v4 =	vadd.s32 v1, v4;
	_ =	sdelay $0x3  }
0x48: {  	v3 =	vperm.xlane v3, v2  }
0x49: {  	[tilespmem:s22], [sflag:$0x2] =	stream.indirect_vreg.gather [hbm4b:s0+s4], $0x80, v4, vm0, $0xb8;
	[tilespmem:$0x6300] =	vst v63  }
0x4a: {  	v3 =	vadd.s32 v1, v3  }
0x4b: {  	[tilespmem:s23], [sflag:$0x2] =	stream.indirect_vreg.gather [hbm4b:s5+s4], $0x80, v4, vm0, $0xb8;
	[tilespmem:$0x6300] =	vst v63  }
0x4c: {  	_ = 	snop  }
0x4d: {  	[tilespmem:s24], [sflag:$0x2] =	stream.indirect_vreg.gather [hbm4b:s6+s4], $0x80, v4, vm0, $0xb8;
	[tilespmem:$0x6300] =	vst v63  }
0x4e: {  	_ = 	snop  }
0x4f: {  	[tilespmem:s25], [sflag:$0x2] =	stream.indirect_vreg.gather [hbm4b:s0+s4], $0x80, v3, vm0, $0xb8;
	[tilespmem:$0x6300] =	vst v63  }
0x50: {  	_ = 	snop  }
0x51: {  	[tilespmem:s26], [sflag:$0x2] =	stream.indirect_vreg.gather [hbm4b:s5+s4], $0x80, v3, vm0, $0xb8;
	[tilespmem:$0x6300] =	vst v63  }
0x52: {  	_ = 	snop  }
0x53: {  	[tilespmem:s28], [sflag:$0x2] =	stream.indirect_vreg.gather [hbm4b:s6+s4], $0x80, v3, vm0, $0xb8;
	[tilespmem:$0x6300] =	vst v63  }
0x54: {  	_ =	swait.ge [sflag:s29], $0x3000  }
0x55: {  	[sflag:s29] =	ssyncset.done $0x0  }
0x56: {  	s15 =	rddreg [dreg:$0xc];
	[sflag:s29] =	ssyncadd.s32 $0xFFFFD000  }
0x57: {  	[hbm4b:s15+s4] =	stream.linear.scatter [tilespmem:s16], [sflag:$0x5], $0x3000, $0x38;
	[tilespmem:$0x6300] =	vst v63  }
0x58: {  	_ =	swait.ge [sflag:s11], $0x3000  }
0x59: {  	[sflag:s11] =	ssyncset.done $0x0  }
0x5a: {  	[sflag:s11] =	ssyncadd.s32 $0xFFFFD000  }
0x5b: {  	v3 =	vld [tilespmem:$0x80];
	_ =	sdelay $0x4  }
0x5c: {  	v54 =	vshrl.u32 v3, $0x3  }
0x5d: {  	v4 =	vmul.u32 $0x30, v54  }
0x5e: {  	v3 =	vand.u32 $0x7, v3  }
0x5f: {  	v3 =	vor.u32 v3, v4  }
0x60: {  	v4 =	vperm.xlane v3, v0;
	_ =	sdelay $0x1  }
0x61: {  	v4 =	vadd.s32 v1, v4;
	_ =	sdelay $0x3  }
0x62: {  	v3 =	vperm.xlane v3, v2  }
0x63: {  	[tilespmem:s16], [sflag:$0x1] =	stream.indirect_vreg.gather [hbm4b:s0+s4], $0x80, v4, vm0, $0xb8;
	[tilespmem:$0x6300] =	vst v63  }
0x64: {  	v3 =	vadd.s32 v1, v3  }
0x65: {  	[tilespmem:s17], [sflag:$0x1] =	stream.indirect_vreg.gather [hbm4b:s5+s4], $0x80, v4, vm0, $0xb8;
	[tilespmem:$0x6300] =	vst v63  }
0x66: {  	_ = 	snop  }
0x67: {  	[tilespmem:s18], [sflag:$0x1] =	stream.indirect_vreg.gather [hbm4b:s6+s4], $0x80, v4, vm0, $0xb8;
	[tilespmem:$0x6300] =	vst v63  }
0x68: {  	_ = 	snop  }
0x69: {  	[tilespmem:s19], [sflag:$0x1] =	stream.indirect_vreg.gather [hbm4b:s0+s4], $0x80, v3, vm0, $0xb8;
	[tilespmem:$0x6300] =	vst v63  }
0x6a: {  	_ = 	snop  }
0x6b: {  	[tilespmem:s20], [sflag:$0x1] =	stream.indirect_vreg.gather [hbm4b:s5+s4], $0x80, v3, vm0, $0xb8;
	[tilespmem:$0x6300] =	vst v63  }
0x6c: {  	_ = 	snop  }
0x6d: {  	[tilespmem:s21], [sflag:$0x1] =	stream.indirect_vreg.gather [hbm4b:s6+s4], $0x80, v3, vm0, $0xb8;
	[tilespmem:$0x6300] =	vst v63  }
0x6e: {  	_ =	swait.ge [sflag:s30], $0x3000  }
0x6f: {  	[sflag:s30] =	ssyncset.done $0x0  }
0x70: {  	s15 =	rddreg [dreg:$0xd];
	[sflag:s30] =	ssyncadd.s32 $0xFFFFD000  }
0x71: {  	[hbm4b:s15+s4] =	stream.linear.scatter [tilespmem:s22], [sflag:$0x5], $0x3000, $0x38;
	[tilespmem:$0x6300] =	vst v63  }
0x72: {  	_ =	swait.ge [sflag:s11], $0x3000  }
0x73: {  	[sflag:s11] =	ssyncset.done $0x0  }
0x74: {  	[sflag:s11] =	ssyncadd.s32 $0xFFFFD000  }
0x75: {  	v3 =	vld [tilespmem:$0x90];
	_ =	sdelay $0x4  }
0x76: {  	v55 =	vshrl.u32 v3, $0x3  }
0x77: {  	v4 =	vmul.u32 $0x30, v55  }
0x78: {  	v3 =	vand.u32 $0x7, v3  }
0x79: {  	v3 =	vor.u32 v3, v4  }
0x7a: {  	v4 =	vperm.xlane v3, v0;
	_ =	sdelay $0x1  }
0x7b: {  	v4 =	vadd.s32 v1, v4;
	_ =	sdelay $0x3  }
0x7c: {  	v3 =	vperm.xlane v3, v2  }
0x7d: {  	[tilespmem:s22], [sflag:$0x2] =	stream.indirect_vreg.gather [hbm4b:s0+s4], $0x80, v4, vm0, $0xb8;
	[tilespmem:$0x6300] =	vst v63  }
0x7e: {  	v3 =	vadd.s32 v1, v3  }
0x7f: {  	[tilespmem:s23], [sflag:$0x2] =	stream.indirect_vreg.gather [hbm4b:s5+s4], $0x80, v4, vm0, $0xb8;
	[tilespmem:$0x6300] =	vst v63  }
0x80: {  	_ = 	snop  }
0x81: {  	[tilespmem:s24], [sflag:$0x2] =	stream.indirect_vreg.gather [hbm4b:s6+s4], $0x80, v4, vm0, $0xb8;
	[tilespmem:$0x6300] =	vst v63  }
0x82: {  	_ = 	snop  }
0x83: {  	[tilespmem:s25], [sflag:$0x2] =	stream.indirect_vreg.gather [hbm4b:s0+s4], $0x80, v3, vm0, $0xb8;
	[tilespmem:$0x6300] =	vst v63  }
0x84: {  	_ = 	snop  }
0x85: {  	[tilespmem:s26], [sflag:$0x2] =	stream.indirect_vreg.gather [hbm4b:s5+s4], $0x80, v3, vm0, $0xb8;
	[tilespmem:$0x6300] =	vst v63  }
0x86: {  	_ = 	snop  }
0x87: {  	[tilespmem:s28], [sflag:$0x2] =	stream.indirect_vreg.gather [hbm4b:s6+s4], $0x80, v3, vm0, $0xb8;
	[tilespmem:$0x6300] =	vst v63  }
0x88: {  	_ =	swait.ge [sflag:s29], $0x3000  }
0x89: {  	[sflag:s29] =	ssyncset.done $0x0  }
0x8a: {  	s15 =	rddreg [dreg:$0xe];
	[sflag:s29] =	ssyncadd.s32 $0xFFFFD000  }
0x8b: {  	[hbm4b:s15+s4] =	stream.linear.scatter [tilespmem:s16], [sflag:$0x5], $0x3000, $0x38;
	[tilespmem:$0x6300] =	vst v63  }
0x8c: {  	_ =	swait.ge [sflag:s11], $0x3000  }
0x8d: {  	[sflag:s11] =	ssyncset.done $0x0  }
0x8e: {  	[sflag:s11] =	ssyncadd.s32 $0xFFFFD000  }
0x8f: {  	v3 =	vld [tilespmem:$0x100];
	_ =	sdelay $0x4  }
0x90: {  	v56 =	vshrl.u32 v3, $0x3  }
0x91: {  	v4 =	vmul.u32 $0x30, v56  }
0x92: {  	v3 =	vand.u32 $0x7, v3  }
0x93: {  	v3 =	vor.u32 v3, v4  }
0x94: {  	v4 =	vperm.xlane v3, v0;
	_ =	sdelay $0x1  }
0x95: {  	v4 =	vadd.s32 v1, v4;
	_ =	sdelay $0x3  }
0x96: {  	v3 =	vperm.xlane v3, v2  }
0x97: {  	[tilespmem:s16], [sflag:$0x1] =	stream.indirect_vreg.gather [hbm4b:s1+s4], $0x80, v4, vm0, $0xb8;
	[tilespmem:$0x6300] =	vst v63  }
0x98: {  	v3 =	vadd.s32 v1, v3  }
0x99: {  	[tilespmem:s17], [sflag:$0x1] =	stream.indirect_vreg.gather [hbm4b:s7+s4], $0x80, v4, vm0, $0xb8;
	[tilespmem:$0x6300] =	vst v63  }
0x9a: {  	_ = 	snop  }
0x9b: {  	[tilespmem:s18], [sflag:$0x1] =	stream.indirect_vreg.gather [hbm4b:s8+s4], $0x80, v4, vm0, $0xb8;
	[tilespmem:$0x6300] =	vst v63  }
0x9c: {  	_ = 	snop  }
0x9d: {  	[tilespmem:s19], [sflag:$0x1] =	stream.indirect_vreg.gather [hbm4b:s1+s4], $0x80, v3, vm0, $0xb8;
	[tilespmem:$0x6300] =	vst v63  }
0x9e: {  	_ = 	snop  }
0x9f: {  	[tilespmem:s20], [sflag:$0x1] =	stream.indirect_vreg.gather [hbm4b:s7+s4], $0x80, v3, vm0, $0xb8;
	[tilespmem:$0x6300] =	vst v63  }
0xa0: {  	_ = 	snop  }
0xa1: {  	[tilespmem:s21], [sflag:$0x1] =	stream.indirect_vreg.gather [hbm4b:s8+s4], $0x80, v3, vm0, $0xb8;
	[tilespmem:$0x6300] =	vst v63  }
0xa2: {  	_ =	swait.ge [sflag:s30], $0x3000  }
0xa3: {  	[sflag:s30] =	ssyncset.done $0x0  }
0xa4: {  	s15 =	rddreg [dreg:$0xf];
	[sflag:s30] =	ssyncadd.s32 $0xFFFFD000  }
0xa5: {  	[hbm4b:s15+s4] =	stream.linear.scatter [tilespmem:s22], [sflag:$0x5], $0x3000, $0x38;
	[tilespmem:$0x6300] =	vst v63  }
0xa6: {  	_ =	swait.ge [sflag:s11], $0x3000  }
0xa7: {  	[sflag:s11] =	ssyncset.done $0x0  }
0xa8: {  	[sflag:s11] =	ssyncadd.s32 $0xFFFFD000  }
0xa9: {  	v3 =	vld [tilespmem:$0x110];
	_ =	sdelay $0x4  }
0xaa: {  	v57 =	vshrl.u32 v3, $0x3  }
0xab: {  	v4 =	vmul.u32 $0x30, v57  }
0xac: {  	v3 =	vand.u32 $0x7, v3  }
0xad: {  	v3 =	vor.u32 v3, v4  }
0xae: {  	v4 =	vperm.xlane v3, v0;
	_ =	sdelay $0x1  }
0xaf: {  	v4 =	vadd.s32 v1, v4;
	_ =	sdelay $0x3  }
0xb0: {  	v3 =	vperm.xlane v3, v2  }
0xb1: {  	[tilespmem:s22], [sflag:$0x2] =	stream.indirect_vreg.gather [hbm4b:s1+s4], $0x80, v4, vm0, $0xb8;
	[tilespmem:$0x6300] =	vst v63  }
0xb2: {  	v3 =	vadd.s32 v1, v3  }
0xb3: {  	[tilespmem:s23], [sflag:$0x2] =	stream.indirect_vreg.gather [hbm4b:s7+s4], $0x80, v4, vm0, $0xb8;
	[tilespmem:$0x6300] =	vst v63  }
0xb4: {  	_ = 	snop  }
0xb5: {  	[tilespmem:s24], [sflag:$0x2] =	stream.indirect_vreg.gather [hbm4b:s8+s4], $0x80, v4, vm0, $0xb8;
	[tilespmem:$0x6300] =	vst v63  }
0xb6: {  	_ = 	snop  }
0xb7: {  	[tilespmem:s25], [sflag:$0x2] =	stream.indirect_vreg.gather [hbm4b:s1+s4], $0x80, v3, vm0, $0xb8;
	[tilespmem:$0x6300] =	vst v63  }
0xb8: {  	_ = 	snop  }
0xb9: {  	[tilespmem:s26], [sflag:$0x2] =	stream.indirect_vreg.gather [hbm4b:s7+s4], $0x80, v3, vm0, $0xb8;
	[tilespmem:$0x6300] =	vst v63  }
0xba: {  	_ = 	snop  }
0xbb: {  	[tilespmem:s28], [sflag:$0x2] =	stream.indirect_vreg.gather [hbm4b:s8+s4], $0x80, v3, vm0, $0xb8;
	[tilespmem:$0x6300] =	vst v63  }
0xbc: {  	_ =	swait.ge [sflag:s29], $0x3000  }
0xbd: {  	[sflag:s29] =	ssyncset.done $0x0  }
0xbe: {  	s15 =	rddreg [dreg:$0x10];
	[sflag:s29] =	ssyncadd.s32 $0xFFFFD000  }
0xbf: {  	[hbm4b:s15+s4] =	stream.linear.scatter [tilespmem:s16], [sflag:$0x5], $0x3000, $0x38;
	[tilespmem:$0x6300] =	vst v63  }
0xc0: {  	_ =	swait.ge [sflag:s11], $0x3000  }
0xc1: {  	[sflag:s11] =	ssyncset.done $0x0  }
0xc2: {  	[sflag:s11] =	ssyncadd.s32 $0xFFFFD000  }
0xc3: {  	v3 =	vld [tilespmem:$0x180];
	_ =	sdelay $0x4  }
0xc4: {  	v58 =	vshrl.u32 v3, $0x3  }
0xc5: {  	v4 =	vmul.u32 $0x30, v58  }
0xc6: {  	v3 =	vand.u32 $0x7, v3  }
0xc7: {  	v3 =	vor.u32 v3, v4  }
0xc8: {  	v4 =	vperm.xlane v3, v0;
	_ =	sdelay $0x1  }
0xc9: {  	v4 =	vadd.s32 v1, v4;
	_ =	sdelay $0x3  }
0xca: {  	v3 =	vperm.xlane v3, v2  }
0xcb: {  	[tilespmem:s16], [sflag:$0x1] =	stream.indirect_vreg.gather [hbm4b:s1+s4], $0x80, v4, vm0, $0xb8;
	[tilespmem:$0x6300] =	vst v63  }
0xcc: {  	v3 =	vadd.s32 v1, v3  }
0xcd: {  	[tilespmem:s17], [sflag:$0x1] =	stream.indirect_vreg.gather [hbm4b:s7+s4], $0x80, v4, vm0, $0xb8;
	[tilespmem:$0x6300] =	vst v63  }
0xce: {  	_ = 	snop  }
0xcf: {  	[tilespmem:s18], [sflag:$0x1] =	stream.indirect_vreg.gather [hbm4b:s8+s4], $0x80, v4, vm0, $0xb8;
	[tilespmem:$0x6300] =	vst v63  }
0xd0: {  	_ = 	snop  }
0xd1: {  	[tilespmem:s19], [sflag:$0x1] =	stream.indirect_vreg.gather [hbm4b:s1+s4], $0x80, v3, vm0, $0xb8;
	[tilespmem:$0x6300] =	vst v63  }
0xd2: {  	_ = 	snop  }
0xd3: {  	[tilespmem:s20], [sflag:$0x1] =	stream.indirect_vreg.gather [hbm4b:s7+s4], $0x80, v3, vm0, $0xb8;
	[tilespmem:$0x6300] =	vst v63  }
0xd4: {  	_ = 	snop  }
0xd5: {  	[tilespmem:s21], [sflag:$0x1] =	stream.indirect_vreg.gather [hbm4b:s8+s4], $0x80, v3, vm0, $0xb8;
	[tilespmem:$0x6300] =	vst v63  }
0xd6: {  	_ =	swait.ge [sflag:s30], $0x3000  }
0xd7: {  	[sflag:s30] =	ssyncset.done $0x0  }
0xd8: {  	s15 =	rddreg [dreg:$0x11];
	[sflag:s30] =	ssyncadd.s32 $0xFFFFD000  }
0xd9: {  	[hbm4b:s15+s4] =	stream.linear.scatter [tilespmem:s22], [sflag:$0x5], $0x3000, $0x38;
	[tilespmem:$0x6300] =	vst v63  }
0xda: {  	_ =	swait.ge [sflag:s11], $0x3000  }
0xdb: {  	[sflag:s11] =	ssyncset.done $0x0  }
0xdc: {  	[sflag:s11] =	ssyncadd.s32 $0xFFFFD000  }
0xdd: {  	v3 =	vld [tilespmem:$0x190];
	_ =	sdelay $0x4  }
0xde: {  	v59 =	vshrl.u32 v3, $0x3  }
0xdf: {  	v4 =	vmul.u32 $0x30, v59  }
0xe0: {  	v3 =	vand.u32 $0x7, v3  }
0xe1: {  	v3 =	vor.u32 v3, v4  }
0xe2: {  	v4 =	vperm.xlane v3, v0;
	_ =	sdelay $0x1  }
0xe3: {  	v4 =	vadd.s32 v1, v4;
	_ =	sdelay $0x3  }
0xe4: {  	v3 =	vperm.xlane v3, v2  }
0xe5: {  	[tilespmem:s22], [sflag:$0x2] =	stream.indirect_vreg.gather [hbm4b:s1+s4], $0x80, v4, vm0, $0xb8;
	[tilespmem:$0x6300] =	vst v63  }
0xe6: {  	v3 =	vadd.s32 v1, v3  }
0xe7: {  	[tilespmem:s23], [sflag:$0x2] =	stream.indirect_vreg.gather [hbm4b:s7+s4], $0x80, v4, vm0, $0xb8;
	[tilespmem:$0x6300] =	vst v63  }
0xe8: {  	_ = 	snop  }
0xe9: {  	[tilespmem:s24], [sflag:$0x2] =	stream.indirect_vreg.gather [hbm4b:s8+s4], $0x80, v4, vm0, $0xb8;
	[tilespmem:$0x6300] =	vst v63  }
0xea: {  	_ = 	snop  }
0xeb: {  	[tilespmem:s25], [sflag:$0x2] =	stream.indirect_vreg.gather [hbm4b:s1+s4], $0x80, v3, vm0, $0xb8;
	[tilespmem:$0x6300] =	vst v63  }
0xec: {  	_ = 	snop  }
0xed: {  	[tilespmem:s26], [sflag:$0x2] =	stream.indirect_vreg.gather [hbm4b:s7+s4], $0x80, v3, vm0, $0xb8;
	[tilespmem:$0x6300] =	vst v63  }
0xee: {  	_ = 	snop  }
0xef: {  	[tilespmem:s28], [sflag:$0x2] =	stream.indirect_vreg.gather [hbm4b:s8+s4], $0x80, v3, vm0, $0xb8;
	[tilespmem:$0x6300] =	vst v63  }
0xf0: {  	_ =	swait.ge [sflag:s29], $0x3000  }
0xf1: {  	[sflag:s29] =	ssyncset.done $0x0  }
0xf2: {  	s15 =	rddreg [dreg:$0x12];
	[sflag:s29] =	ssyncadd.s32 $0xFFFFD000  }
0xf3: {  	[hbm4b:s15+s4] =	stream.linear.scatter [tilespmem:s16], [sflag:$0x5], $0x3000, $0x38;
	[tilespmem:$0x6300] =	vst v63  }
0xf4: {  	_ =	swait.ge [sflag:s11], $0x3000  }
0xf5: {  	[sflag:s11] =	ssyncset.done $0x0  }
0xf6: {  	[sflag:s11] =	ssyncadd.s32 $0xFFFFD000  }
0xf7: {  	_ =	swait.ge [sflag:s30], $0x3000  }
0xf8: {  	[sflag:s30] =	ssyncset.done $0x0  }
0xf9: {  	s15 =	rddreg [dreg:$0x13];
	[sflag:s30] =	ssyncadd.s32 $0xFFFFD000  }
0xfa: {  	[hbm4b:s15+s4] =	stream.linear.scatter [tilespmem:s22], [sflag:$0x5], $0x3000, $0x38;
	[tilespmem:$0x6300] =	vst v63  }
0xfb: {  	_ =	swait.ge [sflag:s11], $0x3000  }
0xfc: {  	[sflag:s11] =	ssyncset.done $0x0  }
0xfd: {  	[sflag:s11] =	ssyncadd.s32 $0xFFFFD000  }
0xfe: {  	_ =	swait.ge [sflag:s31], $0x20  }
0xff: {  	[sflag:s31] =	ssyncset.done $0x0  }
0x100: {  	[sflag:s31] =	ssyncadd.s32 $0xFFFFFFE0  }
0x101: {  	_ =	swait.ge [sflag:s2], $0x20  }
0x102: {  	[sflag:s2] =	ssyncset.done $0x0  }
0x103: {  	[sflag:s2] =	ssyncadd.s32 $0xFFFFFFE0  }
0x104: {  	v3 =	vld [tilespmem:$0x6200]  }
0x105: {  	v60 =	vld [tilespmem:$0x6280]  }
0x106: {  	v61 =	vld [tilespmem:$0x6210]  }
0x107: {  	v62 =	vld [tilespmem:$0x6290];
	_ =	sdelay $0x3  }
0x108: {  	v3 =	vadd.f32 v60, v3  }
0x109: {  	v63 =	vadd.f32 v62, v61  }
0x10a: {  	p0 =	sne.s32 s10, $0x1;
	[tilespmem:$0x6200] =	vst v3  }
.Ltmp0:
0x10b: {  	[tilespmem:$0x6210] =	vst v63;
	(pc) =	sbr.rel @p0 .LBB2_1-.Ltmp0, $4  }
0x10c: {  	[hbm4b:s9+s4] =	stream.linear.scatter [tilespmem:s14], [sflag:$0x5], $0x20, $0x38;
	[tilespmem:$0x6300] =	vst v63  }
0x10d: {  	_ =	swait.ge [sflag:s11], $0x20  }
0x10e: {  	[sflag:s11] =	ssyncset.done $0x0  }
0x10f: {  	s10 =	sadd.s32 $0xFFFFFFFF, s10;
	[sflag:s11] =	ssyncadd.s32 $0xFFFFFFE0  }
0x110: {  	_ =	sfence.sel $0x180000  }
0x111: {  	[bflag:$0x0] =	sbarrier.arrive $0xFFFF  }
0x112: {  	_ =	strace $0x9000004D  }
0x113: {  	s0 =	stileid.u32;
	[bflag:$0x2] =	sbarrier.arrive $0xFFFF  }
0x114: {  	p0 =	sne.s32 s0, $0x0;
	s0 =	rddreg [dreg:$0x7]  }
0x115: {  	s0 =	sadd.s32 @!p0 $0x100000, s0  }
0x116: {  	[sflag:s0] =	ssyncadd.tile.s32 @!p0 $0x1;
	_ =	shalt  }
.Lfunc_end2:
_tile_overlayer_lowered:
.L_overlay_start_2:
0x117: {  	(tag) =	ssettag $0x2  }
0x118: {  	s0 =	rddreg [dreg:$0x0];
	s2 =	stileid.u32  }
0x119: {  	s1 =	rddreg [dreg:$0x1];
	p0 =	sne.s32 s2, $0x0  }
0x11a: {  	s3 =	rddreg [dreg:$0x2];
	[bflag:$0x3] =	sbarrier.arrive $0xFFFF;
	s2 =	simm.s32 @!p0 $0x1C05  }
0x11b: {  	[timem:s3], [sflag:s2] =	dma.local @!p0 [hbm:s0], s1  }
0x11c: {  	s0 =	simm.s32 @!p0 $0x5  }
0x11d: {  	_ =	swait.ge @!p0 [sflag:s0], s1  }
0x11e: {  	s1 =	ssub.s32 @!p0 $0x0, s1;
	[sflag:s0] =	ssyncset.done @!p0 $0x0  }
0x11f: {  	[sflag:s0] =	ssyncadd.s32 @!p0 s1  }
0x120: {  	[bflag:$0x3] =	sbarrier.arrive $0xFFFF  }
0x121: {  	_ =	shalt  }

// kernel: kernel.16.cloned.1.call-start
scs
__scs_entry_jumppad:
0x0: {  	(pc) =	sbr.rel $0x88, $3  }
0x1: {  	(tag) =	ssettag $0x0;
	lr =	simm.s32 $0x1  }
0x2: {  	[smem:$0x3F93] =	sst lr;
	_ =	strace $0xD0000000  }
0x3: {  	_ = 	snop  }
0x4: {  	_ = 	snop  }
0x5: {  	_ = 	snop  }
0x6: {  	_ = 	snop  }
0x7: {  	_ = 	snop  }
__scs_overlays_trampoline_lowered:
0x8: {  	[smem:$0x3FA2] =	sst s0  }
0x9: {  	[smem:$0x3FA3] =	sst s1  }
0xa: {  	[smem:$0x3FA4] =	sst s2  }
0xb: {  	[smem:$0x3FA5] =	sst s3  }
0xc: {  	[smem:$0x3FA6] =	sst s4  }
0xd: {  	[smem:$0x3FA7] =	sst s5  }
0xe: {  	[smem:$0x3FA8] =	sst s6  }
0xf: {  	[smem:$0x3FA9] =	sst s7  }
0x10: {  	[smem:$0x3FAA] =	sst s8  }
0x11: {  	[smem:$0x3FAB] =	sst s9;
	s0 =	simm.s32 @!p0 $0x0  }
0x12: {  	s1 =	sld [smem:$0x3F91];
	s0 =	simm.s32 @p0 $0x1  }
0x13: {  	[smem:$0x3FAC] =	sst s0;
	s0 =	simm.s32 @!p1 $0x0  }
0x14: {  	s2 =	sld [smem:$0x3F90];
	s0 =	simm.s32 @p1 $0x1  }
0x15: {  	[smem:$0x3FAD] =	sst s0;
	s0 =	simm.s32 @!p2 $0x0  }
0x16: {  	s3 =	sld [smem:$0x3FDB];
	s0 =	simm.s32 @p2 $0x1  }
0x17: {  	s4 =	simm.s32 $0x1BF5;
	[smem:$0x3FAF] =	sst s0  }
0x18: {  	s0 =	sld [smem:$0x3F92];
	_ =	swait.ge [sflag:s4], $0x0  }
0x19: {  	s7 =	sld [smem:$0x3F93]  }
0x1a: {  	s8 =	sadd.s32 $0xFFFFE003, lr  }
0x1b: {  	s9 =	sadd.s32 $0xFFFFFEF7, lr;
	s5 =	simm.s32 $0xFFFFFFFF;
	p2 =	slt.u32 s8, $0xFFFFF086  }
0x1c: {  	p1 =	slt.u32 s9, $0xF7A;
	s5 =	simm.s32 @!p2 $0x0  }
0x1d: {  	s5 =	simm.s32 @p1 $0x1;
	p0 =	seq.s32 s7, s2  }
0x1e: {  	s7 =	smul.u32 @!p0 $0xF7A, s2;
	p2 =	seq.s32 @!p0 s5, $0x0  }
0x1f: {  	s9 =	smul.u32 $0xF7A, s1;
	s8 =	simm.s32 @!p0 $0x1BF5;
	p2 =	por !p2, p0  }
0x20: {  	[sflag:s8] =	ssyncset.s32 @!p0 $0xFFFFF086;
	s6 =	sadd.s32 @!p0 s3, s7;
	s7 =	simm.s32 @!p0 $0x108  }
0x21: {  	s3 =	sadd.s32 s3, s9;
	s6 =	sadd.s32 @!p0 $0x88, s6;
	s7 =	simm.s32 @p2 $0x1082  }
0x22: {  	[simem:s7], [sflag:s8] =	dma.local @!p0 [hbm:s6], $0xF7A  }
0x23: {  	s9 =	sor.u32 $0xD0000000, s2;
	s6 =	simm.s32 $0x108;
	_ =	swait.ge @!p0 [sflag:s8], $0x0  }
0x24: {  	s3 =	sadd.s32 $0x88, s3;
	s6 =	simm.s32 @!p1 $0x1082;
	[sflag:s4] =	ssyncset.s32 $0xFFFFF086  }
0x25: {  	[simem:s6], [sflag:s4] =	dma.local [hbm:s3], $0xF7A  }
0x26: {  	[smem:$0x3F93] =	sst s1;
	(tag) =	ssettag s2;
	_ =	strace s9  }
0x27: {  	s1 =	sld [smem:$0x3FA3]  }
0x28: {  	s2 =	sld [smem:$0x3FA4]  }
0x29: {  	s4 =	sld [smem:$0x3FA6]  }
0x2a: {  	p0 =	seq.s32 s5, $0x0;
	s5 =	sld [smem:$0x3FA7]  }
0x2b: {  	s6 =	sld [smem:$0x3FA8]  }
0x2c: {  	s7 =	sld [smem:$0x3FA9]  }
0x2d: {  	s3 =	simm.s32 $0x108;
	s8 =	sld [smem:$0x3FAA]  }
0x2e: {  	s3 =	simm.s32 @!p0 $0x1082;
	s9 =	sld [smem:$0x3FAB]  }
0x2f: {  	lr =	sadd.s32 s0, s3;
	s0 =	sld [smem:$0x3FA2]  }
0x30: {  	s3 =	sld [smem:$0x3FA5]  }
0x31: {  	[smem:$0x3FAE] =	sst s10  }
0x32: {  	s10 =	sld [smem:$0x3FAC];
	_ =	sdelay $0x3  }
0x33: {  	p0 =	seq.s32 s10, $0x1;
	s10 =	sld [smem:$0x3FAE];
	_ =	sdelay $0x3  }
0x34: {  	[smem:$0x3FAE] =	sst s10  }
0x35: {  	s10 =	sld [smem:$0x3FAD];
	_ =	sdelay $0x3  }
0x36: {  	p1 =	seq.s32 s10, $0x1;
	s10 =	sld [smem:$0x3FAE];
	_ =	sdelay $0x3  }
0x37: {  	[smem:$0x3FAE] =	sst s10  }
0x38: {  	s10 =	sld [smem:$0x3FAF]  }
0x39: {  	_ = 	snop;
	(pc) =	sbr.ind lr, $3  }
0x3a: {  	_ = 	snop  }
0x3b: {  	_ = 	snop  }
0x3c: {  	p2 =	seq.s32 s10, $0x1;
	s10 =	sld [smem:$0x3FAE]  }
0x3d: {  	_ =	shalt  }
0x3e: {  	_ =	shalt  }
0x3f: {  	_ =	shalt  }
0x40: {  	_ =	shalt  }
0x41: {  	_ =	shalt  }
0x42: {  	_ =	shalt  }
0x43: {  	_ =	shalt  }
0x44: {  	_ =	shalt  }
0x45: {  	_ =	shalt  }
0x46: {  	_ =	shalt  }
0x47: {  	_ =	shalt  }
0x48: {  	_ =	shalt  }
0x49: {  	_ =	shalt  }
0x4a: {  	_ =	shalt  }
0x4b: {  	_ =	shalt  }
0x4c: {  	_ =	shalt  }
0x4d: {  	_ =	shalt  }
0x4e: {  	_ =	shalt  }
0x4f: {  	_ =	shalt  }
0x50: {  	_ =	shalt  }
0x51: {  	_ =	shalt  }
0x52: {  	_ =	shalt  }
0x53: {  	_ =	shalt  }
0x54: {  	_ =	shalt  }
0x55: {  	_ =	shalt  }
0x56: {  	_ =	shalt  }
0x57: {  	_ =	shalt  }
0x58: {  	_ =	shalt  }
0x59: {  	_ =	shalt  }
0x5a: {  	_ =	shalt  }
0x5b: {  	_ =	shalt  }
0x5c: {  	_ =	shalt  }
0x5d: {  	_ =	shalt  }
0x5e: {  	_ =	shalt  }
0x5f: {  	_ =	shalt  }
0x60: {  	_ =	shalt  }
0x61: {  	_ =	shalt  }
0x62: {  	_ =	shalt  }
0x63: {  	_ =	shalt  }
0x64: {  	_ =	shalt  }
0x65: {  	_ =	shalt  }
0x66: {  	_ =	shalt  }
0x67: {  	_ =	shalt  }
0x68: {  	_ =	shalt  }
0x69: {  	_ =	shalt  }
0x6a: {  	_ =	shalt  }
0x6b: {  	_ =	shalt  }
0x6c: {  	_ =	shalt  }
0x6d: {  	_ =	shalt  }
0x6e: {  	_ =	shalt  }
0x6f: {  	_ =	shalt  }
0x70: {  	_ =	shalt  }
0x71: {  	_ =	shalt  }
0x72: {  	_ =	shalt  }
0x73: {  	_ =	shalt  }
0x74: {  	_ =	shalt  }
0x75: {  	_ =	shalt  }
0x76: {  	_ =	shalt  }
0x77: {  	_ =	shalt  }
0x78: {  	_ =	shalt  }
0x79: {  	_ =	shalt  }
0x7a: {  	_ =	shalt  }
0x7b: {  	_ =	shalt  }
0x7c: {  	_ =	shalt  }
0x7d: {  	_ =	shalt  }
0x7e: {  	_ =	shalt  }
0x7f: {  	_ =	shalt  }
0x80: {  	_ =	shalt  }
0x81: {  	_ =	shalt  }
0x82: {  	_ =	shalt  }
0x83: {  	_ =	shalt  }
0x84: {  	_ =	shalt  }
0x85: {  	_ =	shalt  }
0x86: {  	_ =	shalt  }
0x87: {  	_ =	shalt  }
.Lfunc_end0:
.L_simem_size_0:
called_computation.2_lowered:
.L_overlay_start_0:
0x88: {  	s2 =	sld [smem:$0x3FD9]  }
0x89: {  	s3 =	sld [smem:$0x3FFE];
	_ =	sdelay $0x1  }
0x8a: {  	s1 =	srdreg.scid  }
0x8b: {  	s0 =	sand.u32 $0x1, s1  }
0x8c: {  	s17 =	sshll.u32 s0, $0xA;
	s2 =	sadd.s32 s3, s2  }
0x8d: {  	s2 =	sadd.s32 s2, s17  }
0x8e: {  	[smem:$0x3FBA] =	sst s2  }
0x8f: {  	_ = 	snop  }
0x90: {  	s18 =	sld [smem:$0x3FC9]  }
0x91: {  	s4 =	sld [smem:$0x3FC8]  }
0x92: {  	s5 =	sld [smem:$0x3FC7]  }
0x93: {  	s6 =	sld [smem:$0x3FC6]  }
0x94: {  	s7 =	sld [smem:$0x3FBD]  }
0x95: {  	s8 =	sld [smem:$0x3FBC];
	(tm) =	ssettm $0x1  }
0x96: {  	s19 =	sld [smem:$0x3FFB];
	_ =	sdelay $0x3  }
0x97: {  	_ =	strace s19  }
0x98: {  	s2 =	sld [smem:$0x3FFC];
	_ =	sdelay $0x3  }
0x99: {  	_ =	strace s2  }
0x9a: {  	s2 =	sld [smem:$0x3FFD];
	_ =	sdelay $0x3  }
0x9b: {  	_ =	strace s2  }
0x9c: {  	_ =	strace $0x8FFFFFFF  }
0x9d: {  	s20 =	sld [smem:$0x3FDB];
	_ =	sdelay $0x1  }
0x9e: {  	s9 =	simm.s32 $_scs_section_size  }
0x9f: {  	s10 =	simm.s32 $_size__tile_overlayer_lowered;
	s11 =	simm.s32 $_tile_overlayer_lowered  }
0xa0: {  	s12 =	simm.s32 $0x1BFF;
	s21 =	sshll.u32 s11, $0x1;
	s9 =	sadd.s32 s9, s20  }
0xa1: {  	s22 =	simm.s32 $0x0;
	s10 =	sshll.u32 s10, $0x1;
	s11 =	sadd.s32 s21, s9  }
0xa2: {  	[timem:s22], [sflag:s12] =	dma.local [hbm:s11], s10  }
0xa3: {  	_ =	swait.ge [sflag:s12], s10  }
0xa4: {  	s10 =	ssub.s32 $0x0, s10;
	[sflag:s12] =	ssyncset.done $0x0  }
0xa5: {  	[sflag:s12] =	ssyncadd.s32 s10;
	_ =	sdelay $0x1  }
0xa6: {  	s23 =	simm.s32 $0x1B8B  }
0xa7: {  	_ =	swait.ge [sflag:s23], $0x1  }
0xa8: {  	[sflag:s23] =	ssyncset.done $0x0  }
0xa9: {  	[sflag:s23] =	ssyncadd.s32 $0xFFFFFFFF  }
0xaa: {  	s10 =	sld [smem:$0x0]  }
0xab: {  	s11 =	sand.u32 $0xFFFFFFFE, s1  }
0xac: {  	p0 =	sne.s32 s1, s11  }
0xad: {  	s11 =	sshll.u32 @p0 s11, $0xE  }
0xae: {  	s11 =	sadd.s32 @p0 $0x11B8D, s11;
	s12 =	sshll.u32 @p0 s10, $0x11  }
0xaf: {  	s11 =	sor.u32 @p0 s12, s11  }
0xb0: {  	[sflag:s11] =	ssyncadd.remote.s32 @p0 $0x1;
	_ =	sdelay $0x1  }
0xb1: {  	s11 =	simm.s32 @p0 $0x1B8D  }
0xb2: {  	_ =	swait.eq @p0 [sflag:s11], $0x1  }
0xb3: {  	[sflag:s11] =	ssyncadd.s32 @p0 $0xFFFFFFFF  }
0xb4: {  	s12 =	sshll.u32 @!p0 s1, $0xE  }
0xb5: {  	s12 =	sor.u32 @!p0 $0x4000, s12;
	s11 =	simm.s32 @!p0 $0x1B8D  }
0xb6: {  	s10 =	sshll.u32 @!p0 s10, $0x11;
	s12 =	sadd.s32 @!p0 $0x11B8D, s12;
	_ =	swait.eq @!p0 [sflag:s11], $0x1  }
0xb7: {  	s10 =	sor.u32 @!p0 s10, s12;
	[sflag:s11] =	ssyncadd.s32 @!p0 $0xFFFFFFFF  }
0xb8: {  	s25 =	simm.s32 $0x1B8E;
	s24 =	sld [smem:$0x3FFE];
	[sflag:s10] =	ssyncadd.remote.s32 @!p0 $0x1  }
0xb9: {  	s26 =	simm.s32 $execute0_lowered;
	[smem:$0x3FD2] =	sst s25  }
0xba: {  	s11 =	sshll.u32 s26, $0x1;
	_ =	strace $0x80000049;
	[dreg:$0x1] =	wrdreg $0xFFFFFFFF  }
0xbb: {  	s28 =	simm.s32 $_size_execute0_lowered;
	s9 =	sadd.s32 s9, s11;
	[dreg:$0x0] =	wrdreg $0x0  }
0xbc: {  	s11 =	sshll.u32 s28, $0x1;
	[dreg:$0x2] =	wrdreg s9  }
0xbd: {  	[dreg:$0x3] =	wrdreg s11  }
0xbe: {  	[dreg:$0x4] =	wrdreg $0xC0  }
0xbf: {  	_ =	task [dreg:s22], $0x5FFFF  }
0xc0: {  	[dreg:$0x1] =	wrdreg $0xFFFFFFFF  }
0xc1: {  	[dreg:$0x0] =	wrdreg $0x60  }
0xc2: {  	[dreg:$0x2] =	wrdreg s5  }
0xc3: {  	[dreg:$0x3] =	wrdreg s6  }
0xc4: {  	[dreg:$0x4] =	wrdreg s7  }
0xc5: {  	[dreg:$0x5] =	wrdreg s8  }
0xc6: {  	[dreg:$0x6] =	wrdreg s18  }
0xc7: {  	[dreg:$0x7] =	wrdreg s4  }
0xc8: {  	[dreg:$0x8] =	wrdreg s24  }
0xc9: {  	[dreg:$0x9] =	wrdreg $0xB  }
0xca: {  	_ =	task.clear_ibuf [dreg:s22], $0xAFFFF;
	_ =	strace $0x90000049  }
0xcb: {  	s29 =	simm.s32 $0xB;
	_ =	strace $0x8000004B  }
0xcc: {  	_ =	swait.ge [sflag:s29], $0x1  }
0xcd: {  	[sflag:s29] =	ssyncadd.s32 $0xFFFFFFFF  }
0xce: {  	_ =	strace $0x9000004B  }
0xcf: {  	_ =	sfence  }
0xd0: {  	s30 =	sld [smem:$0x0];
	_ =	sdelay $0x2  }
0xd1: {  	s31 =	sshll.u32 s1, $0xD;
	s1 =	sshrl.u32 s1, $0x2  }
0xd2: {  	s4 =	sand.u32 $0x4000, s31;
	s1 =	sadd.s32 s1, s30  }
0xd3: {  	s0 =	sor.u32 s4, s0;
	s1 =	sshll.u32 s1, $0x11  }
0xd4: {  	s0 =	sor.u32 s1, s0  }
0xd5: {  	s0 =	sadd.s32 $0x8F2B, s0  }
0xd6: {  	[sflag:s0] =	ssyncadd.remote.s32 $0x1  }
0xd7: {  	_ =	sfence.sel $0xFFFF  }
0xd8: {  	[dreg:$0x0] =	wrdreg $0xFFFFFFFF;
	(pc) =	sbr.abs _section_cstart, $3  }
0xd9: {  	[dreg:$0x1] =	wrdreg $0xFFFFFFFF  }
0xda: {  	_ =	task.clear_ibuf [dreg:s22], $0x2FFFF;
	_ =	strace $0x9FFFFFFF  }
0xdb: {  	(tm) =	ssettm $0x7FFFFFFF  }
tec
execute0_lowered:
.L_overlay_start_1:
0x0: {  	(tag) =	ssettag $0x1  }
0x1: {  	s0 =	rddreg [dreg:$0x0]  }
0x2: {  	s1 =	rddreg [dreg:$0x1]  }
0x3: {  	s2 =	rddreg [dreg:$0x2]  }
0x4: {  	s13 =	rddreg [dreg:$0x3]  }
0x5: {  	s14 =	rddreg [dreg:$0x4]  }
0x6: {  	s5 =	rddreg [dreg:$0x5]  }
0x7: {  	s6 =	rddreg [dreg:$0x6]  }
0x8: {  	s4 =	simm.s32 $0x0;
	s7 =	srdreg.scid;
	s3 =	stileid.u32  }
0x9: {  	s28 =	simm.s32 $0x5A00;
	s29 =	simm.s32 $0x1;
	[dreg:$0x8] =	wrdreg s2  }
0xa: {  	s30 =	simm.s32 $0x2;
	s31 =	simm.s32 $0x3;
	[dreg:$0x9] =	wrdreg s13  }
0xb: {  	[smem:$0x7FF] =	sst s4;
	s7 =	sand.u32 $0x1, s7;
	s8 =	sshll.u32 s3, $0x3  }
0xc: {  	s10 =	sadd.s32 $0x64A00, s6;
	s11 =	sadd.s32 $0x94A00, s6;
	s9 =	sshll.u32 s7, $0x2  }
0xd: {  	_ =	strace $0x8000004A;
	s7 =	ssub.s32 $0x2, s7;
	s8 =	sor.u32 s9, s8  }
0xe: {  	s15 =	sshrl.u32 s7, $0x1;
	s9 =	sor.u32 $0x100, s8;
	s12 =	smul.u32 $0x1800, s8  }
0xf: {  	s13 =	sadd.s32 s8, s6;
	s15 =	ssub.s32 s7, s15;
	s6 =	sadd.s32 $0x200, s0  }
0x10: {  	s7 =	sadd.s32 $0x100, s1;
	s8 =	sadd.s32 $0x200, s1;
	s2 =	sadd.s32 s14, s9  }
0x11: {  	s16 =	sadd.s32 s5, s9;
	s5 =	sadd.s32 $0x100, s0;
	s9 =	sadd.s32 $0xC4A00, s13  }
0x12: {  	s13 =	simm.s32 $0x20;
	[dreg:$0xa] =	wrdreg s2;
	s17 =	sshrl.u32 s12, $0x3  }
0x13: {  	[dreg:$0xb] =	wrdreg s16;
	s16 =	simm.s32 $0x200;
	s2 =	simm.s32 $0x4  }
0x14: {  	s18 =	sadd.s32 s10, s17;
	s19 =	sadd.s32 $0x600, s17;
	s12 =	sadd.s32 $0x18000, s17  }
0x15: {  	s14 =	sadd.s32 $0x18600, s17;
	s23 =	sadd.s32 s11, s17;
	[dreg:$0xc] =	wrdreg s18  }
0x16: {  	s17 =	simm.s32 $0xA00;
	s20 =	sadd.s32 s10, s19;
	[dreg:$0x10] =	wrdreg s23  }
0x17: {  	s21 =	sadd.s32 s10, s12;
	s22 =	sadd.s32 s10, s14;
	[dreg:$0xd] =	wrdreg s20  }
0x18: {  	s24 =	sadd.s32 s11, s19;
	s25 =	sadd.s32 s11, s12;
	[dreg:$0xe] =	wrdreg s21  }
0x19: {  	s26 =	sadd.s32 s11, s14;
	s10 =	smax.u32 s15, $0x1;
	[dreg:$0xf] =	wrdreg s22  }
0x1a: {  	s11 =	simm.s32 $0x5;
	s12 =	simm.s32 $0x100;
	[dreg:$0x11] =	wrdreg s24  }
0x1b: {  	s14 =	simm.s32 $0x6200;
	s18 =	simm.s32 $0x1200;
	[dreg:$0x12] =	wrdreg s25  }
0x1c: {  	v2 =	vlaneseq.u32;
	s19 =	simm.s32 $0x1A00;
	s23 =	simm.s32 $0x3A00;
	[dreg:$0x13] =	wrdreg s26  }
0x1d: {  	vm0 =	vmmov $0xffff;
	v1 =	vshrl.u32 v2, $0x3;
	s20 =	simm.s32 $0x2200;
	s21 =	simm.s32 $0x2A00;
	s22 =	simm.s32 $0x3200  }
0x1e: {  	v0 =	vand.u32 $0x7, v2;
	v2 =	vor.u32 $0x8, v2;
	v1 =	vmul.u32 $0x8, v1;
	s24 =	simm.s32 $0x4200;
	s25 =	simm.s32 $0x4A00;
	s26 =	simm.s32 $0x5200  }
.LBB2_1:
0x1f: {  	s3 =	rddreg [dreg:$0xa]  }
0x20: {  	[tilespmem:s4], [sflag:$0x5] =	stream.linear.gather [hbm4b:s3+s4], $0x20, $0x38;
	[tilespmem:$0x6300] =	vst v63  }
0x21: {  	_ =	swait.ge [sflag:s11], $0x20  }
0x22: {  	[sflag:s11] =	ssyncset.done $0x0  }
0x23: {  	s15 =	rddreg [dreg:$0xb];
	[sflag:s11] =	ssyncadd.s32 $0xFFFFFFE0  }
0x24: {  	[tilespmem:s12], [sflag:$0x5] =	stream.linear.gather [hbm4b:s15+s4], $0x20, $0x38;
	[tilespmem:$0x6300] =	vst v63  }
0x25: {  	_ =	swait.ge [sflag:s11], $0x20  }
0x26: {  	[sflag:s11] =	ssyncset.done $0x0  }
0x27: {  	s3 =	rddreg [dreg:$0x8];
	[sflag:s11] =	ssyncadd.s32 $0xFFFFFFE0  }
0x28: {  	[tilespmem:s14], [sflag:$0x3] =	stream.indirect.gather [hbm4b:s3+s13], $0x1, s4, s13, $0xb8;
	[tilespmem:$0x6300] =	vst v63  }
0x29: {  	s15 =	rddreg [dreg:$0x9];
	s3 =	simm.s32 $0x6280  }
0x2a: {  	[tilespmem:s3], [sflag:$0x4] =	stream.indirect.gather [hbm4b:s15+s13], $0x1, s12, s13, $0xb8;
	[tilespmem:$0x6300] =	vst v63  }
0x2b: {  	v3 =	vld [tilespmem:$0x0];
	_ =	sdelay $0x4  }
0x2c: {  	v4 =	vshrl.u32 v3, $0x3  }
0x2d: {  	v5 =	vld [tilespmem:$0x0];
	v4 =	vmul.u32 $0x30, v4  }
0x2e: {  	v6 =	vld [tilespmem:$0x100];
	v3 =	vand.u32 $0x7, v3  }
0x2f: {  	v7 =	vld [tilespmem:$0x10];
	v3 =	vor.u32 v3, v4  }
0x30: {  	v50 =	vld [tilespmem:$0x110];
	v8 =	vperm.xlane v3, v0;
	_ =	sdelay $0x1  }
0x31: {  	v5 =	vadd.s32 $0x186A0, v5;
	v8 =	vadd.s32 v1, v8  }
0x32: {  	v51 =	vadd.s32 $0x186A0, v6;
	[tilespmem:$0x80] =	vst v5  }
0x33: {  	v52 =	vadd.s32 $0x186A0, v7;
	[tilespmem:$0x180] =	vst v51  }
0x34: {  	[tilespmem:$0x90] =	vst v52;
	v4 =	vadd.s32 $0x186A0, v50  }
0x35: {  	[tilespmem:$0x190] =	vst v4;
	v3 =	vperm.xlane v3, v2  }
0x36: {  	[tilespmem:s16], [sflag:$0x1] =	stream.indirect_vreg.gather [hbm4b:s0+s4], $0x80, v8, vm0, $0xb8;
	[tilespmem:$0x6300] =	vst v63  }
0x37: {  	v3 =	vadd.s32 v1, v3  }
0x38: {  	[tilespmem:s17], [sflag:$0x1] =	stream.indirect_vreg.gather [hbm4b:s5+s4], $0x80, v8, vm0, $0xb8;
	[tilespmem:$0x6300] =	vst v63  }
0x39: {  	_ = 	snop  }
0x3a: {  	[tilespmem:s18], [sflag:$0x1] =	stream.indirect_vreg.gather [hbm4b:s6+s4], $0x80, v8, vm0, $0xb8;
	[tilespmem:$0x6300] =	vst v63  }
0x3b: {  	_ = 	snop  }
0x3c: {  	[tilespmem:s19], [sflag:$0x1] =	stream.indirect_vreg.gather [hbm4b:s0+s4], $0x80, v3, vm0, $0xb8;
	[tilespmem:$0x6300] =	vst v63  }
0x3d: {  	_ = 	snop  }
0x3e: {  	[tilespmem:s20], [sflag:$0x1] =	stream.indirect_vreg.gather [hbm4b:s5+s4], $0x80, v3, vm0, $0xb8;
	[tilespmem:$0x6300] =	vst v63  }
0x3f: {  	_ = 	snop  }
0x40: {  	[tilespmem:s21], [sflag:$0x1] =	stream.indirect_vreg.gather [hbm4b:s6+s4], $0x80, v3, vm0, $0xb8;
	[tilespmem:$0x6300] =	vst v63  }
0x41: {  	v3 =	vld [tilespmem:$0x10];
	_ =	sdelay $0x4  }
0x42: {  	v53 =	vshrl.u32 v3, $0x3  }
0x43: {  	v4 =	vmul.u32 $0x30, v53  }
0x44: {  	v3 =	vand.u32 $0x7, v3  }
0x45: {  	v3 =	vor.u32 v3, v4  }
0x46: {  	v4 =	vperm.xlane v3, v0;
	_ =	sdelay $0x1  }
0x47: {  	v4 =	vadd.s32 v1, v4;
	_ =	sdelay $0x3  }
0x48: {  	v3 =	vperm.xlane v3, v2  }
0x49: {  	[tilespmem:s22], [sflag:$0x2] =	stream.indirect_vreg.gather [hbm4b:s0+s4], $0x80, v4, vm0, $0xb8;
	[tilespmem:$0x6300] =	vst v63  }
0x4a: {  	v3 =	vadd.s32 v1, v3  }
0x4b: {  	[tilespmem:s23], [sflag:$0x2] =	stream.indirect_vreg.gather [hbm4b:s5+s4], $0x80, v4, vm0, $0xb8;
	[tilespmem:$0x6300] =	vst v63  }
0x4c: {  	_ = 	snop  }
0x4d: {  	[tilespmem:s24], [sflag:$0x2] =	stream.indirect_vreg.gather [hbm4b:s6+s4], $0x80, v4, vm0, $0xb8;
	[tilespmem:$0x6300] =	vst v63  }
0x4e: {  	_ = 	snop  }
0x4f: {  	[tilespmem:s25], [sflag:$0x2] =	stream.indirect_vreg.gather [hbm4b:s0+s4], $0x80, v3, vm0, $0xb8;
	[tilespmem:$0x6300] =	vst v63  }
0x50: {  	_ = 	snop  }
0x51: {  	[tilespmem:s26], [sflag:$0x2] =	stream.indirect_vreg.gather [hbm4b:s5+s4], $0x80, v3, vm0, $0xb8;
	[tilespmem:$0x6300] =	vst v63  }
0x52: {  	_ = 	snop  }
0x53: {  	[tilespmem:s28], [sflag:$0x2] =	stream.indirect_vreg.gather [hbm4b:s6+s4], $0x80, v3, vm0, $0xb8;
	[tilespmem:$0x6300] =	vst v63  }
0x54: {  	_ =	swait.ge [sflag:s29], $0x3000  }
0x55: {  	[sflag:s29] =	ssyncset.done $0x0  }
0x56: {  	s15 =	rddreg [dreg:$0xc];
	[sflag:s29] =	ssyncadd.s32 $0xFFFFD000  }
0x57: {  	[hbm4b:s15+s4] =	stream.linear.scatter [tilespmem:s16], [sflag:$0x5], $0x3000, $0x38;
	[tilespmem:$0x6300] =	vst v63  }
0x58: {  	_ =	swait.ge [sflag:s11], $0x3000  }
0x59: {  	[sflag:s11] =	ssyncset.done $0x0  }
0x5a: {  	[sflag:s11] =	ssyncadd.s32 $0xFFFFD000  }
0x5b: {  	v3 =	vld [tilespmem:$0x80];
	_ =	sdelay $0x4  }
0x5c: {  	v54 =	vshrl.u32 v3, $0x3  }
0x5d: {  	v4 =	vmul.u32 $0x30, v54  }
0x5e: {  	v3 =	vand.u32 $0x7, v3  }
0x5f: {  	v3 =	vor.u32 v3, v4  }
0x60: {  	v4 =	vperm.xlane v3, v0;
	_ =	sdelay $0x1  }
0x61: {  	v4 =	vadd.s32 v1, v4;
	_ =	sdelay $0x3  }
0x62: {  	v3 =	vperm.xlane v3, v2  }
0x63: {  	[tilespmem:s16], [sflag:$0x1] =	stream.indirect_vreg.gather [hbm4b:s0+s4], $0x80, v4, vm0, $0xb8;
	[tilespmem:$0x6300] =	vst v63  }
0x64: {  	v3 =	vadd.s32 v1, v3  }
0x65: {  	[tilespmem:s17], [sflag:$0x1] =	stream.indirect_vreg.gather [hbm4b:s5+s4], $0x80, v4, vm0, $0xb8;
	[tilespmem:$0x6300] =	vst v63  }
0x66: {  	_ = 	snop  }
0x67: {  	[tilespmem:s18], [sflag:$0x1] =	stream.indirect_vreg.gather [hbm4b:s6+s4], $0x80, v4, vm0, $0xb8;
	[tilespmem:$0x6300] =	vst v63  }
0x68: {  	_ = 	snop  }
0x69: {  	[tilespmem:s19], [sflag:$0x1] =	stream.indirect_vreg.gather [hbm4b:s0+s4], $0x80, v3, vm0, $0xb8;
	[tilespmem:$0x6300] =	vst v63  }
0x6a: {  	_ = 	snop  }
0x6b: {  	[tilespmem:s20], [sflag:$0x1] =	stream.indirect_vreg.gather [hbm4b:s5+s4], $0x80, v3, vm0, $0xb8;
	[tilespmem:$0x6300] =	vst v63  }
0x6c: {  	_ = 	snop  }
0x6d: {  	[tilespmem:s21], [sflag:$0x1] =	stream.indirect_vreg.gather [hbm4b:s6+s4], $0x80, v3, vm0, $0xb8;
	[tilespmem:$0x6300] =	vst v63  }
0x6e: {  	_ =	swait.ge [sflag:s30], $0x3000  }
0x6f: {  	[sflag:s30] =	ssyncset.done $0x0  }
0x70: {  	s15 =	rddreg [dreg:$0xd];
	[sflag:s30] =	ssyncadd.s32 $0xFFFFD000  }
0x71: {  	[hbm4b:s15+s4] =	stream.linear.scatter [tilespmem:s22], [sflag:$0x5], $0x3000, $0x38;
	[tilespmem:$0x6300] =	vst v63  }
0x72: {  	_ =	swait.ge [sflag:s11], $0x3000  }
0x73: {  	[sflag:s11] =	ssyncset.done $0x0  }
0x74: {  	[sflag:s11] =	ssyncadd.s32 $0xFFFFD000  }
0x75: {  	v3 =	vld [tilespmem:$0x90];
	_ =	sdelay $0x4  }
0x76: {  	v55 =	vshrl.u32 v3, $0x3  }
0x77: {  	v4 =	vmul.u32 $0x30, v55  }
0x78: {  	v3 =	vand.u32 $0x7, v3  }
0x79: {  	v3 =	vor.u32 v3, v4  }
0x7a: {  	v4 =	vperm.xlane v3, v0;
	_ =	sdelay $0x1  }
0x7b: {  	v4 =	vadd.s32 v1, v4;
	_ =	sdelay $0x3  }
0x7c: {  	v3 =	vperm.xlane v3, v2  }
0x7d: {  	[tilespmem:s22], [sflag:$0x2] =	stream.indirect_vreg.gather [hbm4b:s0+s4], $0x80, v4, vm0, $0xb8;
	[tilespmem:$0x6300] =	vst v63  }
0x7e: {  	v3 =	vadd.s32 v1, v3  }
0x7f: {  	[tilespmem:s23], [sflag:$0x2] =	stream.indirect_vreg.gather [hbm4b:s5+s4], $0x80, v4, vm0, $0xb8;
	[tilespmem:$0x6300] =	vst v63  }
0x80: {  	_ = 	snop  }
0x81: {  	[tilespmem:s24], [sflag:$0x2] =	stream.indirect_vreg.gather [hbm4b:s6+s4], $0x80, v4, vm0, $0xb8;
	[tilespmem:$0x6300] =	vst v63  }
0x82: {  	_ = 	snop  }
0x83: {  	[tilespmem:s25], [sflag:$0x2] =	stream.indirect_vreg.gather [hbm4b:s0+s4], $0x80, v3, vm0, $0xb8;
	[tilespmem:$0x6300] =	vst v63  }
0x84: {  	_ = 	snop  }
0x85: {  	[tilespmem:s26], [sflag:$0x2] =	stream.indirect_vreg.gather [hbm4b:s5+s4], $0x80, v3, vm0, $0xb8;
	[tilespmem:$0x6300] =	vst v63  }
0x86: {  	_ = 	snop  }
0x87: {  	[tilespmem:s28], [sflag:$0x2] =	stream.indirect_vreg.gather [hbm4b:s6+s4], $0x80, v3, vm0, $0xb8;
	[tilespmem:$0x6300] =	vst v63  }
0x88: {  	_ =	swait.ge [sflag:s29], $0x3000  }
0x89: {  	[sflag:s29] =	ssyncset.done $0x0  }
0x8a: {  	s15 =	rddreg [dreg:$0xe];
	[sflag:s29] =	ssyncadd.s32 $0xFFFFD000  }
0x8b: {  	[hbm4b:s15+s4] =	stream.linear.scatter [tilespmem:s16], [sflag:$0x5], $0x3000, $0x38;
	[tilespmem:$0x6300] =	vst v63  }
0x8c: {  	_ =	swait.ge [sflag:s11], $0x3000  }
0x8d: {  	[sflag:s11] =	ssyncset.done $0x0  }
0x8e: {  	[sflag:s11] =	ssyncadd.s32 $0xFFFFD000  }
0x8f: {  	v3 =	vld [tilespmem:$0x100];
	_ =	sdelay $0x4  }
0x90: {  	v56 =	vshrl.u32 v3, $0x3  }
0x91: {  	v4 =	vmul.u32 $0x30, v56  }
0x92: {  	v3 =	vand.u32 $0x7, v3  }
0x93: {  	v3 =	vor.u32 v3, v4  }
0x94: {  	v4 =	vperm.xlane v3, v0;
	_ =	sdelay $0x1  }
0x95: {  	v4 =	vadd.s32 v1, v4;
	_ =	sdelay $0x3  }
0x96: {  	v3 =	vperm.xlane v3, v2  }
0x97: {  	[tilespmem:s16], [sflag:$0x1] =	stream.indirect_vreg.gather [hbm4b:s1+s4], $0x80, v4, vm0, $0xb8;
	[tilespmem:$0x6300] =	vst v63  }
0x98: {  	v3 =	vadd.s32 v1, v3  }
0x99: {  	[tilespmem:s17], [sflag:$0x1] =	stream.indirect_vreg.gather [hbm4b:s7+s4], $0x80, v4, vm0, $0xb8;
	[tilespmem:$0x6300] =	vst v63  }
0x9a: {  	_ = 	snop  }
0x9b: {  	[tilespmem:s18], [sflag:$0x1] =	stream.indirect_vreg.gather [hbm4b:s8+s4], $0x80, v4, vm0, $0xb8;
	[tilespmem:$0x6300] =	vst v63  }
0x9c: {  	_ = 	snop  }
0x9d: {  	[tilespmem:s19], [sflag:$0x1] =	stream.indirect_vreg.gather [hbm4b:s1+s4], $0x80, v3, vm0, $0xb8;
	[tilespmem:$0x6300] =	vst v63  }
0x9e: {  	_ = 	snop  }
0x9f: {  	[tilespmem:s20], [sflag:$0x1] =	stream.indirect_vreg.gather [hbm4b:s7+s4], $0x80, v3, vm0, $0xb8;
	[tilespmem:$0x6300] =	vst v63  }
0xa0: {  	_ = 	snop  }
0xa1: {  	[tilespmem:s21], [sflag:$0x1] =	stream.indirect_vreg.gather [hbm4b:s8+s4], $0x80, v3, vm0, $0xb8;
	[tilespmem:$0x6300] =	vst v63  }
0xa2: {  	_ =	swait.ge [sflag:s30], $0x3000  }
0xa3: {  	[sflag:s30] =	ssyncset.done $0x0  }
0xa4: {  	s15 =	rddreg [dreg:$0xf];
	[sflag:s30] =	ssyncadd.s32 $0xFFFFD000  }
0xa5: {  	[hbm4b:s15+s4] =	stream.linear.scatter [tilespmem:s22], [sflag:$0x5], $0x3000, $0x38;
	[tilespmem:$0x6300] =	vst v63  }
0xa6: {  	_ =	swait.ge [sflag:s11], $0x3000  }
0xa7: {  	[sflag:s11] =	ssyncset.done $0x0  }
0xa8: {  	[sflag:s11] =	ssyncadd.s32 $0xFFFFD000  }
0xa9: {  	v3 =	vld [tilespmem:$0x110];
	_ =	sdelay $0x4  }
0xaa: {  	v57 =	vshrl.u32 v3, $0x3  }
0xab: {  	v4 =	vmul.u32 $0x30, v57  }
0xac: {  	v3 =	vand.u32 $0x7, v3  }
0xad: {  	v3 =	vor.u32 v3, v4  }
0xae: {  	v4 =	vperm.xlane v3, v0;
	_ =	sdelay $0x1  }
0xaf: {  	v4 =	vadd.s32 v1, v4;
	_ =	sdelay $0x3  }
0xb0: {  	v3 =	vperm.xlane v3, v2  }
0xb1: {  	[tilespmem:s22], [sflag:$0x2] =	stream.indirect_vreg.gather [hbm4b:s1+s4], $0x80, v4, vm0, $0xb8;
	[tilespmem:$0x6300] =	vst v63  }
0xb2: {  	v3 =	vadd.s32 v1, v3  }
0xb3: {  	[tilespmem:s23], [sflag:$0x2] =	stream.indirect_vreg.gather [hbm4b:s7+s4], $0x80, v4, vm0, $0xb8;
	[tilespmem:$0x6300] =	vst v63  }
0xb4: {  	_ = 	snop  }
0xb5: {  	[tilespmem:s24], [sflag:$0x2] =	stream.indirect_vreg.gather [hbm4b:s8+s4], $0x80, v4, vm0, $0xb8;
	[tilespmem:$0x6300] =	vst v63  }
0xb6: {  	_ = 	snop  }
0xb7: {  	[tilespmem:s25], [sflag:$0x2] =	stream.indirect_vreg.gather [hbm4b:s1+s4], $0x80, v3, vm0, $0xb8;
	[tilespmem:$0x6300] =	vst v63  }
0xb8: {  	_ = 	snop  }
0xb9: {  	[tilespmem:s26], [sflag:$0x2] =	stream.indirect_vreg.gather [hbm4b:s7+s4], $0x80, v3, vm0, $0xb8;
	[tilespmem:$0x6300] =	vst v63  }
0xba: {  	_ = 	snop  }
0xbb: {  	[tilespmem:s28], [sflag:$0x2] =	stream.indirect_vreg.gather [hbm4b:s8+s4], $0x80, v3, vm0, $0xb8;
	[tilespmem:$0x6300] =	vst v63  }
0xbc: {  	_ =	swait.ge [sflag:s29], $0x3000  }
0xbd: {  	[sflag:s29] =	ssyncset.done $0x0  }
0xbe: {  	s15 =	rddreg [dreg:$0x10];
	[sflag:s29] =	ssyncadd.s32 $0xFFFFD000  }
0xbf: {  	[hbm4b:s15+s4] =	stream.linear.scatter [tilespmem:s16], [sflag:$0x5], $0x3000, $0x38;
	[tilespmem:$0x6300] =	vst v63  }
0xc0: {  	_ =	swait.ge [sflag:s11], $0x3000  }
0xc1: {  	[sflag:s11] =	ssyncset.done $0x0  }
0xc2: {  	[sflag:s11] =	ssyncadd.s32 $0xFFFFD000  }
0xc3: {  	v3 =	vld [tilespmem:$0x180];
	_ =	sdelay $0x4  }
0xc4: {  	v58 =	vshrl.u32 v3, $0x3  }
0xc5: {  	v4 =	vmul.u32 $0x30, v58  }
0xc6: {  	v3 =	vand.u32 $0x7, v3  }
0xc7: {  	v3 =	vor.u32 v3, v4  }
0xc8: {  	v4 =	vperm.xlane v3, v0;
	_ =	sdelay $0x1  }
0xc9: {  	v4 =	vadd.s32 v1, v4;
	_ =	sdelay $0x3  }
0xca: {  	v3 =	vperm.xlane v3, v2  }
0xcb: {  	[tilespmem:s16], [sflag:$0x1] =	stream.indirect_vreg.gather [hbm4b:s1+s4], $0x80, v4, vm0, $0xb8;
	[tilespmem:$0x6300] =	vst v63  }
0xcc: {  	v3 =	vadd.s32 v1, v3  }
0xcd: {  	[tilespmem:s17], [sflag:$0x1] =	stream.indirect_vreg.gather [hbm4b:s7+s4], $0x80, v4, vm0, $0xb8;
	[tilespmem:$0x6300] =	vst v63  }
0xce: {  	_ = 	snop  }
0xcf: {  	[tilespmem:s18], [sflag:$0x1] =	stream.indirect_vreg.gather [hbm4b:s8+s4], $0x80, v4, vm0, $0xb8;
	[tilespmem:$0x6300] =	vst v63  }
0xd0: {  	_ = 	snop  }
0xd1: {  	[tilespmem:s19], [sflag:$0x1] =	stream.indirect_vreg.gather [hbm4b:s1+s4], $0x80, v3, vm0, $0xb8;
	[tilespmem:$0x6300] =	vst v63  }
0xd2: {  	_ = 	snop  }
0xd3: {  	[tilespmem:s20], [sflag:$0x1] =	stream.indirect_vreg.gather [hbm4b:s7+s4], $0x80, v3, vm0, $0xb8;
	[tilespmem:$0x6300] =	vst v63  }
0xd4: {  	_ = 	snop  }
0xd5: {  	[tilespmem:s21], [sflag:$0x1] =	stream.indirect_vreg.gather [hbm4b:s8+s4], $0x80, v3, vm0, $0xb8;
	[tilespmem:$0x6300] =	vst v63  }
0xd6: {  	_ =	swait.ge [sflag:s30], $0x3000  }
0xd7: {  	[sflag:s30] =	ssyncset.done $0x0  }
0xd8: {  	s15 =	rddreg [dreg:$0x11];
	[sflag:s30] =	ssyncadd.s32 $0xFFFFD000  }
0xd9: {  	[hbm4b:s15+s4] =	stream.linear.scatter [tilespmem:s22], [sflag:$0x5], $0x3000, $0x38;
	[tilespmem:$0x6300] =	vst v63  }
0xda: {  	_ =	swait.ge [sflag:s11], $0x3000  }
0xdb: {  	[sflag:s11] =	ssyncset.done $0x0  }
0xdc: {  	[sflag:s11] =	ssyncadd.s32 $0xFFFFD000  }
0xdd: {  	v3 =	vld [tilespmem:$0x190];
	_ =	sdelay $0x4  }
0xde: {  	v59 =	vshrl.u32 v3, $0x3  }
0xdf: {  	v4 =	vmul.u32 $0x30, v59  }
0xe0: {  	v3 =	vand.u32 $0x7, v3  }
0xe1: {  	v3 =	vor.u32 v3, v4  }
0xe2: {  	v4 =	vperm.xlane v3, v0;
	_ =	sdelay $0x1  }
0xe3: {  	v4 =	vadd.s32 v1, v4;
	_ =	sdelay $0x3  }
0xe4: {  	v3 =	vperm.xlane v3, v2  }
0xe5: {  	[tilespmem:s22], [sflag:$0x2] =	stream.indirect_vreg.gather [hbm4b:s1+s4], $0x80, v4, vm0, $0xb8;
	[tilespmem:$0x6300] =	vst v63  }
0xe6: {  	v3 =	vadd.s32 v1, v3  }
0xe7: {  	[tilespmem:s23], [sflag:$0x2] =	stream.indirect_vreg.gather [hbm4b:s7+s4], $0x80, v4, vm0, $0xb8;
	[tilespmem:$0x6300] =	vst v63  }
0xe8: {  	_ = 	snop  }
0xe9: {  	[tilespmem:s24], [sflag:$0x2] =	stream.indirect_vreg.gather [hbm4b:s8+s4], $0x80, v4, vm0, $0xb8;
	[tilespmem:$0x6300] =	vst v63  }
0xea: {  	_ = 	snop  }
0xeb: {  	[tilespmem:s25], [sflag:$0x2] =	stream.indirect_vreg.gather [hbm4b:s1+s4], $0x80, v3, vm0, $0xb8;
	[tilespmem:$0x6300] =	vst v63  }
0xec: {  	_ = 	snop  }
0xed: {  	[tilespmem:s26], [sflag:$0x2] =	stream.indirect_vreg.gather [hbm4b:s7+s4], $0x80, v3, vm0, $0xb8;
	[tilespmem:$0x6300] =	vst v63  }
0xee: {  	_ = 	snop  }
0xef: {  	[tilespmem:s28], [sflag:$0x2] =	stream.indirect_vreg.gather [hbm4b:s8+s4], $0x80, v3, vm0, $0xb8;
	[tilespmem:$0x6300] =	vst v63  }
0xf0: {  	_ =	swait.ge [sflag:s29], $0x3000  }
0xf1: {  	[sflag:s29] =	ssyncset.done $0x0  }
0xf2: {  	s15 =	rddreg [dreg:$0x12];
	[sflag:s29] =	ssyncadd.s32 $0xFFFFD000  }
0xf3: {  	[hbm4b:s15+s4] =	stream.linear.scatter [tilespmem:s16], [sflag:$0x5], $0x3000, $0x38;
	[tilespmem:$0x6300] =	vst v63  }
0xf4: {  	_ =	swait.ge [sflag:s11], $0x3000  }
0xf5: {  	[sflag:s11] =	ssyncset.done $0x0  }
0xf6: {  	[sflag:s11] =	ssyncadd.s32 $0xFFFFD000  }
0xf7: {  	_ =	swait.ge [sflag:s30], $0x3000  }
0xf8: {  	[sflag:s30] =	ssyncset.done $0x0  }
0xf9: {  	s15 =	rddreg [dreg:$0x13];
	[sflag:s30] =	ssyncadd.s32 $0xFFFFD000  }
0xfa: {  	[hbm4b:s15+s4] =	stream.linear.scatter [tilespmem:s22], [sflag:$0x5], $0x3000, $0x38;
	[tilespmem:$0x6300] =	vst v63  }
0xfb: {  	_ =	swait.ge [sflag:s11], $0x3000  }
0xfc: {  	[sflag:s11] =	ssyncset.done $0x0  }
0xfd: {  	[sflag:s11] =	ssyncadd.s32 $0xFFFFD000  }
0xfe: {  	_ =	swait.ge [sflag:s31], $0x20  }
0xff: {  	[sflag:s31] =	ssyncset.done $0x0  }
0x100: {  	[sflag:s31] =	ssyncadd.s32 $0xFFFFFFE0  }
0x101: {  	_ =	swait.ge [sflag:s2], $0x20  }
0x102: {  	[sflag:s2] =	ssyncset.done $0x0  }
0x103: {  	[sflag:s2] =	ssyncadd.s32 $0xFFFFFFE0  }
0x104: {  	v3 =	vld [tilespmem:$0x6200]  }
0x105: {  	v60 =	vld [tilespmem:$0x6280]  }
0x106: {  	v61 =	vld [tilespmem:$0x6210]  }
0x107: {  	v62 =	vld [tilespmem:$0x6290];
	_ =	sdelay $0x3  }
0x108: {  	v3 =	vadd.f32 v60, v3  }
0x109: {  	v63 =	vadd.f32 v62, v61  }
0x10a: {  	p0 =	sne.s32 s10, $0x1;
	[tilespmem:$0x6200] =	vst v3  }
.Ltmp0:
0x10b: {  	[tilespmem:$0x6210] =	vst v63;
	(pc) =	sbr.rel @p0 .LBB2_1-.Ltmp0, $4  }
0x10c: {  	[hbm4b:s9+s4] =	stream.linear.scatter [tilespmem:s14], [sflag:$0x5], $0x20, $0x38;
	[tilespmem:$0x6300] =	vst v63  }
0x10d: {  	_ =	swait.ge [sflag:s11], $0x20  }
0x10e: {  	[sflag:s11] =	ssyncset.done $0x0  }
0x10f: {  	s10 =	sadd.s32 $0xFFFFFFFF, s10;
	[sflag:s11] =	ssyncadd.s32 $0xFFFFFFE0  }
0x110: {  	_ =	sfence.sel $0x180000  }
0x111: {  	[bflag:$0x0] =	sbarrier.arrive $0xFFFF  }
0x112: {  	_ =	strace $0x9000004A  }
0x113: {  	s0 =	stileid.u32;
	[bflag:$0x2] =	sbarrier.arrive $0xFFFF  }
0x114: {  	p0 =	sne.s32 s0, $0x0;
	s0 =	rddreg [dreg:$0x7]  }
0x115: {  	s0 =	sadd.s32 @!p0 $0x100000, s0  }
0x116: {  	[sflag:s0] =	ssyncadd.tile.s32 @!p0 $0x1;
	_ =	shalt  }
.Lfunc_end2:
_tile_overlayer_lowered:
.L_overlay_start_2:
0x117: {  	(tag) =	ssettag $0x2  }
0x118: {  	s0 =	rddreg [dreg:$0x0];
	s2 =	stileid.u32  }
0x119: {  	s1 =	rddreg [dreg:$0x1];
	p0 =	sne.s32 s2, $0x0  }
0x11a: {  	s3 =	rddreg [dreg:$0x2];
	[bflag:$0x3] =	sbarrier.arrive $0xFFFF;
	s2 =	simm.s32 @!p0 $0x1C05  }
0x11b: {  	[timem:s3], [sflag:s2] =	dma.local @!p0 [hbm:s0], s1  }
0x11c: {  	s0 =	simm.s32 @!p0 $0x5  }
0x11d: {  	_ =	swait.ge @!p0 [sflag:s0], s1  }
0x11e: {  	s1 =	ssub.s32 @!p0 $0x0, s1;
	[sflag:s0] =	ssyncset.done @!p0 $0x0  }
0x11f: {  	[sflag:s0] =	ssyncadd.s32 @!p0 s1  }
0x120: {  	[bflag:$0x3] =	sbarrier.arrive $0xFFFF  }
0x121: {  	_ =	shalt  }

// kernel: kernel.19.cloned.1.call-start
scs
__scs_entry_jumppad:
0x0: {  	(pc) =	sbr.rel $0x88, $3  }
0x1: {  	(tag) =	ssettag $0x0;
	lr =	simm.s32 $0x1  }
0x2: {  	[smem:$0x3F93] =	sst lr;
	_ =	strace $0xD0000000  }
0x3: {  	_ = 	snop  }
0x4: {  	_ = 	snop  }
0x5: {  	_ = 	snop  }
0x6: {  	_ = 	snop  }
0x7: {  	_ = 	snop  }
__scs_overlays_trampoline_lowered:
0x8: {  	[smem:$0x3FA2] =	sst s0  }
0x9: {  	[smem:$0x3FA3] =	sst s1  }
0xa: {  	[smem:$0x3FA4] =	sst s2  }
0xb: {  	[smem:$0x3FA5] =	sst s3  }
0xc: {  	[smem:$0x3FA6] =	sst s4  }
0xd: {  	[smem:$0x3FA7] =	sst s5  }
0xe: {  	[smem:$0x3FA8] =	sst s6  }
0xf: {  	[smem:$0x3FA9] =	sst s7  }
0x10: {  	[smem:$0x3FAA] =	sst s8  }
0x11: {  	[smem:$0x3FAB] =	sst s9;
	s0 =	simm.s32 @!p0 $0x0  }
0x12: {  	s1 =	sld [smem:$0x3F91];
	s0 =	simm.s32 @p0 $0x1  }
0x13: {  	[smem:$0x3FAC] =	sst s0;
	s0 =	simm.s32 @!p1 $0x0  }
0x14: {  	s2 =	sld [smem:$0x3F90];
	s0 =	simm.s32 @p1 $0x1  }
0x15: {  	[smem:$0x3FAD] =	sst s0;
	s0 =	simm.s32 @!p2 $0x0  }
0x16: {  	s3 =	sld [smem:$0x3FDB];
	s0 =	simm.s32 @p2 $0x1  }
0x17: {  	s4 =	simm.s32 $0x1BF5;
	[smem:$0x3FAF] =	sst s0  }
0x18: {  	s0 =	sld [smem:$0x3F92];
	_ =	swait.ge [sflag:s4], $0x0  }
0x19: {  	s7 =	sld [smem:$0x3F93]  }
0x1a: {  	s8 =	sadd.s32 $0xFFFFE003, lr  }
0x1b: {  	s9 =	sadd.s32 $0xFFFFFEF7, lr;
	s5 =	simm.s32 $0xFFFFFFFF;
	p2 =	slt.u32 s8, $0xFFFFF086  }
0x1c: {  	p1 =	slt.u32 s9, $0xF7A;
	s5 =	simm.s32 @!p2 $0x0  }
0x1d: {  	s5 =	simm.s32 @p1 $0x1;
	p0 =	seq.s32 s7, s2  }
0x1e: {  	s7 =	smul.u32 @!p0 $0xF7A, s2;
	p2 =	seq.s32 @!p0 s5, $0x0  }
0x1f: {  	s9 =	smul.u32 $0xF7A, s1;
	s8 =	simm.s32 @!p0 $0x1BF5;
	p2 =	por !p2, p0  }
0x20: {  	[sflag:s8] =	ssyncset.s32 @!p0 $0xFFFFF086;
	s6 =	sadd.s32 @!p0 s3, s7;
	s7 =	simm.s32 @!p0 $0x108  }
0x21: {  	s3 =	sadd.s32 s3, s9;
	s6 =	sadd.s32 @!p0 $0x88, s6;
	s7 =	simm.s32 @p2 $0x1082  }
0x22: {  	[simem:s7], [sflag:s8] =	dma.local @!p0 [hbm:s6], $0xF7A  }
0x23: {  	s9 =	sor.u32 $0xD0000000, s2;
	s6 =	simm.s32 $0x108;
	_ =	swait.ge @!p0 [sflag:s8], $0x0  }
0x24: {  	s3 =	sadd.s32 $0x88, s3;
	s6 =	simm.s32 @!p1 $0x1082;
	[sflag:s4] =	ssyncset.s32 $0xFFFFF086  }
0x25: {  	[simem:s6], [sflag:s4] =	dma.local [hbm:s3], $0xF7A  }
0x26: {  	[smem:$0x3F93] =	sst s1;
	(tag) =	ssettag s2;
	_ =	strace s9  }
0x27: {  	s1 =	sld [smem:$0x3FA3]  }
0x28: {  	s2 =	sld [smem:$0x3FA4]  }
0x29: {  	s4 =	sld [smem:$0x3FA6]  }
0x2a: {  	p0 =	seq.s32 s5, $0x0;
	s5 =	sld [smem:$0x3FA7]  }
0x2b: {  	s6 =	sld [smem:$0x3FA8]  }
0x2c: {  	s7 =	sld [smem:$0x3FA9]  }
0x2d: {  	s3 =	simm.s32 $0x108;
	s8 =	sld [smem:$0x3FAA]  }
0x2e: {  	s3 =	simm.s32 @!p0 $0x1082;
	s9 =	sld [smem:$0x3FAB]  }
0x2f: {  	lr =	sadd.s32 s0, s3;
	s0 =	sld [smem:$0x3FA2]  }
0x30: {  	s3 =	sld [smem:$0x3FA5]  }
0x31: {  	[smem:$0x3FAE] =	sst s10  }
0x32: {  	s10 =	sld [smem:$0x3FAC];
	_ =	sdelay $0x3  }
0x33: {  	p0 =	seq.s32 s10, $0x1;
	s10 =	sld [smem:$0x3FAE];
	_ =	sdelay $0x3  }
0x34: {  	[smem:$0x3FAE] =	sst s10  }
0x35: {  	s10 =	sld [smem:$0x3FAD];
	_ =	sdelay $0x3  }
0x36: {  	p1 =	seq.s32 s10, $0x1;
	s10 =	sld [smem:$0x3FAE];
	_ =	sdelay $0x3  }
0x37: {  	[smem:$0x3FAE] =	sst s10  }
0x38: {  	s10 =	sld [smem:$0x3FAF]  }
0x39: {  	_ = 	snop;
	(pc) =	sbr.ind lr, $3  }
0x3a: {  	_ = 	snop  }
0x3b: {  	_ = 	snop  }
0x3c: {  	p2 =	seq.s32 s10, $0x1;
	s10 =	sld [smem:$0x3FAE]  }
0x3d: {  	_ =	shalt  }
0x3e: {  	_ =	shalt  }
0x3f: {  	_ =	shalt  }
0x40: {  	_ =	shalt  }
0x41: {  	_ =	shalt  }
0x42: {  	_ =	shalt  }
0x43: {  	_ =	shalt  }
0x44: {  	_ =	shalt  }
0x45: {  	_ =	shalt  }
0x46: {  	_ =	shalt  }
0x47: {  	_ =	shalt  }
0x48: {  	_ =	shalt  }
0x49: {  	_ =	shalt  }
0x4a: {  	_ =	shalt  }
0x4b: {  	_ =	shalt  }
0x4c: {  	_ =	shalt  }
0x4d: {  	_ =	shalt  }
0x4e: {  	_ =	shalt  }
0x4f: {  	_ =	shalt  }
0x50: {  	_ =	shalt  }
0x51: {  	_ =	shalt  }
0x52: {  	_ =	shalt  }
0x53: {  	_ =	shalt  }
0x54: {  	_ =	shalt  }
0x55: {  	_ =	shalt  }
0x56: {  	_ =	shalt  }
0x57: {  	_ =	shalt  }
0x58: {  	_ =	shalt  }
0x59: {  	_ =	shalt  }
0x5a: {  	_ =	shalt  }
0x5b: {  	_ =	shalt  }
0x5c: {  	_ =	shalt  }
0x5d: {  	_ =	shalt  }
0x5e: {  	_ =	shalt  }
0x5f: {  	_ =	shalt  }
0x60: {  	_ =	shalt  }
0x61: {  	_ =	shalt  }
0x62: {  	_ =	shalt  }
0x63: {  	_ =	shalt  }
0x64: {  	_ =	shalt  }
0x65: {  	_ =	shalt  }
0x66: {  	_ =	shalt  }
0x67: {  	_ =	shalt  }
0x68: {  	_ =	shalt  }
0x69: {  	_ =	shalt  }
0x6a: {  	_ =	shalt  }
0x6b: {  	_ =	shalt  }
0x6c: {  	_ =	shalt  }
0x6d: {  	_ =	shalt  }
0x6e: {  	_ =	shalt  }
0x6f: {  	_ =	shalt  }
0x70: {  	_ =	shalt  }
0x71: {  	_ =	shalt  }
0x72: {  	_ =	shalt  }
0x73: {  	_ =	shalt  }
0x74: {  	_ =	shalt  }
0x75: {  	_ =	shalt  }
0x76: {  	_ =	shalt  }
0x77: {  	_ =	shalt  }
0x78: {  	_ =	shalt  }
0x79: {  	_ =	shalt  }
0x7a: {  	_ =	shalt  }
0x7b: {  	_ =	shalt  }
0x7c: {  	_ =	shalt  }
0x7d: {  	_ =	shalt  }
0x7e: {  	_ =	shalt  }
0x7f: {  	_ =	shalt  }
0x80: {  	_ =	shalt  }
0x81: {  	_ =	shalt  }
0x82: {  	_ =	shalt  }
0x83: {  	_ =	shalt  }
0x84: {  	_ =	shalt  }
0x85: {  	_ =	shalt  }
0x86: {  	_ =	shalt  }
0x87: {  	_ =	shalt  }
.Lfunc_end0:
.L_simem_size_0:
called_computation.3_lowered:
.L_overlay_start_0:
0x88: {  	s2 =	sld [smem:$0x3FD9]  }
0x89: {  	s3 =	sld [smem:$0x3FFE];
	_ =	sdelay $0x1  }
0x8a: {  	s1 =	srdreg.scid  }
0x8b: {  	s0 =	sand.u32 $0x1, s1  }
0x8c: {  	s17 =	sshll.u32 s0, $0xA;
	s2 =	sadd.s32 s3, s2  }
0x8d: {  	s2 =	sadd.s32 s2, s17  }
0x8e: {  	[smem:$0x3FBA] =	sst s2  }
0x8f: {  	_ = 	snop  }
0x90: {  	s2 =	sld [smem:$0x3FC9]  }
0x91: {  	s18 =	sld [smem:$0x3FC8]  }
0x92: {  	s4 =	sld [smem:$0x3FC7]  }
0x93: {  	s5 =	sld [smem:$0x3FC6]  }
0x94: {  	s6 =	sld [smem:$0x3FBD]  }
0x95: {  	s7 =	sld [smem:$0x3FBC];
	(tm) =	ssettm $0x1  }
0x96: {  	s8 =	sld [smem:$0x3FFB];
	_ =	sdelay $0x3  }
0x97: {  	_ =	strace s8  }
0x98: {  	s8 =	sld [smem:$0x3FFC];
	_ =	sdelay $0x3  }
0x99: {  	_ =	strace s8  }
0x9a: {  	s8 =	sld [smem:$0x3FFD];
	_ =	sdelay $0x3  }
0x9b: {  	_ =	strace s8  }
0x9c: {  	_ =	strace $0x8FFFFFFF  }
0x9d: {  	s19 =	sld [smem:$0x3FDB];
	_ =	sdelay $0x1  }
0x9e: {  	s9 =	simm.s32 $_scs_section_size  }
0x9f: {  	s10 =	simm.s32 $_size__tile_overlayer_lowered;
	s11 =	simm.s32 $_tile_overlayer_lowered  }
0xa0: {  	s22 =	simm.s32 $0x1BFF;
	s21 =	sshll.u32 s11, $0x1;
	s8 =	sadd.s32 s9, s19  }
0xa1: {  	s12 =	simm.s32 $0x0;
	s20 =	sshll.u32 s10, $0x1;
	s10 =	sadd.s32 s21, s8  }
0xa2: {  	[timem:s12], [sflag:s22] =	dma.local [hbm:s10], s20  }
0xa3: {  	_ =	swait.ge [sflag:s22], s20  }
0xa4: {  	s9 =	ssub.s32 $0x0, s20;
	[sflag:s22] =	ssyncset.done $0x0  }
0xa5: {  	[sflag:s22] =	ssyncadd.s32 s9;
	_ =	sdelay $0x1  }
0xa6: {  	s23 =	simm.s32 $0x1B8B  }
0xa7: {  	_ =	swait.ge [sflag:s23], $0x1  }
0xa8: {  	[sflag:s23] =	ssyncset.done $0x0  }
0xa9: {  	s25 =	simm.s32 $0x1B8E;
	s24 =	sld [smem:$0x3FFE];
	[sflag:s23] =	ssyncadd.s32 $0xFFFFFFFF  }
0xaa: {  	s26 =	simm.s32 $execute0_lowered;
	[smem:$0x3FD2] =	sst s25  }
0xab: {  	s10 =	sshll.u32 s26, $0x1;
	_ =	strace $0x80000046;
	[dreg:$0x1] =	wrdreg $0xFFFFFFFF  }
0xac: {  	s28 =	simm.s32 $_size_execute0_lowered;
	s8 =	sadd.s32 s8, s10;
	[dreg:$0x0] =	wrdreg $0x0  }
0xad: {  	s10 =	sshll.u32 s28, $0x1;
	[dreg:$0x2] =	wrdreg s8  }
0xae: {  	[dreg:$0x3] =	wrdreg s10  }
0xaf: {  	[dreg:$0x4] =	wrdreg $0xC0  }
0xb0: {  	_ =	task [dreg:s12], $0x5FFFF  }
0xb1: {  	[dreg:$0x1] =	wrdreg $0xFFFFFFFF  }
0xb2: {  	[dreg:$0x0] =	wrdreg $0x60  }
0xb3: {  	[dreg:$0x2] =	wrdreg s4  }
0xb4: {  	[dreg:$0x3] =	wrdreg s5  }
0xb5: {  	[dreg:$0x4] =	wrdreg s6  }
0xb6: {  	[dreg:$0x5] =	wrdreg s7  }
0xb7: {  	[dreg:$0x6] =	wrdreg s2  }
0xb8: {  	[dreg:$0x7] =	wrdreg s18  }
0xb9: {  	[dreg:$0x8] =	wrdreg s24  }
0xba: {  	[dreg:$0x9] =	wrdreg $0xC  }
0xbb: {  	_ =	task.clear_ibuf [dreg:s12], $0xAFFFF;
	_ =	strace $0x90000046  }
0xbc: {  	s29 =	simm.s32 $0xC;
	_ =	strace $0x80000048  }
0xbd: {  	_ =	swait.ge [sflag:s29], $0x1  }
0xbe: {  	[sflag:s29] =	ssyncadd.s32 $0xFFFFFFFF  }
0xbf: {  	_ =	strace $0x90000048  }
0xc0: {  	_ =	sfence  }
0xc1: {  	s30 =	sld [smem:$0x0];
	_ =	sdelay $0x2  }
0xc2: {  	s31 =	sshll.u32 s1, $0xD;
	s1 =	sshrl.u32 s1, $0x2  }
0xc3: {  	s3 =	sand.u32 $0x4000, s31;
	s1 =	sadd.s32 s1, s30  }
0xc4: {  	s0 =	sor.u32 s3, s0;
	s1 =	sshll.u32 s1, $0x11  }
0xc5: {  	s0 =	sor.u32 s1, s0  }
0xc6: {  	s0 =	sadd.s32 $0x8F2B, s0  }
0xc7: {  	[sflag:s0] =	ssyncadd.remote.s32 $0x1  }
0xc8: {  	_ =	sfence.sel $0xFFFF  }
0xc9: {  	[dreg:$0x0] =	wrdreg $0xFFFFFFFF;
	(pc) =	sbr.abs _section_cstart, $3  }
0xca: {  	[dreg:$0x1] =	wrdreg $0xFFFFFFFF  }
0xcb: {  	_ =	task.clear_ibuf [dreg:s12], $0x2FFFF;
	_ =	strace $0x9FFFFFFF  }
0xcc: {  	(tm) =	ssettm $0x7FFFFFFF  }
0xcd: {  	_ =	shalt  }
tec
execute0_lowered:
.L_overlay_start_1:
0x0: {  	(tag) =	ssettag $0x1  }
0x1: {  	s0 =	rddreg [dreg:$0x0]  }
0x2: {  	s1 =	rddreg [dreg:$0x1]  }
0x3: {  	s2 =	rddreg [dreg:$0x2]  }
0x4: {  	s13 =	rddreg [dreg:$0x3]  }
0x5: {  	s14 =	rddreg [dreg:$0x4]  }
0x6: {  	s5 =	rddreg [dreg:$0x5]  }
0x7: {  	s6 =	rddreg [dreg:$0x6]  }
0x8: {  	s4 =	simm.s32 $0x0;
	s7 =	srdreg.scid;
	s3 =	stileid.u32  }
0x9: {  	s28 =	simm.s32 $0x5A00;
	s29 =	simm.s32 $0x1;
	[dreg:$0x8] =	wrdreg s2  }
0xa: {  	s30 =	simm.s32 $0x2;
	s31 =	simm.s32 $0x3;
	[dreg:$0x9] =	wrdreg s13  }
0xb: {  	[smem:$0x7FF] =	sst s4;
	s7 =	sand.u32 $0x1, s7;
	s8 =	sshll.u32 s3, $0x3  }
0xc: {  	s10 =	sadd.s32 $0x4800, s6;
	s11 =	sadd.s32 $0x34800, s6;
	s9 =	sshll.u32 s7, $0x2  }
0xd: {  	_ =	strace $0x80000047;
	s7 =	ssub.s32 $0x2, s7;
	s8 =	sor.u32 s9, s8  }
0xe: {  	s15 =	sshrl.u32 s7, $0x1;
	s9 =	sor.u32 $0x180, s8;
	s12 =	smul.u32 $0x1800, s8  }
0xf: {  	s13 =	sadd.s32 s8, s6;
	s15 =	ssub.s32 s7, s15;
	s6 =	sadd.s32 $0x200, s0  }
0x10: {  	s7 =	sadd.s32 $0x100, s1;
	s8 =	sadd.s32 $0x200, s1;
	s2 =	sadd.s32 s14, s9  }
0x11: {  	s16 =	sadd.s32 s5, s9;
	s5 =	sadd.s32 $0x100, s0;
	s9 =	sadd.s32 $0x64800, s13  }
0x12: {  	s13 =	simm.s32 $0x20;
	[dreg:$0xa] =	wrdreg s2;
	s17 =	sshrl.u32 s12, $0x3  }
0x13: {  	[dreg:$0xb] =	wrdreg s16;
	s16 =	simm.s32 $0x200;
	s2 =	simm.s32 $0x4  }
0x14: {  	s18 =	sadd.s32 s10, s17;
	s19 =	sadd.s32 $0x600, s17;
	s12 =	sadd.s32 $0x18000, s17  }
0x15: {  	s14 =	sadd.s32 $0x18600, s17;
	s23 =	sadd.s32 s11, s17;
	[dreg:$0xc] =	wrdreg s18  }
0x16: {  	s17 =	simm.s32 $0xA00;
	s20 =	sadd.s32 s10, s19;
	[dreg:$0x10] =	wrdreg s23  }
0x17: {  	s21 =	sadd.s32 s10, s12;
	s22 =	sadd.s32 s10, s14;
	[dreg:$0xd] =	wrdreg s20  }
0x18: {  	s24 =	sadd.s32 s11, s19;
	s25 =	sadd.s32 s11, s12;
	[dreg:$0xe] =	wrdreg s21  }
0x19: {  	s26 =	sadd.s32 s11, s14;
	s10 =	smax.u32 s15, $0x1;
	[dreg:$0xf] =	wrdreg s22  }
0x1a: {  	s11 =	simm.s32 $0x5;
	s12 =	simm.s32 $0x100;
	[dreg:$0x11] =	wrdreg s24  }
0x1b: {  	s14 =	simm.s32 $0x6200;
	s18 =	simm.s32 $0x1200;
	[dreg:$0x12] =	wrdreg s25  }
0x1c: {  	v2 =	vlaneseq.u32;
	s19 =	simm.s32 $0x1A00;
	s23 =	simm.s32 $0x3A00;
	[dreg:$0x13] =	wrdreg s26  }
0x1d: {  	vm0 =	vmmov $0xffff;
	v1 =	vshrl.u32 v2, $0x3;
	s20 =	simm.s32 $0x2200;
	s21 =	simm.s32 $0x2A00;
	s22 =	simm.s32 $0x3200  }
0x1e: {  	v0 =	vand.u32 $0x7, v2;
	v2 =	vor.u32 $0x8, v2;
	v1 =	vmul.u32 $0x8, v1;
	s24 =	simm.s32 $0x4200;
	s25 =	simm.s32 $0x4A00;
	s26 =	simm.s32 $0x5200  }
.LBB2_1:
0x1f: {  	s3 =	rddreg [dreg:$0xa]  }
0x20: {  	[tilespmem:s4], [sflag:$0x5] =	stream.linear.gather [hbm4b:s3+s4], $0x20, $0x38;
	[tilespmem:$0x6300] =	vst v63  }
0x21: {  	_ =	swait.ge [sflag:s11], $0x20  }
0x22: {  	[sflag:s11] =	ssyncset.done $0x0  }
0x23: {  	s15 =	rddreg [dreg:$0xb];
	[sflag:s11] =	ssyncadd.s32 $0xFFFFFFE0  }
0x24: {  	[tilespmem:s12], [sflag:$0x5] =	stream.linear.gather [hbm4b:s15+s4], $0x20, $0x38;
	[tilespmem:$0x6300] =	vst v63  }
0x25: {  	_ =	swait.ge [sflag:s11], $0x20  }
0x26: {  	[sflag:s11] =	ssyncset.done $0x0  }
0x27: {  	s3 =	rddreg [dreg:$0x8];
	[sflag:s11] =	ssyncadd.s32 $0xFFFFFFE0  }
0x28: {  	[tilespmem:s14], [sflag:$0x3] =	stream.indirect.gather [hbm4b:s3+s13], $0x1, s4, s13, $0xb8;
	[tilespmem:$0x6300] =	vst v63  }
0x29: {  	s15 =	rddreg [dreg:$0x9];
	s3 =	simm.s32 $0x6280  }
0x2a: {  	[tilespmem:s3], [sflag:$0x4] =	stream.indirect.gather [hbm4b:s15+s13], $0x1, s12, s13, $0xb8;
	[tilespmem:$0x6300] =	vst v63  }
0x2b: {  	v3 =	vld [tilespmem:$0x0];
	_ =	sdelay $0x4  }
0x2c: {  	v4 =	vshrl.u32 v3, $0x3  }
0x2d: {  	v5 =	vld [tilespmem:$0x0];
	v4 =	vmul.u32 $0x30, v4  }
0x2e: {  	v6 =	vld [tilespmem:$0x100];
	v3 =	vand.u32 $0x7, v3  }
0x2f: {  	v7 =	vld [tilespmem:$0x10];
	v3 =	vor.u32 v3, v4  }
0x30: {  	v50 =	vld [tilespmem:$0x110];
	v8 =	vperm.xlane v3, v0;
	_ =	sdelay $0x1  }
0x31: {  	v5 =	vadd.s32 $0x186A0, v5;
	v8 =	vadd.s32 v1, v8  }
0x32: {  	v51 =	vadd.s32 $0x186A0, v6;
	[tilespmem:$0x80] =	vst v5  }
0x33: {  	v52 =	vadd.s32 $0x186A0, v7;
	[tilespmem:$0x180] =	vst v51  }
0x34: {  	[tilespmem:$0x90] =	vst v52;
	v4 =	vadd.s32 $0x186A0, v50  }
0x35: {  	[tilespmem:$0x190] =	vst v4;
	v3 =	vperm.xlane v3, v2  }
0x36: {  	[tilespmem:s16], [sflag:$0x1] =	stream.indirect_vreg.gather [hbm4b:s0+s4], $0x80, v8, vm0, $0xb8;
	[tilespmem:$0x6300] =	vst v63  }
0x37: {  	v3 =	vadd.s32 v1, v3  }
0x38: {  	[tilespmem:s17], [sflag:$0x1] =	stream.indirect_vreg.gather [hbm4b:s5+s4], $0x80, v8, vm0, $0xb8;
	[tilespmem:$0x6300] =	vst v63  }
0x39: {  	_ = 	snop  }
0x3a: {  	[tilespmem:s18], [sflag:$0x1] =	stream.indirect_vreg.gather [hbm4b:s6+s4], $0x80, v8, vm0, $0xb8;
	[tilespmem:$0x6300] =	vst v63  }
0x3b: {  	_ = 	snop  }
0x3c: {  	[tilespmem:s19], [sflag:$0x1] =	stream.indirect_vreg.gather [hbm4b:s0+s4], $0x80, v3, vm0, $0xb8;
	[tilespmem:$0x6300] =	vst v63  }
0x3d: {  	_ = 	snop  }
0x3e: {  	[tilespmem:s20], [sflag:$0x1] =	stream.indirect_vreg.gather [hbm4b:s5+s4], $0x80, v3, vm0, $0xb8;
	[tilespmem:$0x6300] =	vst v63  }
0x3f: {  	_ = 	snop  }
0x40: {  	[tilespmem:s21], [sflag:$0x1] =	stream.indirect_vreg.gather [hbm4b:s6+s4], $0x80, v3, vm0, $0xb8;
	[tilespmem:$0x6300] =	vst v63  }
0x41: {  	v3 =	vld [tilespmem:$0x10];
	_ =	sdelay $0x4  }
0x42: {  	v53 =	vshrl.u32 v3, $0x3  }
0x43: {  	v4 =	vmul.u32 $0x30, v53  }
0x44: {  	v3 =	vand.u32 $0x7, v3  }
0x45: {  	v3 =	vor.u32 v3, v4  }
0x46: {  	v4 =	vperm.xlane v3, v0;
	_ =	sdelay $0x1  }
0x47: {  	v4 =	vadd.s32 v1, v4;
	_ =	sdelay $0x3  }
0x48: {  	v3 =	vperm.xlane v3, v2  }
0x49: {  	[tilespmem:s22], [sflag:$0x2] =	stream.indirect_vreg.gather [hbm4b:s0+s4], $0x80, v4, vm0, $0xb8;
	[tilespmem:$0x6300] =	vst v63  }
0x4a: {  	v3 =	vadd.s32 v1, v3  }
0x4b: {  	[tilespmem:s23], [sflag:$0x2] =	stream.indirect_vreg.gather [hbm4b:s5+s4], $0x80, v4, vm0, $0xb8;
	[tilespmem:$0x6300] =	vst v63  }
0x4c: {  	_ = 	snop  }
0x4d: {  	[tilespmem:s24], [sflag:$0x2] =	stream.indirect_vreg.gather [hbm4b:s6+s4], $0x80, v4, vm0, $0xb8;
	[tilespmem:$0x6300] =	vst v63  }
0x4e: {  	_ = 	snop  }
0x4f: {  	[tilespmem:s25], [sflag:$0x2] =	stream.indirect_vreg.gather [hbm4b:s0+s4], $0x80, v3, vm0, $0xb8;
	[tilespmem:$0x6300] =	vst v63  }
0x50: {  	_ = 	snop  }
0x51: {  	[tilespmem:s26], [sflag:$0x2] =	stream.indirect_vreg.gather [hbm4b:s5+s4], $0x80, v3, vm0, $0xb8;
	[tilespmem:$0x6300] =	vst v63  }
0x52: {  	_ = 	snop  }
0x53: {  	[tilespmem:s28], [sflag:$0x2] =	stream.indirect_vreg.gather [hbm4b:s6+s4], $0x80, v3, vm0, $0xb8;
	[tilespmem:$0x6300] =	vst v63  }
0x54: {  	_ =	swait.ge [sflag:s29], $0x3000  }
0x55: {  	[sflag:s29] =	ssyncset.done $0x0  }
0x56: {  	s15 =	rddreg [dreg:$0xc];
	[sflag:s29] =	ssyncadd.s32 $0xFFFFD000  }
0x57: {  	[hbm4b:s15+s4] =	stream.linear.scatter [tilespmem:s16], [sflag:$0x5], $0x3000, $0x38;
	[tilespmem:$0x6300] =	vst v63  }
0x58: {  	_ =	swait.ge [sflag:s11], $0x3000  }
0x59: {  	[sflag:s11] =	ssyncset.done $0x0  }
0x5a: {  	[sflag:s11] =	ssyncadd.s32 $0xFFFFD000  }
0x5b: {  	v3 =	vld [tilespmem:$0x80];
	_ =	sdelay $0x4  }
0x5c: {  	v54 =	vshrl.u32 v3, $0x3  }
0x5d: {  	v4 =	vmul.u32 $0x30, v54  }
0x5e: {  	v3 =	vand.u32 $0x7, v3  }
0x5f: {  	v3 =	vor.u32 v3, v4  }
0x60: {  	v4 =	vperm.xlane v3, v0;
	_ =	sdelay $0x1  }
0x61: {  	v4 =	vadd.s32 v1, v4;
	_ =	sdelay $0x3  }
0x62: {  	v3 =	vperm.xlane v3, v2  }
0x63: {  	[tilespmem:s16], [sflag:$0x1] =	stream.indirect_vreg.gather [hbm4b:s0+s4], $0x80, v4, vm0, $0xb8;
	[tilespmem:$0x6300] =	vst v63  }
0x64: {  	v3 =	vadd.s32 v1, v3  }
0x65: {  	[tilespmem:s17], [sflag:$0x1] =	stream.indirect_vreg.gather [hbm4b:s5+s4], $0x80, v4, vm0, $0xb8;
	[tilespmem:$0x6300] =	vst v63  }
0x66: {  	_ = 	snop  }
0x67: {  	[tilespmem:s18], [sflag:$0x1] =	stream.indirect_vreg.gather [hbm4b:s6+s4], $0x80, v4, vm0, $0xb8;
	[tilespmem:$0x6300] =	vst v63  }
0x68: {  	_ = 	snop  }
0x69: {  	[tilespmem:s19], [sflag:$0x1] =	stream.indirect_vreg.gather [hbm4b:s0+s4], $0x80, v3, vm0, $0xb8;
	[tilespmem:$0x6300] =	vst v63  }
0x6a: {  	_ = 	snop  }
0x6b: {  	[tilespmem:s20], [sflag:$0x1] =	stream.indirect_vreg.gather [hbm4b:s5+s4], $0x80, v3, vm0, $0xb8;
	[tilespmem:$0x6300] =	vst v63  }
0x6c: {  	_ = 	snop  }
0x6d: {  	[tilespmem:s21], [sflag:$0x1] =	stream.indirect_vreg.gather [hbm4b:s6+s4], $0x80, v3, vm0, $0xb8;
	[tilespmem:$0x6300] =	vst v63  }
0x6e: {  	_ =	swait.ge [sflag:s30], $0x3000  }
0x6f: {  	[sflag:s30] =	ssyncset.done $0x0  }
0x70: {  	s15 =	rddreg [dreg:$0xd];
	[sflag:s30] =	ssyncadd.s32 $0xFFFFD000  }
0x71: {  	[hbm4b:s15+s4] =	stream.linear.scatter [tilespmem:s22], [sflag:$0x5], $0x3000, $0x38;
	[tilespmem:$0x6300] =	vst v63  }
0x72: {  	_ =	swait.ge [sflag:s11], $0x3000  }
0x73: {  	[sflag:s11] =	ssyncset.done $0x0  }
0x74: {  	[sflag:s11] =	ssyncadd.s32 $0xFFFFD000  }
0x75: {  	v3 =	vld [tilespmem:$0x90];
	_ =	sdelay $0x4  }
0x76: {  	v55 =	vshrl.u32 v3, $0x3  }
0x77: {  	v4 =	vmul.u32 $0x30, v55  }
0x78: {  	v3 =	vand.u32 $0x7, v3  }
0x79: {  	v3 =	vor.u32 v3, v4  }
0x7a: {  	v4 =	vperm.xlane v3, v0;
	_ =	sdelay $0x1  }
0x7b: {  	v4 =	vadd.s32 v1, v4;
	_ =	sdelay $0x3  }
0x7c: {  	v3 =	vperm.xlane v3, v2  }
0x7d: {  	[tilespmem:s22], [sflag:$0x2] =	stream.indirect_vreg.gather [hbm4b:s0+s4], $0x80, v4, vm0, $0xb8;
	[tilespmem:$0x6300] =	vst v63  }
0x7e: {  	v3 =	vadd.s32 v1, v3  }
0x7f: {  	[tilespmem:s23], [sflag:$0x2] =	stream.indirect_vreg.gather [hbm4b:s5+s4], $0x80, v4, vm0, $0xb8;
	[tilespmem:$0x6300] =	vst v63  }
0x80: {  	_ = 	snop  }
0x81: {  	[tilespmem:s24], [sflag:$0x2] =	stream.indirect_vreg.gather [hbm4b:s6+s4], $0x80, v4, vm0, $0xb8;
	[tilespmem:$0x6300] =	vst v63  }
0x82: {  	_ = 	snop  }
0x83: {  	[tilespmem:s25], [sflag:$0x2] =	stream.indirect_vreg.gather [hbm4b:s0+s4], $0x80, v3, vm0, $0xb8;
	[tilespmem:$0x6300] =	vst v63  }
0x84: {  	_ = 	snop  }
0x85: {  	[tilespmem:s26], [sflag:$0x2] =	stream.indirect_vreg.gather [hbm4b:s5+s4], $0x80, v3, vm0, $0xb8;
	[tilespmem:$0x6300] =	vst v63  }
0x86: {  	_ = 	snop  }
0x87: {  	[tilespmem:s28], [sflag:$0x2] =	stream.indirect_vreg.gather [hbm4b:s6+s4], $0x80, v3, vm0, $0xb8;
	[tilespmem:$0x6300] =	vst v63  }
0x88: {  	_ =	swait.ge [sflag:s29], $0x3000  }
0x89: {  	[sflag:s29] =	ssyncset.done $0x0  }
0x8a: {  	s15 =	rddreg [dreg:$0xe];
	[sflag:s29] =	ssyncadd.s32 $0xFFFFD000  }
0x8b: {  	[hbm4b:s15+s4] =	stream.linear.scatter [tilespmem:s16], [sflag:$0x5], $0x3000, $0x38;
	[tilespmem:$0x6300] =	vst v63  }
0x8c: {  	_ =	swait.ge [sflag:s11], $0x3000  }
0x8d: {  	[sflag:s11] =	ssyncset.done $0x0  }
0x8e: {  	[sflag:s11] =	ssyncadd.s32 $0xFFFFD000  }
0x8f: {  	v3 =	vld [tilespmem:$0x100];
	_ =	sdelay $0x4  }
0x90: {  	v56 =	vshrl.u32 v3, $0x3  }
0x91: {  	v4 =	vmul.u32 $0x30, v56  }
0x92: {  	v3 =	vand.u32 $0x7, v3  }
0x93: {  	v3 =	vor.u32 v3, v4  }
0x94: {  	v4 =	vperm.xlane v3, v0;
	_ =	sdelay $0x1  }
0x95: {  	v4 =	vadd.s32 v1, v4;
	_ =	sdelay $0x3  }
0x96: {  	v3 =	vperm.xlane v3, v2  }
0x97: {  	[tilespmem:s16], [sflag:$0x1] =	stream.indirect_vreg.gather [hbm4b:s1+s4], $0x80, v4, vm0, $0xb8;
	[tilespmem:$0x6300] =	vst v63  }
0x98: {  	v3 =	vadd.s32 v1, v3  }
0x99: {  	[tilespmem:s17], [sflag:$0x1] =	stream.indirect_vreg.gather [hbm4b:s7+s4], $0x80, v4, vm0, $0xb8;
	[tilespmem:$0x6300] =	vst v63  }
0x9a: {  	_ = 	snop  }
0x9b: {  	[tilespmem:s18], [sflag:$0x1] =	stream.indirect_vreg.gather [hbm4b:s8+s4], $0x80, v4, vm0, $0xb8;
	[tilespmem:$0x6300] =	vst v63  }
0x9c: {  	_ = 	snop  }
0x9d: {  	[tilespmem:s19], [sflag:$0x1] =	stream.indirect_vreg.gather [hbm4b:s1+s4], $0x80, v3, vm0, $0xb8;
	[tilespmem:$0x6300] =	vst v63  }
0x9e: {  	_ = 	snop  }
0x9f: {  	[tilespmem:s20], [sflag:$0x1] =	stream.indirect_vreg.gather [hbm4b:s7+s4], $0x80, v3, vm0, $0xb8;
	[tilespmem:$0x6300] =	vst v63  }
0xa0: {  	_ = 	snop  }
0xa1: {  	[tilespmem:s21], [sflag:$0x1] =	stream.indirect_vreg.gather [hbm4b:s8+s4], $0x80, v3, vm0, $0xb8;
	[tilespmem:$0x6300] =	vst v63  }
0xa2: {  	_ =	swait.ge [sflag:s30], $0x3000  }
0xa3: {  	[sflag:s30] =	ssyncset.done $0x0  }
0xa4: {  	s15 =	rddreg [dreg:$0xf];
	[sflag:s30] =	ssyncadd.s32 $0xFFFFD000  }
0xa5: {  	[hbm4b:s15+s4] =	stream.linear.scatter [tilespmem:s22], [sflag:$0x5], $0x3000, $0x38;
	[tilespmem:$0x6300] =	vst v63  }
0xa6: {  	_ =	swait.ge [sflag:s11], $0x3000  }
0xa7: {  	[sflag:s11] =	ssyncset.done $0x0  }
0xa8: {  	[sflag:s11] =	ssyncadd.s32 $0xFFFFD000  }
0xa9: {  	v3 =	vld [tilespmem:$0x110];
	_ =	sdelay $0x4  }
0xaa: {  	v57 =	vshrl.u32 v3, $0x3  }
0xab: {  	v4 =	vmul.u32 $0x30, v57  }
0xac: {  	v3 =	vand.u32 $0x7, v3  }
0xad: {  	v3 =	vor.u32 v3, v4  }
0xae: {  	v4 =	vperm.xlane v3, v0;
	_ =	sdelay $0x1  }
0xaf: {  	v4 =	vadd.s32 v1, v4;
	_ =	sdelay $0x3  }
0xb0: {  	v3 =	vperm.xlane v3, v2  }
0xb1: {  	[tilespmem:s22], [sflag:$0x2] =	stream.indirect_vreg.gather [hbm4b:s1+s4], $0x80, v4, vm0, $0xb8;
	[tilespmem:$0x6300] =	vst v63  }
0xb2: {  	v3 =	vadd.s32 v1, v3  }
0xb3: {  	[tilespmem:s23], [sflag:$0x2] =	stream.indirect_vreg.gather [hbm4b:s7+s4], $0x80, v4, vm0, $0xb8;
	[tilespmem:$0x6300] =	vst v63  }
0xb4: {  	_ = 	snop  }
0xb5: {  	[tilespmem:s24], [sflag:$0x2] =	stream.indirect_vreg.gather [hbm4b:s8+s4], $0x80, v4, vm0, $0xb8;
	[tilespmem:$0x6300] =	vst v63  }
0xb6: {  	_ = 	snop  }
0xb7: {  	[tilespmem:s25], [sflag:$0x2] =	stream.indirect_vreg.gather [hbm4b:s1+s4], $0x80, v3, vm0, $0xb8;
	[tilespmem:$0x6300] =	vst v63  }
0xb8: {  	_ = 	snop  }
0xb9: {  	[tilespmem:s26], [sflag:$0x2] =	stream.indirect_vreg.gather [hbm4b:s7+s4], $0x80, v3, vm0, $0xb8;
	[tilespmem:$0x6300] =	vst v63  }
0xba: {  	_ = 	snop  }
0xbb: {  	[tilespmem:s28], [sflag:$0x2] =	stream.indirect_vreg.gather [hbm4b:s8+s4], $0x80, v3, vm0, $0xb8;
	[tilespmem:$0x6300] =	vst v63  }
0xbc: {  	_ =	swait.ge [sflag:s29], $0x3000  }
0xbd: {  	[sflag:s29] =	ssyncset.done $0x0  }
0xbe: {  	s15 =	rddreg [dreg:$0x10];
	[sflag:s29] =	ssyncadd.s32 $0xFFFFD000  }
0xbf: {  	[hbm4b:s15+s4] =	stream.linear.scatter [tilespmem:s16], [sflag:$0x5], $0x3000, $0x38;
	[tilespmem:$0x6300] =	vst v63  }
0xc0: {  	_ =	swait.ge [sflag:s11], $0x3000  }
0xc1: {  	[sflag:s11] =	ssyncset.done $0x0  }
0xc2: {  	[sflag:s11] =	ssyncadd.s32 $0xFFFFD000  }
0xc3: {  	v3 =	vld [tilespmem:$0x180];
	_ =	sdelay $0x4  }
0xc4: {  	v58 =	vshrl.u32 v3, $0x3  }
0xc5: {  	v4 =	vmul.u32 $0x30, v58  }
0xc6: {  	v3 =	vand.u32 $0x7, v3  }
0xc7: {  	v3 =	vor.u32 v3, v4  }
0xc8: {  	v4 =	vperm.xlane v3, v0;
	_ =	sdelay $0x1  }
0xc9: {  	v4 =	vadd.s32 v1, v4;
	_ =	sdelay $0x3  }
0xca: {  	v3 =	vperm.xlane v3, v2  }
0xcb: {  	[tilespmem:s16], [sflag:$0x1] =	stream.indirect_vreg.gather [hbm4b:s1+s4], $0x80, v4, vm0, $0xb8;
	[tilespmem:$0x6300] =	vst v63  }
0xcc: {  	v3 =	vadd.s32 v1, v3  }
0xcd: {  	[tilespmem:s17], [sflag:$0x1] =	stream.indirect_vreg.gather [hbm4b:s7+s4], $0x80, v4, vm0, $0xb8;
	[tilespmem:$0x6300] =	vst v63  }
0xce: {  	_ = 	snop  }
0xcf: {  	[tilespmem:s18], [sflag:$0x1] =	stream.indirect_vreg.gather [hbm4b:s8+s4], $0x80, v4, vm0, $0xb8;
	[tilespmem:$0x6300] =	vst v63  }
0xd0: {  	_ = 	snop  }
0xd1: {  	[tilespmem:s19], [sflag:$0x1] =	stream.indirect_vreg.gather [hbm4b:s1+s4], $0x80, v3, vm0, $0xb8;
	[tilespmem:$0x6300] =	vst v63  }
0xd2: {  	_ = 	snop  }
0xd3: {  	[tilespmem:s20], [sflag:$0x1] =	stream.indirect_vreg.gather [hbm4b:s7+s4], $0x80, v3, vm0, $0xb8;
	[tilespmem:$0x6300] =	vst v63  }
0xd4: {  	_ = 	snop  }
0xd5: {  	[tilespmem:s21], [sflag:$0x1] =	stream.indirect_vreg.gather [hbm4b:s8+s4], $0x80, v3, vm0, $0xb8;
	[tilespmem:$0x6300] =	vst v63  }
0xd6: {  	_ =	swait.ge [sflag:s30], $0x3000  }
0xd7: {  	[sflag:s30] =	ssyncset.done $0x0  }
0xd8: {  	s15 =	rddreg [dreg:$0x11];
	[sflag:s30] =	ssyncadd.s32 $0xFFFFD000  }
0xd9: {  	[hbm4b:s15+s4] =	stream.linear.scatter [tilespmem:s22], [sflag:$0x5], $0x3000, $0x38;
	[tilespmem:$0x6300] =	vst v63  }
0xda: {  	_ =	swait.ge [sflag:s11], $0x3000  }
0xdb: {  	[sflag:s11] =	ssyncset.done $0x0  }
0xdc: {  	[sflag:s11] =	ssyncadd.s32 $0xFFFFD000  }
0xdd: {  	v3 =	vld [tilespmem:$0x190];
	_ =	sdelay $0x4  }
0xde: {  	v59 =	vshrl.u32 v3, $0x3  }
0xdf: {  	v4 =	vmul.u32 $0x30, v59  }
0xe0: {  	v3 =	vand.u32 $0x7, v3  }
0xe1: {  	v3 =	vor.u32 v3, v4  }
0xe2: {  	v4 =	vperm.xlane v3, v0;
	_ =	sdelay $0x1  }
0xe3: {  	v4 =	vadd.s32 v1, v4;
	_ =	sdelay $0x3  }
0xe4: {  	v3 =	vperm.xlane v3, v2  }
0xe5: {  	[tilespmem:s22], [sflag:$0x2] =	stream.indirect_vreg.gather [hbm4b:s1+s4], $0x80, v4, vm0, $0xb8;
	[tilespmem:$0x6300] =	vst v63  }
0xe6: {  	v3 =	vadd.s32 v1, v3  }
0xe7: {  	[tilespmem:s23], [sflag:$0x2] =	stream.indirect_vreg.gather [hbm4b:s7+s4], $0x80, v4, vm0, $0xb8;
	[tilespmem:$0x6300] =	vst v63  }
0xe8: {  	_ = 	snop  }
0xe9: {  	[tilespmem:s24], [sflag:$0x2] =	stream.indirect_vreg.gather [hbm4b:s8+s4], $0x80, v4, vm0, $0xb8;
	[tilespmem:$0x6300] =	vst v63  }
0xea: {  	_ = 	snop  }
0xeb: {  	[tilespmem:s25], [sflag:$0x2] =	stream.indirect_vreg.gather [hbm4b:s1+s4], $0x80, v3, vm0, $0xb8;
	[tilespmem:$0x6300] =	vst v63  }
0xec: {  	_ = 	snop  }
0xed: {  	[tilespmem:s26], [sflag:$0x2] =	stream.indirect_vreg.gather [hbm4b:s7+s4], $0x80, v3, vm0, $0xb8;
	[tilespmem:$0x6300] =	vst v63  }
0xee: {  	_ = 	snop  }
0xef: {  	[tilespmem:s28], [sflag:$0x2] =	stream.indirect_vreg.gather [hbm4b:s8+s4], $0x80, v3, vm0, $0xb8;
	[tilespmem:$0x6300] =	vst v63  }
0xf0: {  	_ =	swait.ge [sflag:s29], $0x3000  }
0xf1: {  	[sflag:s29] =	ssyncset.done $0x0  }
0xf2: {  	s15 =	rddreg [dreg:$0x12];
	[sflag:s29] =	ssyncadd.s32 $0xFFFFD000  }
0xf3: {  	[hbm4b:s15+s4] =	stream.linear.scatter [tilespmem:s16], [sflag:$0x5], $0x3000, $0x38;
	[tilespmem:$0x6300] =	vst v63  }
0xf4: {  	_ =	swait.ge [sflag:s11], $0x3000  }
0xf5: {  	[sflag:s11] =	ssyncset.done $0x0  }
0xf6: {  	[sflag:s11] =	ssyncadd.s32 $0xFFFFD000  }
0xf7: {  	_ =	swait.ge [sflag:s30], $0x3000  }
0xf8: {  	[sflag:s30] =	ssyncset.done $0x0  }
0xf9: {  	s15 =	rddreg [dreg:$0x13];
	[sflag:s30] =	ssyncadd.s32 $0xFFFFD000  }
0xfa: {  	[hbm4b:s15+s4] =	stream.linear.scatter [tilespmem:s22], [sflag:$0x5], $0x3000, $0x38;
	[tilespmem:$0x6300] =	vst v63  }
0xfb: {  	_ =	swait.ge [sflag:s11], $0x3000  }
0xfc: {  	[sflag:s11] =	ssyncset.done $0x0  }
0xfd: {  	[sflag:s11] =	ssyncadd.s32 $0xFFFFD000  }
0xfe: {  	_ =	swait.ge [sflag:s31], $0x20  }
0xff: {  	[sflag:s31] =	ssyncset.done $0x0  }
0x100: {  	[sflag:s31] =	ssyncadd.s32 $0xFFFFFFE0  }
0x101: {  	_ =	swait.ge [sflag:s2], $0x20  }
0x102: {  	[sflag:s2] =	ssyncset.done $0x0  }
0x103: {  	[sflag:s2] =	ssyncadd.s32 $0xFFFFFFE0  }
0x104: {  	v3 =	vld [tilespmem:$0x6200]  }
0x105: {  	v60 =	vld [tilespmem:$0x6280]  }
0x106: {  	v61 =	vld [tilespmem:$0x6210]  }
0x107: {  	v62 =	vld [tilespmem:$0x6290];
	_ =	sdelay $0x3  }
0x108: {  	v3 =	vadd.f32 v60, v3  }
0x109: {  	v63 =	vadd.f32 v62, v61  }
0x10a: {  	p0 =	sne.s32 s10, $0x1;
	[tilespmem:$0x6200] =	vst v3  }
.Ltmp0:
0x10b: {  	[tilespmem:$0x6210] =	vst v63;
	(pc) =	sbr.rel @p0 .LBB2_1-.Ltmp0, $4  }
0x10c: {  	[hbm4b:s9+s4] =	stream.linear.scatter [tilespmem:s14], [sflag:$0x5], $0x20, $0x38;
	[tilespmem:$0x6300] =	vst v63  }
0x10d: {  	_ =	swait.ge [sflag:s11], $0x20  }
0x10e: {  	[sflag:s11] =	ssyncset.done $0x0  }
0x10f: {  	s10 =	sadd.s32 $0xFFFFFFFF, s10;
	[sflag:s11] =	ssyncadd.s32 $0xFFFFFFE0  }
0x110: {  	_ =	sfence.sel $0x180000  }
0x111: {  	[bflag:$0x0] =	sbarrier.arrive $0xFFFF  }
0x112: {  	_ =	strace $0x90000047  }
0x113: {  	s0 =	stileid.u32;
	[bflag:$0x2] =	sbarrier.arrive $0xFFFF  }
0x114: {  	p0 =	sne.s32 s0, $0x0;
	s0 =	rddreg [dreg:$0x7]  }
0x115: {  	s0 =	sadd.s32 @!p0 $0x100000, s0  }
0x116: {  	[sflag:s0] =	ssyncadd.tile.s32 @!p0 $0x1;
	_ =	shalt  }
.Lfunc_end2:
_tile_overlayer_lowered:
.L_overlay_start_2:
0x117: {  	(tag) =	ssettag $0x2  }
0x118: {  	s0 =	rddreg [dreg:$0x0];
	s2 =	stileid.u32  }
0x119: {  	s1 =	rddreg [dreg:$0x1];
	p0 =	sne.s32 s2, $0x0  }
0x11a: {  	s3 =	rddreg [dreg:$0x2];
	[bflag:$0x3] =	sbarrier.arrive $0xFFFF;
	s2 =	simm.s32 @!p0 $0x1C05  }
0x11b: {  	[timem:s3], [sflag:s2] =	dma.local @!p0 [hbm:s0], s1  }
0x11c: {  	s0 =	simm.s32 @!p0 $0x5  }
0x11d: {  	_ =	swait.ge @!p0 [sflag:s0], s1  }
0x11e: {  	s1 =	ssub.s32 @!p0 $0x0, s1;
	[sflag:s0] =	ssyncset.done @!p0 $0x0  }
0x11f: {  	[sflag:s0] =	ssyncadd.s32 @!p0 s1  }
0x120: {  	[bflag:$0x3] =	sbarrier.arrive $0xFFFF  }
0x121: {  	_ =	shalt  }

</sc_bundles>
